<compile_context>
chip_gen: v7x
topology: tpu7x:2x2x1
jax: 0.10.2.dev20260603
libtpu: 0.0.44.dev20260713+nightly
codegen_flags: <defaults>
</compile_context>

<pallas_src>
import functools

import jax
import jax.numpy as jnp
from jax import lax
from jax.experimental import pallas as pl
from jax.experimental.pallas import tpu as pltpu
from jax.experimental.pallas import tpu_sc as plsc

N, C = 320000, 128
NSEG = 8
NC, NS, L = 2, 16, 16
NW = NC * NS
RPW = N // NW
CH = 400
NCH = RPW // CH
NG = CH // L
NJ = C // L


def _sc_segment_max(features, bids):
    mesh = plsc.VectorSubcoreMesh(core_axis_name="c", subcore_axis_name="s")

    @functools.partial(
        pl.kernel,
        mesh=mesh,
        out_type=jax.ShapeDtypeStruct((NW, NSEG * C), jnp.float32),
        compiler_params=pltpu.CompilerParams(needs_layout_passes=False),
        scratch_types=(
            [pltpu.VMEM((CH, C), jnp.float32) for _ in range(2)]
            + [pltpu.VMEM((CH,), jnp.int32) for _ in range(2)]
            + [pltpu.VMEM((NSEG * L,), jnp.float32) for _ in range(NJ)]
            + [pltpu.VMEM((NSEG * C,), jnp.float32)]
            + [pltpu.SemaphoreType.DMA for _ in range(4)]
        ),
    )
    def k(feat_hbm, bid_hbm, out_hbm, fb0, fb1, cb0, cb1,
          a0, a1, a2, a3, a4, a5, a6, a7, accfin, fs0, fs1, cs0, cs1):
        wid = lax.axis_index("s") * NC + lax.axis_index("c")
        fbufs, cbufs = (fb0, fb1), (cb0, cb1)
        fsems, csems = (fs0, fs1), (cs0, cs1)
        accs = (a0, a1, a2, a3, a4, a5, a6, a7)

        neg = jnp.full((L,), -jnp.inf, dtype=jnp.float32)
        for a in accs:
            for s in range(NSEG):
                a[pl.ds(s * L, L)] = neg
        iota = lax.iota(jnp.int32, L)
        jcols = [j * L + iota for j in range(NJ)]

        def dma_start(slot, c):
            base = wid * RPW + c * CH
            pltpu.async_copy(feat_hbm.at[pl.ds(base, CH)], fbufs[slot], fsems[slot])
            pltpu.async_copy(bid_hbm.at[pl.ds(base, CH)], cbufs[slot], csems[slot])

        def dma_wait(slot, c):
            base = wid * RPW + c * CH
            pltpu.make_async_copy(
                feat_hbm.at[pl.ds(base, CH)], fbufs[slot], fsems[slot]).wait()
            pltpu.make_async_copy(
                bid_hbm.at[pl.ds(base, CH)], cbufs[slot], csems[slot]).wait()

        def process(slot):
            fb, cb = fbufs[slot], cbufs[slot]

            def group_body(g, carry2):
                r0 = g * L
                bvec = cb[pl.ds(r0, L)]
                abase = jnp.minimum(bvec, NSEG - 1) * L

                def do_row(r, aidx):
                    xs = [plsc.load_gather(fb, [jnp.full((L,), r, jnp.int32),
                                                jcols[j]]) for j in range(NJ)]
                    curs = [plsc.load_gather(accs[j], [aidx]) for j in range(NJ)]
                    for j in range(NJ):
                        plsc.store_scatter(accs[j], [aidx],
                                           jnp.maximum(curs[j], xs[j]))

                for u in range(L):
                    do_row(r0 + u, jnp.full((L,), abase[u], jnp.int32) + iota)
                return carry2

            lax.fori_loop(0, NG, group_body, 0)

        dma_start(0, 0)

        def outer(c2, carry):
            for s in range(2):
                c = 2 * c2 + s

                @pl.when(c + 1 < NCH)
                def _():
                    dma_start(1 - s, c + 1)

                dma_wait(s, c)
                process(s)
            return carry

        lax.fori_loop(0, NCH // 2, outer, 0)
        if NCH % 2:
            dma_wait(0, NCH - 1)
            process(0)

        for s in range(NSEG):
            for j in range(NJ):
                accfin[pl.ds(s * C + j * L, L)] = accs[j][pl.ds(s * L, L)]
        pltpu.sync_copy(accfin, out_hbm.at[wid])

    return k(features, bids)


def kernel(features, coors, batch_size):
    bids = coors[:, 0].astype(jnp.int32)
    partials = _sc_segment_max(features, bids)
    return jnp.max(partials.reshape(NW, NSEG, C), axis=0)

# --- scband reference (transcript-rebuilt; emitter-appended) ---
"""Pipeline reference for scband-sparse-global-max-pool-test-torch-77541339562455 (READ-ONLY COPY).

The authoritative reference and input builder live on the scoring server;
editing this copy changes nothing except your own understanding.
"""

import jax, jax.numpy as jnp
import numpy as np


def setup_inputs(seed: int = 0) -> dict:
    key = jax.random.key(seed)
    k1, k2 = jax.random.split(key)
    N, C = 320000, 128
    batch_size = 8
    features = jax.random.normal(k1, (N, C), dtype=jnp.float32)
    # coors layout: [batch_idx, z, y, x]; only batch_idx (col 0) matters for global pool.
    # Values drawn in [0, batch_size) so batch indices are valid; spatial coords also in-range.
    coors = jax.random.randint(k2, (N, 4), 0, batch_size, dtype=jnp.int32)
    return {"features": features, "coors": coors, "batch_size": batch_size}


def reference(features, coors, batch_size):
    # SparseGlobalMaxPool on a SparseConvTensor reduces (max) all active voxels
    # belonging to the same batch element, producing [batch_size, C].
    num_segments = 8
    batch_idx = coors[:, 0].astype(jnp.int32)
    batch_idx = jnp.minimum(batch_idx, batch_size - 1)
    out = jax.ops.segment_max(features, batch_idx, num_segments=num_segments)
    return out

if __name__ == "__main__":
    import jax
    _d = setup_inputs()
    print(jax.jit(kernel)(*tuple(_d.values())))

</pallas_src>

<mosaic_0001>
#map = affine_map<(d0, d1) -> (0, 0)>
#map1 = affine_map<(d0, d1) -> (0)>
module attributes {stable_mosaic.version = 14 : i64} {
  func.func @k(%arg0: i32, %arg1: i32, %arg2: memref<320000x128xf32, #tpu.memory_space<hbm>>, %arg3: memref<320000xi32, #tpu.memory_space<hbm>>, %arg4: memref<32x1024xf32, #tpu.memory_space<hbm>>, %arg5: memref<400x128xf32, #tpu.memory_space<vmem>>, %arg6: memref<400x128xf32, #tpu.memory_space<vmem>>, %arg7: memref<400xi32, #tpu.memory_space<vmem>>, %arg8: memref<400xi32, #tpu.memory_space<vmem>>, %arg9: memref<128xf32, #tpu.memory_space<vmem>>, %arg10: memref<128xf32, #tpu.memory_space<vmem>>, %arg11: memref<128xf32, #tpu.memory_space<vmem>>, %arg12: memref<128xf32, #tpu.memory_space<vmem>>, %arg13: memref<128xf32, #tpu.memory_space<vmem>>, %arg14: memref<128xf32, #tpu.memory_space<vmem>>, %arg15: memref<128xf32, #tpu.memory_space<vmem>>, %arg16: memref<128xf32, #tpu.memory_space<vmem>>, %arg17: memref<1024xf32, #tpu.memory_space<vmem>>, %arg18: memref<!tpu.dma_semaphore, #tpu.memory_space<semaphore_mem>>, %arg19: memref<!tpu.dma_semaphore, #tpu.memory_space<semaphore_mem>>, %arg20: memref<!tpu.dma_semaphore, #tpu.memory_space<semaphore_mem>>, %arg21: memref<!tpu.dma_semaphore, #tpu.memory_space<semaphore_mem>>) attributes {dimension_semantics = [#tpu.dimension_semantics<core_parallel>, #tpu.dimension_semantics<subcore_parallel>], iteration_bounds = array<i64: 2, 16>, scalar_prefetch = 0 : i64, scratch_operands = 17 : i64, tpu.core_type = #tpu.core_type<sc_vector_subcore>, window_params = [{transform_indices = #map}, {transform_indices = #map1}, {transform_indices = #map}]} {
    %mul3A = arith.constant 2 : i32
    %mul3A_0 = arith.muli %arg1, %mul3A : i32
    %add3A = arith.addi %mul3A_0, %arg0 : i32
    %broadcast_in_dim3A = arith.constant 0xFF800000 : f32
    %broadcast_in_dim3A_1 = vector.broadcast %broadcast_in_dim3A : f32 to vector<16xf32>
    %swap3A = arith.constant 0 : index
    %swap3A_2 = tpu.vector_load %arg9[%swap3A] {strides = array<i32>} : memref<128xf32, #tpu.memory_space<vmem>>, vector<16xf32>,
    tpu.vector_store %arg9[%swap3A], %broadcast_in_dim3A_1 {strides = array<i32>} : memref<128xf32, #tpu.memory_space<vmem>>, vector<16xf32>,
    %swap3A_3 = arith.constant 16 : index
    %swap3A_4 = tpu.vector_load %arg9[%swap3A_3] {strides = array<i32>} : memref<128xf32, #tpu.memory_space<vmem>>, vector<16xf32>,
    tpu.vector_store %arg9[%swap3A_3], %broadcast_in_dim3A_1 {strides = array<i32>} : memref<128xf32, #tpu.memory_space<vmem>>, vector<16xf32>,
    %swap3A_5 = arith.constant 32 : index
    %swap3A_6 = tpu.vector_load %arg9[%swap3A_5] {strides = array<i32>} : memref<128xf32, #tpu.memory_space<vmem>>, vector<16xf32>,
    tpu.vector_store %arg9[%swap3A_5], %broadcast_in_dim3A_1 {strides = array<i32>} : memref<128xf32, #tpu.memory_space<vmem>>, vector<16xf32>,
    %swap3A_7 = arith.constant 48 : index
    %swap3A_8 = tpu.vector_load %arg9[%swap3A_7] {strides = array<i32>} : memref<128xf32, #tpu.memory_space<vmem>>, vector<16xf32>,
    tpu.vector_store %arg9[%swap3A_7], %broadcast_in_dim3A_1 {strides = array<i32>} : memref<128xf32, #tpu.memory_space<vmem>>, vector<16xf32>,
    %swap3A_9 = arith.constant 64 : index
    %swap3A_10 = tpu.vector_load %arg9[%swap3A_9] {strides = array<i32>} : memref<128xf32, #tpu.memory_space<vmem>>, vector<16xf32>,
    tpu.vector_store %arg9[%swap3A_9], %broadcast_in_dim3A_1 {strides = array<i32>} : memref<128xf32, #tpu.memory_space<vmem>>, vector<16xf32>,
    %swap3A_11 = arith.constant 80 : index
    %swap3A_12 = tpu.vector_load %arg9[%swap3A_11] {strides = array<i32>} : memref<128xf32, #tpu.memory_space<vmem>>, vector<16xf32>,
    tpu.vector_store %arg9[%swap3A_11], %broadcast_in_dim3A_1 {strides = array<i32>} : memref<128xf32, #tpu.memory_space<vmem>>, vector<16xf32>,
    %swap3A_13 = arith.constant 96 : index
    %swap3A_14 = tpu.vector_load %arg9[%swap3A_13] {strides = array<i32>} : memref<128xf32, #tpu.memory_space<vmem>>, vector<16xf32>,
    tpu.vector_store %arg9[%swap3A_13], %broadcast_in_dim3A_1 {strides = array<i32>} : memref<128xf32, #tpu.memory_space<vmem>>, vector<16xf32>,
    %swap3A_15 = arith.constant 112 : index
    %swap3A_16 = tpu.vector_load %arg9[%swap3A_15] {strides = array<i32>} : memref<128xf32, #tpu.memory_space<vmem>>, vector<16xf32>,
    tpu.vector_store %arg9[%swap3A_15], %broadcast_in_dim3A_1 {strides = array<i32>} : memref<128xf32, #tpu.memory_space<vmem>>, vector<16xf32>,
    %swap3A_17 = arith.constant 0 : index
    %swap3A_18 = tpu.vector_load %arg10[%swap3A_17] {strides = array<i32>} : memref<128xf32, #tpu.memory_space<vmem>>, vector<16xf32>,
    tpu.vector_store %arg10[%swap3A_17], %broadcast_in_dim3A_1 {strides = array<i32>} : memref<128xf32, #tpu.memory_space<vmem>>, vector<16xf32>,
    %swap3A_19 = arith.constant 16 : index
    %swap3A_20 = tpu.vector_load %arg10[%swap3A_19] {strides = array<i32>} : memref<128xf32, #tpu.memory_space<vmem>>, vector<16xf32>,
    tpu.vector_store %arg10[%swap3A_19], %broadcast_in_dim3A_1 {strides = array<i32>} : memref<128xf32, #tpu.memory_space<vmem>>, vector<16xf32>,
    %swap3A_21 = arith.constant 32 : index
    %swap3A_22 = tpu.vector_load %arg10[%swap3A_21] {strides = array<i32>} : memref<128xf32, #tpu.memory_space<vmem>>, vector<16xf32>,
    tpu.vector_store %arg10[%swap3A_21], %broadcast_in_dim3A_1 {strides = array<i32>} : memref<128xf32, #tpu.memory_space<vmem>>, vector<16xf32>,
    %swap3A_23 = arith.constant 48 : index
    %swap3A_24 = tpu.vector_load %arg10[%swap3A_23] {strides = array<i32>} : memref<128xf32, #tpu.memory_space<vmem>>, vector<16xf32>,
    tpu.vector_store %arg10[%swap3A_23], %broadcast_in_dim3A_1 {strides = array<i32>} : memref<128xf32, #tpu.memory_space<vmem>>, vector<16xf32>,
    %swap3A_25 = arith.constant 64 : index
    %swap3A_26 = tpu.vector_load %arg10[%swap3A_25] {strides = array<i32>} : memref<128xf32, #tpu.memory_space<vmem>>, vector<16xf32>,
    tpu.vector_store %arg10[%swap3A_25], %broadcast_in_dim3A_1 {strides = array<i32>} : memref<128xf32, #tpu.memory_space<vmem>>, vector<16xf32>,
    %swap3A_27 = arith.constant 80 : index
    %swap3A_28 = tpu.vector_load %arg10[%swap3A_27] {strides = array<i32>} : memref<128xf32, #tpu.memory_space<vmem>>, vector<16xf32>,
    tpu.vector_store %arg10[%swap3A_27], %broadcast_in_dim3A_1 {strides = array<i32>} : memref<128xf32, #tpu.memory_space<vmem>>, vector<16xf32>,
    %swap3A_29 = arith.constant 96 : index
    %swap3A_30 = tpu.vector_load %arg10[%swap3A_29] {strides = array<i32>} : memref<128xf32, #tpu.memory_space<vmem>>, vector<16xf32>,
    tpu.vector_store %arg10[%swap3A_29], %broadcast_in_dim3A_1 {strides = array<i32>} : memref<128xf32, #tpu.memory_space<vmem>>, vector<16xf32>,
    %swap3A_31 = arith.constant 112 : index
    %swap3A_32 = tpu.vector_load %arg10[%swap3A_31] {strides = array<i32>} : memref<128xf32, #tpu.memory_space<vmem>>, vector<16xf32>,
    tpu.vector_store %arg10[%swap3A_31], %broadcast_in_dim3A_1 {strides = array<i32>} : memref<128xf32, #tpu.memory_space<vmem>>, vector<16xf32>,
    %swap3A_33 = arith.constant 0 : index
    %swap3A_34 = tpu.vector_load %arg11[%swap3A_33] {strides = array<i32>} : memref<128xf32, #tpu.memory_space<vmem>>, vector<16xf32>,
    tpu.vector_store %arg11[%swap3A_33], %broadcast_in_dim3A_1 {strides = array<i32>} : memref<128xf32, #tpu.memory_space<vmem>>, vector<16xf32>,
    %swap3A_35 = arith.constant 16 : index
    %swap3A_36 = tpu.vector_load %arg11[%swap3A_35] {strides = array<i32>} : memref<128xf32, #tpu.memory_space<vmem>>, vector<16xf32>,
    tpu.vector_store %arg11[%swap3A_35], %broadcast_in_dim3A_1 {strides = array<i32>} : memref<128xf32, #tpu.memory_space<vmem>>, vector<16xf32>,
    %swap3A_37 = arith.constant 32 : index
    %swap3A_38 = tpu.vector_load %arg11[%swap3A_37] {strides = array<i32>} : memref<128xf32, #tpu.memory_space<vmem>>, vector<16xf32>,
    tpu.vector_store %arg11[%swap3A_37], %broadcast_in_dim3A_1 {strides = array<i32>} : memref<128xf32, #tpu.memory_space<vmem>>, vector<16xf32>,
    %swap3A_39 = arith.constant 48 : index
    %swap3A_40 = tpu.vector_load %arg11[%swap3A_39] {strides = array<i32>} : memref<128xf32, #tpu.memory_space<vmem>>, vector<16xf32>,
    tpu.vector_store %arg11[%swap3A_39], %broadcast_in_dim3A_1 {strides = array<i32>} : memref<128xf32, #tpu.memory_space<vmem>>, vector<16xf32>,
    %swap3A_41 = arith.constant 64 : index
    %swap3A_42 = tpu.vector_load %arg11[%swap3A_41] {strides = array<i32>} : memref<128xf32, #tpu.memory_space<vmem>>, vector<16xf32>,
    tpu.vector_store %arg11[%swap3A_41], %broadcast_in_dim3A_1 {strides = array<i32>} : memref<128xf32, #tpu.memory_space<vmem>>, vector<16xf32>,
    %swap3A_43 = arith.constant 80 : index
    %swap3A_44 = tpu.vector_load %arg11[%swap3A_43] {strides = array<i32>} : memref<128xf32, #tpu.memory_space<vmem>>, vector<16xf32>,
    tpu.vector_store %arg11[%swap3A_43], %broadcast_in_dim3A_1 {strides = array<i32>} : memref<128xf32, #tpu.memory_space<vmem>>, vector<16xf32>,
    %swap3A_45 = arith.constant 96 : index
    %swap3A_46 = tpu.vector_load %arg11[%swap3A_45] {strides = array<i32>} : memref<128xf32, #tpu.memory_space<vmem>>, vector<16xf32>,
    tpu.vector_store %arg11[%swap3A_45], %broadcast_in_dim3A_1 {strides = array<i32>} : memref<128xf32, #tpu.memory_space<vmem>>, vector<16xf32>,
    %swap3A_47 = arith.constant 112 : index
    %swap3A_48 = tpu.vector_load %arg11[%swap3A_47] {strides = array<i32>} : memref<128xf32, #tpu.memory_space<vmem>>, vector<16xf32>,
    tpu.vector_store %arg11[%swap3A_47], %broadcast_in_dim3A_1 {strides = array<i32>} : memref<128xf32, #tpu.memory_space<vmem>>, vector<16xf32>,
    %swap3A_49 = arith.constant 0 : index
    %swap3A_50 = tpu.vector_load %arg12[%swap3A_49] {strides = array<i32>} : memref<128xf32, #tpu.memory_space<vmem>>, vector<16xf32>,
    tpu.vector_store %arg12[%swap3A_49], %broadcast_in_dim3A_1 {strides = array<i32>} : memref<128xf32, #tpu.memory_space<vmem>>, vector<16xf32>,
    %swap3A_51 = arith.constant 16 : index
    %swap3A_52 = tpu.vector_load %arg12[%swap3A_51] {strides = array<i32>} : memref<128xf32, #tpu.memory_space<vmem>>, vector<16xf32>,
    tpu.vector_store %arg12[%swap3A_51], %broadcast_in_dim3A_1 {strides = array<i32>} : memref<128xf32, #tpu.memory_space<vmem>>, vector<16xf32>,
    %swap3A_53 = arith.constant 32 : index
    %swap3A_54 = tpu.vector_load %arg12[%swap3A_53] {strides = array<i32>} : memref<128xf32, #tpu.memory_space<vmem>>, vector<16xf32>,
    tpu.vector_store %arg12[%swap3A_53], %broadcast_in_dim3A_1 {strides = array<i32>} : memref<128xf32, #tpu.memory_space<vmem>>, vector<16xf32>,
    %swap3A_55 = arith.constant 48 : index
    %swap3A_56 = tpu.vector_load %arg12[%swap3A_55] {strides = array<i32>} : memref<128xf32, #tpu.memory_space<vmem>>, vector<16xf32>,
    tpu.vector_store %arg12[%swap3A_55], %broadcast_in_dim3A_1 {strides = array<i32>} : memref<128xf32, #tpu.memory_space<vmem>>, vector<16xf32>,
    %swap3A_57 = arith.constant 64 : index
    %swap3A_58 = tpu.vector_load %arg12[%swap3A_57] {strides = array<i32>} : memref<128xf32, #tpu.memory_space<vmem>>, vector<16xf32>,
    tpu.vector_store %arg12[%swap3A_57], %broadcast_in_dim3A_1 {strides = array<i32>} : memref<128xf32, #tpu.memory_space<vmem>>, vector<16xf32>,
    %swap3A_59 = arith.constant 80 : index
    %swap3A_60 = tpu.vector_load %arg12[%swap3A_59] {strides = array<i32>} : memref<128xf32, #tpu.memory_space<vmem>>, vector<16xf32>,
    tpu.vector_store %arg12[%swap3A_59], %broadcast_in_dim3A_1 {strides = array<i32>} : memref<128xf32, #tpu.memory_space<vmem>>, vector<16xf32>,
    %swap3A_61 = arith.constant 96 : index
    %swap3A_62 = tpu.vector_load %arg12[%swap3A_61] {strides = array<i32>} : memref<128xf32, #tpu.memory_space<vmem>>, vector<16xf32>,
    tpu.vector_store %arg12[%swap3A_61], %broadcast_in_dim3A_1 {strides = array<i32>} : memref<128xf32, #tpu.memory_space<vmem>>, vector<16xf32>,
    %swap3A_63 = arith.constant 112 : index
    %swap3A_64 = tpu.vector_load %arg12[%swap3A_63] {strides = array<i32>} : memref<128xf32, #tpu.memory_space<vmem>>, vector<16xf32>,
    tpu.vector_store %arg12[%swap3A_63], %broadcast_in_dim3A_1 {strides = array<i32>} : memref<128xf32, #tpu.memory_space<vmem>>, vector<16xf32>,
    %swap3A_65 = arith.constant 0 : index
    %swap3A_66 = tpu.vector_load %arg13[%swap3A_65] {strides = array<i32>} : memref<128xf32, #tpu.memory_space<vmem>>, vector<16xf32>,
    tpu.vector_store %arg13[%swap3A_65], %broadcast_in_dim3A_1 {strides = array<i32>} : memref<128xf32, #tpu.memory_space<vmem>>, vector<16xf32>,
    %swap3A_67 = arith.constant 16 : index
    %swap3A_68 = tpu.vector_load %arg13[%swap3A_67] {strides = array<i32>} : memref<128xf32, #tpu.memory_space<vmem>>, vector<16xf32>,
    tpu.vector_store %arg13[%swap3A_67], %broadcast_in_dim3A_1 {strides = array<i32>} : memref<128xf32, #tpu.memory_space<vmem>>, vector<16xf32>,
    %swap3A_69 = arith.constant 32 : index
    %swap3A_70 = tpu.vector_load %arg13[%swap3A_69] {strides = array<i32>} : memref<128xf32, #tpu.memory_space<vmem>>, vector<16xf32>,
    tpu.vector_store %arg13[%swap3A_69], %broadcast_in_dim3A_1 {strides = array<i32>} : memref<128xf32, #tpu.memory_space<vmem>>, vector<16xf32>,
    %swap3A_71 = arith.constant 48 : index
    %swap3A_72 = tpu.vector_load %arg13[%swap3A_71] {strides = array<i32>} : memref<128xf32, #tpu.memory_space<vmem>>, vector<16xf32>,
    tpu.vector_store %arg13[%swap3A_71], %broadcast_in_dim3A_1 {strides = array<i32>} : memref<128xf32, #tpu.memory_space<vmem>>, vector<16xf32>,
    %swap3A_73 = arith.constant 64 : index
    %swap3A_74 = tpu.vector_load %arg13[%swap3A_73] {strides = array<i32>} : memref<128xf32, #tpu.memory_space<vmem>>, vector<16xf32>,
    tpu.vector_store %arg13[%swap3A_73], %broadcast_in_dim3A_1 {strides = array<i32>} : memref<128xf32, #tpu.memory_space<vmem>>, vector<16xf32>,
    %swap3A_75 = arith.constant 80 : index
    %swap3A_76 = tpu.vector_load %arg13[%swap3A_75] {strides = array<i32>} : memref<128xf32, #tpu.memory_space<vmem>>, vector<16xf32>,
    tpu.vector_store %arg13[%swap3A_75], %broadcast_in_dim3A_1 {strides = array<i32>} : memref<128xf32, #tpu.memory_space<vmem>>, vector<16xf32>,
    %swap3A_77 = arith.constant 96 : index
    %swap3A_78 = tpu.vector_load %arg13[%swap3A_77] {strides = array<i32>} : memref<128xf32, #tpu.memory_space<vmem>>, vector<16xf32>,
    tpu.vector_store %arg13[%swap3A_77], %broadcast_in_dim3A_1 {strides = array<i32>} : memref<128xf32, #tpu.memory_space<vmem>>, vector<16xf32>,
    %swap3A_79 = arith.constant 112 : index
    %swap3A_80 = tpu.vector_load %arg13[%swap3A_79] {strides = array<i32>} : memref<128xf32, #tpu.memory_space<vmem>>, vector<16xf32>,
    tpu.vector_store %arg13[%swap3A_79], %broadcast_in_dim3A_1 {strides = array<i32>} : memref<128xf32, #tpu.memory_space<vmem>>, vector<16xf32>,
    %swap3A_81 = arith.constant 0 : index
    %swap3A_82 = tpu.vector_load %arg14[%swap3A_81] {strides = array<i32>} : memref<128xf32, #tpu.memory_space<vmem>>, vector<16xf32>,
    tpu.vector_store %arg14[%swap3A_81], %broadcast_in_dim3A_1 {strides = array<i32>} : memref<128xf32, #tpu.memory_space<vmem>>, vector<16xf32>,
    %swap3A_83 = arith.constant 16 : index
    %swap3A_84 = tpu.vector_load %arg14[%swap3A_83] {strides = array<i32>} : memref<128xf32, #tpu.memory_space<vmem>>, vector<16xf32>,
    tpu.vector_store %arg14[%swap3A_83], %broadcast_in_dim3A_1 {strides = array<i32>} : memref<128xf32, #tpu.memory_space<vmem>>, vector<16xf32>,
    %swap3A_85 = arith.constant 32 : index
    %swap3A_86 = tpu.vector_load %arg14[%swap3A_85] {strides = array<i32>} : memref<128xf32, #tpu.memory_space<vmem>>, vector<16xf32>,
    tpu.vector_store %arg14[%swap3A_85], %broadcast_in_dim3A_1 {strides = array<i32>} : memref<128xf32, #tpu.memory_space<vmem>>, vector<16xf32>,
    %swap3A_87 = arith.constant 48 : index
    %swap3A_88 = tpu.vector_load %arg14[%swap3A_87] {strides = array<i32>} : memref<128xf32, #tpu.memory_space<vmem>>, vector<16xf32>,
    tpu.vector_store %arg14[%swap3A_87], %broadcast_in_dim3A_1 {strides = array<i32>} : memref<128xf32, #tpu.memory_space<vmem>>, vector<16xf32>,
    %swap3A_89 = arith.constant 64 : index
    %swap3A_90 = tpu.vector_load %arg14[%swap3A_89] {strides = array<i32>} : memref<128xf32, #tpu.memory_space<vmem>>, vector<16xf32>,
    tpu.vector_store %arg14[%swap3A_89], %broadcast_in_dim3A_1 {strides = array<i32>} : memref<128xf32, #tpu.memory_space<vmem>>, vector<16xf32>,
    %swap3A_91 = arith.constant 80 : index
    %swap3A_92 = tpu.vector_load %arg14[%swap3A_91] {strides = array<i32>} : memref<128xf32, #tpu.memory_space<vmem>>, vector<16xf32>,
    tpu.vector_store %arg14[%swap3A_91], %broadcast_in_dim3A_1 {strides = array<i32>} : memref<128xf32, #tpu.memory_space<vmem>>, vector<16xf32>,
    %swap3A_93 = arith.constant 96 : index
    %swap3A_94 = tpu.vector_load %arg14[%swap3A_93] {strides = array<i32>} : memref<128xf32, #tpu.memory_space<vmem>>, vector<16xf32>,
    tpu.vector_store %arg14[%swap3A_93], %broadcast_in_dim3A_1 {strides = array<i32>} : memref<128xf32, #tpu.memory_space<vmem>>, vector<16xf32>,
    %swap3A_95 = arith.constant 112 : index
    %swap3A_96 = tpu.vector_load %arg14[%swap3A_95] {strides = array<i32>} : memref<128xf32, #tpu.memory_space<vmem>>, vector<16xf32>,
    tpu.vector_store %arg14[%swap3A_95], %broadcast_in_dim3A_1 {strides = array<i32>} : memref<128xf32, #tpu.memory_space<vmem>>, vector<16xf32>,
    %swap3A_97 = arith.constant 0 : index
    %swap3A_98 = tpu.vector_load %arg15[%swap3A_97] {strides = array<i32>} : memref<128xf32, #tpu.memory_space<vmem>>, vector<16xf32>,
    tpu.vector_store %arg15[%swap3A_97], %broadcast_in_dim3A_1 {strides = array<i32>} : memref<128xf32, #tpu.memory_space<vmem>>, vector<16xf32>,
    %swap3A_99 = arith.constant 16 : index
    %swap3A_100 = tpu.vector_load %arg15[%swap3A_99] {strides = array<i32>} : memref<128xf32, #tpu.memory_space<vmem>>, vector<16xf32>,
    tpu.vector_store %arg15[%swap3A_99], %broadcast_in_dim3A_1 {strides = array<i32>} : memref<128xf32, #tpu.memory_space<vmem>>, vector<16xf32>,
    %swap3A_101 = arith.constant 32 : index
    %swap3A_102 = tpu.vector_load %arg15[%swap3A_101] {strides = array<i32>} : memref<128xf32, #tpu.memory_space<vmem>>, vector<16xf32>,
    tpu.vector_store %arg15[%swap3A_101], %broadcast_in_dim3A_1 {strides = array<i32>} : memref<128xf32, #tpu.memory_space<vmem>>, vector<16xf32>,
    %swap3A_103 = arith.constant 48 : index
    %swap3A_104 = tpu.vector_load %arg15[%swap3A_103] {strides = array<i32>} : memref<128xf32, #tpu.memory_space<vmem>>, vector<16xf32>,
    tpu.vector_store %arg15[%swap3A_103], %broadcast_in_dim3A_1 {strides = array<i32>} : memref<128xf32, #tpu.memory_space<vmem>>, vector<16xf32>,
    %swap3A_105 = arith.constant 64 : index
    %swap3A_106 = tpu.vector_load %arg15[%swap3A_105] {strides = array<i32>} : memref<128xf32, #tpu.memory_space<vmem>>, vector<16xf32>,
    tpu.vector_store %arg15[%swap3A_105], %broadcast_in_dim3A_1 {strides = array<i32>} : memref<128xf32, #tpu.memory_space<vmem>>, vector<16xf32>,
    %swap3A_107 = arith.constant 80 : index
    %swap3A_108 = tpu.vector_load %arg15[%swap3A_107] {strides = array<i32>} : memref<128xf32, #tpu.memory_space<vmem>>, vector<16xf32>,
    tpu.vector_store %arg15[%swap3A_107], %broadcast_in_dim3A_1 {strides = array<i32>} : memref<128xf32, #tpu.memory_space<vmem>>, vector<16xf32>,
    %swap3A_109 = arith.constant 96 : index
    %swap3A_110 = tpu.vector_load %arg15[%swap3A_109] {strides = array<i32>} : memref<128xf32, #tpu.memory_space<vmem>>, vector<16xf32>,
    tpu.vector_store %arg15[%swap3A_109], %broadcast_in_dim3A_1 {strides = array<i32>} : memref<128xf32, #tpu.memory_space<vmem>>, vector<16xf32>,
    %swap3A_111 = arith.constant 112 : index
    %swap3A_112 = tpu.vector_load %arg15[%swap3A_111] {strides = array<i32>} : memref<128xf32, #tpu.memory_space<vmem>>, vector<16xf32>,
    tpu.vector_store %arg15[%swap3A_111], %broadcast_in_dim3A_1 {strides = array<i32>} : memref<128xf32, #tpu.memory_space<vmem>>, vector<16xf32>,
    %swap3A_113 = arith.constant 0 : index
    %swap3A_114 = tpu.vector_load %arg16[%swap3A_113] {strides = array<i32>} : memref<128xf32, #tpu.memory_space<vmem>>, vector<16xf32>,
    tpu.vector_store %arg16[%swap3A_113], %broadcast_in_dim3A_1 {strides = array<i32>} : memref<128xf32, #tpu.memory_space<vmem>>, vector<16xf32>,
    %swap3A_115 = arith.constant 16 : index
    %swap3A_116 = tpu.vector_load %arg16[%swap3A_115] {strides = array<i32>} : memref<128xf32, #tpu.memory_space<vmem>>, vector<16xf32>,
    tpu.vector_store %arg16[%swap3A_115], %broadcast_in_dim3A_1 {strides = array<i32>} : memref<128xf32, #tpu.memory_space<vmem>>, vector<16xf32>,
    %swap3A_117 = arith.constant 32 : index
    %swap3A_118 = tpu.vector_load %arg16[%swap3A_117] {strides = array<i32>} : memref<128xf32, #tpu.memory_space<vmem>>, vector<16xf32>,
    tpu.vector_store %arg16[%swap3A_117], %broadcast_in_dim3A_1 {strides = array<i32>} : memref<128xf32, #tpu.memory_space<vmem>>, vector<16xf32>,
    %swap3A_119 = arith.constant 48 : index
    %swap3A_120 = tpu.vector_load %arg16[%swap3A_119] {strides = array<i32>} : memref<128xf32, #tpu.memory_space<vmem>>, vector<16xf32>,
    tpu.vector_store %arg16[%swap3A_119], %broadcast_in_dim3A_1 {strides = array<i32>} : memref<128xf32, #tpu.memory_space<vmem>>, vector<16xf32>,
    %swap3A_121 = arith.constant 64 : index
    %swap3A_122 = tpu.vector_load %arg16[%swap3A_121] {strides = array<i32>} : memref<128xf32, #tpu.memory_space<vmem>>, vector<16xf32>,
    tpu.vector_store %arg16[%swap3A_121], %broadcast_in_dim3A_1 {strides = array<i32>} : memref<128xf32, #tpu.memory_space<vmem>>, vector<16xf32>,
    %swap3A_123 = arith.constant 80 : index
    %swap3A_124 = tpu.vector_load %arg16[%swap3A_123] {strides = array<i32>} : memref<128xf32, #tpu.memory_space<vmem>>, vector<16xf32>,
    tpu.vector_store %arg16[%swap3A_123], %broadcast_in_dim3A_1 {strides = array<i32>} : memref<128xf32, #tpu.memory_space<vmem>>, vector<16xf32>,
    %swap3A_125 = arith.constant 96 : index
    %swap3A_126 = tpu.vector_load %arg16[%swap3A_125] {strides = array<i32>} : memref<128xf32, #tpu.memory_space<vmem>>, vector<16xf32>,
    tpu.vector_store %arg16[%swap3A_125], %broadcast_in_dim3A_1 {strides = array<i32>} : memref<128xf32, #tpu.memory_space<vmem>>, vector<16xf32>,
    %swap3A_127 = arith.constant 112 : index
    %swap3A_128 = tpu.vector_load %arg16[%swap3A_127] {strides = array<i32>} : memref<128xf32, #tpu.memory_space<vmem>>, vector<16xf32>,
    tpu.vector_store %arg16[%swap3A_127], %broadcast_in_dim3A_1 {strides = array<i32>} : memref<128xf32, #tpu.memory_space<vmem>>, vector<16xf32>,
    %iota3A = tpu.iota {dimensions = array<i32: 0>} : vector<16xi32>
    %add3A_129 = arith.constant 0 : i32
    %add3A_130 = vector.broadcast %add3A_129 : i32 to vector<16xi32>
    %add3A_131 = arith.addi %add3A_130, %iota3A : vector<16xi32>
    %add3A_132 = arith.constant 16 : i32
    %add3A_133 = vector.broadcast %add3A_132 : i32 to vector<16xi32>
    %add3A_134 = arith.addi %add3A_133, %iota3A : vector<16xi32>
    %add3A_135 = arith.constant 32 : i32
    %add3A_136 = vector.broadcast %add3A_135 : i32 to vector<16xi32>
    %add3A_137 = arith.addi %add3A_136, %iota3A : vector<16xi32>
    %add3A_138 = arith.constant 48 : i32
    %add3A_139 = vector.broadcast %add3A_138 : i32 to vector<16xi32>
    %add3A_140 = arith.addi %add3A_139, %iota3A : vector<16xi32>
    %add3A_141 = arith.constant 64 : i32
    %add3A_142 = vector.broadcast %add3A_141 : i32 to vector<16xi32>
    %add3A_143 = arith.addi %add3A_142, %iota3A : vector<16xi32>
    %add3A_144 = arith.constant 80 : i32
    %add3A_145 = vector.broadcast %add3A_144 : i32 to vector<16xi32>
    %add3A_146 = arith.addi %add3A_145, %iota3A : vector<16xi32>
    %add3A_147 = arith.constant 96 : i32
    %add3A_148 = vector.broadcast %add3A_147 : i32 to vector<16xi32>
    %add3A_149 = arith.addi %add3A_148, %iota3A : vector<16xi32>
    %add3A_150 = arith.constant 112 : i32
    %add3A_151 = vector.broadcast %add3A_150 : i32 to vector<16xi32>
    %add3A_152 = arith.addi %add3A_151, %iota3A : vector<16xi32>
    %mul3A_153 = arith.constant 10000 : i32
    %mul3A_154 = arith.muli %add3A, %mul3A_153 : i32
    %add3A_155 = arith.constant 0 : i32
    %add3A_156 = arith.addi %mul3A_154, %add3A_155 : i32
    %dma_start3A = arith.constant 0 : i32
    %dma_start3A_157 = tpu.memref_slice %arg2[%add3A_156, %dma_start3A] : memref<320000x128xf32, #tpu.memory_space<hbm>> -> memref<400x128xf32, #tpu.memory_space<hbm>>
    %dma_start3A_158 = arith.constant 0 : i32
    %dma_start3A_159 = tpu.memref_slice %arg2[%add3A_156, %dma_start3A_158] : memref<320000x128xf32, #tpu.memory_space<hbm>> -> memref<400x128xf32, #tpu.memory_space<hbm>>
    tpu.enqueue_dma source(%dma_start3A_159 : memref<400x128xf32, #tpu.memory_space<hbm>>) target(%arg5 : memref<400x128xf32, #tpu.memory_space<vmem>>) target_semaphore(%arg18 : memref<!tpu.dma_semaphore, #tpu.memory_space<semaphore_mem>>)
    %dma_start3A_160 = tpu.memref_slice %arg3[%add3A_156] : memref<320000xi32, #tpu.memory_space<hbm>> -> memref<400xi32, #tpu.memory_space<hbm>>
    %dma_start3A_161 = tpu.memref_slice %arg3[%add3A_156] : memref<320000xi32, #tpu.memory_space<hbm>> -> memref<400xi32, #tpu.memory_space<hbm>>
    tpu.enqueue_dma source(%dma_start3A_161 : memref<400xi32, #tpu.memory_space<hbm>>) target(%arg7 : memref<400xi32, #tpu.memory_space<vmem>>) target_semaphore(%arg20 : memref<!tpu.dma_semaphore, #tpu.memory_space<semaphore_mem>>)
    %scan3A = arith.constant 0 : i32
    %scan3A_162 = arith.constant 0 : i32
    %scan3A_163 = arith.constant 12 : i32
    %scan3A_164 = arith.addi %scan3A_162, %scan3A_163 : i32
    %scan3A_165 = arith.constant 1 : i32
    scf.for %scan3A_437 = %scan3A_162 to %scan3A_164 step %scan3A_165  : i32 {
      %mul3A_438 = arith.constant 2 : i32
      %mul3A_439 = arith.muli %mul3A_438, %scan3A_437 : i32
      %add3A_440 = arith.constant 0 : i32
      %add3A_441 = arith.addi %mul3A_439, %add3A_440 : i32
      %add3A_442 = arith.constant 1 : i32
      %add3A_443 = arith.addi %add3A_441, %add3A_442 : i32
      %lt3A = arith.constant 25 : i32
      %lt3A_444 = arith.cmpi slt, %add3A_443, %lt3A : i32
      %convert_element_type3A = arith.extui %lt3A_444 : i1 to i32
      %cond3A = arith.constant 0 : i32
      %cond3A_445 = arith.cmpi ne, %convert_element_type3A, %cond3A : i32
      scf.if %cond3A_445 {
        %add3A_491 = arith.constant 1 : i32
        %add3A_492 = arith.addi %add3A_441, %add3A_491 : i32
        %mul3A_493 = arith.constant 10000 : i32
        %mul3A_494 = arith.muli %add3A, %mul3A_493 : i32
        %mul3A_495 = arith.constant 400 : i32
        %mul3A_496 = arith.muli %add3A_492, %mul3A_495 : i32
        %add3A_497 = arith.addi %mul3A_494, %mul3A_496 : i32
        %dma_start3A_498 = arith.constant 0 : i32
        %dma_start3A_499 = tpu.memref_slice %arg2[%add3A_497, %dma_start3A_498] : memref<320000x128xf32, #tpu.memory_space<hbm>> -> memref<400x128xf32, #tpu.memory_space<hbm>>
        %dma_start3A_500 = arith.constant 0 : i32
        %dma_start3A_501 = tpu.memref_slice %arg2[%add3A_497, %dma_start3A_500] : memref<320000x128xf32, #tpu.memory_space<hbm>> -> memref<400x128xf32, #tpu.memory_space<hbm>>
        tpu.enqueue_dma source(%dma_start3A_501 : memref<400x128xf32, #tpu.memory_space<hbm>>) target(%arg6 : memref<400x128xf32, #tpu.memory_space<vmem>>) target_semaphore(%arg19 : memref<!tpu.dma_semaphore, #tpu.memory_space<semaphore_mem>>)
        %dma_start3A_502 = tpu.memref_slice %arg3[%add3A_497] : memref<320000xi32, #tpu.memory_space<hbm>> -> memref<400xi32, #tpu.memory_space<hbm>>
        %dma_start3A_503 = tpu.memref_slice %arg3[%add3A_497] : memref<320000xi32, #tpu.memory_space<hbm>> -> memref<400xi32, #tpu.memory_space<hbm>>
        tpu.enqueue_dma source(%dma_start3A_503 : memref<400xi32, #tpu.memory_space<hbm>>) target(%arg8 : memref<400xi32, #tpu.memory_space<vmem>>) target_semaphore(%arg21 : memref<!tpu.dma_semaphore, #tpu.memory_space<semaphore_mem>>)
      } else {
      }
      %mul3A_446 = arith.constant 10000 : i32
      %mul3A_447 = arith.muli %add3A, %mul3A_446 : i32
      %mul3A_448 = arith.constant 400 : i32
      %mul3A_449 = arith.muli %add3A_441, %mul3A_448 : i32
      %add3A_450 = arith.addi %mul3A_447, %mul3A_449 : i32
      %dma_wait3A_451 = arith.constant 0 : i32
      %dma_wait3A_452 = tpu.memref_slice %arg2[%add3A_450, %dma_wait3A_451] : memref<320000x128xf32, #tpu.memory_space<hbm>> -> memref<400x128xf32, #tpu.memory_space<hbm>>
      %dma_wait3A_453 = arith.constant 0 : i32
      %dma_wait3A_454 = tpu.memref_slice %arg2[%add3A_450, %dma_wait3A_453] : memref<320000x128xf32, #tpu.memory_space<hbm>> -> memref<400x128xf32, #tpu.memory_space<hbm>>
      tpu.wait_dma2 semaphore(%arg18 : memref<!tpu.dma_semaphore, #tpu.memory_space<semaphore_mem>>) src(%dma_wait3A_454 : memref<400x128xf32, #tpu.memory_space<hbm>>) dst(%arg5 : memref<400x128xf32, #tpu.memory_space<vmem>>)
      %dma_wait3A_455 = tpu.memref_slice %arg3[%add3A_450] : memref<320000xi32, #tpu.memory_space<hbm>> -> memref<400xi32, #tpu.memory_space<hbm>>
      %dma_wait3A_456 = tpu.memref_slice %arg3[%add3A_450] : memref<320000xi32, #tpu.memory_space<hbm>> -> memref<400xi32, #tpu.memory_space<hbm>>
      tpu.wait_dma2 semaphore(%arg20 : memref<!tpu.dma_semaphore, #tpu.memory_space<semaphore_mem>>) src(%dma_wait3A_456 : memref<400xi32, #tpu.memory_space<hbm>>) dst(%arg7 : memref<400xi32, #tpu.memory_space<vmem>>)
      %scan3A_457 = arith.constant 0 : i32
      %scan3A_458 = arith.constant 0 : i32
      %scan3A_459 = arith.constant 25 : i32
      %scan3A_460 = arith.addi %scan3A_458, %scan3A_459 : i32
      %scan3A_461 = arith.constant 1 : i32
      scf.for %scan3A_491 = %scan3A_458 to %scan3A_460 step %scan3A_461  : i32 {
        %mul3A_492 = arith.constant 16 : i32
        %mul3A_493 = arith.muli %scan3A_491, %mul3A_492 : i32
        %get3A_494 = arith.index_cast %mul3A_493 : i32 to index
        %get3A_495 = tpu.vector_load %arg7[%get3A_494] {strides = array<i32>} : memref<400xi32, #tpu.memory_space<vmem>>, vector<16xi32>,
        %min3A = arith.constant 7 : i32
        %min3A_496 = vector.broadcast %min3A : i32 to vector<16xi32>
        %min3A_497 = arith.minsi %get3A_495, %min3A_496 : vector<16xi32>
        %mul3A_498 = arith.constant 16 : i32
        %mul3A_499 = vector.broadcast %mul3A_498 : i32 to vector<16xi32>
        %mul3A_500 = arith.muli %min3A_497, %mul3A_499 : vector<16xi32>
        %add3A_501 = arith.constant 0 : i32
        %add3A_502 = arith.addi %mul3A_493, %add3A_501 : i32
        %slice3A = vector.extract_strided_slice %mul3A_500 {offsets = [0], sizes = [1], strides = [1]} : vector<16xi32> to vector<1xi32>
        %squeeze3A = vector.extract %slice3A[0] : i32 from vector<1xi32>
        %broadcast_in_dim3A_503 = vector.broadcast %squeeze3A : i32 to vector<16xi32>
        %add3A_504 = arith.addi %broadcast_in_dim3A_503, %iota3A : vector<16xi32>
        %broadcast_in_dim3A_505 = vector.broadcast %add3A_502 : i32 to vector<16xi32>
        %gather3A = tpu.vector_load_idx %arg5[%broadcast_in_dim3A_505, %add3A_131] : memref<400x128xf32, #tpu.memory_space<vmem>>[vector<16xi32>, vector<16xi32>], vector<16xf32>,
        %broadcast_in_dim3A_506 = vector.broadcast %add3A_502 : i32 to vector<16xi32>
        %gather3A_507 = tpu.vector_load_idx %arg5[%broadcast_in_dim3A_506, %add3A_134] : memref<400x128xf32, #tpu.memory_space<vmem>>[vector<16xi32>, vector<16xi32>], vector<16xf32>,
        %broadcast_in_dim3A_508 = vector.broadcast %add3A_502 : i32 to vector<16xi32>
        %gather3A_509 = tpu.vector_load_idx %arg5[%broadcast_in_dim3A_508, %add3A_137] : memref<400x128xf32, #tpu.memory_space<vmem>>[vector<16xi32>, vector<16xi32>], vector<16xf32>,
        %broadcast_in_dim3A_510 = vector.broadcast %add3A_502 : i32 to vector<16xi32>
        %gather3A_511 = tpu.vector_load_idx %arg5[%broadcast_in_dim3A_510, %add3A_140] : memref<400x128xf32, #tpu.memory_space<vmem>>[vector<16xi32>, vector<16xi32>], vector<16xf32>,
        %broadcast_in_dim3A_512 = vector.broadcast %add3A_502 : i32 to vector<16xi32>
        %gather3A_513 = tpu.vector_load_idx %arg5[%broadcast_in_dim3A_512, %add3A_143] : memref<400x128xf32, #tpu.memory_space<vmem>>[vector<16xi32>, vector<16xi32>], vector<16xf32>,
        %broadcast_in_dim3A_514 = vector.broadcast %add3A_502 : i32 to vector<16xi32>
        %gather3A_515 = tpu.vector_load_idx %arg5[%broadcast_in_dim3A_514, %add3A_146] : memref<400x128xf32, #tpu.memory_space<vmem>>[vector<16xi32>, vector<16xi32>], vector<16xf32>,
        %broadcast_in_dim3A_516 = vector.broadcast %add3A_502 : i32 to vector<16xi32>
        %gather3A_517 = tpu.vector_load_idx %arg5[%broadcast_in_dim3A_516, %add3A_149] : memref<400x128xf32, #tpu.memory_space<vmem>>[vector<16xi32>, vector<16xi32>], vector<16xf32>,
        %broadcast_in_dim3A_518 = vector.broadcast %add3A_502 : i32 to vector<16xi32>
        %gather3A_519 = tpu.vector_load_idx %arg5[%broadcast_in_dim3A_518, %add3A_152] : memref<400x128xf32, #tpu.memory_space<vmem>>[vector<16xi32>, vector<16xi32>], vector<16xf32>,
        %gather3A_520 = tpu.vector_load_idx %arg9[%add3A_504] : memref<128xf32, #tpu.memory_space<vmem>>[vector<16xi32>], vector<16xf32>,
        %gather3A_521 = tpu.vector_load_idx %arg10[%add3A_504] : memref<128xf32, #tpu.memory_space<vmem>>[vector<16xi32>], vector<16xf32>,
        %gather3A_522 = tpu.vector_load_idx %arg11[%add3A_504] : memref<128xf32, #tpu.memory_space<vmem>>[vector<16xi32>], vector<16xf32>,
        %gather3A_523 = tpu.vector_load_idx %arg12[%add3A_504] : memref<128xf32, #tpu.memory_space<vmem>>[vector<16xi32>], vector<16xf32>,
        %gather3A_524 = tpu.vector_load_idx %arg13[%add3A_504] : memref<128xf32, #tpu.memory_space<vmem>>[vector<16xi32>], vector<16xf32>,
        %gather3A_525 = tpu.vector_load_idx %arg14[%add3A_504] : memref<128xf32, #tpu.memory_space<vmem>>[vector<16xi32>], vector<16xf32>,
        %gather3A_526 = tpu.vector_load_idx %arg15[%add3A_504] : memref<128xf32, #tpu.memory_space<vmem>>[vector<16xi32>], vector<16xf32>,
        %gather3A_527 = tpu.vector_load_idx %arg16[%add3A_504] : memref<128xf32, #tpu.memory_space<vmem>>[vector<16xi32>], vector<16xf32>,
        %max3A = arith.maximumf %gather3A_520, %gather3A : vector<16xf32>
        tpu.vector_store_idx %arg9[%add3A_504], %max3A : memref<128xf32, #tpu.memory_space<vmem>>[vector<16xi32>], vector<16xf32>,
        %max3A_528 = arith.maximumf %gather3A_521, %gather3A_507 : vector<16xf32>
        tpu.vector_store_idx %arg10[%add3A_504], %max3A_528 : memref<128xf32, #tpu.memory_space<vmem>>[vector<16xi32>], vector<16xf32>,
        %max3A_529 = arith.maximumf %gather3A_522, %gather3A_509 : vector<16xf32>
        tpu.vector_store_idx %arg11[%add3A_504], %max3A_529 : memref<128xf32, #tpu.memory_space<vmem>>[vector<16xi32>], vector<16xf32>,
        %max3A_530 = arith.maximumf %gather3A_523, %gather3A_511 : vector<16xf32>
        tpu.vector_store_idx %arg12[%add3A_504], %max3A_530 : memref<128xf32, #tpu.memory_space<vmem>>[vector<16xi32>], vector<16xf32>,
        %max3A_531 = arith.maximumf %gather3A_524, %gather3A_513 : vector<16xf32>
        tpu.vector_store_idx %arg13[%add3A_504], %max3A_531 : memref<128xf32, #tpu.memory_space<vmem>>[vector<16xi32>], vector<16xf32>,
        %max3A_532 = arith.maximumf %gather3A_525, %gather3A_515 : vector<16xf32>
        tpu.vector_store_idx %arg14[%add3A_504], %max3A_532 : memref<128xf32, #tpu.memory_space<vmem>>[vector<16xi32>], vector<16xf32>,
        %max3A_533 = arith.maximumf %gather3A_526, %gather3A_517 : vector<16xf32>
        tpu.vector_store_idx %arg15[%add3A_504], %max3A_533 : memref<128xf32, #tpu.memory_space<vmem>>[vector<16xi32>], vector<16xf32>,
        %max3A_534 = arith.maximumf %gather3A_527, %gather3A_519 : vector<16xf32>
        tpu.vector_store_idx %arg16[%add3A_504], %max3A_534 : memref<128xf32, #tpu.memory_space<vmem>>[vector<16xi32>], vector<16xf32>,
        %add3A_535 = arith.constant 1 : i32
        %add3A_536 = arith.addi %mul3A_493, %add3A_535 : i32
        %slice3A_537 = vector.extract_strided_slice %mul3A_500 {offsets = [1], sizes = [1], strides = [1]} : vector<16xi32> to vector<1xi32>
        %squeeze3A_538 = vector.extract %slice3A_537[0] : i32 from vector<1xi32>
        %broadcast_in_dim3A_539 = vector.broadcast %squeeze3A_538 : i32 to vector<16xi32>
        %add3A_540 = arith.addi %broadcast_in_dim3A_539, %iota3A : vector<16xi32>
        %broadcast_in_dim3A_541 = vector.broadcast %add3A_536 : i32 to vector<16xi32>
        %gather3A_542 = tpu.vector_load_idx %arg5[%broadcast_in_dim3A_541, %add3A_131] : memref<400x128xf32, #tpu.memory_space<vmem>>[vector<16xi32>, vector<16xi32>], vector<16xf32>,
        %broadcast_in_dim3A_543 = vector.broadcast %add3A_536 : i32 to vector<16xi32>
        %gather3A_544 = tpu.vector_load_idx %arg5[%broadcast_in_dim3A_543, %add3A_134] : memref<400x128xf32, #tpu.memory_space<vmem>>[vector<16xi32>, vector<16xi32>], vector<16xf32>,
        %broadcast_in_dim3A_545 = vector.broadcast %add3A_536 : i32 to vector<16xi32>
        %gather3A_546 = tpu.vector_load_idx %arg5[%broadcast_in_dim3A_545, %add3A_137] : memref<400x128xf32, #tpu.memory_space<vmem>>[vector<16xi32>, vector<16xi32>], vector<16xf32>,
        %broadcast_in_dim3A_547 = vector.broadcast %add3A_536 : i32 to vector<16xi32>
        %gather3A_548 = tpu.vector_load_idx %arg5[%broadcast_in_dim3A_547, %add3A_140] : memref<400x128xf32, #tpu.memory_space<vmem>>[vector<16xi32>, vector<16xi32>], vector<16xf32>,
        %broadcast_in_dim3A_549 = vector.broadcast %add3A_536 : i32 to vector<16xi32>
        %gather3A_550 = tpu.vector_load_idx %arg5[%broadcast_in_dim3A_549, %add3A_143] : memref<400x128xf32, #tpu.memory_space<vmem>>[vector<16xi32>, vector<16xi32>], vector<16xf32>,
        %broadcast_in_dim3A_551 = vector.broadcast %add3A_536 : i32 to vector<16xi32>
        %gather3A_552 = tpu.vector_load_idx %arg5[%broadcast_in_dim3A_551, %add3A_146] : memref<400x128xf32, #tpu.memory_space<vmem>>[vector<16xi32>, vector<16xi32>], vector<16xf32>,
        %broadcast_in_dim3A_553 = vector.broadcast %add3A_536 : i32 to vector<16xi32>
        %gather3A_554 = tpu.vector_load_idx %arg5[%broadcast_in_dim3A_553, %add3A_149] : memref<400x128xf32, #tpu.memory_space<vmem>>[vector<16xi32>, vector<16xi32>], vector<16xf32>,
        %broadcast_in_dim3A_555 = vector.broadcast %add3A_536 : i32 to vector<16xi32>
        %gather3A_556 = tpu.vector_load_idx %arg5[%broadcast_in_dim3A_555, %add3A_152] : memref<400x128xf32, #tpu.memory_space<vmem>>[vector<16xi32>, vector<16xi32>], vector<16xf32>,
        %gather3A_557 = tpu.vector_load_idx %arg9[%add3A_540] : memref<128xf32, #tpu.memory_space<vmem>>[vector<16xi32>], vector<16xf32>,
        %gather3A_558 = tpu.vector_load_idx %arg10[%add3A_540] : memref<128xf32, #tpu.memory_space<vmem>>[vector<16xi32>], vector<16xf32>,
        %gather3A_559 = tpu.vector_load_idx %arg11[%add3A_540] : memref<128xf32, #tpu.memory_space<vmem>>[vector<16xi32>], vector<16xf32>,
        %gather3A_560 = tpu.vector_load_idx %arg12[%add3A_540] : memref<128xf32, #tpu.memory_space<vmem>>[vector<16xi32>], vector<16xf32>,
        %gather3A_561 = tpu.vector_load_idx %arg13[%add3A_540] : memref<128xf32, #tpu.memory_space<vmem>>[vector<16xi32>], vector<16xf32>,
        %gather3A_562 = tpu.vector_load_idx %arg14[%add3A_540] : memref<128xf32, #tpu.memory_space<vmem>>[vector<16xi32>], vector<16xf32>,
        %gather3A_563 = tpu.vector_load_idx %arg15[%add3A_540] : memref<128xf32, #tpu.memory_space<vmem>>[vector<16xi32>], vector<16xf32>,
        %gather3A_564 = tpu.vector_load_idx %arg16[%add3A_540] : memref<128xf32, #tpu.memory_space<vmem>>[vector<16xi32>], vector<16xf32>,
        %max3A_565 = arith.maximumf %gather3A_557, %gather3A_542 : vector<16xf32>
        tpu.vector_store_idx %arg9[%add3A_540], %max3A_565 : memref<128xf32, #tpu.memory_space<vmem>>[vector<16xi32>], vector<16xf32>,
        %max3A_566 = arith.maximumf %gather3A_558, %gather3A_544 : vector<16xf32>
        tpu.vector_store_idx %arg10[%add3A_540], %max3A_566 : memref<128xf32, #tpu.memory_space<vmem>>[vector<16xi32>], vector<16xf32>,
        %max3A_567 = arith.maximumf %gather3A_559, %gather3A_546 : vector<16xf32>
        tpu.vector_store_idx %arg11[%add3A_540], %max3A_567 : memref<128xf32, #tpu.memory_space<vmem>>[vector<16xi32>], vector<16xf32>,
        %max3A_568 = arith.maximumf %gather3A_560, %gather3A_548 : vector<16xf32>
        tpu.vector_store_idx %arg12[%add3A_540], %max3A_568 : memref<128xf32, #tpu.memory_space<vmem>>[vector<16xi32>], vector<16xf32>,
        %max3A_569 = arith.maximumf %gather3A_561, %gather3A_550 : vector<16xf32>
        tpu.vector_store_idx %arg13[%add3A_540], %max3A_569 : memref<128xf32, #tpu.memory_space<vmem>>[vector<16xi32>], vector<16xf32>,
        %max3A_570 = arith.maximumf %gather3A_562, %gather3A_552 : vector<16xf32>
        tpu.vector_store_idx %arg14[%add3A_540], %max3A_570 : memref<128xf32, #tpu.memory_space<vmem>>[vector<16xi32>], vector<16xf32>,
        %max3A_571 = arith.maximumf %gather3A_563, %gather3A_554 : vector<16xf32>
        tpu.vector_store_idx %arg15[%add3A_540], %max3A_571 : memref<128xf32, #tpu.memory_space<vmem>>[vector<16xi32>], vector<16xf32>,
        %max3A_572 = arith.maximumf %gather3A_564, %gather3A_556 : vector<16xf32>
        tpu.vector_store_idx %arg16[%add3A_540], %max3A_572 : memref<128xf32, #tpu.memory_space<vmem>>[vector<16xi32>], vector<16xf32>,
        %add3A_573 = arith.constant 2 : i32
        %add3A_574 = arith.addi %mul3A_493, %add3A_573 : i32
        %slice3A_575 = vector.extract_strided_slice %mul3A_500 {offsets = [2], sizes = [1], strides = [1]} : vector<16xi32> to vector<1xi32>
        %squeeze3A_576 = vector.extract %slice3A_575[0] : i32 from vector<1xi32>
        %broadcast_in_dim3A_577 = vector.broadcast %squeeze3A_576 : i32 to vector<16xi32>
        %add3A_578 = arith.addi %broadcast_in_dim3A_577, %iota3A : vector<16xi32>
        %broadcast_in_dim3A_579 = vector.broadcast %add3A_574 : i32 to vector<16xi32>
        %gather3A_580 = tpu.vector_load_idx %arg5[%broadcast_in_dim3A_579, %add3A_131] : memref<400x128xf32, #tpu.memory_space<vmem>>[vector<16xi32>, vector<16xi32>], vector<16xf32>,
        %broadcast_in_dim3A_581 = vector.broadcast %add3A_574 : i32 to vector<16xi32>
        %gather3A_582 = tpu.vector_load_idx %arg5[%broadcast_in_dim3A_581, %add3A_134] : memref<400x128xf32, #tpu.memory_space<vmem>>[vector<16xi32>, vector<16xi32>], vector<16xf32>,
        %broadcast_in_dim3A_583 = vector.broadcast %add3A_574 : i32 to vector<16xi32>
        %gather3A_584 = tpu.vector_load_idx %arg5[%broadcast_in_dim3A_583, %add3A_137] : memref<400x128xf32, #tpu.memory_space<vmem>>[vector<16xi32>, vector<16xi32>], vector<16xf32>,
        %broadcast_in_dim3A_585 = vector.broadcast %add3A_574 : i32 to vector<16xi32>
        %gather3A_586 = tpu.vector_load_idx %arg5[%broadcast_in_dim3A_585, %add3A_140] : memref<400x128xf32, #tpu.memory_space<vmem>>[vector<16xi32>, vector<16xi32>], vector<16xf32>,
        %broadcast_in_dim3A_587 = vector.broadcast %add3A_574 : i32 to vector<16xi32>
        %gather3A_588 = tpu.vector_load_idx %arg5[%broadcast_in_dim3A_587, %add3A_143] : memref<400x128xf32, #tpu.memory_space<vmem>>[vector<16xi32>, vector<16xi32>], vector<16xf32>,
        %broadcast_in_dim3A_589 = vector.broadcast %add3A_574 : i32 to vector<16xi32>
        %gather3A_590 = tpu.vector_load_idx %arg5[%broadcast_in_dim3A_589, %add3A_146] : memref<400x128xf32, #tpu.memory_space<vmem>>[vector<16xi32>, vector<16xi32>], vector<16xf32>,
        %broadcast_in_dim3A_591 = vector.broadcast %add3A_574 : i32 to vector<16xi32>
        %gather3A_592 = tpu.vector_load_idx %arg5[%broadcast_in_dim3A_591, %add3A_149] : memref<400x128xf32, #tpu.memory_space<vmem>>[vector<16xi32>, vector<16xi32>], vector<16xf32>,
        %broadcast_in_dim3A_593 = vector.broadcast %add3A_574 : i32 to vector<16xi32>
        %gather3A_594 = tpu.vector_load_idx %arg5[%broadcast_in_dim3A_593, %add3A_152] : memref<400x128xf32, #tpu.memory_space<vmem>>[vector<16xi32>, vector<16xi32>], vector<16xf32>,
        %gather3A_595 = tpu.vector_load_idx %arg9[%add3A_578] : memref<128xf32, #tpu.memory_space<vmem>>[vector<16xi32>], vector<16xf32>,
        %gather3A_596 = tpu.vector_load_idx %arg10[%add3A_578] : memref<128xf32, #tpu.memory_space<vmem>>[vector<16xi32>], vector<16xf32>,
        %gather3A_597 = tpu.vector_load_idx %arg11[%add3A_578] : memref<128xf32, #tpu.memory_space<vmem>>[vector<16xi32>], vector<16xf32>,
        %gather3A_598 = tpu.vector_load_idx %arg12[%add3A_578] : memref<128xf32, #tpu.memory_space<vmem>>[vector<16xi32>], vector<16xf32>,
        %gather3A_599 = tpu.vector_load_idx %arg13[%add3A_578] : memref<128xf32, #tpu.memory_space<vmem>>[vector<16xi32>], vector<16xf32>,
        %gather3A_600 = tpu.vector_load_idx %arg14[%add3A_578] : memref<128xf32, #tpu.memory_space<vmem>>[vector<16xi32>], vector<16xf32>,
        %gather3A_601 = tpu.vector_load_idx %arg15[%add3A_578] : memref<128xf32, #tpu.memory_space<vmem>>[vector<16xi32>], vector<16xf32>,
        %gather3A_602 = tpu.vector_load_idx %arg16[%add3A_578] : memref<128xf32, #tpu.memory_space<vmem>>[vector<16xi32>], vector<16xf32>,
        %max3A_603 = arith.maximumf %gather3A_595, %gather3A_580 : vector<16xf32>
        tpu.vector_store_idx %arg9[%add3A_578], %max3A_603 : memref<128xf32, #tpu.memory_space<vmem>>[vector<16xi32>], vector<16xf32>,
        %max3A_604 = arith.maximumf %gather3A_596, %gather3A_582 : vector<16xf32>
        tpu.vector_store_idx %arg10[%add3A_578], %max3A_604 : memref<128xf32, #tpu.memory_space<vmem>>[vector<16xi32>], vector<16xf32>,
        %max3A_605 = arith.maximumf %gather3A_597, %gather3A_584 : vector<16xf32>
        tpu.vector_store_idx %arg11[%add3A_578], %max3A_605 : memref<128xf32, #tpu.memory_space<vmem>>[vector<16xi32>], vector<16xf32>,
        %max3A_606 = arith.maximumf %gather3A_598, %gather3A_586 : vector<16xf32>
        tpu.vector_store_idx %arg12[%add3A_578], %max3A_606 : memref<128xf32, #tpu.memory_space<vmem>>[vector<16xi32>], vector<16xf32>,
        %max3A_607 = arith.maximumf %gather3A_599, %gather3A_588 : vector<16xf32>
        tpu.vector_store_idx %arg13[%add3A_578], %max3A_607 : memref<128xf32, #tpu.memory_space<vmem>>[vector<16xi32>], vector<16xf32>,
        %max3A_608 = arith.maximumf %gather3A_600, %gather3A_590 : vector<16xf32>
        tpu.vector_store_idx %arg14[%add3A_578], %max3A_608 : memref<128xf32, #tpu.memory_space<vmem>>[vector<16xi32>], vector<16xf32>,
        %max3A_609 = arith.maximumf %gather3A_601, %gather3A_592 : vector<16xf32>
        tpu.vector_store_idx %arg15[%add3A_578], %max3A_609 : memref<128xf32, #tpu.memory_space<vmem>>[vector<16xi32>], vector<16xf32>,
        %max3A_610 = arith.maximumf %gather3A_602, %gather3A_594 : vector<16xf32>
        tpu.vector_store_idx %arg16[%add3A_578], %max3A_610 : memref<128xf32, #tpu.memory_space<vmem>>[vector<16xi32>], vector<16xf32>,
        %add3A_611 = arith.constant 3 : i32
        %add3A_612 = arith.addi %mul3A_493, %add3A_611 : i32
        %slice3A_613 = vector.extract_strided_slice %mul3A_500 {offsets = [3], sizes = [1], strides = [1]} : vector<16xi32> to vector<1xi32>
        %squeeze3A_614 = vector.extract %slice3A_613[0] : i32 from vector<1xi32>
        %broadcast_in_dim3A_615 = vector.broadcast %squeeze3A_614 : i32 to vector<16xi32>
        %add3A_616 = arith.addi %broadcast_in_dim3A_615, %iota3A : vector<16xi32>
        %broadcast_in_dim3A_617 = vector.broadcast %add3A_612 : i32 to vector<16xi32>
        %gather3A_618 = tpu.vector_load_idx %arg5[%broadcast_in_dim3A_617, %add3A_131] : memref<400x128xf32, #tpu.memory_space<vmem>>[vector<16xi32>, vector<16xi32>], vector<16xf32>,
        %broadcast_in_dim3A_619 = vector.broadcast %add3A_612 : i32 to vector<16xi32>
        %gather3A_620 = tpu.vector_load_idx %arg5[%broadcast_in_dim3A_619, %add3A_134] : memref<400x128xf32, #tpu.memory_space<vmem>>[vector<16xi32>, vector<16xi32>], vector<16xf32>,
        %broadcast_in_dim3A_621 = vector.broadcast %add3A_612 : i32 to vector<16xi32>
        %gather3A_622 = tpu.vector_load_idx %arg5[%broadcast_in_dim3A_621, %add3A_137] : memref<400x128xf32, #tpu.memory_space<vmem>>[vector<16xi32>, vector<16xi32>], vector<16xf32>,
        %broadcast_in_dim3A_623 = vector.broadcast %add3A_612 : i32 to vector<16xi32>
        %gather3A_624 = tpu.vector_load_idx %arg5[%broadcast_in_dim3A_623, %add3A_140] : memref<400x128xf32, #tpu.memory_space<vmem>>[vector<16xi32>, vector<16xi32>], vector<16xf32>,
        %broadcast_in_dim3A_625 = vector.broadcast %add3A_612 : i32 to vector<16xi32>
        %gather3A_626 = tpu.vector_load_idx %arg5[%broadcast_in_dim3A_625, %add3A_143] : memref<400x128xf32, #tpu.memory_space<vmem>>[vector<16xi32>, vector<16xi32>], vector<16xf32>,
        %broadcast_in_dim3A_627 = vector.broadcast %add3A_612 : i32 to vector<16xi32>
        %gather3A_628 = tpu.vector_load_idx %arg5[%broadcast_in_dim3A_627, %add3A_146] : memref<400x128xf32, #tpu.memory_space<vmem>>[vector<16xi32>, vector<16xi32>], vector<16xf32>,
        %broadcast_in_dim3A_629 = vector.broadcast %add3A_612 : i32 to vector<16xi32>
        %gather3A_630 = tpu.vector_load_idx %arg5[%broadcast_in_dim3A_629, %add3A_149] : memref<400x128xf32, #tpu.memory_space<vmem>>[vector<16xi32>, vector<16xi32>], vector<16xf32>,
        %broadcast_in_dim3A_631 = vector.broadcast %add3A_612 : i32 to vector<16xi32>
        %gather3A_632 = tpu.vector_load_idx %arg5[%broadcast_in_dim3A_631, %add3A_152] : memref<400x128xf32, #tpu.memory_space<vmem>>[vector<16xi32>, vector<16xi32>], vector<16xf32>,
        %gather3A_633 = tpu.vector_load_idx %arg9[%add3A_616] : memref<128xf32, #tpu.memory_space<vmem>>[vector<16xi32>], vector<16xf32>,
        %gather3A_634 = tpu.vector_load_idx %arg10[%add3A_616] : memref<128xf32, #tpu.memory_space<vmem>>[vector<16xi32>], vector<16xf32>,
        %gather3A_635 = tpu.vector_load_idx %arg11[%add3A_616] : memref<128xf32, #tpu.memory_space<vmem>>[vector<16xi32>], vector<16xf32>,
        %gather3A_636 = tpu.vector_load_idx %arg12[%add3A_616] : memref<128xf32, #tpu.memory_space<vmem>>[vector<16xi32>], vector<16xf32>,
        %gather3A_637 = tpu.vector_load_idx %arg13[%add3A_616] : memref<128xf32, #tpu.memory_space<vmem>>[vector<16xi32>], vector<16xf32>,
        %gather3A_638 = tpu.vector_load_idx %arg14[%add3A_616] : memref<128xf32, #tpu.memory_space<vmem>>[vector<16xi32>], vector<16xf32>,
        %gather3A_639 = tpu.vector_load_idx %arg15[%add3A_616] : memref<128xf32, #tpu.memory_space<vmem>>[vector<16xi32>], vector<16xf32>,
        %gather3A_640 = tpu.vector_load_idx %arg16[%add3A_616] : memref<128xf32, #tpu.memory_space<vmem>>[vector<16xi32>], vector<16xf32>,
        %max3A_641 = arith.maximumf %gather3A_633, %gather3A_618 : vector<16xf32>
        tpu.vector_store_idx %arg9[%add3A_616], %max3A_641 : memref<128xf32, #tpu.memory_space<vmem>>[vector<16xi32>], vector<16xf32>,
        %max3A_642 = arith.maximumf %gather3A_634, %gather3A_620 : vector<16xf32>
        tpu.vector_store_idx %arg10[%add3A_616], %max3A_642 : memref<128xf32, #tpu.memory_space<vmem>>[vector<16xi32>], vector<16xf32>,
        %max3A_643 = arith.maximumf %gather3A_635, %gather3A_622 : vector<16xf32>
        tpu.vector_store_idx %arg11[%add3A_616], %max3A_643 : memref<128xf32, #tpu.memory_space<vmem>>[vector<16xi32>], vector<16xf32>,
        %max3A_644 = arith.maximumf %gather3A_636, %gather3A_624 : vector<16xf32>
        tpu.vector_store_idx %arg12[%add3A_616], %max3A_644 : memref<128xf32, #tpu.memory_space<vmem>>[vector<16xi32>], vector<16xf32>,
        %max3A_645 = arith.maximumf %gather3A_637, %gather3A_626 : vector<16xf32>
        tpu.vector_store_idx %arg13[%add3A_616], %max3A_645 : memref<128xf32, #tpu.memory_space<vmem>>[vector<16xi32>], vector<16xf32>,
        %max3A_646 = arith.maximumf %gather3A_638, %gather3A_628 : vector<16xf32>
        tpu.vector_store_idx %arg14[%add3A_616], %max3A_646 : memref<128xf32, #tpu.memory_space<vmem>>[vector<16xi32>], vector<16xf32>,
        %max3A_647 = arith.maximumf %gather3A_639, %gather3A_630 : vector<16xf32>
        tpu.vector_store_idx %arg15[%add3A_616], %max3A_647 : memref<128xf32, #tpu.memory_space<vmem>>[vector<16xi32>], vector<16xf32>,
        %max3A_648 = arith.maximumf %gather3A_640, %gather3A_632 : vector<16xf32>
        tpu.vector_store_idx %arg16[%add3A_616], %max3A_648 : memref<128xf32, #tpu.memory_space<vmem>>[vector<16xi32>], vector<16xf32>,
        %add3A_649 = arith.constant 4 : i32
        %add3A_650 = arith.addi %mul3A_493, %add3A_649 : i32
        %slice3A_651 = vector.extract_strided_slice %mul3A_500 {offsets = [4], sizes = [1], strides = [1]} : vector<16xi32> to vector<1xi32>
        %squeeze3A_652 = vector.extract %slice3A_651[0] : i32 from vector<1xi32>
        %broadcast_in_dim3A_653 = vector.broadcast %squeeze3A_652 : i32 to vector<16xi32>
        %add3A_654 = arith.addi %broadcast_in_dim3A_653, %iota3A : vector<16xi32>
        %broadcast_in_dim3A_655 = vector.broadcast %add3A_650 : i32 to vector<16xi32>
        %gather3A_656 = tpu.vector_load_idx %arg5[%broadcast_in_dim3A_655, %add3A_131] : memref<400x128xf32, #tpu.memory_space<vmem>>[vector<16xi32>, vector<16xi32>], vector<16xf32>,
        %broadcast_in_dim3A_657 = vector.broadcast %add3A_650 : i32 to vector<16xi32>
        %gather3A_658 = tpu.vector_load_idx %arg5[%broadcast_in_dim3A_657, %add3A_134] : memref<400x128xf32, #tpu.memory_space<vmem>>[vector<16xi32>, vector<16xi32>], vector<16xf32>,
        %broadcast_in_dim3A_659 = vector.broadcast %add3A_650 : i32 to vector<16xi32>
        %gather3A_660 = tpu.vector_load_idx %arg5[%broadcast_in_dim3A_659, %add3A_137] : memref<400x128xf32, #tpu.memory_space<vmem>>[vector<16xi32>, vector<16xi32>], vector<16xf32>,
        %broadcast_in_dim3A_661 = vector.broadcast %add3A_650 : i32 to vector<16xi32>
        %gather3A_662 = tpu.vector_load_idx %arg5[%broadcast_in_dim3A_661, %add3A_140] : memref<400x128xf32, #tpu.memory_space<vmem>>[vector<16xi32>, vector<16xi32>], vector<16xf32>,
        %broadcast_in_dim3A_663 = vector.broadcast %add3A_650 : i32 to vector<16xi32>
        %gather3A_664 = tpu.vector_load_idx %arg5[%broadcast_in_dim3A_663, %add3A_143] : memref<400x128xf32, #tpu.memory_space<vmem>>[vector<16xi32>, vector<16xi32>], vector<16xf32>,
        %broadcast_in_dim3A_665 = vector.broadcast %add3A_650 : i32 to vector<16xi32>
        %gather3A_666 = tpu.vector_load_idx %arg5[%broadcast_in_dim3A_665, %add3A_146] : memref<400x128xf32, #tpu.memory_space<vmem>>[vector<16xi32>, vector<16xi32>], vector<16xf32>,
        %broadcast_in_dim3A_667 = vector.broadcast %add3A_650 : i32 to vector<16xi32>
        %gather3A_668 = tpu.vector_load_idx %arg5[%broadcast_in_dim3A_667, %add3A_149] : memref<400x128xf32, #tpu.memory_space<vmem>>[vector<16xi32>, vector<16xi32>], vector<16xf32>,
        %broadcast_in_dim3A_669 = vector.broadcast %add3A_650 : i32 to vector<16xi32>
        %gather3A_670 = tpu.vector_load_idx %arg5[%broadcast_in_dim3A_669, %add3A_152] : memref<400x128xf32, #tpu.memory_space<vmem>>[vector<16xi32>, vector<16xi32>], vector<16xf32>,
        %gather3A_671 = tpu.vector_load_idx %arg9[%add3A_654] : memref<128xf32, #tpu.memory_space<vmem>>[vector<16xi32>], vector<16xf32>,
        %gather3A_672 = tpu.vector_load_idx %arg10[%add3A_654] : memref<128xf32, #tpu.memory_space<vmem>>[vector<16xi32>], vector<16xf32>,
        %gather3A_673 = tpu.vector_load_idx %arg11[%add3A_654] : memref<128xf32, #tpu.memory_space<vmem>>[vector<16xi32>], vector<16xf32>,
        %gather3A_674 = tpu.vector_load_idx %arg12[%add3A_654] : memref<128xf32, #tpu.memory_space<vmem>>[vector<16xi32>], vector<16xf32>,
        %gather3A_675 = tpu.vector_load_idx %arg13[%add3A_654] : memref<128xf32, #tpu.memory_space<vmem>>[vector<16xi32>], vector<16xf32>,
        %gather3A_676 = tpu.vector_load_idx %arg14[%add3A_654] : memref<128xf32, #tpu.memory_space<vmem>>[vector<16xi32>], vector<16xf32>,
        %gather3A_677 = tpu.vector_load_idx %arg15[%add3A_654] : memref<128xf32, #tpu.memory_space<vmem>>[vector<16xi32>], vector<16xf32>,
        %gather3A_678 = tpu.vector_load_idx %arg16[%add3A_654] : memref<128xf32, #tpu.memory_space<vmem>>[vector<16xi32>], vector<16xf32>,
        %max3A_679 = arith.maximumf %gather3A_671, %gather3A_656 : vector<16xf32>
        tpu.vector_store_idx %arg9[%add3A_654], %max3A_679 : memref<128xf32, #tpu.memory_space<vmem>>[vector<16xi32>], vector<16xf32>,
        %max3A_680 = arith.maximumf %gather3A_672, %gather3A_658 : vector<16xf32>
        tpu.vector_store_idx %arg10[%add3A_654], %max3A_680 : memref<128xf32, #tpu.memory_space<vmem>>[vector<16xi32>], vector<16xf32>,
        %max3A_681 = arith.maximumf %gather3A_673, %gather3A_660 : vector<16xf32>
        tpu.vector_store_idx %arg11[%add3A_654], %max3A_681 : memref<128xf32, #tpu.memory_space<vmem>>[vector<16xi32>], vector<16xf32>,
        %max3A_682 = arith.maximumf %gather3A_674, %gather3A_662 : vector<16xf32>
        tpu.vector_store_idx %arg12[%add3A_654], %max3A_682 : memref<128xf32, #tpu.memory_space<vmem>>[vector<16xi32>], vector<16xf32>,
        %max3A_683 = arith.maximumf %gather3A_675, %gather3A_664 : vector<16xf32>
        tpu.vector_store_idx %arg13[%add3A_654], %max3A_683 : memref<128xf32, #tpu.memory_space<vmem>>[vector<16xi32>], vector<16xf32>,
        %max3A_684 = arith.maximumf %gather3A_676, %gather3A_666 : vector<16xf32>
        tpu.vector_store_idx %arg14[%add3A_654], %max3A_684 : memref<128xf32, #tpu.memory_space<vmem>>[vector<16xi32>], vector<16xf32>,
        %max3A_685 = arith.maximumf %gather3A_677, %gather3A_668 : vector<16xf32>
        tpu.vector_store_idx %arg15[%add3A_654], %max3A_685 : memref<128xf32, #tpu.memory_space<vmem>>[vector<16xi32>], vector<16xf32>,
        %max3A_686 = arith.maximumf %gather3A_678, %gather3A_670 : vector<16xf32>
        tpu.vector_store_idx %arg16[%add3A_654], %max3A_686 : memref<128xf32, #tpu.memory_space<vmem>>[vector<16xi32>], vector<16xf32>,
        %add3A_687 = arith.constant 5 : i32
        %add3A_688 = arith.addi %mul3A_493, %add3A_687 : i32
        %slice3A_689 = vector.extract_strided_slice %mul3A_500 {offsets = [5], sizes = [1], strides = [1]} : vector<16xi32> to vector<1xi32>
        %squeeze3A_690 = vector.extract %slice3A_689[0] : i32 from vector<1xi32>
        %broadcast_in_dim3A_691 = vector.broadcast %squeeze3A_690 : i32 to vector<16xi32>
        %add3A_692 = arith.addi %broadcast_in_dim3A_691, %iota3A : vector<16xi32>
        %broadcast_in_dim3A_693 = vector.broadcast %add3A_688 : i32 to vector<16xi32>
        %gather3A_694 = tpu.vector_load_idx %arg5[%broadcast_in_dim3A_693, %add3A_131] : memref<400x128xf32, #tpu.memory_space<vmem>>[vector<16xi32>, vector<16xi32>], vector<16xf32>,
        %broadcast_in_dim3A_695 = vector.broadcast %add3A_688 : i32 to vector<16xi32>
        %gather3A_696 = tpu.vector_load_idx %arg5[%broadcast_in_dim3A_695, %add3A_134] : memref<400x128xf32, #tpu.memory_space<vmem>>[vector<16xi32>, vector<16xi32>], vector<16xf32>,
        %broadcast_in_dim3A_697 = vector.broadcast %add3A_688 : i32 to vector<16xi32>
        %gather3A_698 = tpu.vector_load_idx %arg5[%broadcast_in_dim3A_697, %add3A_137] : memref<400x128xf32, #tpu.memory_space<vmem>>[vector<16xi32>, vector<16xi32>], vector<16xf32>,
        %broadcast_in_dim3A_699 = vector.broadcast %add3A_688 : i32 to vector<16xi32>
        %gather3A_700 = tpu.vector_load_idx %arg5[%broadcast_in_dim3A_699, %add3A_140] : memref<400x128xf32, #tpu.memory_space<vmem>>[vector<16xi32>, vector<16xi32>], vector<16xf32>,
        %broadcast_in_dim3A_701 = vector.broadcast %add3A_688 : i32 to vector<16xi32>
        %gather3A_702 = tpu.vector_load_idx %arg5[%broadcast_in_dim3A_701, %add3A_143] : memref<400x128xf32, #tpu.memory_space<vmem>>[vector<16xi32>, vector<16xi32>], vector<16xf32>,
        %broadcast_in_dim3A_703 = vector.broadcast %add3A_688 : i32 to vector<16xi32>
        %gather3A_704 = tpu.vector_load_idx %arg5[%broadcast_in_dim3A_703, %add3A_146] : memref<400x128xf32, #tpu.memory_space<vmem>>[vector<16xi32>, vector<16xi32>], vector<16xf32>,
        %broadcast_in_dim3A_705 = vector.broadcast %add3A_688 : i32 to vector<16xi32>
        %gather3A_706 = tpu.vector_load_idx %arg5[%broadcast_in_dim3A_705, %add3A_149] : memref<400x128xf32, #tpu.memory_space<vmem>>[vector<16xi32>, vector<16xi32>], vector<16xf32>,
        %broadcast_in_dim3A_707 = vector.broadcast %add3A_688 : i32 to vector<16xi32>
        %gather3A_708 = tpu.vector_load_idx %arg5[%broadcast_in_dim3A_707, %add3A_152] : memref<400x128xf32, #tpu.memory_space<vmem>>[vector<16xi32>, vector<16xi32>], vector<16xf32>,
        %gather3A_709 = tpu.vector_load_idx %arg9[%add3A_692] : memref<128xf32, #tpu.memory_space<vmem>>[vector<16xi32>], vector<16xf32>,
        %gather3A_710 = tpu.vector_load_idx %arg10[%add3A_692] : memref<128xf32, #tpu.memory_space<vmem>>[vector<16xi32>], vector<16xf32>,
        %gather3A_711 = tpu.vector_load_idx %arg11[%add3A_692] : memref<128xf32, #tpu.memory_space<vmem>>[vector<16xi32>], vector<16xf32>,
        %gather3A_712 = tpu.vector_load_idx %arg12[%add3A_692] : memref<128xf32, #tpu.memory_space<vmem>>[vector<16xi32>], vector<16xf32>,
        %gather3A_713 = tpu.vector_load_idx %arg13[%add3A_692] : memref<128xf32, #tpu.memory_space<vmem>>[vector<16xi32>], vector<16xf32>,
        %gather3A_714 = tpu.vector_load_idx %arg14[%add3A_692] : memref<128xf32, #tpu.memory_space<vmem>>[vector<16xi32>], vector<16xf32>,
        %gather3A_715 = tpu.vector_load_idx %arg15[%add3A_692] : memref<128xf32, #tpu.memory_space<vmem>>[vector<16xi32>], vector<16xf32>,
        %gather3A_716 = tpu.vector_load_idx %arg16[%add3A_692] : memref<128xf32, #tpu.memory_space<vmem>>[vector<16xi32>], vector<16xf32>,
        %max3A_717 = arith.maximumf %gather3A_709, %gather3A_694 : vector<16xf32>
        tpu.vector_store_idx %arg9[%add3A_692], %max3A_717 : memref<128xf32, #tpu.memory_space<vmem>>[vector<16xi32>], vector<16xf32>,
        %max3A_718 = arith.maximumf %gather3A_710, %gather3A_696 : vector<16xf32>
        tpu.vector_store_idx %arg10[%add3A_692], %max3A_718 : memref<128xf32, #tpu.memory_space<vmem>>[vector<16xi32>], vector<16xf32>,
        %max3A_719 = arith.maximumf %gather3A_711, %gather3A_698 : vector<16xf32>
        tpu.vector_store_idx %arg11[%add3A_692], %max3A_719 : memref<128xf32, #tpu.memory_space<vmem>>[vector<16xi32>], vector<16xf32>,
        %max3A_720 = arith.maximumf %gather3A_712, %gather3A_700 : vector<16xf32>
        tpu.vector_store_idx %arg12[%add3A_692], %max3A_720 : memref<128xf32, #tpu.memory_space<vmem>>[vector<16xi32>], vector<16xf32>,
        %max3A_721 = arith.maximumf %gather3A_713, %gather3A_702 : vector<16xf32>
        tpu.vector_store_idx %arg13[%add3A_692], %max3A_721 : memref<128xf32, #tpu.memory_space<vmem>>[vector<16xi32>], vector<16xf32>,
        %max3A_722 = arith.maximumf %gather3A_714, %gather3A_704 : vector<16xf32>
        tpu.vector_store_idx %arg14[%add3A_692], %max3A_722 : memref<128xf32, #tpu.memory_space<vmem>>[vector<16xi32>], vector<16xf32>,
        %max3A_723 = arith.maximumf %gather3A_715, %gather3A_706 : vector<16xf32>
        tpu.vector_store_idx %arg15[%add3A_692], %max3A_723 : memref<128xf32, #tpu.memory_space<vmem>>[vector<16xi32>], vector<16xf32>,
        %max3A_724 = arith.maximumf %gather3A_716, %gather3A_708 : vector<16xf32>
        tpu.vector_store_idx %arg16[%add3A_692], %max3A_724 : memref<128xf32, #tpu.memory_space<vmem>>[vector<16xi32>], vector<16xf32>,
        %add3A_725 = arith.constant 6 : i32
        %add3A_726 = arith.addi %mul3A_493, %add3A_725 : i32
        %slice3A_727 = vector.extract_strided_slice %mul3A_500 {offsets = [6], sizes = [1], strides = [1]} : vector<16xi32> to vector<1xi32>
        %squeeze3A_728 = vector.extract %slice3A_727[0] : i32 from vector<1xi32>
        %broadcast_in_dim3A_729 = vector.broadcast %squeeze3A_728 : i32 to vector<16xi32>
        %add3A_730 = arith.addi %broadcast_in_dim3A_729, %iota3A : vector<16xi32>
        %broadcast_in_dim3A_731 = vector.broadcast %add3A_726 : i32 to vector<16xi32>
        %gather3A_732 = tpu.vector_load_idx %arg5[%broadcast_in_dim3A_731, %add3A_131] : memref<400x128xf32, #tpu.memory_space<vmem>>[vector<16xi32>, vector<16xi32>], vector<16xf32>,
        %broadcast_in_dim3A_733 = vector.broadcast %add3A_726 : i32 to vector<16xi32>
        %gather3A_734 = tpu.vector_load_idx %arg5[%broadcast_in_dim3A_733, %add3A_134] : memref<400x128xf32, #tpu.memory_space<vmem>>[vector<16xi32>, vector<16xi32>], vector<16xf32>,
        %broadcast_in_dim3A_735 = vector.broadcast %add3A_726 : i32 to vector<16xi32>
        %gather3A_736 = tpu.vector_load_idx %arg5[%broadcast_in_dim3A_735, %add3A_137] : memref<400x128xf32, #tpu.memory_space<vmem>>[vector<16xi32>, vector<16xi32>], vector<16xf32>,
        %broadcast_in_dim3A_737 = vector.broadcast %add3A_726 : i32 to vector<16xi32>
        %gather3A_738 = tpu.vector_load_idx %arg5[%broadcast_in_dim3A_737, %add3A_140] : memref<400x128xf32, #tpu.memory_space<vmem>>[vector<16xi32>, vector<16xi32>], vector<16xf32>,
        %broadcast_in_dim3A_739 = vector.broadcast %add3A_726 : i32 to vector<16xi32>
        %gather3A_740 = tpu.vector_load_idx %arg5[%broadcast_in_dim3A_739, %add3A_143] : memref<400x128xf32, #tpu.memory_space<vmem>>[vector<16xi32>, vector<16xi32>], vector<16xf32>,
        %broadcast_in_dim3A_741 = vector.broadcast %add3A_726 : i32 to vector<16xi32>
        %gather3A_742 = tpu.vector_load_idx %arg5[%broadcast_in_dim3A_741, %add3A_146] : memref<400x128xf32, #tpu.memory_space<vmem>>[vector<16xi32>, vector<16xi32>], vector<16xf32>,
        %broadcast_in_dim3A_743 = vector.broadcast %add3A_726 : i32 to vector<16xi32>
        %gather3A_744 = tpu.vector_load_idx %arg5[%broadcast_in_dim3A_743, %add3A_149] : memref<400x128xf32, #tpu.memory_space<vmem>>[vector<16xi32>, vector<16xi32>], vector<16xf32>,
        %broadcast_in_dim3A_745 = vector.broadcast %add3A_726 : i32 to vector<16xi32>
        %gather3A_746 = tpu.vector_load_idx %arg5[%broadcast_in_dim3A_745, %add3A_152] : memref<400x128xf32, #tpu.memory_space<vmem>>[vector<16xi32>, vector<16xi32>], vector<16xf32>,
        %gather3A_747 = tpu.vector_load_idx %arg9[%add3A_730] : memref<128xf32, #tpu.memory_space<vmem>>[vector<16xi32>], vector<16xf32>,
        %gather3A_748 = tpu.vector_load_idx %arg10[%add3A_730] : memref<128xf32, #tpu.memory_space<vmem>>[vector<16xi32>], vector<16xf32>,
        %gather3A_749 = tpu.vector_load_idx %arg11[%add3A_730] : memref<128xf32, #tpu.memory_space<vmem>>[vector<16xi32>], vector<16xf32>,
        %gather3A_750 = tpu.vector_load_idx %arg12[%add3A_730] : memref<128xf32, #tpu.memory_space<vmem>>[vector<16xi32>], vector<16xf32>,
        %gather3A_751 = tpu.vector_load_idx %arg13[%add3A_730] : memref<128xf32, #tpu.memory_space<vmem>>[vector<16xi32>], vector<16xf32>,
        %gather3A_752 = tpu.vector_load_idx %arg14[%add3A_730] : memref<128xf32, #tpu.memory_space<vmem>>[vector<16xi32>], vector<16xf32>,
        %gather3A_753 = tpu.vector_load_idx %arg15[%add3A_730] : memref<128xf32, #tpu.memory_space<vmem>>[vector<16xi32>], vector<16xf32>,
        %gather3A_754 = tpu.vector_load_idx %arg16[%add3A_730] : memref<128xf32, #tpu.memory_space<vmem>>[vector<16xi32>], vector<16xf32>,
        %max3A_755 = arith.maximumf %gather3A_747, %gather3A_732 : vector<16xf32>
        tpu.vector_store_idx %arg9[%add3A_730], %max3A_755 : memref<128xf32, #tpu.memory_space<vmem>>[vector<16xi32>], vector<16xf32>,
        %max3A_756 = arith.maximumf %gather3A_748, %gather3A_734 : vector<16xf32>
        tpu.vector_store_idx %arg10[%add3A_730], %max3A_756 : memref<128xf32, #tpu.memory_space<vmem>>[vector<16xi32>], vector<16xf32>,
        %max3A_757 = arith.maximumf %gather3A_749, %gather3A_736 : vector<16xf32>
        tpu.vector_store_idx %arg11[%add3A_730], %max3A_757 : memref<128xf32, #tpu.memory_space<vmem>>[vector<16xi32>], vector<16xf32>,
        %max3A_758 = arith.maximumf %gather3A_750, %gather3A_738 : vector<16xf32>
        tpu.vector_store_idx %arg12[%add3A_730], %max3A_758 : memref<128xf32, #tpu.memory_space<vmem>>[vector<16xi32>], vector<16xf32>,
        %max3A_759 = arith.maximumf %gather3A_751, %gather3A_740 : vector<16xf32>
        tpu.vector_store_idx %arg13[%add3A_730], %max3A_759 : memref<128xf32, #tpu.memory_space<vmem>>[vector<16xi32>], vector<16xf32>,
        %max3A_760 = arith.maximumf %gather3A_752, %gather3A_742 : vector<16xf32>
        tpu.vector_store_idx %arg14[%add3A_730], %max3A_760 : memref<128xf32, #tpu.memory_space<vmem>>[vector<16xi32>], vector<16xf32>,
        %max3A_761 = arith.maximumf %gather3A_753, %gather3A_744 : vector<16xf32>
        tpu.vector_store_idx %arg15[%add3A_730], %max3A_761 : memref<128xf32, #tpu.memory_space<vmem>>[vector<16xi32>], vector<16xf32>,
        %max3A_762 = arith.maximumf %gather3A_754, %gather3A_746 : vector<16xf32>
        tpu.vector_store_idx %arg16[%add3A_730], %max3A_762 : memref<128xf32, #tpu.memory_space<vmem>>[vector<16xi32>], vector<16xf32>,
        %add3A_763 = arith.constant 7 : i32
        %add3A_764 = arith.addi %mul3A_493, %add3A_763 : i32
        %slice3A_765 = vector.extract_strided_slice %mul3A_500 {offsets = [7], sizes = [1], strides = [1]} : vector<16xi32> to vector<1xi32>
        %squeeze3A_766 = vector.extract %slice3A_765[0] : i32 from vector<1xi32>
        %broadcast_in_dim3A_767 = vector.broadcast %squeeze3A_766 : i32 to vector<16xi32>
        %add3A_768 = arith.addi %broadcast_in_dim3A_767, %iota3A : vector<16xi32>
        %broadcast_in_dim3A_769 = vector.broadcast %add3A_764 : i32 to vector<16xi32>
        %gather3A_770 = tpu.vector_load_idx %arg5[%broadcast_in_dim3A_769, %add3A_131] : memref<400x128xf32, #tpu.memory_space<vmem>>[vector<16xi32>, vector<16xi32>], vector<16xf32>,
        %broadcast_in_dim3A_771 = vector.broadcast %add3A_764 : i32 to vector<16xi32>
        %gather3A_772 = tpu.vector_load_idx %arg5[%broadcast_in_dim3A_771, %add3A_134] : memref<400x128xf32, #tpu.memory_space<vmem>>[vector<16xi32>, vector<16xi32>], vector<16xf32>,
        %broadcast_in_dim3A_773 = vector.broadcast %add3A_764 : i32 to vector<16xi32>
        %gather3A_774 = tpu.vector_load_idx %arg5[%broadcast_in_dim3A_773, %add3A_137] : memref<400x128xf32, #tpu.memory_space<vmem>>[vector<16xi32>, vector<16xi32>], vector<16xf32>,
        %broadcast_in_dim3A_775 = vector.broadcast %add3A_764 : i32 to vector<16xi32>
        %gather3A_776 = tpu.vector_load_idx %arg5[%broadcast_in_dim3A_775, %add3A_140] : memref<400x128xf32, #tpu.memory_space<vmem>>[vector<16xi32>, vector<16xi32>], vector<16xf32>,
        %broadcast_in_dim3A_777 = vector.broadcast %add3A_764 : i32 to vector<16xi32>
        %gather3A_778 = tpu.vector_load_idx %arg5[%broadcast_in_dim3A_777, %add3A_143] : memref<400x128xf32, #tpu.memory_space<vmem>>[vector<16xi32>, vector<16xi32>], vector<16xf32>,
        %broadcast_in_dim3A_779 = vector.broadcast %add3A_764 : i32 to vector<16xi32>
        %gather3A_780 = tpu.vector_load_idx %arg5[%broadcast_in_dim3A_779, %add3A_146] : memref<400x128xf32, #tpu.memory_space<vmem>>[vector<16xi32>, vector<16xi32>], vector<16xf32>,
        %broadcast_in_dim3A_781 = vector.broadcast %add3A_764 : i32 to vector<16xi32>
        %gather3A_782 = tpu.vector_load_idx %arg5[%broadcast_in_dim3A_781, %add3A_149] : memref<400x128xf32, #tpu.memory_space<vmem>>[vector<16xi32>, vector<16xi32>], vector<16xf32>,
        %broadcast_in_dim3A_783 = vector.broadcast %add3A_764 : i32 to vector<16xi32>
        %gather3A_784 = tpu.vector_load_idx %arg5[%broadcast_in_dim3A_783, %add3A_152] : memref<400x128xf32, #tpu.memory_space<vmem>>[vector<16xi32>, vector<16xi32>], vector<16xf32>,
        %gather3A_785 = tpu.vector_load_idx %arg9[%add3A_768] : memref<128xf32, #tpu.memory_space<vmem>>[vector<16xi32>], vector<16xf32>,
        %gather3A_786 = tpu.vector_load_idx %arg10[%add3A_768] : memref<128xf32, #tpu.memory_space<vmem>>[vector<16xi32>], vector<16xf32>,
        %gather3A_787 = tpu.vector_load_idx %arg11[%add3A_768] : memref<128xf32, #tpu.memory_space<vmem>>[vector<16xi32>], vector<16xf32>,
        %gather3A_788 = tpu.vector_load_idx %arg12[%add3A_768] : memref<128xf32, #tpu.memory_space<vmem>>[vector<16xi32>], vector<16xf32>,
        %gather3A_789 = tpu.vector_load_idx %arg13[%add3A_768] : memref<128xf32, #tpu.memory_space<vmem>>[vector<16xi32>], vector<16xf32>,
        %gather3A_790 = tpu.vector_load_idx %arg14[%add3A_768] : memref<128xf32, #tpu.memory_space<vmem>>[vector<16xi32>], vector<16xf32>,
        %gather3A_791 = tpu.vector_load_idx %arg15[%add3A_768] : memref<128xf32, #tpu.memory_space<vmem>>[vector<16xi32>], vector<16xf32>,
        %gather3A_792 = tpu.vector_load_idx %arg16[%add3A_768] : memref<128xf32, #tpu.memory_space<vmem>>[vector<16xi32>], vector<16xf32>,
        %max3A_793 = arith.maximumf %gather3A_785, %gather3A_770 : vector<16xf32>
        tpu.vector_store_idx %arg9[%add3A_768], %max3A_793 : memref<128xf32, #tpu.memory_space<vmem>>[vector<16xi32>], vector<16xf32>,
        %max3A_794 = arith.maximumf %gather3A_786, %gather3A_772 : vector<16xf32>
        tpu.vector_store_idx %arg10[%add3A_768], %max3A_794 : memref<128xf32, #tpu.memory_space<vmem>>[vector<16xi32>], vector<16xf32>,
        %max3A_795 = arith.maximumf %gather3A_787, %gather3A_774 : vector<16xf32>
        tpu.vector_store_idx %arg11[%add3A_768], %max3A_795 : memref<128xf32, #tpu.memory_space<vmem>>[vector<16xi32>], vector<16xf32>,
        %max3A_796 = arith.maximumf %gather3A_788, %gather3A_776 : vector<16xf32>
        tpu.vector_store_idx %arg12[%add3A_768], %max3A_796 : memref<128xf32, #tpu.memory_space<vmem>>[vector<16xi32>], vector<16xf32>,
        %max3A_797 = arith.maximumf %gather3A_789, %gather3A_778 : vector<16xf32>
        tpu.vector_store_idx %arg13[%add3A_768], %max3A_797 : memref<128xf32, #tpu.memory_space<vmem>>[vector<16xi32>], vector<16xf32>,
        %max3A_798 = arith.maximumf %gather3A_790, %gather3A_780 : vector<16xf32>
        tpu.vector_store_idx %arg14[%add3A_768], %max3A_798 : memref<128xf32, #tpu.memory_space<vmem>>[vector<16xi32>], vector<16xf32>,
        %max3A_799 = arith.maximumf %gather3A_791, %gather3A_782 : vector<16xf32>
        tpu.vector_store_idx %arg15[%add3A_768], %max3A_799 : memref<128xf32, #tpu.memory_space<vmem>>[vector<16xi32>], vector<16xf32>,
        %max3A_800 = arith.maximumf %gather3A_792, %gather3A_784 : vector<16xf32>
        tpu.vector_store_idx %arg16[%add3A_768], %max3A_800 : memref<128xf32, #tpu.memory_space<vmem>>[vector<16xi32>], vector<16xf32>,
        %add3A_801 = arith.constant 8 : i32
        %add3A_802 = arith.addi %mul3A_493, %add3A_801 : i32
        %slice3A_803 = vector.extract_strided_slice %mul3A_500 {offsets = [8], sizes = [1], strides = [1]} : vector<16xi32> to vector<1xi32>
        %squeeze3A_804 = vector.extract %slice3A_803[0] : i32 from vector<1xi32>
        %broadcast_in_dim3A_805 = vector.broadcast %squeeze3A_804 : i32 to vector<16xi32>
        %add3A_806 = arith.addi %broadcast_in_dim3A_805, %iota3A : vector<16xi32>
        %broadcast_in_dim3A_807 = vector.broadcast %add3A_802 : i32 to vector<16xi32>
        %gather3A_808 = tpu.vector_load_idx %arg5[%broadcast_in_dim3A_807, %add3A_131] : memref<400x128xf32, #tpu.memory_space<vmem>>[vector<16xi32>, vector<16xi32>], vector<16xf32>,
        %broadcast_in_dim3A_809 = vector.broadcast %add3A_802 : i32 to vector<16xi32>
        %gather3A_810 = tpu.vector_load_idx %arg5[%broadcast_in_dim3A_809, %add3A_134] : memref<400x128xf32, #tpu.memory_space<vmem>>[vector<16xi32>, vector<16xi32>], vector<16xf32>,
        %broadcast_in_dim3A_811 = vector.broadcast %add3A_802 : i32 to vector<16xi32>
        %gather3A_812 = tpu.vector_load_idx %arg5[%broadcast_in_dim3A_811, %add3A_137] : memref<400x128xf32, #tpu.memory_space<vmem>>[vector<16xi32>, vector<16xi32>], vector<16xf32>,
        %broadcast_in_dim3A_813 = vector.broadcast %add3A_802 : i32 to vector<16xi32>
        %gather3A_814 = tpu.vector_load_idx %arg5[%broadcast_in_dim3A_813, %add3A_140] : memref<400x128xf32, #tpu.memory_space<vmem>>[vector<16xi32>, vector<16xi32>], vector<16xf32>,
        %broadcast_in_dim3A_815 = vector.broadcast %add3A_802 : i32 to vector<16xi32>
        %gather3A_816 = tpu.vector_load_idx %arg5[%broadcast_in_dim3A_815, %add3A_143] : memref<400x128xf32, #tpu.memory_space<vmem>>[vector<16xi32>, vector<16xi32>], vector<16xf32>,
        %broadcast_in_dim3A_817 = vector.broadcast %add3A_802 : i32 to vector<16xi32>
        %gather3A_818 = tpu.vector_load_idx %arg5[%broadcast_in_dim3A_817, %add3A_146] : memref<400x128xf32, #tpu.memory_space<vmem>>[vector<16xi32>, vector<16xi32>], vector<16xf32>,
        %broadcast_in_dim3A_819 = vector.broadcast %add3A_802 : i32 to vector<16xi32>
        %gather3A_820 = tpu.vector_load_idx %arg5[%broadcast_in_dim3A_819, %add3A_149] : memref<400x128xf32, #tpu.memory_space<vmem>>[vector<16xi32>, vector<16xi32>], vector<16xf32>,
        %broadcast_in_dim3A_821 = vector.broadcast %add3A_802 : i32 to vector<16xi32>
        %gather3A_822 = tpu.vector_load_idx %arg5[%broadcast_in_dim3A_821, %add3A_152] : memref<400x128xf32, #tpu.memory_space<vmem>>[vector<16xi32>, vector<16xi32>], vector<16xf32>,
        %gather3A_823 = tpu.vector_load_idx %arg9[%add3A_806] : memref<128xf32, #tpu.memory_space<vmem>>[vector<16xi32>], vector<16xf32>,
        %gather3A_824 = tpu.vector_load_idx %arg10[%add3A_806] : memref<128xf32, #tpu.memory_space<vmem>>[vector<16xi32>], vector<16xf32>,
        %gather3A_825 = tpu.vector_load_idx %arg11[%add3A_806] : memref<128xf32, #tpu.memory_space<vmem>>[vector<16xi32>], vector<16xf32>,
        %gather3A_826 = tpu.vector_load_idx %arg12[%add3A_806] : memref<128xf32, #tpu.memory_space<vmem>>[vector<16xi32>], vector<16xf32>,
        %gather3A_827 = tpu.vector_load_idx %arg13[%add3A_806] : memref<128xf32, #tpu.memory_space<vmem>>[vector<16xi32>], vector<16xf32>,
        %gather3A_828 = tpu.vector_load_idx %arg14[%add3A_806] : memref<128xf32, #tpu.memory_space<vmem>>[vector<16xi32>], vector<16xf32>,
        %gather3A_829 = tpu.vector_load_idx %arg15[%add3A_806] : memref<128xf32, #tpu.memory_space<vmem>>[vector<16xi32>], vector<16xf32>,
        %gather3A_830 = tpu.vector_load_idx %arg16[%add3A_806] : memref<128xf32, #tpu.memory_space<vmem>>[vector<16xi32>], vector<16xf32>,
        %max3A_831 = arith.maximumf %gather3A_823, %gather3A_808 : vector<16xf32>
        tpu.vector_store_idx %arg9[%add3A_806], %max3A_831 : memref<128xf32, #tpu.memory_space<vmem>>[vector<16xi32>], vector<16xf32>,
        %max3A_832 = arith.maximumf %gather3A_824, %gather3A_810 : vector<16xf32>
        tpu.vector_store_idx %arg10[%add3A_806], %max3A_832 : memref<128xf32, #tpu.memory_space<vmem>>[vector<16xi32>], vector<16xf32>,
        %max3A_833 = arith.maximumf %gather3A_825, %gather3A_812 : vector<16xf32>
        tpu.vector_store_idx %arg11[%add3A_806], %max3A_833 : memref<128xf32, #tpu.memory_space<vmem>>[vector<16xi32>], vector<16xf32>,
        %max3A_834 = arith.maximumf %gather3A_826, %gather3A_814 : vector<16xf32>
        tpu.vector_store_idx %arg12[%add3A_806], %max3A_834 : memref<128xf32, #tpu.memory_space<vmem>>[vector<16xi32>], vector<16xf32>,
        %max3A_835 = arith.maximumf %gather3A_827, %gather3A_816 : vector<16xf32>
        tpu.vector_store_idx %arg13[%add3A_806], %max3A_835 : memref<128xf32, #tpu.memory_space<vmem>>[vector<16xi32>], vector<16xf32>,
        %max3A_836 = arith.maximumf %gather3A_828, %gather3A_818 : vector<16xf32>
        tpu.vector_store_idx %arg14[%add3A_806], %max3A_836 : memref<128xf32, #tpu.memory_space<vmem>>[vector<16xi32>], vector<16xf32>,
        %max3A_837 = arith.maximumf %gather3A_829, %gather3A_820 : vector<16xf32>
        tpu.vector_store_idx %arg15[%add3A_806], %max3A_837 : memref<128xf32, #tpu.memory_space<vmem>>[vector<16xi32>], vector<16xf32>,
        %max3A_838 = arith.maximumf %gather3A_830, %gather3A_822 : vector<16xf32>
        tpu.vector_store_idx %arg16[%add3A_806], %max3A_838 : memref<128xf32, #tpu.memory_space<vmem>>[vector<16xi32>], vector<16xf32>,
        %add3A_839 = arith.constant 9 : i32
        %add3A_840 = arith.addi %mul3A_493, %add3A_839 : i32
        %slice3A_841 = vector.extract_strided_slice %mul3A_500 {offsets = [9], sizes = [1], strides = [1]} : vector<16xi32> to vector<1xi32>
        %squeeze3A_842 = vector.extract %slice3A_841[0] : i32 from vector<1xi32>
        %broadcast_in_dim3A_843 = vector.broadcast %squeeze3A_842 : i32 to vector<16xi32>
        %add3A_844 = arith.addi %broadcast_in_dim3A_843, %iota3A : vector<16xi32>
        %broadcast_in_dim3A_845 = vector.broadcast %add3A_840 : i32 to vector<16xi32>
        %gather3A_846 = tpu.vector_load_idx %arg5[%broadcast_in_dim3A_845, %add3A_131] : memref<400x128xf32, #tpu.memory_space<vmem>>[vector<16xi32>, vector<16xi32>], vector<16xf32>,
        %broadcast_in_dim3A_847 = vector.broadcast %add3A_840 : i32 to vector<16xi32>
        %gather3A_848 = tpu.vector_load_idx %arg5[%broadcast_in_dim3A_847, %add3A_134] : memref<400x128xf32, #tpu.memory_space<vmem>>[vector<16xi32>, vector<16xi32>], vector<16xf32>,
        %broadcast_in_dim3A_849 = vector.broadcast %add3A_840 : i32 to vector<16xi32>
        %gather3A_850 = tpu.vector_load_idx %arg5[%broadcast_in_dim3A_849, %add3A_137] : memref<400x128xf32, #tpu.memory_space<vmem>>[vector<16xi32>, vector<16xi32>], vector<16xf32>,
        %broadcast_in_dim3A_851 = vector.broadcast %add3A_840 : i32 to vector<16xi32>
        %gather3A_852 = tpu.vector_load_idx %arg5[%broadcast_in_dim3A_851, %add3A_140] : memref<400x128xf32, #tpu.memory_space<vmem>>[vector<16xi32>, vector<16xi32>], vector<16xf32>,
        %broadcast_in_dim3A_853 = vector.broadcast %add3A_840 : i32 to vector<16xi32>
        %gather3A_854 = tpu.vector_load_idx %arg5[%broadcast_in_dim3A_853, %add3A_143] : memref<400x128xf32, #tpu.memory_space<vmem>>[vector<16xi32>, vector<16xi32>], vector<16xf32>,
        %broadcast_in_dim3A_855 = vector.broadcast %add3A_840 : i32 to vector<16xi32>
        %gather3A_856 = tpu.vector_load_idx %arg5[%broadcast_in_dim3A_855, %add3A_146] : memref<400x128xf32, #tpu.memory_space<vmem>>[vector<16xi32>, vector<16xi32>], vector<16xf32>,
        %broadcast_in_dim3A_857 = vector.broadcast %add3A_840 : i32 to vector<16xi32>
        %gather3A_858 = tpu.vector_load_idx %arg5[%broadcast_in_dim3A_857, %add3A_149] : memref<400x128xf32, #tpu.memory_space<vmem>>[vector<16xi32>, vector<16xi32>], vector<16xf32>,
        %broadcast_in_dim3A_859 = vector.broadcast %add3A_840 : i32 to vector<16xi32>
        %gather3A_860 = tpu.vector_load_idx %arg5[%broadcast_in_dim3A_859, %add3A_152] : memref<400x128xf32, #tpu.memory_space<vmem>>[vector<16xi32>, vector<16xi32>], vector<16xf32>,
        %gather3A_861 = tpu.vector_load_idx %arg9[%add3A_844] : memref<128xf32, #tpu.memory_space<vmem>>[vector<16xi32>], vector<16xf32>,
        %gather3A_862 = tpu.vector_load_idx %arg10[%add3A_844] : memref<128xf32, #tpu.memory_space<vmem>>[vector<16xi32>], vector<16xf32>,
        %gather3A_863 = tpu.vector_load_idx %arg11[%add3A_844] : memref<128xf32, #tpu.memory_space<vmem>>[vector<16xi32>], vector<16xf32>,
        %gather3A_864 = tpu.vector_load_idx %arg12[%add3A_844] : memref<128xf32, #tpu.memory_space<vmem>>[vector<16xi32>], vector<16xf32>,
        %gather3A_865 = tpu.vector_load_idx %arg13[%add3A_844] : memref<128xf32, #tpu.memory_space<vmem>>[vector<16xi32>], vector<16xf32>,
        %gather3A_866 = tpu.vector_load_idx %arg14[%add3A_844] : memref<128xf32, #tpu.memory_space<vmem>>[vector<16xi32>], vector<16xf32>,
        %gather3A_867 = tpu.vector_load_idx %arg15[%add3A_844] : memref<128xf32, #tpu.memory_space<vmem>>[vector<16xi32>], vector<16xf32>,
        %gather3A_868 = tpu.vector_load_idx %arg16[%add3A_844] : memref<128xf32, #tpu.memory_space<vmem>>[vector<16xi32>], vector<16xf32>,
        %max3A_869 = arith.maximumf %gather3A_861, %gather3A_846 : vector<16xf32>
        tpu.vector_store_idx %arg9[%add3A_844], %max3A_869 : memref<128xf32, #tpu.memory_space<vmem>>[vector<16xi32>], vector<16xf32>,
        %max3A_870 = arith.maximumf %gather3A_862, %gather3A_848 : vector<16xf32>
        tpu.vector_store_idx %arg10[%add3A_844], %max3A_870 : memref<128xf32, #tpu.memory_space<vmem>>[vector<16xi32>], vector<16xf32>,
        %max3A_871 = arith.maximumf %gather3A_863, %gather3A_850 : vector<16xf32>
        tpu.vector_store_idx %arg11[%add3A_844], %max3A_871 : memref<128xf32, #tpu.memory_space<vmem>>[vector<16xi32>], vector<16xf32>,
        %max3A_872 = arith.maximumf %gather3A_864, %gather3A_852 : vector<16xf32>
        tpu.vector_store_idx %arg12[%add3A_844], %max3A_872 : memref<128xf32, #tpu.memory_space<vmem>>[vector<16xi32>], vector<16xf32>,
        %max3A_873 = arith.maximumf %gather3A_865, %gather3A_854 : vector<16xf32>
        tpu.vector_store_idx %arg13[%add3A_844], %max3A_873 : memref<128xf32, #tpu.memory_space<vmem>>[vector<16xi32>], vector<16xf32>,
        %max3A_874 = arith.maximumf %gather3A_866, %gather3A_856 : vector<16xf32>
        tpu.vector_store_idx %arg14[%add3A_844], %max3A_874 : memref<128xf32, #tpu.memory_space<vmem>>[vector<16xi32>], vector<16xf32>,
        %max3A_875 = arith.maximumf %gather3A_867, %gather3A_858 : vector<16xf32>
        tpu.vector_store_idx %arg15[%add3A_844], %max3A_875 : memref<128xf32, #tpu.memory_space<vmem>>[vector<16xi32>], vector<16xf32>,
        %max3A_876 = arith.maximumf %gather3A_868, %gather3A_860 : vector<16xf32>
        tpu.vector_store_idx %arg16[%add3A_844], %max3A_876 : memref<128xf32, #tpu.memory_space<vmem>>[vector<16xi32>], vector<16xf32>,
        %add3A_877 = arith.constant 10 : i32
        %add3A_878 = arith.addi %mul3A_493, %add3A_877 : i32
        %slice3A_879 = vector.extract_strided_slice %mul3A_500 {offsets = [10], sizes = [1], strides = [1]} : vector<16xi32> to vector<1xi32>
        %squeeze3A_880 = vector.extract %slice3A_879[0] : i32 from vector<1xi32>
        %broadcast_in_dim3A_881 = vector.broadcast %squeeze3A_880 : i32 to vector<16xi32>
        %add3A_882 = arith.addi %broadcast_in_dim3A_881, %iota3A : vector<16xi32>
        %broadcast_in_dim3A_883 = vector.broadcast %add3A_878 : i32 to vector<16xi32>
        %gather3A_884 = tpu.vector_load_idx %arg5[%broadcast_in_dim3A_883, %add3A_131] : memref<400x128xf32, #tpu.memory_space<vmem>>[vector<16xi32>, vector<16xi32>], vector<16xf32>,
        %broadcast_in_dim3A_885 = vector.broadcast %add3A_878 : i32 to vector<16xi32>
        %gather3A_886 = tpu.vector_load_idx %arg5[%broadcast_in_dim3A_885, %add3A_134] : memref<400x128xf32, #tpu.memory_space<vmem>>[vector<16xi32>, vector<16xi32>], vector<16xf32>,
        %broadcast_in_dim3A_887 = vector.broadcast %add3A_878 : i32 to vector<16xi32>
        %gather3A_888 = tpu.vector_load_idx %arg5[%broadcast_in_dim3A_887, %add3A_137] : memref<400x128xf32, #tpu.memory_space<vmem>>[vector<16xi32>, vector<16xi32>], vector<16xf32>,
        %broadcast_in_dim3A_889 = vector.broadcast %add3A_878 : i32 to vector<16xi32>
        %gather3A_890 = tpu.vector_load_idx %arg5[%broadcast_in_dim3A_889, %add3A_140] : memref<400x128xf32, #tpu.memory_space<vmem>>[vector<16xi32>, vector<16xi32>], vector<16xf32>,
        %broadcast_in_dim3A_891 = vector.broadcast %add3A_878 : i32 to vector<16xi32>
        %gather3A_892 = tpu.vector_load_idx %arg5[%broadcast_in_dim3A_891, %add3A_143] : memref<400x128xf32, #tpu.memory_space<vmem>>[vector<16xi32>, vector<16xi32>], vector<16xf32>,
        %broadcast_in_dim3A_893 = vector.broadcast %add3A_878 : i32 to vector<16xi32>
        %gather3A_894 = tpu.vector_load_idx %arg5[%broadcast_in_dim3A_893, %add3A_146] : memref<400x128xf32, #tpu.memory_space<vmem>>[vector<16xi32>, vector<16xi32>], vector<16xf32>,
        %broadcast_in_dim3A_895 = vector.broadcast %add3A_878 : i32 to vector<16xi32>
        %gather3A_896 = tpu.vector_load_idx %arg5[%broadcast_in_dim3A_895, %add3A_149] : memref<400x128xf32, #tpu.memory_space<vmem>>[vector<16xi32>, vector<16xi32>], vector<16xf32>,
        %broadcast_in_dim3A_897 = vector.broadcast %add3A_878 : i32 to vector<16xi32>
        %gather3A_898 = tpu.vector_load_idx %arg5[%broadcast_in_dim3A_897, %add3A_152] : memref<400x128xf32, #tpu.memory_space<vmem>>[vector<16xi32>, vector<16xi32>], vector<16xf32>,
        %gather3A_899 = tpu.vector_load_idx %arg9[%add3A_882] : memref<128xf32, #tpu.memory_space<vmem>>[vector<16xi32>], vector<16xf32>,
        %gather3A_900 = tpu.vector_load_idx %arg10[%add3A_882] : memref<128xf32, #tpu.memory_space<vmem>>[vector<16xi32>], vector<16xf32>,
        %gather3A_901 = tpu.vector_load_idx %arg11[%add3A_882] : memref<128xf32, #tpu.memory_space<vmem>>[vector<16xi32>], vector<16xf32>,
        %gather3A_902 = tpu.vector_load_idx %arg12[%add3A_882] : memref<128xf32, #tpu.memory_space<vmem>>[vector<16xi32>], vector<16xf32>,
        %gather3A_903 = tpu.vector_load_idx %arg13[%add3A_882] : memref<128xf32, #tpu.memory_space<vmem>>[vector<16xi32>], vector<16xf32>,
        %gather3A_904 = tpu.vector_load_idx %arg14[%add3A_882] : memref<128xf32, #tpu.memory_space<vmem>>[vector<16xi32>], vector<16xf32>,
        %gather3A_905 = tpu.vector_load_idx %arg15[%add3A_882] : memref<128xf32, #tpu.memory_space<vmem>>[vector<16xi32>], vector<16xf32>,
        %gather3A_906 = tpu.vector_load_idx %arg16[%add3A_882] : memref<128xf32, #tpu.memory_space<vmem>>[vector<16xi32>], vector<16xf32>,
        %max3A_907 = arith.maximumf %gather3A_899, %gather3A_884 : vector<16xf32>
        tpu.vector_store_idx %arg9[%add3A_882], %max3A_907 : memref<128xf32, #tpu.memory_space<vmem>>[vector<16xi32>], vector<16xf32>,
        %max3A_908 = arith.maximumf %gather3A_900, %gather3A_886 : vector<16xf32>
        tpu.vector_store_idx %arg10[%add3A_882], %max3A_908 : memref<128xf32, #tpu.memory_space<vmem>>[vector<16xi32>], vector<16xf32>,
        %max3A_909 = arith.maximumf %gather3A_901, %gather3A_888 : vector<16xf32>
        tpu.vector_store_idx %arg11[%add3A_882], %max3A_909 : memref<128xf32, #tpu.memory_space<vmem>>[vector<16xi32>], vector<16xf32>,
        %max3A_910 = arith.maximumf %gather3A_902, %gather3A_890 : vector<16xf32>
        tpu.vector_store_idx %arg12[%add3A_882], %max3A_910 : memref<128xf32, #tpu.memory_space<vmem>>[vector<16xi32>], vector<16xf32>,
        %max3A_911 = arith.maximumf %gather3A_903, %gather3A_892 : vector<16xf32>
        tpu.vector_store_idx %arg13[%add3A_882], %max3A_911 : memref<128xf32, #tpu.memory_space<vmem>>[vector<16xi32>], vector<16xf32>,
        %max3A_912 = arith.maximumf %gather3A_904, %gather3A_894 : vector<16xf32>
        tpu.vector_store_idx %arg14[%add3A_882], %max3A_912 : memref<128xf32, #tpu.memory_space<vmem>>[vector<16xi32>], vector<16xf32>,
        %max3A_913 = arith.maximumf %gather3A_905, %gather3A_896 : vector<16xf32>
        tpu.vector_store_idx %arg15[%add3A_882], %max3A_913 : memref<128xf32, #tpu.memory_space<vmem>>[vector<16xi32>], vector<16xf32>,
        %max3A_914 = arith.maximumf %gather3A_906, %gather3A_898 : vector<16xf32>
        tpu.vector_store_idx %arg16[%add3A_882], %max3A_914 : memref<128xf32, #tpu.memory_space<vmem>>[vector<16xi32>], vector<16xf32>,
        %add3A_915 = arith.constant 11 : i32
        %add3A_916 = arith.addi %mul3A_493, %add3A_915 : i32
        %slice3A_917 = vector.extract_strided_slice %mul3A_500 {offsets = [11], sizes = [1], strides = [1]} : vector<16xi32> to vector<1xi32>
        %squeeze3A_918 = vector.extract %slice3A_917[0] : i32 from vector<1xi32>
        %broadcast_in_dim3A_919 = vector.broadcast %squeeze3A_918 : i32 to vector<16xi32>
        %add3A_920 = arith.addi %broadcast_in_dim3A_919, %iota3A : vector<16xi32>
        %broadcast_in_dim3A_921 = vector.broadcast %add3A_916 : i32 to vector<16xi32>
        %gather3A_922 = tpu.vector_load_idx %arg5[%broadcast_in_dim3A_921, %add3A_131] : memref<400x128xf32, #tpu.memory_space<vmem>>[vector<16xi32>, vector<16xi32>], vector<16xf32>,
        %broadcast_in_dim3A_923 = vector.broadcast %add3A_916 : i32 to vector<16xi32>
        %gather3A_924 = tpu.vector_load_idx %arg5[%broadcast_in_dim3A_923, %add3A_134] : memref<400x128xf32, #tpu.memory_space<vmem>>[vector<16xi32>, vector<16xi32>], vector<16xf32>,
        %broadcast_in_dim3A_925 = vector.broadcast %add3A_916 : i32 to vector<16xi32>
        %gather3A_926 = tpu.vector_load_idx %arg5[%broadcast_in_dim3A_925, %add3A_137] : memref<400x128xf32, #tpu.memory_space<vmem>>[vector<16xi32>, vector<16xi32>], vector<16xf32>,
        %broadcast_in_dim3A_927 = vector.broadcast %add3A_916 : i32 to vector<16xi32>
        %gather3A_928 = tpu.vector_load_idx %arg5[%broadcast_in_dim3A_927, %add3A_140] : memref<400x128xf32, #tpu.memory_space<vmem>>[vector<16xi32>, vector<16xi32>], vector<16xf32>,
        %broadcast_in_dim3A_929 = vector.broadcast %add3A_916 : i32 to vector<16xi32>
        %gather3A_930 = tpu.vector_load_idx %arg5[%broadcast_in_dim3A_929, %add3A_143] : memref<400x128xf32, #tpu.memory_space<vmem>>[vector<16xi32>, vector<16xi32>], vector<16xf32>,
        %broadcast_in_dim3A_931 = vector.broadcast %add3A_916 : i32 to vector<16xi32>
        %gather3A_932 = tpu.vector_load_idx %arg5[%broadcast_in_dim3A_931, %add3A_146] : memref<400x128xf32, #tpu.memory_space<vmem>>[vector<16xi32>, vector<16xi32>], vector<16xf32>,
        %broadcast_in_dim3A_933 = vector.broadcast %add3A_916 : i32 to vector<16xi32>
        %gather3A_934 = tpu.vector_load_idx %arg5[%broadcast_in_dim3A_933, %add3A_149] : memref<400x128xf32, #tpu.memory_space<vmem>>[vector<16xi32>, vector<16xi32>], vector<16xf32>,
        %broadcast_in_dim3A_935 = vector.broadcast %add3A_916 : i32 to vector<16xi32>
        %gather3A_936 = tpu.vector_load_idx %arg5[%broadcast_in_dim3A_935, %add3A_152] : memref<400x128xf32, #tpu.memory_space<vmem>>[vector<16xi32>, vector<16xi32>], vector<16xf32>,
        %gather3A_937 = tpu.vector_load_idx %arg9[%add3A_920] : memref<128xf32, #tpu.memory_space<vmem>>[vector<16xi32>], vector<16xf32>,
        %gather3A_938 = tpu.vector_load_idx %arg10[%add3A_920] : memref<128xf32, #tpu.memory_space<vmem>>[vector<16xi32>], vector<16xf32>,
        %gather3A_939 = tpu.vector_load_idx %arg11[%add3A_920] : memref<128xf32, #tpu.memory_space<vmem>>[vector<16xi32>], vector<16xf32>,
        %gather3A_940 = tpu.vector_load_idx %arg12[%add3A_920] : memref<128xf32, #tpu.memory_space<vmem>>[vector<16xi32>], vector<16xf32>,
        %gather3A_941 = tpu.vector_load_idx %arg13[%add3A_920] : memref<128xf32, #tpu.memory_space<vmem>>[vector<16xi32>], vector<16xf32>,
        %gather3A_942 = tpu.vector_load_idx %arg14[%add3A_920] : memref<128xf32, #tpu.memory_space<vmem>>[vector<16xi32>], vector<16xf32>,
        %gather3A_943 = tpu.vector_load_idx %arg15[%add3A_920] : memref<128xf32, #tpu.memory_space<vmem>>[vector<16xi32>], vector<16xf32>,
        %gather3A_944 = tpu.vector_load_idx %arg16[%add3A_920] : memref<128xf32, #tpu.memory_space<vmem>>[vector<16xi32>], vector<16xf32>,
        %max3A_945 = arith.maximumf %gather3A_937, %gather3A_922 : vector<16xf32>
        tpu.vector_store_idx %arg9[%add3A_920], %max3A_945 : memref<128xf32, #tpu.memory_space<vmem>>[vector<16xi32>], vector<16xf32>,
        %max3A_946 = arith.maximumf %gather3A_938, %gather3A_924 : vector<16xf32>
        tpu.vector_store_idx %arg10[%add3A_920], %max3A_946 : memref<128xf32, #tpu.memory_space<vmem>>[vector<16xi32>], vector<16xf32>,
        %max3A_947 = arith.maximumf %gather3A_939, %gather3A_926 : vector<16xf32>
        tpu.vector_store_idx %arg11[%add3A_920], %max3A_947 : memref<128xf32, #tpu.memory_space<vmem>>[vector<16xi32>], vector<16xf32>,
        %max3A_948 = arith.maximumf %gather3A_940, %gather3A_928 : vector<16xf32>
        tpu.vector_store_idx %arg12[%add3A_920], %max3A_948 : memref<128xf32, #tpu.memory_space<vmem>>[vector<16xi32>], vector<16xf32>,
        %max3A_949 = arith.maximumf %gather3A_941, %gather3A_930 : vector<16xf32>
        tpu.vector_store_idx %arg13[%add3A_920], %max3A_949 : memref<128xf32, #tpu.memory_space<vmem>>[vector<16xi32>], vector<16xf32>,
        %max3A_950 = arith.maximumf %gather3A_942, %gather3A_932 : vector<16xf32>
        tpu.vector_store_idx %arg14[%add3A_920], %max3A_950 : memref<128xf32, #tpu.memory_space<vmem>>[vector<16xi32>], vector<16xf32>,
        %max3A_951 = arith.maximumf %gather3A_943, %gather3A_934 : vector<16xf32>
        tpu.vector_store_idx %arg15[%add3A_920], %max3A_951 : memref<128xf32, #tpu.memory_space<vmem>>[vector<16xi32>], vector<16xf32>,
        %max3A_952 = arith.maximumf %gather3A_944, %gather3A_936 : vector<16xf32>
        tpu.vector_store_idx %arg16[%add3A_920], %max3A_952 : memref<128xf32, #tpu.memory_space<vmem>>[vector<16xi32>], vector<16xf32>,
        %add3A_953 = arith.constant 12 : i32
        %add3A_954 = arith.addi %mul3A_493, %add3A_953 : i32
        %slice3A_955 = vector.extract_strided_slice %mul3A_500 {offsets = [12], sizes = [1], strides = [1]} : vector<16xi32> to vector<1xi32>
        %squeeze3A_956 = vector.extract %slice3A_955[0] : i32 from vector<1xi32>
        %broadcast_in_dim3A_957 = vector.broadcast %squeeze3A_956 : i32 to vector<16xi32>
        %add3A_958 = arith.addi %broadcast_in_dim3A_957, %iota3A : vector<16xi32>
        %broadcast_in_dim3A_959 = vector.broadcast %add3A_954 : i32 to vector<16xi32>
        %gather3A_960 = tpu.vector_load_idx %arg5[%broadcast_in_dim3A_959, %add3A_131] : memref<400x128xf32, #tpu.memory_space<vmem>>[vector<16xi32>, vector<16xi32>], vector<16xf32>,
        %broadcast_in_dim3A_961 = vector.broadcast %add3A_954 : i32 to vector<16xi32>
        %gather3A_962 = tpu.vector_load_idx %arg5[%broadcast_in_dim3A_961, %add3A_134] : memref<400x128xf32, #tpu.memory_space<vmem>>[vector<16xi32>, vector<16xi32>], vector<16xf32>,
        %broadcast_in_dim3A_963 = vector.broadcast %add3A_954 : i32 to vector<16xi32>
        %gather3A_964 = tpu.vector_load_idx %arg5[%broadcast_in_dim3A_963, %add3A_137] : memref<400x128xf32, #tpu.memory_space<vmem>>[vector<16xi32>, vector<16xi32>], vector<16xf32>,
        %broadcast_in_dim3A_965 = vector.broadcast %add3A_954 : i32 to vector<16xi32>
        %gather3A_966 = tpu.vector_load_idx %arg5[%broadcast_in_dim3A_965, %add3A_140] : memref<400x128xf32, #tpu.memory_space<vmem>>[vector<16xi32>, vector<16xi32>], vector<16xf32>,
        %broadcast_in_dim3A_967 = vector.broadcast %add3A_954 : i32 to vector<16xi32>
        %gather3A_968 = tpu.vector_load_idx %arg5[%broadcast_in_dim3A_967, %add3A_143] : memref<400x128xf32, #tpu.memory_space<vmem>>[vector<16xi32>, vector<16xi32>], vector<16xf32>,
        %broadcast_in_dim3A_969 = vector.broadcast %add3A_954 : i32 to vector<16xi32>
        %gather3A_970 = tpu.vector_load_idx %arg5[%broadcast_in_dim3A_969, %add3A_146] : memref<400x128xf32, #tpu.memory_space<vmem>>[vector<16xi32>, vector<16xi32>], vector<16xf32>,
        %broadcast_in_dim3A_971 = vector.broadcast %add3A_954 : i32 to vector<16xi32>
        %gather3A_972 = tpu.vector_load_idx %arg5[%broadcast_in_dim3A_971, %add3A_149] : memref<400x128xf32, #tpu.memory_space<vmem>>[vector<16xi32>, vector<16xi32>], vector<16xf32>,
        %broadcast_in_dim3A_973 = vector.broadcast %add3A_954 : i32 to vector<16xi32>
        %gather3A_974 = tpu.vector_load_idx %arg5[%broadcast_in_dim3A_973, %add3A_152] : memref<400x128xf32, #tpu.memory_space<vmem>>[vector<16xi32>, vector<16xi32>], vector<16xf32>,
        %gather3A_975 = tpu.vector_load_idx %arg9[%add3A_958] : memref<128xf32, #tpu.memory_space<vmem>>[vector<16xi32>], vector<16xf32>,
        %gather3A_976 = tpu.vector_load_idx %arg10[%add3A_958] : memref<128xf32, #tpu.memory_space<vmem>>[vector<16xi32>], vector<16xf32>,
        %gather3A_977 = tpu.vector_load_idx %arg11[%add3A_958] : memref<128xf32, #tpu.memory_space<vmem>>[vector<16xi32>], vector<16xf32>,
        %gather3A_978 = tpu.vector_load_idx %arg12[%add3A_958] : memref<128xf32, #tpu.memory_space<vmem>>[vector<16xi32>], vector<16xf32>,
        %gather3A_979 = tpu.vector_load_idx %arg13[%add3A_958] : memref<128xf32, #tpu.memory_space<vmem>>[vector<16xi32>], vector<16xf32>,
        %gather3A_980 = tpu.vector_load_idx %arg14[%add3A_958] : memref<128xf32, #tpu.memory_space<vmem>>[vector<16xi32>], vector<16xf32>,
        %gather3A_981 = tpu.vector_load_idx %arg15[%add3A_958] : memref<128xf32, #tpu.memory_space<vmem>>[vector<16xi32>], vector<16xf32>,
        %gather3A_982 = tpu.vector_load_idx %arg16[%add3A_958] : memref<128xf32, #tpu.memory_space<vmem>>[vector<16xi32>], vector<16xf32>,
        %max3A_983 = arith.maximumf %gather3A_975, %gather3A_960 : vector<16xf32>
        tpu.vector_store_idx %arg9[%add3A_958], %max3A_983 : memref<128xf32, #tpu.memory_space<vmem>>[vector<16xi32>], vector<16xf32>,
        %max3A_984 = arith.maximumf %gather3A_976, %gather3A_962 : vector<16xf32>
        tpu.vector_store_idx %arg10[%add3A_958], %max3A_984 : memref<128xf32, #tpu.memory_space<vmem>>[vector<16xi32>], vector<16xf32>,
        %max3A_985 = arith.maximumf %gather3A_977, %gather3A_964 : vector<16xf32>
        tpu.vector_store_idx %arg11[%add3A_958], %max3A_985 : memref<128xf32, #tpu.memory_space<vmem>>[vector<16xi32>], vector<16xf32>,
        %max3A_986 = arith.maximumf %gather3A_978, %gather3A_966 : vector<16xf32>
        tpu.vector_store_idx %arg12[%add3A_958], %max3A_986 : memref<128xf32, #tpu.memory_space<vmem>>[vector<16xi32>], vector<16xf32>,
        %max3A_987 = arith.maximumf %gather3A_979, %gather3A_968 : vector<16xf32>
        tpu.vector_store_idx %arg13[%add3A_958], %max3A_987 : memref<128xf32, #tpu.memory_space<vmem>>[vector<16xi32>], vector<16xf32>,
        %max3A_988 = arith.maximumf %gather3A_980, %gather3A_970 : vector<16xf32>
        tpu.vector_store_idx %arg14[%add3A_958], %max3A_988 : memref<128xf32, #tpu.memory_space<vmem>>[vector<16xi32>], vector<16xf32>,
        %max3A_989 = arith.maximumf %gather3A_981, %gather3A_972 : vector<16xf32>
        tpu.vector_store_idx %arg15[%add3A_958], %max3A_989 : memref<128xf32, #tpu.memory_space<vmem>>[vector<16xi32>], vector<16xf32>,
        %max3A_990 = arith.maximumf %gather3A_982, %gather3A_974 : vector<16xf32>
        tpu.vector_store_idx %arg16[%add3A_958], %max3A_990 : memref<128xf32, #tpu.memory_space<vmem>>[vector<16xi32>], vector<16xf32>,
        %add3A_991 = arith.constant 13 : i32
        %add3A_992 = arith.addi %mul3A_493, %add3A_991 : i32
        %slice3A_993 = vector.extract_strided_slice %mul3A_500 {offsets = [13], sizes = [1], strides = [1]} : vector<16xi32> to vector<1xi32>
        %squeeze3A_994 = vector.extract %slice3A_993[0] : i32 from vector<1xi32>
        %broadcast_in_dim3A_995 = vector.broadcast %squeeze3A_994 : i32 to vector<16xi32>
        %add3A_996 = arith.addi %broadcast_in_dim3A_995, %iota3A : vector<16xi32>
        %broadcast_in_dim3A_997 = vector.broadcast %add3A_992 : i32 to vector<16xi32>
        %gather3A_998 = tpu.vector_load_idx %arg5[%broadcast_in_dim3A_997, %add3A_131] : memref<400x128xf32, #tpu.memory_space<vmem>>[vector<16xi32>, vector<16xi32>], vector<16xf32>,
        %broadcast_in_dim3A_999 = vector.broadcast %add3A_992 : i32 to vector<16xi32>
        %gather3A_1000 = tpu.vector_load_idx %arg5[%broadcast_in_dim3A_999, %add3A_134] : memref<400x128xf32, #tpu.memory_space<vmem>>[vector<16xi32>, vector<16xi32>], vector<16xf32>,
        %broadcast_in_dim3A_1001 = vector.broadcast %add3A_992 : i32 to vector<16xi32>
        %gather3A_1002 = tpu.vector_load_idx %arg5[%broadcast_in_dim3A_1001, %add3A_137] : memref<400x128xf32, #tpu.memory_space<vmem>>[vector<16xi32>, vector<16xi32>], vector<16xf32>,
        %broadcast_in_dim3A_1003 = vector.broadcast %add3A_992 : i32 to vector<16xi32>
        %gather3A_1004 = tpu.vector_load_idx %arg5[%broadcast_in_dim3A_1003, %add3A_140] : memref<400x128xf32, #tpu.memory_space<vmem>>[vector<16xi32>, vector<16xi32>], vector<16xf32>,
        %broadcast_in_dim3A_1005 = vector.broadcast %add3A_992 : i32 to vector<16xi32>
        %gather3A_1006 = tpu.vector_load_idx %arg5[%broadcast_in_dim3A_1005, %add3A_143] : memref<400x128xf32, #tpu.memory_space<vmem>>[vector<16xi32>, vector<16xi32>], vector<16xf32>,
        %broadcast_in_dim3A_1007 = vector.broadcast %add3A_992 : i32 to vector<16xi32>
        %gather3A_1008 = tpu.vector_load_idx %arg5[%broadcast_in_dim3A_1007, %add3A_146] : memref<400x128xf32, #tpu.memory_space<vmem>>[vector<16xi32>, vector<16xi32>], vector<16xf32>,
        %broadcast_in_dim3A_1009 = vector.broadcast %add3A_992 : i32 to vector<16xi32>
        %gather3A_1010 = tpu.vector_load_idx %arg5[%broadcast_in_dim3A_1009, %add3A_149] : memref<400x128xf32, #tpu.memory_space<vmem>>[vector<16xi32>, vector<16xi32>], vector<16xf32>,
        %broadcast_in_dim3A_1011 = vector.broadcast %add3A_992 : i32 to vector<16xi32>
        %gather3A_1012 = tpu.vector_load_idx %arg5[%broadcast_in_dim3A_1011, %add3A_152] : memref<400x128xf32, #tpu.memory_space<vmem>>[vector<16xi32>, vector<16xi32>], vector<16xf32>,
        %gather3A_1013 = tpu.vector_load_idx %arg9[%add3A_996] : memref<128xf32, #tpu.memory_space<vmem>>[vector<16xi32>], vector<16xf32>,
        %gather3A_1014 = tpu.vector_load_idx %arg10[%add3A_996] : memref<128xf32, #tpu.memory_space<vmem>>[vector<16xi32>], vector<16xf32>,
        %gather3A_1015 = tpu.vector_load_idx %arg11[%add3A_996] : memref<128xf32, #tpu.memory_space<vmem>>[vector<16xi32>], vector<16xf32>,
        %gather3A_1016 = tpu.vector_load_idx %arg12[%add3A_996] : memref<128xf32, #tpu.memory_space<vmem>>[vector<16xi32>], vector<16xf32>,
        %gather3A_1017 = tpu.vector_load_idx %arg13[%add3A_996] : memref<128xf32, #tpu.memory_space<vmem>>[vector<16xi32>], vector<16xf32>,
        %gather3A_1018 = tpu.vector_load_idx %arg14[%add3A_996] : memref<128xf32, #tpu.memory_space<vmem>>[vector<16xi32>], vector<16xf32>,
        %gather3A_1019 = tpu.vector_load_idx %arg15[%add3A_996] : memref<128xf32, #tpu.memory_space<vmem>>[vector<16xi32>], vector<16xf32>,
        %gather3A_1020 = tpu.vector_load_idx %arg16[%add3A_996] : memref<128xf32, #tpu.memory_space<vmem>>[vector<16xi32>], vector<16xf32>,
        %max3A_1021 = arith.maximumf %gather3A_1013, %gather3A_998 : vector<16xf32>
        tpu.vector_store_idx %arg9[%add3A_996], %max3A_1021 : memref<128xf32, #tpu.memory_space<vmem>>[vector<16xi32>], vector<16xf32>,
        %max3A_1022 = arith.maximumf %gather3A_1014, %gather3A_1000 : vector<16xf32>
        tpu.vector_store_idx %arg10[%add3A_996], %max3A_1022 : memref<128xf32, #tpu.memory_space<vmem>>[vector<16xi32>], vector<16xf32>,
        %max3A_1023 = arith.maximumf %gather3A_1015, %gather3A_1002 : vector<16xf32>
        tpu.vector_store_idx %arg11[%add3A_996], %max3A_1023 : memref<128xf32, #tpu.memory_space<vmem>>[vector<16xi32>], vector<16xf32>,
        %max3A_1024 = arith.maximumf %gather3A_1016, %gather3A_1004 : vector<16xf32>
        tpu.vector_store_idx %arg12[%add3A_996], %max3A_1024 : memref<128xf32, #tpu.memory_space<vmem>>[vector<16xi32>], vector<16xf32>,
        %max3A_1025 = arith.maximumf %gather3A_1017, %gather3A_1006 : vector<16xf32>
        tpu.vector_store_idx %arg13[%add3A_996], %max3A_1025 : memref<128xf32, #tpu.memory_space<vmem>>[vector<16xi32>], vector<16xf32>,
        %max3A_1026 = arith.maximumf %gather3A_1018, %gather3A_1008 : vector<16xf32>
        tpu.vector_store_idx %arg14[%add3A_996], %max3A_1026 : memref<128xf32, #tpu.memory_space<vmem>>[vector<16xi32>], vector<16xf32>,
        %max3A_1027 = arith.maximumf %gather3A_1019, %gather3A_1010 : vector<16xf32>
        tpu.vector_store_idx %arg15[%add3A_996], %max3A_1027 : memref<128xf32, #tpu.memory_space<vmem>>[vector<16xi32>], vector<16xf32>,
        %max3A_1028 = arith.maximumf %gather3A_1020, %gather3A_1012 : vector<16xf32>
        tpu.vector_store_idx %arg16[%add3A_996], %max3A_1028 : memref<128xf32, #tpu.memory_space<vmem>>[vector<16xi32>], vector<16xf32>,
        %add3A_1029 = arith.constant 14 : i32
        %add3A_1030 = arith.addi %mul3A_493, %add3A_1029 : i32
        %slice3A_1031 = vector.extract_strided_slice %mul3A_500 {offsets = [14], sizes = [1], strides = [1]} : vector<16xi32> to vector<1xi32>
        %squeeze3A_1032 = vector.extract %slice3A_1031[0] : i32 from vector<1xi32>
        %broadcast_in_dim3A_1033 = vector.broadcast %squeeze3A_1032 : i32 to vector<16xi32>
        %add3A_1034 = arith.addi %broadcast_in_dim3A_1033, %iota3A : vector<16xi32>
        %broadcast_in_dim3A_1035 = vector.broadcast %add3A_1030 : i32 to vector<16xi32>
        %gather3A_1036 = tpu.vector_load_idx %arg5[%broadcast_in_dim3A_1035, %add3A_131] : memref<400x128xf32, #tpu.memory_space<vmem>>[vector<16xi32>, vector<16xi32>], vector<16xf32>,
        %broadcast_in_dim3A_1037 = vector.broadcast %add3A_1030 : i32 to vector<16xi32>
        %gather3A_1038 = tpu.vector_load_idx %arg5[%broadcast_in_dim3A_1037, %add3A_134] : memref<400x128xf32, #tpu.memory_space<vmem>>[vector<16xi32>, vector<16xi32>], vector<16xf32>,
        %broadcast_in_dim3A_1039 = vector.broadcast %add3A_1030 : i32 to vector<16xi32>
        %gather3A_1040 = tpu.vector_load_idx %arg5[%broadcast_in_dim3A_1039, %add3A_137] : memref<400x128xf32, #tpu.memory_space<vmem>>[vector<16xi32>, vector<16xi32>], vector<16xf32>,
        %broadcast_in_dim3A_1041 = vector.broadcast %add3A_1030 : i32 to vector<16xi32>
        %gather3A_1042 = tpu.vector_load_idx %arg5[%broadcast_in_dim3A_1041, %add3A_140] : memref<400x128xf32, #tpu.memory_space<vmem>>[vector<16xi32>, vector<16xi32>], vector<16xf32>,
        %broadcast_in_dim3A_1043 = vector.broadcast %add3A_1030 : i32 to vector<16xi32>
        %gather3A_1044 = tpu.vector_load_idx %arg5[%broadcast_in_dim3A_1043, %add3A_143] : memref<400x128xf32, #tpu.memory_space<vmem>>[vector<16xi32>, vector<16xi32>], vector<16xf32>,
        %broadcast_in_dim3A_1045 = vector.broadcast %add3A_1030 : i32 to vector<16xi32>
        %gather3A_1046 = tpu.vector_load_idx %arg5[%broadcast_in_dim3A_1045, %add3A_146] : memref<400x128xf32, #tpu.memory_space<vmem>>[vector<16xi32>, vector<16xi32>], vector<16xf32>,
        %broadcast_in_dim3A_1047 = vector.broadcast %add3A_1030 : i32 to vector<16xi32>
        %gather3A_1048 = tpu.vector_load_idx %arg5[%broadcast_in_dim3A_1047, %add3A_149] : memref<400x128xf32, #tpu.memory_space<vmem>>[vector<16xi32>, vector<16xi32>], vector<16xf32>,
        %broadcast_in_dim3A_1049 = vector.broadcast %add3A_1030 : i32 to vector<16xi32>
        %gather3A_1050 = tpu.vector_load_idx %arg5[%broadcast_in_dim3A_1049, %add3A_152] : memref<400x128xf32, #tpu.memory_space<vmem>>[vector<16xi32>, vector<16xi32>], vector<16xf32>,
        %gather3A_1051 = tpu.vector_load_idx %arg9[%add3A_1034] : memref<128xf32, #tpu.memory_space<vmem>>[vector<16xi32>], vector<16xf32>,
        %gather3A_1052 = tpu.vector_load_idx %arg10[%add3A_1034] : memref<128xf32, #tpu.memory_space<vmem>>[vector<16xi32>], vector<16xf32>,
        %gather3A_1053 = tpu.vector_load_idx %arg11[%add3A_1034] : memref<128xf32, #tpu.memory_space<vmem>>[vector<16xi32>], vector<16xf32>,
        %gather3A_1054 = tpu.vector_load_idx %arg12[%add3A_1034] : memref<128xf32, #tpu.memory_space<vmem>>[vector<16xi32>], vector<16xf32>,
        %gather3A_1055 = tpu.vector_load_idx %arg13[%add3A_1034] : memref<128xf32, #tpu.memory_space<vmem>>[vector<16xi32>], vector<16xf32>,
        %gather3A_1056 = tpu.vector_load_idx %arg14[%add3A_1034] : memref<128xf32, #tpu.memory_space<vmem>>[vector<16xi32>], vector<16xf32>,
        %gather3A_1057 = tpu.vector_load_idx %arg15[%add3A_1034] : memref<128xf32, #tpu.memory_space<vmem>>[vector<16xi32>], vector<16xf32>,
        %gather3A_1058 = tpu.vector_load_idx %arg16[%add3A_1034] : memref<128xf32, #tpu.memory_space<vmem>>[vector<16xi32>], vector<16xf32>,
        %max3A_1059 = arith.maximumf %gather3A_1051, %gather3A_1036 : vector<16xf32>
        tpu.vector_store_idx %arg9[%add3A_1034], %max3A_1059 : memref<128xf32, #tpu.memory_space<vmem>>[vector<16xi32>], vector<16xf32>,
        %max3A_1060 = arith.maximumf %gather3A_1052, %gather3A_1038 : vector<16xf32>
        tpu.vector_store_idx %arg10[%add3A_1034], %max3A_1060 : memref<128xf32, #tpu.memory_space<vmem>>[vector<16xi32>], vector<16xf32>,
        %max3A_1061 = arith.maximumf %gather3A_1053, %gather3A_1040 : vector<16xf32>
        tpu.vector_store_idx %arg11[%add3A_1034], %max3A_1061 : memref<128xf32, #tpu.memory_space<vmem>>[vector<16xi32>], vector<16xf32>,
        %max3A_1062 = arith.maximumf %gather3A_1054, %gather3A_1042 : vector<16xf32>
        tpu.vector_store_idx %arg12[%add3A_1034], %max3A_1062 : memref<128xf32, #tpu.memory_space<vmem>>[vector<16xi32>], vector<16xf32>,
        %max3A_1063 = arith.maximumf %gather3A_1055, %gather3A_1044 : vector<16xf32>
        tpu.vector_store_idx %arg13[%add3A_1034], %max3A_1063 : memref<128xf32, #tpu.memory_space<vmem>>[vector<16xi32>], vector<16xf32>,
        %max3A_1064 = arith.maximumf %gather3A_1056, %gather3A_1046 : vector<16xf32>
        tpu.vector_store_idx %arg14[%add3A_1034], %max3A_1064 : memref<128xf32, #tpu.memory_space<vmem>>[vector<16xi32>], vector<16xf32>,
        %max3A_1065 = arith.maximumf %gather3A_1057, %gather3A_1048 : vector<16xf32>
        tpu.vector_store_idx %arg15[%add3A_1034], %max3A_1065 : memref<128xf32, #tpu.memory_space<vmem>>[vector<16xi32>], vector<16xf32>,
        %max3A_1066 = arith.maximumf %gather3A_1058, %gather3A_1050 : vector<16xf32>
        tpu.vector_store_idx %arg16[%add3A_1034], %max3A_1066 : memref<128xf32, #tpu.memory_space<vmem>>[vector<16xi32>], vector<16xf32>,
        %add3A_1067 = arith.constant 15 : i32
        %add3A_1068 = arith.addi %mul3A_493, %add3A_1067 : i32
        %slice3A_1069 = vector.extract_strided_slice %mul3A_500 {offsets = [15], sizes = [1], strides = [1]} : vector<16xi32> to vector<1xi32>
        %squeeze3A_1070 = vector.extract %slice3A_1069[0] : i32 from vector<1xi32>
        %broadcast_in_dim3A_1071 = vector.broadcast %squeeze3A_1070 : i32 to vector<16xi32>
        %add3A_1072 = arith.addi %broadcast_in_dim3A_1071, %iota3A : vector<16xi32>
        %broadcast_in_dim3A_1073 = vector.broadcast %add3A_1068 : i32 to vector<16xi32>
        %gather3A_1074 = tpu.vector_load_idx %arg5[%broadcast_in_dim3A_1073, %add3A_131] : memref<400x128xf32, #tpu.memory_space<vmem>>[vector<16xi32>, vector<16xi32>], vector<16xf32>,
        %broadcast_in_dim3A_1075 = vector.broadcast %add3A_1068 : i32 to vector<16xi32>
        %gather3A_1076 = tpu.vector_load_idx %arg5[%broadcast_in_dim3A_1075, %add3A_134] : memref<400x128xf32, #tpu.memory_space<vmem>>[vector<16xi32>, vector<16xi32>], vector<16xf32>,
        %broadcast_in_dim3A_1077 = vector.broadcast %add3A_1068 : i32 to vector<16xi32>
        %gather3A_1078 = tpu.vector_load_idx %arg5[%broadcast_in_dim3A_1077, %add3A_137] : memref<400x128xf32, #tpu.memory_space<vmem>>[vector<16xi32>, vector<16xi32>], vector<16xf32>,
        %broadcast_in_dim3A_1079 = vector.broadcast %add3A_1068 : i32 to vector<16xi32>
        %gather3A_1080 = tpu.vector_load_idx %arg5[%broadcast_in_dim3A_1079, %add3A_140] : memref<400x128xf32, #tpu.memory_space<vmem>>[vector<16xi32>, vector<16xi32>], vector<16xf32>,
        %broadcast_in_dim3A_1081 = vector.broadcast %add3A_1068 : i32 to vector<16xi32>
        %gather3A_1082 = tpu.vector_load_idx %arg5[%broadcast_in_dim3A_1081, %add3A_143] : memref<400x128xf32, #tpu.memory_space<vmem>>[vector<16xi32>, vector<16xi32>], vector<16xf32>,
        %broadcast_in_dim3A_1083 = vector.broadcast %add3A_1068 : i32 to vector<16xi32>
        %gather3A_1084 = tpu.vector_load_idx %arg5[%broadcast_in_dim3A_1083, %add3A_146] : memref<400x128xf32, #tpu.memory_space<vmem>>[vector<16xi32>, vector<16xi32>], vector<16xf32>,
        %broadcast_in_dim3A_1085 = vector.broadcast %add3A_1068 : i32 to vector<16xi32>
        %gather3A_1086 = tpu.vector_load_idx %arg5[%broadcast_in_dim3A_1085, %add3A_149] : memref<400x128xf32, #tpu.memory_space<vmem>>[vector<16xi32>, vector<16xi32>], vector<16xf32>,
        %broadcast_in_dim3A_1087 = vector.broadcast %add3A_1068 : i32 to vector<16xi32>
        %gather3A_1088 = tpu.vector_load_idx %arg5[%broadcast_in_dim3A_1087, %add3A_152] : memref<400x128xf32, #tpu.memory_space<vmem>>[vector<16xi32>, vector<16xi32>], vector<16xf32>,
        %gather3A_1089 = tpu.vector_load_idx %arg9[%add3A_1072] : memref<128xf32, #tpu.memory_space<vmem>>[vector<16xi32>], vector<16xf32>,
        %gather3A_1090 = tpu.vector_load_idx %arg10[%add3A_1072] : memref<128xf32, #tpu.memory_space<vmem>>[vector<16xi32>], vector<16xf32>,
        %gather3A_1091 = tpu.vector_load_idx %arg11[%add3A_1072] : memref<128xf32, #tpu.memory_space<vmem>>[vector<16xi32>], vector<16xf32>,
        %gather3A_1092 = tpu.vector_load_idx %arg12[%add3A_1072] : memref<128xf32, #tpu.memory_space<vmem>>[vector<16xi32>], vector<16xf32>,
        %gather3A_1093 = tpu.vector_load_idx %arg13[%add3A_1072] : memref<128xf32, #tpu.memory_space<vmem>>[vector<16xi32>], vector<16xf32>,
        %gather3A_1094 = tpu.vector_load_idx %arg14[%add3A_1072] : memref<128xf32, #tpu.memory_space<vmem>>[vector<16xi32>], vector<16xf32>,
        %gather3A_1095 = tpu.vector_load_idx %arg15[%add3A_1072] : memref<128xf32, #tpu.memory_space<vmem>>[vector<16xi32>], vector<16xf32>,
        %gather3A_1096 = tpu.vector_load_idx %arg16[%add3A_1072] : memref<128xf32, #tpu.memory_space<vmem>>[vector<16xi32>], vector<16xf32>,
        %max3A_1097 = arith.maximumf %gather3A_1089, %gather3A_1074 : vector<16xf32>
        tpu.vector_store_idx %arg9[%add3A_1072], %max3A_1097 : memref<128xf32, #tpu.memory_space<vmem>>[vector<16xi32>], vector<16xf32>,
        %max3A_1098 = arith.maximumf %gather3A_1090, %gather3A_1076 : vector<16xf32>
        tpu.vector_store_idx %arg10[%add3A_1072], %max3A_1098 : memref<128xf32, #tpu.memory_space<vmem>>[vector<16xi32>], vector<16xf32>,
        %max3A_1099 = arith.maximumf %gather3A_1091, %gather3A_1078 : vector<16xf32>
        tpu.vector_store_idx %arg11[%add3A_1072], %max3A_1099 : memref<128xf32, #tpu.memory_space<vmem>>[vector<16xi32>], vector<16xf32>,
        %max3A_1100 = arith.maximumf %gather3A_1092, %gather3A_1080 : vector<16xf32>
        tpu.vector_store_idx %arg12[%add3A_1072], %max3A_1100 : memref<128xf32, #tpu.memory_space<vmem>>[vector<16xi32>], vector<16xf32>,
        %max3A_1101 = arith.maximumf %gather3A_1093, %gather3A_1082 : vector<16xf32>
        tpu.vector_store_idx %arg13[%add3A_1072], %max3A_1101 : memref<128xf32, #tpu.memory_space<vmem>>[vector<16xi32>], vector<16xf32>,
        %max3A_1102 = arith.maximumf %gather3A_1094, %gather3A_1084 : vector<16xf32>
        tpu.vector_store_idx %arg14[%add3A_1072], %max3A_1102 : memref<128xf32, #tpu.memory_space<vmem>>[vector<16xi32>], vector<16xf32>,
        %max3A_1103 = arith.maximumf %gather3A_1095, %gather3A_1086 : vector<16xf32>
        tpu.vector_store_idx %arg15[%add3A_1072], %max3A_1103 : memref<128xf32, #tpu.memory_space<vmem>>[vector<16xi32>], vector<16xf32>,
        %max3A_1104 = arith.maximumf %gather3A_1096, %gather3A_1088 : vector<16xf32>
        tpu.vector_store_idx %arg16[%add3A_1072], %max3A_1104 : memref<128xf32, #tpu.memory_space<vmem>>[vector<16xi32>], vector<16xf32>,
      }
      %scan3A_462 = arith.constant 25 : i32
      %mul3A_463 = arith.constant 2 : i32
      %mul3A_464 = arith.muli %mul3A_463, %scan3A_437 : i32
      %add3A_465 = arith.constant 1 : i32
      %add3A_466 = arith.addi %mul3A_464, %add3A_465 : i32
      %add3A_467 = arith.constant 1 : i32
      %add3A_468 = arith.addi %add3A_466, %add3A_467 : i32
      %lt3A_469 = arith.constant 25 : i32
      %lt3A_470 = arith.cmpi slt, %add3A_468, %lt3A_469 : i32
      %convert_element_type3A_471 = arith.extui %lt3A_470 : i1 to i32
      %cond3A_472 = arith.constant 0 : i32
      %cond3A_473 = arith.cmpi ne, %convert_element_type3A_471, %cond3A_472 : i32
      scf.if %cond3A_473 {
        %add3A_491 = arith.constant 1 : i32
        %add3A_492 = arith.addi %add3A_466, %add3A_491 : i32
        %mul3A_493 = arith.constant 10000 : i32
        %mul3A_494 = arith.muli %add3A, %mul3A_493 : i32
        %mul3A_495 = arith.constant 400 : i32
        %mul3A_496 = arith.muli %add3A_492, %mul3A_495 : i32
        %add3A_497 = arith.addi %mul3A_494, %mul3A_496 : i32
        %dma_start3A_498 = arith.constant 0 : i32
        %dma_start3A_499 = tpu.memref_slice %arg2[%add3A_497, %dma_start3A_498] : memref<320000x128xf32, #tpu.memory_space<hbm>> -> memref<400x128xf32, #tpu.memory_space<hbm>>
        %dma_start3A_500 = arith.constant 0 : i32
        %dma_start3A_501 = tpu.memref_slice %arg2[%add3A_497, %dma_start3A_500] : memref<320000x128xf32, #tpu.memory_space<hbm>> -> memref<400x128xf32, #tpu.memory_space<hbm>>
        tpu.enqueue_dma source(%dma_start3A_501 : memref<400x128xf32, #tpu.memory_space<hbm>>) target(%arg5 : memref<400x128xf32, #tpu.memory_space<vmem>>) target_semaphore(%arg18 : memref<!tpu.dma_semaphore, #tpu.memory_space<semaphore_mem>>)
        %dma_start3A_502 = tpu.memref_slice %arg3[%add3A_497] : memref<320000xi32, #tpu.memory_space<hbm>> -> memref<400xi32, #tpu.memory_space<hbm>>
        %dma_start3A_503 = tpu.memref_slice %arg3[%add3A_497] : memref<320000xi32, #tpu.memory_space<hbm>> -> memref<400xi32, #tpu.memory_space<hbm>>
        tpu.enqueue_dma source(%dma_start3A_503 : memref<400xi32, #tpu.memory_space<hbm>>) target(%arg7 : memref<400xi32, #tpu.memory_space<vmem>>) target_semaphore(%arg20 : memref<!tpu.dma_semaphore, #tpu.memory_space<semaphore_mem>>)
      } else {
      }
      %mul3A_474 = arith.constant 10000 : i32
      %mul3A_475 = arith.muli %add3A, %mul3A_474 : i32
      %mul3A_476 = arith.constant 400 : i32
      %mul3A_477 = arith.muli %add3A_466, %mul3A_476 : i32
      %add3A_478 = arith.addi %mul3A_475, %mul3A_477 : i32
      %dma_wait3A_479 = arith.constant 0 : i32
      %dma_wait3A_480 = tpu.memref_slice %arg2[%add3A_478, %dma_wait3A_479] : memref<320000x128xf32, #tpu.memory_space<hbm>> -> memref<400x128xf32, #tpu.memory_space<hbm>>
      %dma_wait3A_481 = arith.constant 0 : i32
      %dma_wait3A_482 = tpu.memref_slice %arg2[%add3A_478, %dma_wait3A_481] : memref<320000x128xf32, #tpu.memory_space<hbm>> -> memref<400x128xf32, #tpu.memory_space<hbm>>
      tpu.wait_dma2 semaphore(%arg19 : memref<!tpu.dma_semaphore, #tpu.memory_space<semaphore_mem>>) src(%dma_wait3A_482 : memref<400x128xf32, #tpu.memory_space<hbm>>) dst(%arg6 : memref<400x128xf32, #tpu.memory_space<vmem>>)
      %dma_wait3A_483 = tpu.memref_slice %arg3[%add3A_478] : memref<320000xi32, #tpu.memory_space<hbm>> -> memref<400xi32, #tpu.memory_space<hbm>>
      %dma_wait3A_484 = tpu.memref_slice %arg3[%add3A_478] : memref<320000xi32, #tpu.memory_space<hbm>> -> memref<400xi32, #tpu.memory_space<hbm>>
      tpu.wait_dma2 semaphore(%arg21 : memref<!tpu.dma_semaphore, #tpu.memory_space<semaphore_mem>>) src(%dma_wait3A_484 : memref<400xi32, #tpu.memory_space<hbm>>) dst(%arg8 : memref<400xi32, #tpu.memory_space<vmem>>)
      %scan3A_485 = arith.constant 0 : i32
      %scan3A_486 = arith.constant 0 : i32
      %scan3A_487 = arith.constant 25 : i32
      %scan3A_488 = arith.addi %scan3A_486, %scan3A_487 : i32
      %scan3A_489 = arith.constant 1 : i32
      scf.for %scan3A_491 = %scan3A_486 to %scan3A_488 step %scan3A_489  : i32 {
        %mul3A_492 = arith.constant 16 : i32
        %mul3A_493 = arith.muli %scan3A_491, %mul3A_492 : i32
        %get3A_494 = arith.index_cast %mul3A_493 : i32 to index
        %get3A_495 = tpu.vector_load %arg8[%get3A_494] {strides = array<i32>} : memref<400xi32, #tpu.memory_space<vmem>>, vector<16xi32>,
        %min3A = arith.constant 7 : i32
        %min3A_496 = vector.broadcast %min3A : i32 to vector<16xi32>
        %min3A_497 = arith.minsi %get3A_495, %min3A_496 : vector<16xi32>
        %mul3A_498 = arith.constant 16 : i32
        %mul3A_499 = vector.broadcast %mul3A_498 : i32 to vector<16xi32>
        %mul3A_500 = arith.muli %min3A_497, %mul3A_499 : vector<16xi32>
        %add3A_501 = arith.constant 0 : i32
        %add3A_502 = arith.addi %mul3A_493, %add3A_501 : i32
        %slice3A = vector.extract_strided_slice %mul3A_500 {offsets = [0], sizes = [1], strides = [1]} : vector<16xi32> to vector<1xi32>
        %squeeze3A = vector.extract %slice3A[0] : i32 from vector<1xi32>
        %broadcast_in_dim3A_503 = vector.broadcast %squeeze3A : i32 to vector<16xi32>
        %add3A_504 = arith.addi %broadcast_in_dim3A_503, %iota3A : vector<16xi32>
        %broadcast_in_dim3A_505 = vector.broadcast %add3A_502 : i32 to vector<16xi32>
        %gather3A = tpu.vector_load_idx %arg6[%broadcast_in_dim3A_505, %add3A_131] : memref<400x128xf32, #tpu.memory_space<vmem>>[vector<16xi32>, vector<16xi32>], vector<16xf32>,
        %broadcast_in_dim3A_506 = vector.broadcast %add3A_502 : i32 to vector<16xi32>
        %gather3A_507 = tpu.vector_load_idx %arg6[%broadcast_in_dim3A_506, %add3A_134] : memref<400x128xf32, #tpu.memory_space<vmem>>[vector<16xi32>, vector<16xi32>], vector<16xf32>,
        %broadcast_in_dim3A_508 = vector.broadcast %add3A_502 : i32 to vector<16xi32>
        %gather3A_509 = tpu.vector_load_idx %arg6[%broadcast_in_dim3A_508, %add3A_137] : memref<400x128xf32, #tpu.memory_space<vmem>>[vector<16xi32>, vector<16xi32>], vector<16xf32>,
        %broadcast_in_dim3A_510 = vector.broadcast %add3A_502 : i32 to vector<16xi32>
        %gather3A_511 = tpu.vector_load_idx %arg6[%broadcast_in_dim3A_510, %add3A_140] : memref<400x128xf32, #tpu.memory_space<vmem>>[vector<16xi32>, vector<16xi32>], vector<16xf32>,
        %broadcast_in_dim3A_512 = vector.broadcast %add3A_502 : i32 to vector<16xi32>
        %gather3A_513 = tpu.vector_load_idx %arg6[%broadcast_in_dim3A_512, %add3A_143] : memref<400x128xf32, #tpu.memory_space<vmem>>[vector<16xi32>, vector<16xi32>], vector<16xf32>,
        %broadcast_in_dim3A_514 = vector.broadcast %add3A_502 : i32 to vector<16xi32>
        %gather3A_515 = tpu.vector_load_idx %arg6[%broadcast_in_dim3A_514, %add3A_146] : memref<400x128xf32, #tpu.memory_space<vmem>>[vector<16xi32>, vector<16xi32>], vector<16xf32>,
        %broadcast_in_dim3A_516 = vector.broadcast %add3A_502 : i32 to vector<16xi32>
        %gather3A_517 = tpu.vector_load_idx %arg6[%broadcast_in_dim3A_516, %add3A_149] : memref<400x128xf32, #tpu.memory_space<vmem>>[vector<16xi32>, vector<16xi32>], vector<16xf32>,
        %broadcast_in_dim3A_518 = vector.broadcast %add3A_502 : i32 to vector<16xi32>
        %gather3A_519 = tpu.vector_load_idx %arg6[%broadcast_in_dim3A_518, %add3A_152] : memref<400x128xf32, #tpu.memory_space<vmem>>[vector<16xi32>, vector<16xi32>], vector<16xf32>,
        %gather3A_520 = tpu.vector_load_idx %arg9[%add3A_504] : memref<128xf32, #tpu.memory_space<vmem>>[vector<16xi32>], vector<16xf32>,
        %gather3A_521 = tpu.vector_load_idx %arg10[%add3A_504] : memref<128xf32, #tpu.memory_space<vmem>>[vector<16xi32>], vector<16xf32>,
        %gather3A_522 = tpu.vector_load_idx %arg11[%add3A_504] : memref<128xf32, #tpu.memory_space<vmem>>[vector<16xi32>], vector<16xf32>,
        %gather3A_523 = tpu.vector_load_idx %arg12[%add3A_504] : memref<128xf32, #tpu.memory_space<vmem>>[vector<16xi32>], vector<16xf32>,
        %gather3A_524 = tpu.vector_load_idx %arg13[%add3A_504] : memref<128xf32, #tpu.memory_space<vmem>>[vector<16xi32>], vector<16xf32>,
        %gather3A_525 = tpu.vector_load_idx %arg14[%add3A_504] : memref<128xf32, #tpu.memory_space<vmem>>[vector<16xi32>], vector<16xf32>,
        %gather3A_526 = tpu.vector_load_idx %arg15[%add3A_504] : memref<128xf32, #tpu.memory_space<vmem>>[vector<16xi32>], vector<16xf32>,
        %gather3A_527 = tpu.vector_load_idx %arg16[%add3A_504] : memref<128xf32, #tpu.memory_space<vmem>>[vector<16xi32>], vector<16xf32>,
        %max3A = arith.maximumf %gather3A_520, %gather3A : vector<16xf32>
        tpu.vector_store_idx %arg9[%add3A_504], %max3A : memref<128xf32, #tpu.memory_space<vmem>>[vector<16xi32>], vector<16xf32>,
        %max3A_528 = arith.maximumf %gather3A_521, %gather3A_507 : vector<16xf32>
        tpu.vector_store_idx %arg10[%add3A_504], %max3A_528 : memref<128xf32, #tpu.memory_space<vmem>>[vector<16xi32>], vector<16xf32>,
        %max3A_529 = arith.maximumf %gather3A_522, %gather3A_509 : vector<16xf32>
        tpu.vector_store_idx %arg11[%add3A_504], %max3A_529 : memref<128xf32, #tpu.memory_space<vmem>>[vector<16xi32>], vector<16xf32>,
        %max3A_530 = arith.maximumf %gather3A_523, %gather3A_511 : vector<16xf32>
        tpu.vector_store_idx %arg12[%add3A_504], %max3A_530 : memref<128xf32, #tpu.memory_space<vmem>>[vector<16xi32>], vector<16xf32>,
        %max3A_531 = arith.maximumf %gather3A_524, %gather3A_513 : vector<16xf32>
        tpu.vector_store_idx %arg13[%add3A_504], %max3A_531 : memref<128xf32, #tpu.memory_space<vmem>>[vector<16xi32>], vector<16xf32>,
        %max3A_532 = arith.maximumf %gather3A_525, %gather3A_515 : vector<16xf32>
        tpu.vector_store_idx %arg14[%add3A_504], %max3A_532 : memref<128xf32, #tpu.memory_space<vmem>>[vector<16xi32>], vector<16xf32>,
        %max3A_533 = arith.maximumf %gather3A_526, %gather3A_517 : vector<16xf32>
        tpu.vector_store_idx %arg15[%add3A_504], %max3A_533 : memref<128xf32, #tpu.memory_space<vmem>>[vector<16xi32>], vector<16xf32>,
        %max3A_534 = arith.maximumf %gather3A_527, %gather3A_519 : vector<16xf32>
        tpu.vector_store_idx %arg16[%add3A_504], %max3A_534 : memref<128xf32, #tpu.memory_space<vmem>>[vector<16xi32>], vector<16xf32>,
        %add3A_535 = arith.constant 1 : i32
        %add3A_536 = arith.addi %mul3A_493, %add3A_535 : i32
        %slice3A_537 = vector.extract_strided_slice %mul3A_500 {offsets = [1], sizes = [1], strides = [1]} : vector<16xi32> to vector<1xi32>
        %squeeze3A_538 = vector.extract %slice3A_537[0] : i32 from vector<1xi32>
        %broadcast_in_dim3A_539 = vector.broadcast %squeeze3A_538 : i32 to vector<16xi32>
        %add3A_540 = arith.addi %broadcast_in_dim3A_539, %iota3A : vector<16xi32>
        %broadcast_in_dim3A_541 = vector.broadcast %add3A_536 : i32 to vector<16xi32>
        %gather3A_542 = tpu.vector_load_idx %arg6[%broadcast_in_dim3A_541, %add3A_131] : memref<400x128xf32, #tpu.memory_space<vmem>>[vector<16xi32>, vector<16xi32>], vector<16xf32>,
        %broadcast_in_dim3A_543 = vector.broadcast %add3A_536 : i32 to vector<16xi32>
        %gather3A_544 = tpu.vector_load_idx %arg6[%broadcast_in_dim3A_543, %add3A_134] : memref<400x128xf32, #tpu.memory_space<vmem>>[vector<16xi32>, vector<16xi32>], vector<16xf32>,
        %broadcast_in_dim3A_545 = vector.broadcast %add3A_536 : i32 to vector<16xi32>
        %gather3A_546 = tpu.vector_load_idx %arg6[%broadcast_in_dim3A_545, %add3A_137] : memref<400x128xf32, #tpu.memory_space<vmem>>[vector<16xi32>, vector<16xi32>], vector<16xf32>,
        %broadcast_in_dim3A_547 = vector.broadcast %add3A_536 : i32 to vector<16xi32>
        %gather3A_548 = tpu.vector_load_idx %arg6[%broadcast_in_dim3A_547, %add3A_140] : memref<400x128xf32, #tpu.memory_space<vmem>>[vector<16xi32>, vector<16xi32>], vector<16xf32>,
        %broadcast_in_dim3A_549 = vector.broadcast %add3A_536 : i32 to vector<16xi32>
        %gather3A_550 = tpu.vector_load_idx %arg6[%broadcast_in_dim3A_549, %add3A_143] : memref<400x128xf32, #tpu.memory_space<vmem>>[vector<16xi32>, vector<16xi32>], vector<16xf32>,
        %broadcast_in_dim3A_551 = vector.broadcast %add3A_536 : i32 to vector<16xi32>
        %gather3A_552 = tpu.vector_load_idx %arg6[%broadcast_in_dim3A_551, %add3A_146] : memref<400x128xf32, #tpu.memory_space<vmem>>[vector<16xi32>, vector<16xi32>], vector<16xf32>,
        %broadcast_in_dim3A_553 = vector.broadcast %add3A_536 : i32 to vector<16xi32>
        %gather3A_554 = tpu.vector_load_idx %arg6[%broadcast_in_dim3A_553, %add3A_149] : memref<400x128xf32, #tpu.memory_space<vmem>>[vector<16xi32>, vector<16xi32>], vector<16xf32>,
        %broadcast_in_dim3A_555 = vector.broadcast %add3A_536 : i32 to vector<16xi32>
        %gather3A_556 = tpu.vector_load_idx %arg6[%broadcast_in_dim3A_555, %add3A_152] : memref<400x128xf32, #tpu.memory_space<vmem>>[vector<16xi32>, vector<16xi32>], vector<16xf32>,
        %gather3A_557 = tpu.vector_load_idx %arg9[%add3A_540] : memref<128xf32, #tpu.memory_space<vmem>>[vector<16xi32>], vector<16xf32>,
        %gather3A_558 = tpu.vector_load_idx %arg10[%add3A_540] : memref<128xf32, #tpu.memory_space<vmem>>[vector<16xi32>], vector<16xf32>,
        %gather3A_559 = tpu.vector_load_idx %arg11[%add3A_540] : memref<128xf32, #tpu.memory_space<vmem>>[vector<16xi32>], vector<16xf32>,
        %gather3A_560 = tpu.vector_load_idx %arg12[%add3A_540] : memref<128xf32, #tpu.memory_space<vmem>>[vector<16xi32>], vector<16xf32>,
        %gather3A_561 = tpu.vector_load_idx %arg13[%add3A_540] : memref<128xf32, #tpu.memory_space<vmem>>[vector<16xi32>], vector<16xf32>,
        %gather3A_562 = tpu.vector_load_idx %arg14[%add3A_540] : memref<128xf32, #tpu.memory_space<vmem>>[vector<16xi32>], vector<16xf32>,
        %gather3A_563 = tpu.vector_load_idx %arg15[%add3A_540] : memref<128xf32, #tpu.memory_space<vmem>>[vector<16xi32>], vector<16xf32>,
        %gather3A_564 = tpu.vector_load_idx %arg16[%add3A_540] : memref<128xf32, #tpu.memory_space<vmem>>[vector<16xi32>], vector<16xf32>,
        %max3A_565 = arith.maximumf %gather3A_557, %gather3A_542 : vector<16xf32>
        tpu.vector_store_idx %arg9[%add3A_540], %max3A_565 : memref<128xf32, #tpu.memory_space<vmem>>[vector<16xi32>], vector<16xf32>,
        %max3A_566 = arith.maximumf %gather3A_558, %gather3A_544 : vector<16xf32>
        tpu.vector_store_idx %arg10[%add3A_540], %max3A_566 : memref<128xf32, #tpu.memory_space<vmem>>[vector<16xi32>], vector<16xf32>,
        %max3A_567 = arith.maximumf %gather3A_559, %gather3A_546 : vector<16xf32>
        tpu.vector_store_idx %arg11[%add3A_540], %max3A_567 : memref<128xf32, #tpu.memory_space<vmem>>[vector<16xi32>], vector<16xf32>,
        %max3A_568 = arith.maximumf %gather3A_560, %gather3A_548 : vector<16xf32>
        tpu.vector_store_idx %arg12[%add3A_540], %max3A_568 : memref<128xf32, #tpu.memory_space<vmem>>[vector<16xi32>], vector<16xf32>,
        %max3A_569 = arith.maximumf %gather3A_561, %gather3A_550 : vector<16xf32>
        tpu.vector_store_idx %arg13[%add3A_540], %max3A_569 : memref<128xf32, #tpu.memory_space<vmem>>[vector<16xi32>], vector<16xf32>,
        %max3A_570 = arith.maximumf %gather3A_562, %gather3A_552 : vector<16xf32>
        tpu.vector_store_idx %arg14[%add3A_540], %max3A_570 : memref<128xf32, #tpu.memory_space<vmem>>[vector<16xi32>], vector<16xf32>,
        %max3A_571 = arith.maximumf %gather3A_563, %gather3A_554 : vector<16xf32>
        tpu.vector_store_idx %arg15[%add3A_540], %max3A_571 : memref<128xf32, #tpu.memory_space<vmem>>[vector<16xi32>], vector<16xf32>,
        %max3A_572 = arith.maximumf %gather3A_564, %gather3A_556 : vector<16xf32>
        tpu.vector_store_idx %arg16[%add3A_540], %max3A_572 : memref<128xf32, #tpu.memory_space<vmem>>[vector<16xi32>], vector<16xf32>,
        %add3A_573 = arith.constant 2 : i32
        %add3A_574 = arith.addi %mul3A_493, %add3A_573 : i32
        %slice3A_575 = vector.extract_strided_slice %mul3A_500 {offsets = [2], sizes = [1], strides = [1]} : vector<16xi32> to vector<1xi32>
        %squeeze3A_576 = vector.extract %slice3A_575[0] : i32 from vector<1xi32>
        %broadcast_in_dim3A_577 = vector.broadcast %squeeze3A_576 : i32 to vector<16xi32>
        %add3A_578 = arith.addi %broadcast_in_dim3A_577, %iota3A : vector<16xi32>
        %broadcast_in_dim3A_579 = vector.broadcast %add3A_574 : i32 to vector<16xi32>
        %gather3A_580 = tpu.vector_load_idx %arg6[%broadcast_in_dim3A_579, %add3A_131] : memref<400x128xf32, #tpu.memory_space<vmem>>[vector<16xi32>, vector<16xi32>], vector<16xf32>,
        %broadcast_in_dim3A_581 = vector.broadcast %add3A_574 : i32 to vector<16xi32>
        %gather3A_582 = tpu.vector_load_idx %arg6[%broadcast_in_dim3A_581, %add3A_134] : memref<400x128xf32, #tpu.memory_space<vmem>>[vector<16xi32>, vector<16xi32>], vector<16xf32>,
        %broadcast_in_dim3A_583 = vector.broadcast %add3A_574 : i32 to vector<16xi32>
        %gather3A_584 = tpu.vector_load_idx %arg6[%broadcast_in_dim3A_583, %add3A_137] : memref<400x128xf32, #tpu.memory_space<vmem>>[vector<16xi32>, vector<16xi32>], vector<16xf32>,
        %broadcast_in_dim3A_585 = vector.broadcast %add3A_574 : i32 to vector<16xi32>
        %gather3A_586 = tpu.vector_load_idx %arg6[%broadcast_in_dim3A_585, %add3A_140] : memref<400x128xf32, #tpu.memory_space<vmem>>[vector<16xi32>, vector<16xi32>], vector<16xf32>,
        %broadcast_in_dim3A_587 = vector.broadcast %add3A_574 : i32 to vector<16xi32>
        %gather3A_588 = tpu.vector_load_idx %arg6[%broadcast_in_dim3A_587, %add3A_143] : memref<400x128xf32, #tpu.memory_space<vmem>>[vector<16xi32>, vector<16xi32>], vector<16xf32>,
        %broadcast_in_dim3A_589 = vector.broadcast %add3A_574 : i32 to vector<16xi32>
        %gather3A_590 = tpu.vector_load_idx %arg6[%broadcast_in_dim3A_589, %add3A_146] : memref<400x128xf32, #tpu.memory_space<vmem>>[vector<16xi32>, vector<16xi32>], vector<16xf32>,
        %broadcast_in_dim3A_591 = vector.broadcast %add3A_574 : i32 to vector<16xi32>
        %gather3A_592 = tpu.vector_load_idx %arg6[%broadcast_in_dim3A_591, %add3A_149] : memref<400x128xf32, #tpu.memory_space<vmem>>[vector<16xi32>, vector<16xi32>], vector<16xf32>,
        %broadcast_in_dim3A_593 = vector.broadcast %add3A_574 : i32 to vector<16xi32>
        %gather3A_594 = tpu.vector_load_idx %arg6[%broadcast_in_dim3A_593, %add3A_152] : memref<400x128xf32, #tpu.memory_space<vmem>>[vector<16xi32>, vector<16xi32>], vector<16xf32>,
        %gather3A_595 = tpu.vector_load_idx %arg9[%add3A_578] : memref<128xf32, #tpu.memory_space<vmem>>[vector<16xi32>], vector<16xf32>,
        %gather3A_596 = tpu.vector_load_idx %arg10[%add3A_578] : memref<128xf32, #tpu.memory_space<vmem>>[vector<16xi32>], vector<16xf32>,
        %gather3A_597 = tpu.vector_load_idx %arg11[%add3A_578] : memref<128xf32, #tpu.memory_space<vmem>>[vector<16xi32>], vector<16xf32>,
        %gather3A_598 = tpu.vector_load_idx %arg12[%add3A_578] : memref<128xf32, #tpu.memory_space<vmem>>[vector<16xi32>], vector<16xf32>,
        %gather3A_599 = tpu.vector_load_idx %arg13[%add3A_578] : memref<128xf32, #tpu.memory_space<vmem>>[vector<16xi32>], vector<16xf32>,
        %gather3A_600 = tpu.vector_load_idx %arg14[%add3A_578] : memref<128xf32, #tpu.memory_space<vmem>>[vector<16xi32>], vector<16xf32>,
        %gather3A_601 = tpu.vector_load_idx %arg15[%add3A_578] : memref<128xf32, #tpu.memory_space<vmem>>[vector<16xi32>], vector<16xf32>,
        %gather3A_602 = tpu.vector_load_idx %arg16[%add3A_578] : memref<128xf32, #tpu.memory_space<vmem>>[vector<16xi32>], vector<16xf32>,
        %max3A_603 = arith.maximumf %gather3A_595, %gather3A_580 : vector<16xf32>
        tpu.vector_store_idx %arg9[%add3A_578], %max3A_603 : memref<128xf32, #tpu.memory_space<vmem>>[vector<16xi32>], vector<16xf32>,
        %max3A_604 = arith.maximumf %gather3A_596, %gather3A_582 : vector<16xf32>
        tpu.vector_store_idx %arg10[%add3A_578], %max3A_604 : memref<128xf32, #tpu.memory_space<vmem>>[vector<16xi32>], vector<16xf32>,
        %max3A_605 = arith.maximumf %gather3A_597, %gather3A_584 : vector<16xf32>
        tpu.vector_store_idx %arg11[%add3A_578], %max3A_605 : memref<128xf32, #tpu.memory_space<vmem>>[vector<16xi32>], vector<16xf32>,
        %max3A_606 = arith.maximumf %gather3A_598, %gather3A_586 : vector<16xf32>
        tpu.vector_store_idx %arg12[%add3A_578], %max3A_606 : memref<128xf32, #tpu.memory_space<vmem>>[vector<16xi32>], vector<16xf32>,
        %max3A_607 = arith.maximumf %gather3A_599, %gather3A_588 : vector<16xf32>
        tpu.vector_store_idx %arg13[%add3A_578], %max3A_607 : memref<128xf32, #tpu.memory_space<vmem>>[vector<16xi32>], vector<16xf32>,
        %max3A_608 = arith.maximumf %gather3A_600, %gather3A_590 : vector<16xf32>
        tpu.vector_store_idx %arg14[%add3A_578], %max3A_608 : memref<128xf32, #tpu.memory_space<vmem>>[vector<16xi32>], vector<16xf32>,
        %max3A_609 = arith.maximumf %gather3A_601, %gather3A_592 : vector<16xf32>
        tpu.vector_store_idx %arg15[%add3A_578], %max3A_609 : memref<128xf32, #tpu.memory_space<vmem>>[vector<16xi32>], vector<16xf32>,
        %max3A_610 = arith.maximumf %gather3A_602, %gather3A_594 : vector<16xf32>
        tpu.vector_store_idx %arg16[%add3A_578], %max3A_610 : memref<128xf32, #tpu.memory_space<vmem>>[vector<16xi32>], vector<16xf32>,
        %add3A_611 = arith.constant 3 : i32
        %add3A_612 = arith.addi %mul3A_493, %add3A_611 : i32
        %slice3A_613 = vector.extract_strided_slice %mul3A_500 {offsets = [3], sizes = [1], strides = [1]} : vector<16xi32> to vector<1xi32>
        %squeeze3A_614 = vector.extract %slice3A_613[0] : i32 from vector<1xi32>
        %broadcast_in_dim3A_615 = vector.broadcast %squeeze3A_614 : i32 to vector<16xi32>
        %add3A_616 = arith.addi %broadcast_in_dim3A_615, %iota3A : vector<16xi32>
        %broadcast_in_dim3A_617 = vector.broadcast %add3A_612 : i32 to vector<16xi32>
        %gather3A_618 = tpu.vector_load_idx %arg6[%broadcast_in_dim3A_617, %add3A_131] : memref<400x128xf32, #tpu.memory_space<vmem>>[vector<16xi32>, vector<16xi32>], vector<16xf32>,
        %broadcast_in_dim3A_619 = vector.broadcast %add3A_612 : i32 to vector<16xi32>
        %gather3A_620 = tpu.vector_load_idx %arg6[%broadcast_in_dim3A_619, %add3A_134] : memref<400x128xf32, #tpu.memory_space<vmem>>[vector<16xi32>, vector<16xi32>], vector<16xf32>,
        %broadcast_in_dim3A_621 = vector.broadcast %add3A_612 : i32 to vector<16xi32>
        %gather3A_622 = tpu.vector_load_idx %arg6[%broadcast_in_dim3A_621, %add3A_137] : memref<400x128xf32, #tpu.memory_space<vmem>>[vector<16xi32>, vector<16xi32>], vector<16xf32>,
        %broadcast_in_dim3A_623 = vector.broadcast %add3A_612 : i32 to vector<16xi32>
        %gather3A_624 = tpu.vector_load_idx %arg6[%broadcast_in_dim3A_623, %add3A_140] : memref<400x128xf32, #tpu.memory_space<vmem>>[vector<16xi32>, vector<16xi32>], vector<16xf32>,
        %broadcast_in_dim3A_625 = vector.broadcast %add3A_612 : i32 to vector<16xi32>
        %gather3A_626 = tpu.vector_load_idx %arg6[%broadcast_in_dim3A_625, %add3A_143] : memref<400x128xf32, #tpu.memory_space<vmem>>[vector<16xi32>, vector<16xi32>], vector<16xf32>,
        %broadcast_in_dim3A_627 = vector.broadcast %add3A_612 : i32 to vector<16xi32>
        %gather3A_628 = tpu.vector_load_idx %arg6[%broadcast_in_dim3A_627, %add3A_146] : memref<400x128xf32, #tpu.memory_space<vmem>>[vector<16xi32>, vector<16xi32>], vector<16xf32>,
        %broadcast_in_dim3A_629 = vector.broadcast %add3A_612 : i32 to vector<16xi32>
        %gather3A_630 = tpu.vector_load_idx %arg6[%broadcast_in_dim3A_629, %add3A_149] : memref<400x128xf32, #tpu.memory_space<vmem>>[vector<16xi32>, vector<16xi32>], vector<16xf32>,
        %broadcast_in_dim3A_631 = vector.broadcast %add3A_612 : i32 to vector<16xi32>
        %gather3A_632 = tpu.vector_load_idx %arg6[%broadcast_in_dim3A_631, %add3A_152] : memref<400x128xf32, #tpu.memory_space<vmem>>[vector<16xi32>, vector<16xi32>], vector<16xf32>,
        %gather3A_633 = tpu.vector_load_idx %arg9[%add3A_616] : memref<128xf32, #tpu.memory_space<vmem>>[vector<16xi32>], vector<16xf32>,
        %gather3A_634 = tpu.vector_load_idx %arg10[%add3A_616] : memref<128xf32, #tpu.memory_space<vmem>>[vector<16xi32>], vector<16xf32>,
        %gather3A_635 = tpu.vector_load_idx %arg11[%add3A_616] : memref<128xf32, #tpu.memory_space<vmem>>[vector<16xi32>], vector<16xf32>,
        %gather3A_636 = tpu.vector_load_idx %arg12[%add3A_616] : memref<128xf32, #tpu.memory_space<vmem>>[vector<16xi32>], vector<16xf32>,
        %gather3A_637 = tpu.vector_load_idx %arg13[%add3A_616] : memref<128xf32, #tpu.memory_space<vmem>>[vector<16xi32>], vector<16xf32>,
        %gather3A_638 = tpu.vector_load_idx %arg14[%add3A_616] : memref<128xf32, #tpu.memory_space<vmem>>[vector<16xi32>], vector<16xf32>,
        %gather3A_639 = tpu.vector_load_idx %arg15[%add3A_616] : memref<128xf32, #tpu.memory_space<vmem>>[vector<16xi32>], vector<16xf32>,
        %gather3A_640 = tpu.vector_load_idx %arg16[%add3A_616] : memref<128xf32, #tpu.memory_space<vmem>>[vector<16xi32>], vector<16xf32>,
        %max3A_641 = arith.maximumf %gather3A_633, %gather3A_618 : vector<16xf32>
        tpu.vector_store_idx %arg9[%add3A_616], %max3A_641 : memref<128xf32, #tpu.memory_space<vmem>>[vector<16xi32>], vector<16xf32>,
        %max3A_642 = arith.maximumf %gather3A_634, %gather3A_620 : vector<16xf32>
        tpu.vector_store_idx %arg10[%add3A_616], %max3A_642 : memref<128xf32, #tpu.memory_space<vmem>>[vector<16xi32>], vector<16xf32>,
        %max3A_643 = arith.maximumf %gather3A_635, %gather3A_622 : vector<16xf32>
        tpu.vector_store_idx %arg11[%add3A_616], %max3A_643 : memref<128xf32, #tpu.memory_space<vmem>>[vector<16xi32>], vector<16xf32>,
        %max3A_644 = arith.maximumf %gather3A_636, %gather3A_624 : vector<16xf32>
        tpu.vector_store_idx %arg12[%add3A_616], %max3A_644 : memref<128xf32, #tpu.memory_space<vmem>>[vector<16xi32>], vector<16xf32>,
        %max3A_645 = arith.maximumf %gather3A_637, %gather3A_626 : vector<16xf32>
        tpu.vector_store_idx %arg13[%add3A_616], %max3A_645 : memref<128xf32, #tpu.memory_space<vmem>>[vector<16xi32>], vector<16xf32>,
        %max3A_646 = arith.maximumf %gather3A_638, %gather3A_628 : vector<16xf32>
        tpu.vector_store_idx %arg14[%add3A_616], %max3A_646 : memref<128xf32, #tpu.memory_space<vmem>>[vector<16xi32>], vector<16xf32>,
        %max3A_647 = arith.maximumf %gather3A_639, %gather3A_630 : vector<16xf32>
        tpu.vector_store_idx %arg15[%add3A_616], %max3A_647 : memref<128xf32, #tpu.memory_space<vmem>>[vector<16xi32>], vector<16xf32>,
        %max3A_648 = arith.maximumf %gather3A_640, %gather3A_632 : vector<16xf32>
        tpu.vector_store_idx %arg16[%add3A_616], %max3A_648 : memref<128xf32, #tpu.memory_space<vmem>>[vector<16xi32>], vector<16xf32>,
        %add3A_649 = arith.constant 4 : i32
        %add3A_650 = arith.addi %mul3A_493, %add3A_649 : i32
        %slice3A_651 = vector.extract_strided_slice %mul3A_500 {offsets = [4], sizes = [1], strides = [1]} : vector<16xi32> to vector<1xi32>
        %squeeze3A_652 = vector.extract %slice3A_651[0] : i32 from vector<1xi32>
        %broadcast_in_dim3A_653 = vector.broadcast %squeeze3A_652 : i32 to vector<16xi32>
        %add3A_654 = arith.addi %broadcast_in_dim3A_653, %iota3A : vector<16xi32>
        %broadcast_in_dim3A_655 = vector.broadcast %add3A_650 : i32 to vector<16xi32>
        %gather3A_656 = tpu.vector_load_idx %arg6[%broadcast_in_dim3A_655, %add3A_131] : memref<400x128xf32, #tpu.memory_space<vmem>>[vector<16xi32>, vector<16xi32>], vector<16xf32>,
        %broadcast_in_dim3A_657 = vector.broadcast %add3A_650 : i32 to vector<16xi32>
        %gather3A_658 = tpu.vector_load_idx %arg6[%broadcast_in_dim3A_657, %add3A_134] : memref<400x128xf32, #tpu.memory_space<vmem>>[vector<16xi32>, vector<16xi32>], vector<16xf32>,
        %broadcast_in_dim3A_659 = vector.broadcast %add3A_650 : i32 to vector<16xi32>
        %gather3A_660 = tpu.vector_load_idx %arg6[%broadcast_in_dim3A_659, %add3A_137] : memref<400x128xf32, #tpu.memory_space<vmem>>[vector<16xi32>, vector<16xi32>], vector<16xf32>,
        %broadcast_in_dim3A_661 = vector.broadcast %add3A_650 : i32 to vector<16xi32>
        %gather3A_662 = tpu.vector_load_idx %arg6[%broadcast_in_dim3A_661, %add3A_140] : memref<400x128xf32, #tpu.memory_space<vmem>>[vector<16xi32>, vector<16xi32>], vector<16xf32>,
        %broadcast_in_dim3A_663 = vector.broadcast %add3A_650 : i32 to vector<16xi32>
        %gather3A_664 = tpu.vector_load_idx %arg6[%broadcast_in_dim3A_663, %add3A_143] : memref<400x128xf32, #tpu.memory_space<vmem>>[vector<16xi32>, vector<16xi32>], vector<16xf32>,
        %broadcast_in_dim3A_665 = vector.broadcast %add3A_650 : i32 to vector<16xi32>
        %gather3A_666 = tpu.vector_load_idx %arg6[%broadcast_in_dim3A_665, %add3A_146] : memref<400x128xf32, #tpu.memory_space<vmem>>[vector<16xi32>, vector<16xi32>], vector<16xf32>,
        %broadcast_in_dim3A_667 = vector.broadcast %add3A_650 : i32 to vector<16xi32>
        %gather3A_668 = tpu.vector_load_idx %arg6[%broadcast_in_dim3A_667, %add3A_149] : memref<400x128xf32, #tpu.memory_space<vmem>>[vector<16xi32>, vector<16xi32>], vector<16xf32>,
        %broadcast_in_dim3A_669 = vector.broadcast %add3A_650 : i32 to vector<16xi32>
        %gather3A_670 = tpu.vector_load_idx %arg6[%broadcast_in_dim3A_669, %add3A_152] : memref<400x128xf32, #tpu.memory_space<vmem>>[vector<16xi32>, vector<16xi32>], vector<16xf32>,
        %gather3A_671 = tpu.vector_load_idx %arg9[%add3A_654] : memref<128xf32, #tpu.memory_space<vmem>>[vector<16xi32>], vector<16xf32>,
        %gather3A_672 = tpu.vector_load_idx %arg10[%add3A_654] : memref<128xf32, #tpu.memory_space<vmem>>[vector<16xi32>], vector<16xf32>,
        %gather3A_673 = tpu.vector_load_idx %arg11[%add3A_654] : memref<128xf32, #tpu.memory_space<vmem>>[vector<16xi32>], vector<16xf32>,
        %gather3A_674 = tpu.vector_load_idx %arg12[%add3A_654] : memref<128xf32, #tpu.memory_space<vmem>>[vector<16xi32>], vector<16xf32>,
        %gather3A_675 = tpu.vector_load_idx %arg13[%add3A_654] : memref<128xf32, #tpu.memory_space<vmem>>[vector<16xi32>], vector<16xf32>,
        %gather3A_676 = tpu.vector_load_idx %arg14[%add3A_654] : memref<128xf32, #tpu.memory_space<vmem>>[vector<16xi32>], vector<16xf32>,
        %gather3A_677 = tpu.vector_load_idx %arg15[%add3A_654] : memref<128xf32, #tpu.memory_space<vmem>>[vector<16xi32>], vector<16xf32>,
        %gather3A_678 = tpu.vector_load_idx %arg16[%add3A_654] : memref<128xf32, #tpu.memory_space<vmem>>[vector<16xi32>], vector<16xf32>,
        %max3A_679 = arith.maximumf %gather3A_671, %gather3A_656 : vector<16xf32>
        tpu.vector_store_idx %arg9[%add3A_654], %max3A_679 : memref<128xf32, #tpu.memory_space<vmem>>[vector<16xi32>], vector<16xf32>,
        %max3A_680 = arith.maximumf %gather3A_672, %gather3A_658 : vector<16xf32>
        tpu.vector_store_idx %arg10[%add3A_654], %max3A_680 : memref<128xf32, #tpu.memory_space<vmem>>[vector<16xi32>], vector<16xf32>,
        %max3A_681 = arith.maximumf %gather3A_673, %gather3A_660 : vector<16xf32>
        tpu.vector_store_idx %arg11[%add3A_654], %max3A_681 : memref<128xf32, #tpu.memory_space<vmem>>[vector<16xi32>], vector<16xf32>,
        %max3A_682 = arith.maximumf %gather3A_674, %gather3A_662 : vector<16xf32>
        tpu.vector_store_idx %arg12[%add3A_654], %max3A_682 : memref<128xf32, #tpu.memory_space<vmem>>[vector<16xi32>], vector<16xf32>,
        %max3A_683 = arith.maximumf %gather3A_675, %gather3A_664 : vector<16xf32>
        tpu.vector_store_idx %arg13[%add3A_654], %max3A_683 : memref<128xf32, #tpu.memory_space<vmem>>[vector<16xi32>], vector<16xf32>,
        %max3A_684 = arith.maximumf %gather3A_676, %gather3A_666 : vector<16xf32>
        tpu.vector_store_idx %arg14[%add3A_654], %max3A_684 : memref<128xf32, #tpu.memory_space<vmem>>[vector<16xi32>], vector<16xf32>,
        %max3A_685 = arith.maximumf %gather3A_677, %gather3A_668 : vector<16xf32>
        tpu.vector_store_idx %arg15[%add3A_654], %max3A_685 : memref<128xf32, #tpu.memory_space<vmem>>[vector<16xi32>], vector<16xf32>,
        %max3A_686 = arith.maximumf %gather3A_678, %gather3A_670 : vector<16xf32>
        tpu.vector_store_idx %arg16[%add3A_654], %max3A_686 : memref<128xf32, #tpu.memory_space<vmem>>[vector<16xi32>], vector<16xf32>,
        %add3A_687 = arith.constant 5 : i32
        %add3A_688 = arith.addi %mul3A_493, %add3A_687 : i32
        %slice3A_689 = vector.extract_strided_slice %mul3A_500 {offsets = [5], sizes = [1], strides = [1]} : vector<16xi32> to vector<1xi32>
        %squeeze3A_690 = vector.extract %slice3A_689[0] : i32 from vector<1xi32>
        %broadcast_in_dim3A_691 = vector.broadcast %squeeze3A_690 : i32 to vector<16xi32>
        %add3A_692 = arith.addi %broadcast_in_dim3A_691, %iota3A : vector<16xi32>
        %broadcast_in_dim3A_693 = vector.broadcast %add3A_688 : i32 to vector<16xi32>
        %gather3A_694 = tpu.vector_load_idx %arg6[%broadcast_in_dim3A_693, %add3A_131] : memref<400x128xf32, #tpu.memory_space<vmem>>[vector<16xi32>, vector<16xi32>], vector<16xf32>,
        %broadcast_in_dim3A_695 = vector.broadcast %add3A_688 : i32 to vector<16xi32>
        %gather3A_696 = tpu.vector_load_idx %arg6[%broadcast_in_dim3A_695, %add3A_134] : memref<400x128xf32, #tpu.memory_space<vmem>>[vector<16xi32>, vector<16xi32>], vector<16xf32>,
        %broadcast_in_dim3A_697 = vector.broadcast %add3A_688 : i32 to vector<16xi32>
        %gather3A_698 = tpu.vector_load_idx %arg6[%broadcast_in_dim3A_697, %add3A_137] : memref<400x128xf32, #tpu.memory_space<vmem>>[vector<16xi32>, vector<16xi32>], vector<16xf32>,
        %broadcast_in_dim3A_699 = vector.broadcast %add3A_688 : i32 to vector<16xi32>
        %gather3A_700 = tpu.vector_load_idx %arg6[%broadcast_in_dim3A_699, %add3A_140] : memref<400x128xf32, #tpu.memory_space<vmem>>[vector<16xi32>, vector<16xi32>], vector<16xf32>,
        %broadcast_in_dim3A_701 = vector.broadcast %add3A_688 : i32 to vector<16xi32>
        %gather3A_702 = tpu.vector_load_idx %arg6[%broadcast_in_dim3A_701, %add3A_143] : memref<400x128xf32, #tpu.memory_space<vmem>>[vector<16xi32>, vector<16xi32>], vector<16xf32>,
        %broadcast_in_dim3A_703 = vector.broadcast %add3A_688 : i32 to vector<16xi32>
        %gather3A_704 = tpu.vector_load_idx %arg6[%broadcast_in_dim3A_703, %add3A_146] : memref<400x128xf32, #tpu.memory_space<vmem>>[vector<16xi32>, vector<16xi32>], vector<16xf32>,
        %broadcast_in_dim3A_705 = vector.broadcast %add3A_688 : i32 to vector<16xi32>
        %gather3A_706 = tpu.vector_load_idx %arg6[%broadcast_in_dim3A_705, %add3A_149] : memref<400x128xf32, #tpu.memory_space<vmem>>[vector<16xi32>, vector<16xi32>], vector<16xf32>,
        %broadcast_in_dim3A_707 = vector.broadcast %add3A_688 : i32 to vector<16xi32>
        %gather3A_708 = tpu.vector_load_idx %arg6[%broadcast_in_dim3A_707, %add3A_152] : memref<400x128xf32, #tpu.memory_space<vmem>>[vector<16xi32>, vector<16xi32>], vector<16xf32>,
        %gather3A_709 = tpu.vector_load_idx %arg9[%add3A_692] : memref<128xf32, #tpu.memory_space<vmem>>[vector<16xi32>], vector<16xf32>,
        %gather3A_710 = tpu.vector_load_idx %arg10[%add3A_692] : memref<128xf32, #tpu.memory_space<vmem>>[vector<16xi32>], vector<16xf32>,
        %gather3A_711 = tpu.vector_load_idx %arg11[%add3A_692] : memref<128xf32, #tpu.memory_space<vmem>>[vector<16xi32>], vector<16xf32>,
        %gather3A_712 = tpu.vector_load_idx %arg12[%add3A_692] : memref<128xf32, #tpu.memory_space<vmem>>[vector<16xi32>], vector<16xf32>,
        %gather3A_713 = tpu.vector_load_idx %arg13[%add3A_692] : memref<128xf32, #tpu.memory_space<vmem>>[vector<16xi32>], vector<16xf32>,
        %gather3A_714 = tpu.vector_load_idx %arg14[%add3A_692] : memref<128xf32, #tpu.memory_space<vmem>>[vector<16xi32>], vector<16xf32>,
        %gather3A_715 = tpu.vector_load_idx %arg15[%add3A_692] : memref<128xf32, #tpu.memory_space<vmem>>[vector<16xi32>], vector<16xf32>,
        %gather3A_716 = tpu.vector_load_idx %arg16[%add3A_692] : memref<128xf32, #tpu.memory_space<vmem>>[vector<16xi32>], vector<16xf32>,
        %max3A_717 = arith.maximumf %gather3A_709, %gather3A_694 : vector<16xf32>
        tpu.vector_store_idx %arg9[%add3A_692], %max3A_717 : memref<128xf32, #tpu.memory_space<vmem>>[vector<16xi32>], vector<16xf32>,
        %max3A_718 = arith.maximumf %gather3A_710, %gather3A_696 : vector<16xf32>
        tpu.vector_store_idx %arg10[%add3A_692], %max3A_718 : memref<128xf32, #tpu.memory_space<vmem>>[vector<16xi32>], vector<16xf32>,
        %max3A_719 = arith.maximumf %gather3A_711, %gather3A_698 : vector<16xf32>
        tpu.vector_store_idx %arg11[%add3A_692], %max3A_719 : memref<128xf32, #tpu.memory_space<vmem>>[vector<16xi32>], vector<16xf32>,
        %max3A_720 = arith.maximumf %gather3A_712, %gather3A_700 : vector<16xf32>
        tpu.vector_store_idx %arg12[%add3A_692], %max3A_720 : memref<128xf32, #tpu.memory_space<vmem>>[vector<16xi32>], vector<16xf32>,
        %max3A_721 = arith.maximumf %gather3A_713, %gather3A_702 : vector<16xf32>
        tpu.vector_store_idx %arg13[%add3A_692], %max3A_721 : memref<128xf32, #tpu.memory_space<vmem>>[vector<16xi32>], vector<16xf32>,
        %max3A_722 = arith.maximumf %gather3A_714, %gather3A_704 : vector<16xf32>
        tpu.vector_store_idx %arg14[%add3A_692], %max3A_722 : memref<128xf32, #tpu.memory_space<vmem>>[vector<16xi32>], vector<16xf32>,
        %max3A_723 = arith.maximumf %gather3A_715, %gather3A_706 : vector<16xf32>
        tpu.vector_store_idx %arg15[%add3A_692], %max3A_723 : memref<128xf32, #tpu.memory_space<vmem>>[vector<16xi32>], vector<16xf32>,
        %max3A_724 = arith.maximumf %gather3A_716, %gather3A_708 : vector<16xf32>
        tpu.vector_store_idx %arg16[%add3A_692], %max3A_724 : memref<128xf32, #tpu.memory_space<vmem>>[vector<16xi32>], vector<16xf32>,
        %add3A_725 = arith.constant 6 : i32
        %add3A_726 = arith.addi %mul3A_493, %add3A_725 : i32
        %slice3A_727 = vector.extract_strided_slice %mul3A_500 {offsets = [6], sizes = [1], strides = [1]} : vector<16xi32> to vector<1xi32>
        %squeeze3A_728 = vector.extract %slice3A_727[0] : i32 from vector<1xi32>
        %broadcast_in_dim3A_729 = vector.broadcast %squeeze3A_728 : i32 to vector<16xi32>
        %add3A_730 = arith.addi %broadcast_in_dim3A_729, %iota3A : vector<16xi32>
        %broadcast_in_dim3A_731 = vector.broadcast %add3A_726 : i32 to vector<16xi32>
        %gather3A_732 = tpu.vector_load_idx %arg6[%broadcast_in_dim3A_731, %add3A_131] : memref<400x128xf32, #tpu.memory_space<vmem>>[vector<16xi32>, vector<16xi32>], vector<16xf32>,
        %broadcast_in_dim3A_733 = vector.broadcast %add3A_726 : i32 to vector<16xi32>
        %gather3A_734 = tpu.vector_load_idx %arg6[%broadcast_in_dim3A_733, %add3A_134] : memref<400x128xf32, #tpu.memory_space<vmem>>[vector<16xi32>, vector<16xi32>], vector<16xf32>,
        %broadcast_in_dim3A_735 = vector.broadcast %add3A_726 : i32 to vector<16xi32>
        %gather3A_736 = tpu.vector_load_idx %arg6[%broadcast_in_dim3A_735, %add3A_137] : memref<400x128xf32, #tpu.memory_space<vmem>>[vector<16xi32>, vector<16xi32>], vector<16xf32>,
        %broadcast_in_dim3A_737 = vector.broadcast %add3A_726 : i32 to vector<16xi32>
        %gather3A_738 = tpu.vector_load_idx %arg6[%broadcast_in_dim3A_737, %add3A_140] : memref<400x128xf32, #tpu.memory_space<vmem>>[vector<16xi32>, vector<16xi32>], vector<16xf32>,
        %broadcast_in_dim3A_739 = vector.broadcast %add3A_726 : i32 to vector<16xi32>
        %gather3A_740 = tpu.vector_load_idx %arg6[%broadcast_in_dim3A_739, %add3A_143] : memref<400x128xf32, #tpu.memory_space<vmem>>[vector<16xi32>, vector<16xi32>], vector<16xf32>,
        %broadcast_in_dim3A_741 = vector.broadcast %add3A_726 : i32 to vector<16xi32>
        %gather3A_742 = tpu.vector_load_idx %arg6[%broadcast_in_dim3A_741, %add3A_146] : memref<400x128xf32, #tpu.memory_space<vmem>>[vector<16xi32>, vector<16xi32>], vector<16xf32>,
        %broadcast_in_dim3A_743 = vector.broadcast %add3A_726 : i32 to vector<16xi32>
        %gather3A_744 = tpu.vector_load_idx %arg6[%broadcast_in_dim3A_743, %add3A_149] : memref<400x128xf32, #tpu.memory_space<vmem>>[vector<16xi32>, vector<16xi32>], vector<16xf32>,
        %broadcast_in_dim3A_745 = vector.broadcast %add3A_726 : i32 to vector<16xi32>
        %gather3A_746 = tpu.vector_load_idx %arg6[%broadcast_in_dim3A_745, %add3A_152] : memref<400x128xf32, #tpu.memory_space<vmem>>[vector<16xi32>, vector<16xi32>], vector<16xf32>,
        %gather3A_747 = tpu.vector_load_idx %arg9[%add3A_730] : memref<128xf32, #tpu.memory_space<vmem>>[vector<16xi32>], vector<16xf32>,
        %gather3A_748 = tpu.vector_load_idx %arg10[%add3A_730] : memref<128xf32, #tpu.memory_space<vmem>>[vector<16xi32>], vector<16xf32>,
        %gather3A_749 = tpu.vector_load_idx %arg11[%add3A_730] : memref<128xf32, #tpu.memory_space<vmem>>[vector<16xi32>], vector<16xf32>,
        %gather3A_750 = tpu.vector_load_idx %arg12[%add3A_730] : memref<128xf32, #tpu.memory_space<vmem>>[vector<16xi32>], vector<16xf32>,
        %gather3A_751 = tpu.vector_load_idx %arg13[%add3A_730] : memref<128xf32, #tpu.memory_space<vmem>>[vector<16xi32>], vector<16xf32>,
        %gather3A_752 = tpu.vector_load_idx %arg14[%add3A_730] : memref<128xf32, #tpu.memory_space<vmem>>[vector<16xi32>], vector<16xf32>,
        %gather3A_753 = tpu.vector_load_idx %arg15[%add3A_730] : memref<128xf32, #tpu.memory_space<vmem>>[vector<16xi32>], vector<16xf32>,
        %gather3A_754 = tpu.vector_load_idx %arg16[%add3A_730] : memref<128xf32, #tpu.memory_space<vmem>>[vector<16xi32>], vector<16xf32>,
        %max3A_755 = arith.maximumf %gather3A_747, %gather3A_732 : vector<16xf32>
        tpu.vector_store_idx %arg9[%add3A_730], %max3A_755 : memref<128xf32, #tpu.memory_space<vmem>>[vector<16xi32>], vector<16xf32>,
        %max3A_756 = arith.maximumf %gather3A_748, %gather3A_734 : vector<16xf32>
        tpu.vector_store_idx %arg10[%add3A_730], %max3A_756 : memref<128xf32, #tpu.memory_space<vmem>>[vector<16xi32>], vector<16xf32>,
        %max3A_757 = arith.maximumf %gather3A_749, %gather3A_736 : vector<16xf32>
        tpu.vector_store_idx %arg11[%add3A_730], %max3A_757 : memref<128xf32, #tpu.memory_space<vmem>>[vector<16xi32>], vector<16xf32>,
        %max3A_758 = arith.maximumf %gather3A_750, %gather3A_738 : vector<16xf32>
        tpu.vector_store_idx %arg12[%add3A_730], %max3A_758 : memref<128xf32, #tpu.memory_space<vmem>>[vector<16xi32>], vector<16xf32>,
        %max3A_759 = arith.maximumf %gather3A_751, %gather3A_740 : vector<16xf32>
        tpu.vector_store_idx %arg13[%add3A_730], %max3A_759 : memref<128xf32, #tpu.memory_space<vmem>>[vector<16xi32>], vector<16xf32>,
        %max3A_760 = arith.maximumf %gather3A_752, %gather3A_742 : vector<16xf32>
        tpu.vector_store_idx %arg14[%add3A_730], %max3A_760 : memref<128xf32, #tpu.memory_space<vmem>>[vector<16xi32>], vector<16xf32>,
        %max3A_761 = arith.maximumf %gather3A_753, %gather3A_744 : vector<16xf32>
        tpu.vector_store_idx %arg15[%add3A_730], %max3A_761 : memref<128xf32, #tpu.memory_space<vmem>>[vector<16xi32>], vector<16xf32>,
        %max3A_762 = arith.maximumf %gather3A_754, %gather3A_746 : vector<16xf32>
        tpu.vector_store_idx %arg16[%add3A_730], %max3A_762 : memref<128xf32, #tpu.memory_space<vmem>>[vector<16xi32>], vector<16xf32>,
        %add3A_763 = arith.constant 7 : i32
        %add3A_764 = arith.addi %mul3A_493, %add3A_763 : i32
        %slice3A_765 = vector.extract_strided_slice %mul3A_500 {offsets = [7], sizes = [1], strides = [1]} : vector<16xi32> to vector<1xi32>
        %squeeze3A_766 = vector.extract %slice3A_765[0] : i32 from vector<1xi32>
        %broadcast_in_dim3A_767 = vector.broadcast %squeeze3A_766 : i32 to vector<16xi32>
        %add3A_768 = arith.addi %broadcast_in_dim3A_767, %iota3A : vector<16xi32>
        %broadcast_in_dim3A_769 = vector.broadcast %add3A_764 : i32 to vector<16xi32>
        %gather3A_770 = tpu.vector_load_idx %arg6[%broadcast_in_dim3A_769, %add3A_131] : memref<400x128xf32, #tpu.memory_space<vmem>>[vector<16xi32>, vector<16xi32>], vector<16xf32>,
        %broadcast_in_dim3A_771 = vector.broadcast %add3A_764 : i32 to vector<16xi32>
        %gather3A_772 = tpu.vector_load_idx %arg6[%broadcast_in_dim3A_771, %add3A_134] : memref<400x128xf32, #tpu.memory_space<vmem>>[vector<16xi32>, vector<16xi32>], vector<16xf32>,
        %broadcast_in_dim3A_773 = vector.broadcast %add3A_764 : i32 to vector<16xi32>
        %gather3A_774 = tpu.vector_load_idx %arg6[%broadcast_in_dim3A_773, %add3A_137] : memref<400x128xf32, #tpu.memory_space<vmem>>[vector<16xi32>, vector<16xi32>], vector<16xf32>,
        %broadcast_in_dim3A_775 = vector.broadcast %add3A_764 : i32 to vector<16xi32>
        %gather3A_776 = tpu.vector_load_idx %arg6[%broadcast_in_dim3A_775, %add3A_140] : memref<400x128xf32, #tpu.memory_space<vmem>>[vector<16xi32>, vector<16xi32>], vector<16xf32>,
        %broadcast_in_dim3A_777 = vector.broadcast %add3A_764 : i32 to vector<16xi32>
        %gather3A_778 = tpu.vector_load_idx %arg6[%broadcast_in_dim3A_777, %add3A_143] : memref<400x128xf32, #tpu.memory_space<vmem>>[vector<16xi32>, vector<16xi32>], vector<16xf32>,
        %broadcast_in_dim3A_779 = vector.broadcast %add3A_764 : i32 to vector<16xi32>
        %gather3A_780 = tpu.vector_load_idx %arg6[%broadcast_in_dim3A_779, %add3A_146] : memref<400x128xf32, #tpu.memory_space<vmem>>[vector<16xi32>, vector<16xi32>], vector<16xf32>,
        %broadcast_in_dim3A_781 = vector.broadcast %add3A_764 : i32 to vector<16xi32>
        %gather3A_782 = tpu.vector_load_idx %arg6[%broadcast_in_dim3A_781, %add3A_149] : memref<400x128xf32, #tpu.memory_space<vmem>>[vector<16xi32>, vector<16xi32>], vector<16xf32>,
        %broadcast_in_dim3A_783 = vector.broadcast %add3A_764 : i32 to vector<16xi32>
        %gather3A_784 = tpu.vector_load_idx %arg6[%broadcast_in_dim3A_783, %add3A_152] : memref<400x128xf32, #tpu.memory_space<vmem>>[vector<16xi32>, vector<16xi32>], vector<16xf32>,
        %gather3A_785 = tpu.vector_load_idx %arg9[%add3A_768] : memref<128xf32, #tpu.memory_space<vmem>>[vector<16xi32>], vector<16xf32>,
        %gather3A_786 = tpu.vector_load_idx %arg10[%add3A_768] : memref<128xf32, #tpu.memory_space<vmem>>[vector<16xi32>], vector<16xf32>,
        %gather3A_787 = tpu.vector_load_idx %arg11[%add3A_768] : memref<128xf32, #tpu.memory_space<vmem>>[vector<16xi32>], vector<16xf32>,
        %gather3A_788 = tpu.vector_load_idx %arg12[%add3A_768] : memref<128xf32, #tpu.memory_space<vmem>>[vector<16xi32>], vector<16xf32>,
        %gather3A_789 = tpu.vector_load_idx %arg13[%add3A_768] : memref<128xf32, #tpu.memory_space<vmem>>[vector<16xi32>], vector<16xf32>,
        %gather3A_790 = tpu.vector_load_idx %arg14[%add3A_768] : memref<128xf32, #tpu.memory_space<vmem>>[vector<16xi32>], vector<16xf32>,
        %gather3A_791 = tpu.vector_load_idx %arg15[%add3A_768] : memref<128xf32, #tpu.memory_space<vmem>>[vector<16xi32>], vector<16xf32>,
        %gather3A_792 = tpu.vector_load_idx %arg16[%add3A_768] : memref<128xf32, #tpu.memory_space<vmem>>[vector<16xi32>], vector<16xf32>,
        %max3A_793 = arith.maximumf %gather3A_785, %gather3A_770 : vector<16xf32>
        tpu.vector_store_idx %arg9[%add3A_768], %max3A_793 : memref<128xf32, #tpu.memory_space<vmem>>[vector<16xi32>], vector<16xf32>,
        %max3A_794 = arith.maximumf %gather3A_786, %gather3A_772 : vector<16xf32>
        tpu.vector_store_idx %arg10[%add3A_768], %max3A_794 : memref<128xf32, #tpu.memory_space<vmem>>[vector<16xi32>], vector<16xf32>,
        %max3A_795 = arith.maximumf %gather3A_787, %gather3A_774 : vector<16xf32>
        tpu.vector_store_idx %arg11[%add3A_768], %max3A_795 : memref<128xf32, #tpu.memory_space<vmem>>[vector<16xi32>], vector<16xf32>,
        %max3A_796 = arith.maximumf %gather3A_788, %gather3A_776 : vector<16xf32>
        tpu.vector_store_idx %arg12[%add3A_768], %max3A_796 : memref<128xf32, #tpu.memory_space<vmem>>[vector<16xi32>], vector<16xf32>,
        %max3A_797 = arith.maximumf %gather3A_789, %gather3A_778 : vector<16xf32>
        tpu.vector_store_idx %arg13[%add3A_768], %max3A_797 : memref<128xf32, #tpu.memory_space<vmem>>[vector<16xi32>], vector<16xf32>,
        %max3A_798 = arith.maximumf %gather3A_790, %gather3A_780 : vector<16xf32>
        tpu.vector_store_idx %arg14[%add3A_768], %max3A_798 : memref<128xf32, #tpu.memory_space<vmem>>[vector<16xi32>], vector<16xf32>,
        %max3A_799 = arith.maximumf %gather3A_791, %gather3A_782 : vector<16xf32>
        tpu.vector_store_idx %arg15[%add3A_768], %max3A_799 : memref<128xf32, #tpu.memory_space<vmem>>[vector<16xi32>], vector<16xf32>,
        %max3A_800 = arith.maximumf %gather3A_792, %gather3A_784 : vector<16xf32>
        tpu.vector_store_idx %arg16[%add3A_768], %max3A_800 : memref<128xf32, #tpu.memory_space<vmem>>[vector<16xi32>], vector<16xf32>,
        %add3A_801 = arith.constant 8 : i32
        %add3A_802 = arith.addi %mul3A_493, %add3A_801 : i32
        %slice3A_803 = vector.extract_strided_slice %mul3A_500 {offsets = [8], sizes = [1], strides = [1]} : vector<16xi32> to vector<1xi32>
        %squeeze3A_804 = vector.extract %slice3A_803[0] : i32 from vector<1xi32>
        %broadcast_in_dim3A_805 = vector.broadcast %squeeze3A_804 : i32 to vector<16xi32>
        %add3A_806 = arith.addi %broadcast_in_dim3A_805, %iota3A : vector<16xi32>
        %broadcast_in_dim3A_807 = vector.broadcast %add3A_802 : i32 to vector<16xi32>
        %gather3A_808 = tpu.vector_load_idx %arg6[%broadcast_in_dim3A_807, %add3A_131] : memref<400x128xf32, #tpu.memory_space<vmem>>[vector<16xi32>, vector<16xi32>], vector<16xf32>,
        %broadcast_in_dim3A_809 = vector.broadcast %add3A_802 : i32 to vector<16xi32>
        %gather3A_810 = tpu.vector_load_idx %arg6[%broadcast_in_dim3A_809, %add3A_134] : memref<400x128xf32, #tpu.memory_space<vmem>>[vector<16xi32>, vector<16xi32>], vector<16xf32>,
        %broadcast_in_dim3A_811 = vector.broadcast %add3A_802 : i32 to vector<16xi32>
        %gather3A_812 = tpu.vector_load_idx %arg6[%broadcast_in_dim3A_811, %add3A_137] : memref<400x128xf32, #tpu.memory_space<vmem>>[vector<16xi32>, vector<16xi32>], vector<16xf32>,
        %broadcast_in_dim3A_813 = vector.broadcast %add3A_802 : i32 to vector<16xi32>
        %gather3A_814 = tpu.vector_load_idx %arg6[%broadcast_in_dim3A_813, %add3A_140] : memref<400x128xf32, #tpu.memory_space<vmem>>[vector<16xi32>, vector<16xi32>], vector<16xf32>,
        %broadcast_in_dim3A_815 = vector.broadcast %add3A_802 : i32 to vector<16xi32>
        %gather3A_816 = tpu.vector_load_idx %arg6[%broadcast_in_dim3A_815, %add3A_143] : memref<400x128xf32, #tpu.memory_space<vmem>>[vector<16xi32>, vector<16xi32>], vector<16xf32>,
        %broadcast_in_dim3A_817 = vector.broadcast %add3A_802 : i32 to vector<16xi32>
        %gather3A_818 = tpu.vector_load_idx %arg6[%broadcast_in_dim3A_817, %add3A_146] : memref<400x128xf32, #tpu.memory_space<vmem>>[vector<16xi32>, vector<16xi32>], vector<16xf32>,
        %broadcast_in_dim3A_819 = vector.broadcast %add3A_802 : i32 to vector<16xi32>
        %gather3A_820 = tpu.vector_load_idx %arg6[%broadcast_in_dim3A_819, %add3A_149] : memref<400x128xf32, #tpu.memory_space<vmem>>[vector<16xi32>, vector<16xi32>], vector<16xf32>,
        %broadcast_in_dim3A_821 = vector.broadcast %add3A_802 : i32 to vector<16xi32>
        %gather3A_822 = tpu.vector_load_idx %arg6[%broadcast_in_dim3A_821, %add3A_152] : memref<400x128xf32, #tpu.memory_space<vmem>>[vector<16xi32>, vector<16xi32>], vector<16xf32>,
        %gather3A_823 = tpu.vector_load_idx %arg9[%add3A_806] : memref<128xf32, #tpu.memory_space<vmem>>[vector<16xi32>], vector<16xf32>,
        %gather3A_824 = tpu.vector_load_idx %arg10[%add3A_806] : memref<128xf32, #tpu.memory_space<vmem>>[vector<16xi32>], vector<16xf32>,
        %gather3A_825 = tpu.vector_load_idx %arg11[%add3A_806] : memref<128xf32, #tpu.memory_space<vmem>>[vector<16xi32>], vector<16xf32>,
        %gather3A_826 = tpu.vector_load_idx %arg12[%add3A_806] : memref<128xf32, #tpu.memory_space<vmem>>[vector<16xi32>], vector<16xf32>,
        %gather3A_827 = tpu.vector_load_idx %arg13[%add3A_806] : memref<128xf32, #tpu.memory_space<vmem>>[vector<16xi32>], vector<16xf32>,
        %gather3A_828 = tpu.vector_load_idx %arg14[%add3A_806] : memref<128xf32, #tpu.memory_space<vmem>>[vector<16xi32>], vector<16xf32>,
        %gather3A_829 = tpu.vector_load_idx %arg15[%add3A_806] : memref<128xf32, #tpu.memory_space<vmem>>[vector<16xi32>], vector<16xf32>,
        %gather3A_830 = tpu.vector_load_idx %arg16[%add3A_806] : memref<128xf32, #tpu.memory_space<vmem>>[vector<16xi32>], vector<16xf32>,
        %max3A_831 = arith.maximumf %gather3A_823, %gather3A_808 : vector<16xf32>
        tpu.vector_store_idx %arg9[%add3A_806], %max3A_831 : memref<128xf32, #tpu.memory_space<vmem>>[vector<16xi32>], vector<16xf32>,
        %max3A_832 = arith.maximumf %gather3A_824, %gather3A_810 : vector<16xf32>
        tpu.vector_store_idx %arg10[%add3A_806], %max3A_832 : memref<128xf32, #tpu.memory_space<vmem>>[vector<16xi32>], vector<16xf32>,
        %max3A_833 = arith.maximumf %gather3A_825, %gather3A_812 : vector<16xf32>
        tpu.vector_store_idx %arg11[%add3A_806], %max3A_833 : memref<128xf32, #tpu.memory_space<vmem>>[vector<16xi32>], vector<16xf32>,
        %max3A_834 = arith.maximumf %gather3A_826, %gather3A_814 : vector<16xf32>
        tpu.vector_store_idx %arg12[%add3A_806], %max3A_834 : memref<128xf32, #tpu.memory_space<vmem>>[vector<16xi32>], vector<16xf32>,
        %max3A_835 = arith.maximumf %gather3A_827, %gather3A_816 : vector<16xf32>
        tpu.vector_store_idx %arg13[%add3A_806], %max3A_835 : memref<128xf32, #tpu.memory_space<vmem>>[vector<16xi32>], vector<16xf32>,
        %max3A_836 = arith.maximumf %gather3A_828, %gather3A_818 : vector<16xf32>
        tpu.vector_store_idx %arg14[%add3A_806], %max3A_836 : memref<128xf32, #tpu.memory_space<vmem>>[vector<16xi32>], vector<16xf32>,
        %max3A_837 = arith.maximumf %gather3A_829, %gather3A_820 : vector<16xf32>
        tpu.vector_store_idx %arg15[%add3A_806], %max3A_837 : memref<128xf32, #tpu.memory_space<vmem>>[vector<16xi32>], vector<16xf32>,
        %max3A_838 = arith.maximumf %gather3A_830, %gather3A_822 : vector<16xf32>
        tpu.vector_store_idx %arg16[%add3A_806], %max3A_838 : memref<128xf32, #tpu.memory_space<vmem>>[vector<16xi32>], vector<16xf32>,
        %add3A_839 = arith.constant 9 : i32
        %add3A_840 = arith.addi %mul3A_493, %add3A_839 : i32
        %slice3A_841 = vector.extract_strided_slice %mul3A_500 {offsets = [9], sizes = [1], strides = [1]} : vector<16xi32> to vector<1xi32>
        %squeeze3A_842 = vector.extract %slice3A_841[0] : i32 from vector<1xi32>
        %broadcast_in_dim3A_843 = vector.broadcast %squeeze3A_842 : i32 to vector<16xi32>
        %add3A_844 = arith.addi %broadcast_in_dim3A_843, %iota3A : vector<16xi32>
        %broadcast_in_dim3A_845 = vector.broadcast %add3A_840 : i32 to vector<16xi32>
        %gather3A_846 = tpu.vector_load_idx %arg6[%broadcast_in_dim3A_845, %add3A_131] : memref<400x128xf32, #tpu.memory_space<vmem>>[vector<16xi32>, vector<16xi32>], vector<16xf32>,
        %broadcast_in_dim3A_847 = vector.broadcast %add3A_840 : i32 to vector<16xi32>
        %gather3A_848 = tpu.vector_load_idx %arg6[%broadcast_in_dim3A_847, %add3A_134] : memref<400x128xf32, #tpu.memory_space<vmem>>[vector<16xi32>, vector<16xi32>], vector<16xf32>,
        %broadcast_in_dim3A_849 = vector.broadcast %add3A_840 : i32 to vector<16xi32>
        %gather3A_850 = tpu.vector_load_idx %arg6[%broadcast_in_dim3A_849, %add3A_137] : memref<400x128xf32, #tpu.memory_space<vmem>>[vector<16xi32>, vector<16xi32>], vector<16xf32>,
        %broadcast_in_dim3A_851 = vector.broadcast %add3A_840 : i32 to vector<16xi32>
        %gather3A_852 = tpu.vector_load_idx %arg6[%broadcast_in_dim3A_851, %add3A_140] : memref<400x128xf32, #tpu.memory_space<vmem>>[vector<16xi32>, vector<16xi32>], vector<16xf32>,
        %broadcast_in_dim3A_853 = vector.broadcast %add3A_840 : i32 to vector<16xi32>
        %gather3A_854 = tpu.vector_load_idx %arg6[%broadcast_in_dim3A_853, %add3A_143] : memref<400x128xf32, #tpu.memory_space<vmem>>[vector<16xi32>, vector<16xi32>], vector<16xf32>,
        %broadcast_in_dim3A_855 = vector.broadcast %add3A_840 : i32 to vector<16xi32>
        %gather3A_856 = tpu.vector_load_idx %arg6[%broadcast_in_dim3A_855, %add3A_146] : memref<400x128xf32, #tpu.memory_space<vmem>>[vector<16xi32>, vector<16xi32>], vector<16xf32>,
        %broadcast_in_dim3A_857 = vector.broadcast %add3A_840 : i32 to vector<16xi32>
        %gather3A_858 = tpu.vector_load_idx %arg6[%broadcast_in_dim3A_857, %add3A_149] : memref<400x128xf32, #tpu.memory_space<vmem>>[vector<16xi32>, vector<16xi32>], vector<16xf32>,
        %broadcast_in_dim3A_859 = vector.broadcast %add3A_840 : i32 to vector<16xi32>
        %gather3A_860 = tpu.vector_load_idx %arg6[%broadcast_in_dim3A_859, %add3A_152] : memref<400x128xf32, #tpu.memory_space<vmem>>[vector<16xi32>, vector<16xi32>], vector<16xf32>,
        %gather3A_861 = tpu.vector_load_idx %arg9[%add3A_844] : memref<128xf32, #tpu.memory_space<vmem>>[vector<16xi32>], vector<16xf32>,
        %gather3A_862 = tpu.vector_load_idx %arg10[%add3A_844] : memref<128xf32, #tpu.memory_space<vmem>>[vector<16xi32>], vector<16xf32>,
        %gather3A_863 = tpu.vector_load_idx %arg11[%add3A_844] : memref<128xf32, #tpu.memory_space<vmem>>[vector<16xi32>], vector<16xf32>,
        %gather3A_864 = tpu.vector_load_idx %arg12[%add3A_844] : memref<128xf32, #tpu.memory_space<vmem>>[vector<16xi32>], vector<16xf32>,
        %gather3A_865 = tpu.vector_load_idx %arg13[%add3A_844] : memref<128xf32, #tpu.memory_space<vmem>>[vector<16xi32>], vector<16xf32>,
        %gather3A_866 = tpu.vector_load_idx %arg14[%add3A_844] : memref<128xf32, #tpu.memory_space<vmem>>[vector<16xi32>], vector<16xf32>,
        %gather3A_867 = tpu.vector_load_idx %arg15[%add3A_844] : memref<128xf32, #tpu.memory_space<vmem>>[vector<16xi32>], vector<16xf32>,
        %gather3A_868 = tpu.vector_load_idx %arg16[%add3A_844] : memref<128xf32, #tpu.memory_space<vmem>>[vector<16xi32>], vector<16xf32>,
        %max3A_869 = arith.maximumf %gather3A_861, %gather3A_846 : vector<16xf32>
        tpu.vector_store_idx %arg9[%add3A_844], %max3A_869 : memref<128xf32, #tpu.memory_space<vmem>>[vector<16xi32>], vector<16xf32>,
        %max3A_870 = arith.maximumf %gather3A_862, %gather3A_848 : vector<16xf32>
        tpu.vector_store_idx %arg10[%add3A_844], %max3A_870 : memref<128xf32, #tpu.memory_space<vmem>>[vector<16xi32>], vector<16xf32>,
        %max3A_871 = arith.maximumf %gather3A_863, %gather3A_850 : vector<16xf32>
        tpu.vector_store_idx %arg11[%add3A_844], %max3A_871 : memref<128xf32, #tpu.memory_space<vmem>>[vector<16xi32>], vector<16xf32>,
        %max3A_872 = arith.maximumf %gather3A_864, %gather3A_852 : vector<16xf32>
        tpu.vector_store_idx %arg12[%add3A_844], %max3A_872 : memref<128xf32, #tpu.memory_space<vmem>>[vector<16xi32>], vector<16xf32>,
        %max3A_873 = arith.maximumf %gather3A_865, %gather3A_854 : vector<16xf32>
        tpu.vector_store_idx %arg13[%add3A_844], %max3A_873 : memref<128xf32, #tpu.memory_space<vmem>>[vector<16xi32>], vector<16xf32>,
        %max3A_874 = arith.maximumf %gather3A_866, %gather3A_856 : vector<16xf32>
        tpu.vector_store_idx %arg14[%add3A_844], %max3A_874 : memref<128xf32, #tpu.memory_space<vmem>>[vector<16xi32>], vector<16xf32>,
        %max3A_875 = arith.maximumf %gather3A_867, %gather3A_858 : vector<16xf32>
        tpu.vector_store_idx %arg15[%add3A_844], %max3A_875 : memref<128xf32, #tpu.memory_space<vmem>>[vector<16xi32>], vector<16xf32>,
        %max3A_876 = arith.maximumf %gather3A_868, %gather3A_860 : vector<16xf32>
        tpu.vector_store_idx %arg16[%add3A_844], %max3A_876 : memref<128xf32, #tpu.memory_space<vmem>>[vector<16xi32>], vector<16xf32>,
        %add3A_877 = arith.constant 10 : i32
        %add3A_878 = arith.addi %mul3A_493, %add3A_877 : i32
        %slice3A_879 = vector.extract_strided_slice %mul3A_500 {offsets = [10], sizes = [1], strides = [1]} : vector<16xi32> to vector<1xi32>
        %squeeze3A_880 = vector.extract %slice3A_879[0] : i32 from vector<1xi32>
        %broadcast_in_dim3A_881 = vector.broadcast %squeeze3A_880 : i32 to vector<16xi32>
        %add3A_882 = arith.addi %broadcast_in_dim3A_881, %iota3A : vector<16xi32>
        %broadcast_in_dim3A_883 = vector.broadcast %add3A_878 : i32 to vector<16xi32>
        %gather3A_884 = tpu.vector_load_idx %arg6[%broadcast_in_dim3A_883, %add3A_131] : memref<400x128xf32, #tpu.memory_space<vmem>>[vector<16xi32>, vector<16xi32>], vector<16xf32>,
        %broadcast_in_dim3A_885 = vector.broadcast %add3A_878 : i32 to vector<16xi32>
        %gather3A_886 = tpu.vector_load_idx %arg6[%broadcast_in_dim3A_885, %add3A_134] : memref<400x128xf32, #tpu.memory_space<vmem>>[vector<16xi32>, vector<16xi32>], vector<16xf32>,
        %broadcast_in_dim3A_887 = vector.broadcast %add3A_878 : i32 to vector<16xi32>
        %gather3A_888 = tpu.vector_load_idx %arg6[%broadcast_in_dim3A_887, %add3A_137] : memref<400x128xf32, #tpu.memory_space<vmem>>[vector<16xi32>, vector<16xi32>], vector<16xf32>,
        %broadcast_in_dim3A_889 = vector.broadcast %add3A_878 : i32 to vector<16xi32>
        %gather3A_890 = tpu.vector_load_idx %arg6[%broadcast_in_dim3A_889, %add3A_140] : memref<400x128xf32, #tpu.memory_space<vmem>>[vector<16xi32>, vector<16xi32>], vector<16xf32>,
        %broadcast_in_dim3A_891 = vector.broadcast %add3A_878 : i32 to vector<16xi32>
        %gather3A_892 = tpu.vector_load_idx %arg6[%broadcast_in_dim3A_891, %add3A_143] : memref<400x128xf32, #tpu.memory_space<vmem>>[vector<16xi32>, vector<16xi32>], vector<16xf32>,
        %broadcast_in_dim3A_893 = vector.broadcast %add3A_878 : i32 to vector<16xi32>
        %gather3A_894 = tpu.vector_load_idx %arg6[%broadcast_in_dim3A_893, %add3A_146] : memref<400x128xf32, #tpu.memory_space<vmem>>[vector<16xi32>, vector<16xi32>], vector<16xf32>,
        %broadcast_in_dim3A_895 = vector.broadcast %add3A_878 : i32 to vector<16xi32>
        %gather3A_896 = tpu.vector_load_idx %arg6[%broadcast_in_dim3A_895, %add3A_149] : memref<400x128xf32, #tpu.memory_space<vmem>>[vector<16xi32>, vector<16xi32>], vector<16xf32>,
        %broadcast_in_dim3A_897 = vector.broadcast %add3A_878 : i32 to vector<16xi32>
        %gather3A_898 = tpu.vector_load_idx %arg6[%broadcast_in_dim3A_897, %add3A_152] : memref<400x128xf32, #tpu.memory_space<vmem>>[vector<16xi32>, vector<16xi32>], vector<16xf32>,
        %gather3A_899 = tpu.vector_load_idx %arg9[%add3A_882] : memref<128xf32, #tpu.memory_space<vmem>>[vector<16xi32>], vector<16xf32>,
        %gather3A_900 = tpu.vector_load_idx %arg10[%add3A_882] : memref<128xf32, #tpu.memory_space<vmem>>[vector<16xi32>], vector<16xf32>,
        %gather3A_901 = tpu.vector_load_idx %arg11[%add3A_882] : memref<128xf32, #tpu.memory_space<vmem>>[vector<16xi32>], vector<16xf32>,
        %gather3A_902 = tpu.vector_load_idx %arg12[%add3A_882] : memref<128xf32, #tpu.memory_space<vmem>>[vector<16xi32>], vector<16xf32>,
        %gather3A_903 = tpu.vector_load_idx %arg13[%add3A_882] : memref<128xf32, #tpu.memory_space<vmem>>[vector<16xi32>], vector<16xf32>,
        %gather3A_904 = tpu.vector_load_idx %arg14[%add3A_882] : memref<128xf32, #tpu.memory_space<vmem>>[vector<16xi32>], vector<16xf32>,
        %gather3A_905 = tpu.vector_load_idx %arg15[%add3A_882] : memref<128xf32, #tpu.memory_space<vmem>>[vector<16xi32>], vector<16xf32>,
        %gather3A_906 = tpu.vector_load_idx %arg16[%add3A_882] : memref<128xf32, #tpu.memory_space<vmem>>[vector<16xi32>], vector<16xf32>,
        %max3A_907 = arith.maximumf %gather3A_899, %gather3A_884 : vector<16xf32>
        tpu.vector_store_idx %arg9[%add3A_882], %max3A_907 : memref<128xf32, #tpu.memory_space<vmem>>[vector<16xi32>], vector<16xf32>,
        %max3A_908 = arith.maximumf %gather3A_900, %gather3A_886 : vector<16xf32>
        tpu.vector_store_idx %arg10[%add3A_882], %max3A_908 : memref<128xf32, #tpu.memory_space<vmem>>[vector<16xi32>], vector<16xf32>,
        %max3A_909 = arith.maximumf %gather3A_901, %gather3A_888 : vector<16xf32>
        tpu.vector_store_idx %arg11[%add3A_882], %max3A_909 : memref<128xf32, #tpu.memory_space<vmem>>[vector<16xi32>], vector<16xf32>,
        %max3A_910 = arith.maximumf %gather3A_902, %gather3A_890 : vector<16xf32>
        tpu.vector_store_idx %arg12[%add3A_882], %max3A_910 : memref<128xf32, #tpu.memory_space<vmem>>[vector<16xi32>], vector<16xf32>,
        %max3A_911 = arith.maximumf %gather3A_903, %gather3A_892 : vector<16xf32>
        tpu.vector_store_idx %arg13[%add3A_882], %max3A_911 : memref<128xf32, #tpu.memory_space<vmem>>[vector<16xi32>], vector<16xf32>,
        %max3A_912 = arith.maximumf %gather3A_904, %gather3A_894 : vector<16xf32>
        tpu.vector_store_idx %arg14[%add3A_882], %max3A_912 : memref<128xf32, #tpu.memory_space<vmem>>[vector<16xi32>], vector<16xf32>,
        %max3A_913 = arith.maximumf %gather3A_905, %gather3A_896 : vector<16xf32>
        tpu.vector_store_idx %arg15[%add3A_882], %max3A_913 : memref<128xf32, #tpu.memory_space<vmem>>[vector<16xi32>], vector<16xf32>,
        %max3A_914 = arith.maximumf %gather3A_906, %gather3A_898 : vector<16xf32>
        tpu.vector_store_idx %arg16[%add3A_882], %max3A_914 : memref<128xf32, #tpu.memory_space<vmem>>[vector<16xi32>], vector<16xf32>,
        %add3A_915 = arith.constant 11 : i32
        %add3A_916 = arith.addi %mul3A_493, %add3A_915 : i32
        %slice3A_917 = vector.extract_strided_slice %mul3A_500 {offsets = [11], sizes = [1], strides = [1]} : vector<16xi32> to vector<1xi32>
        %squeeze3A_918 = vector.extract %slice3A_917[0] : i32 from vector<1xi32>
        %broadcast_in_dim3A_919 = vector.broadcast %squeeze3A_918 : i32 to vector<16xi32>
        %add3A_920 = arith.addi %broadcast_in_dim3A_919, %iota3A : vector<16xi32>
        %broadcast_in_dim3A_921 = vector.broadcast %add3A_916 : i32 to vector<16xi32>
        %gather3A_922 = tpu.vector_load_idx %arg6[%broadcast_in_dim3A_921, %add3A_131] : memref<400x128xf32, #tpu.memory_space<vmem>>[vector<16xi32>, vector<16xi32>], vector<16xf32>,
        %broadcast_in_dim3A_923 = vector.broadcast %add3A_916 : i32 to vector<16xi32>
        %gather3A_924 = tpu.vector_load_idx %arg6[%broadcast_in_dim3A_923, %add3A_134] : memref<400x128xf32, #tpu.memory_space<vmem>>[vector<16xi32>, vector<16xi32>], vector<16xf32>,
        %broadcast_in_dim3A_925 = vector.broadcast %add3A_916 : i32 to vector<16xi32>
        %gather3A_926 = tpu.vector_load_idx %arg6[%broadcast_in_dim3A_925, %add3A_137] : memref<400x128xf32, #tpu.memory_space<vmem>>[vector<16xi32>, vector<16xi32>], vector<16xf32>,
        %broadcast_in_dim3A_927 = vector.broadcast %add3A_916 : i32 to vector<16xi32>
        %gather3A_928 = tpu.vector_load_idx %arg6[%broadcast_in_dim3A_927, %add3A_140] : memref<400x128xf32, #tpu.memory_space<vmem>>[vector<16xi32>, vector<16xi32>], vector<16xf32>,
        %broadcast_in_dim3A_929 = vector.broadcast %add3A_916 : i32 to vector<16xi32>
        %gather3A_930 = tpu.vector_load_idx %arg6[%broadcast_in_dim3A_929, %add3A_143] : memref<400x128xf32, #tpu.memory_space<vmem>>[vector<16xi32>, vector<16xi32>], vector<16xf32>,
        %broadcast_in_dim3A_931 = vector.broadcast %add3A_916 : i32 to vector<16xi32>
        %gather3A_932 = tpu.vector_load_idx %arg6[%broadcast_in_dim3A_931, %add3A_146] : memref<400x128xf32, #tpu.memory_space<vmem>>[vector<16xi32>, vector<16xi32>], vector<16xf32>,
        %broadcast_in_dim3A_933 = vector.broadcast %add3A_916 : i32 to vector<16xi32>
        %gather3A_934 = tpu.vector_load_idx %arg6[%broadcast_in_dim3A_933, %add3A_149] : memref<400x128xf32, #tpu.memory_space<vmem>>[vector<16xi32>, vector<16xi32>], vector<16xf32>,
        %broadcast_in_dim3A_935 = vector.broadcast %add3A_916 : i32 to vector<16xi32>
        %gather3A_936 = tpu.vector_load_idx %arg6[%broadcast_in_dim3A_935, %add3A_152] : memref<400x128xf32, #tpu.memory_space<vmem>>[vector<16xi32>, vector<16xi32>], vector<16xf32>,
        %gather3A_937 = tpu.vector_load_idx %arg9[%add3A_920] : memref<128xf32, #tpu.memory_space<vmem>>[vector<16xi32>], vector<16xf32>,
        %gather3A_938 = tpu.vector_load_idx %arg10[%add3A_920] : memref<128xf32, #tpu.memory_space<vmem>>[vector<16xi32>], vector<16xf32>,
        %gather3A_939 = tpu.vector_load_idx %arg11[%add3A_920] : memref<128xf32, #tpu.memory_space<vmem>>[vector<16xi32>], vector<16xf32>,
        %gather3A_940 = tpu.vector_load_idx %arg12[%add3A_920] : memref<128xf32, #tpu.memory_space<vmem>>[vector<16xi32>], vector<16xf32>,
        %gather3A_941 = tpu.vector_load_idx %arg13[%add3A_920] : memref<128xf32, #tpu.memory_space<vmem>>[vector<16xi32>], vector<16xf32>,
        %gather3A_942 = tpu.vector_load_idx %arg14[%add3A_920] : memref<128xf32, #tpu.memory_space<vmem>>[vector<16xi32>], vector<16xf32>,
        %gather3A_943 = tpu.vector_load_idx %arg15[%add3A_920] : memref<128xf32, #tpu.memory_space<vmem>>[vector<16xi32>], vector<16xf32>,
        %gather3A_944 = tpu.vector_load_idx %arg16[%add3A_920] : memref<128xf32, #tpu.memory_space<vmem>>[vector<16xi32>], vector<16xf32>,
        %max3A_945 = arith.maximumf %gather3A_937, %gather3A_922 : vector<16xf32>
        tpu.vector_store_idx %arg9[%add3A_920], %max3A_945 : memref<128xf32, #tpu.memory_space<vmem>>[vector<16xi32>], vector<16xf32>,
        %max3A_946 = arith.maximumf %gather3A_938, %gather3A_924 : vector<16xf32>
        tpu.vector_store_idx %arg10[%add3A_920], %max3A_946 : memref<128xf32, #tpu.memory_space<vmem>>[vector<16xi32>], vector<16xf32>,
        %max3A_947 = arith.maximumf %gather3A_939, %gather3A_926 : vector<16xf32>
        tpu.vector_store_idx %arg11[%add3A_920], %max3A_947 : memref<128xf32, #tpu.memory_space<vmem>>[vector<16xi32>], vector<16xf32>,
        %max3A_948 = arith.maximumf %gather3A_940, %gather3A_928 : vector<16xf32>
        tpu.vector_store_idx %arg12[%add3A_920], %max3A_948 : memref<128xf32, #tpu.memory_space<vmem>>[vector<16xi32>], vector<16xf32>,
        %max3A_949 = arith.maximumf %gather3A_941, %gather3A_930 : vector<16xf32>
        tpu.vector_store_idx %arg13[%add3A_920], %max3A_949 : memref<128xf32, #tpu.memory_space<vmem>>[vector<16xi32>], vector<16xf32>,
        %max3A_950 = arith.maximumf %gather3A_942, %gather3A_932 : vector<16xf32>
        tpu.vector_store_idx %arg14[%add3A_920], %max3A_950 : memref<128xf32, #tpu.memory_space<vmem>>[vector<16xi32>], vector<16xf32>,
        %max3A_951 = arith.maximumf %gather3A_943, %gather3A_934 : vector<16xf32>
        tpu.vector_store_idx %arg15[%add3A_920], %max3A_951 : memref<128xf32, #tpu.memory_space<vmem>>[vector<16xi32>], vector<16xf32>,
        %max3A_952 = arith.maximumf %gather3A_944, %gather3A_936 : vector<16xf32>
        tpu.vector_store_idx %arg16[%add3A_920], %max3A_952 : memref<128xf32, #tpu.memory_space<vmem>>[vector<16xi32>], vector<16xf32>,
        %add3A_953 = arith.constant 12 : i32
        %add3A_954 = arith.addi %mul3A_493, %add3A_953 : i32
        %slice3A_955 = vector.extract_strided_slice %mul3A_500 {offsets = [12], sizes = [1], strides = [1]} : vector<16xi32> to vector<1xi32>
        %squeeze3A_956 = vector.extract %slice3A_955[0] : i32 from vector<1xi32>
        %broadcast_in_dim3A_957 = vector.broadcast %squeeze3A_956 : i32 to vector<16xi32>
        %add3A_958 = arith.addi %broadcast_in_dim3A_957, %iota3A : vector<16xi32>
        %broadcast_in_dim3A_959 = vector.broadcast %add3A_954 : i32 to vector<16xi32>
        %gather3A_960 = tpu.vector_load_idx %arg6[%broadcast_in_dim3A_959, %add3A_131] : memref<400x128xf32, #tpu.memory_space<vmem>>[vector<16xi32>, vector<16xi32>], vector<16xf32>,
        %broadcast_in_dim3A_961 = vector.broadcast %add3A_954 : i32 to vector<16xi32>
        %gather3A_962 = tpu.vector_load_idx %arg6[%broadcast_in_dim3A_961, %add3A_134] : memref<400x128xf32, #tpu.memory_space<vmem>>[vector<16xi32>, vector<16xi32>], vector<16xf32>,
        %broadcast_in_dim3A_963 = vector.broadcast %add3A_954 : i32 to vector<16xi32>
        %gather3A_964 = tpu.vector_load_idx %arg6[%broadcast_in_dim3A_963, %add3A_137] : memref<400x128xf32, #tpu.memory_space<vmem>>[vector<16xi32>, vector<16xi32>], vector<16xf32>,
        %broadcast_in_dim3A_965 = vector.broadcast %add3A_954 : i32 to vector<16xi32>
        %gather3A_966 = tpu.vector_load_idx %arg6[%broadcast_in_dim3A_965, %add3A_140] : memref<400x128xf32, #tpu.memory_space<vmem>>[vector<16xi32>, vector<16xi32>], vector<16xf32>,
        %broadcast_in_dim3A_967 = vector.broadcast %add3A_954 : i32 to vector<16xi32>
        %gather3A_968 = tpu.vector_load_idx %arg6[%broadcast_in_dim3A_967, %add3A_143] : memref<400x128xf32, #tpu.memory_space<vmem>>[vector<16xi32>, vector<16xi32>], vector<16xf32>,
        %broadcast_in_dim3A_969 = vector.broadcast %add3A_954 : i32 to vector<16xi32>
        %gather3A_970 = tpu.vector_load_idx %arg6[%broadcast_in_dim3A_969, %add3A_146] : memref<400x128xf32, #tpu.memory_space<vmem>>[vector<16xi32>, vector<16xi32>], vector<16xf32>,
        %broadcast_in_dim3A_971 = vector.broadcast %add3A_954 : i32 to vector<16xi32>
        %gather3A_972 = tpu.vector_load_idx %arg6[%broadcast_in_dim3A_971, %add3A_149] : memref<400x128xf32, #tpu.memory_space<vmem>>[vector<16xi32>, vector<16xi32>], vector<16xf32>,
        %broadcast_in_dim3A_973 = vector.broadcast %add3A_954 : i32 to vector<16xi32>
        %gather3A_974 = tpu.vector_load_idx %arg6[%broadcast_in_dim3A_973, %add3A_152] : memref<400x128xf32, #tpu.memory_space<vmem>>[vector<16xi32>, vector<16xi32>], vector<16xf32>,
        %gather3A_975 = tpu.vector_load_idx %arg9[%add3A_958] : memref<128xf32, #tpu.memory_space<vmem>>[vector<16xi32>], vector<16xf32>,
        %gather3A_976 = tpu.vector_load_idx %arg10[%add3A_958] : memref<128xf32, #tpu.memory_space<vmem>>[vector<16xi32>], vector<16xf32>,
        %gather3A_977 = tpu.vector_load_idx %arg11[%add3A_958] : memref<128xf32, #tpu.memory_space<vmem>>[vector<16xi32>], vector<16xf32>,
        %gather3A_978 = tpu.vector_load_idx %arg12[%add3A_958] : memref<128xf32, #tpu.memory_space<vmem>>[vector<16xi32>], vector<16xf32>,
        %gather3A_979 = tpu.vector_load_idx %arg13[%add3A_958] : memref<128xf32, #tpu.memory_space<vmem>>[vector<16xi32>], vector<16xf32>,
        %gather3A_980 = tpu.vector_load_idx %arg14[%add3A_958] : memref<128xf32, #tpu.memory_space<vmem>>[vector<16xi32>], vector<16xf32>,
        %gather3A_981 = tpu.vector_load_idx %arg15[%add3A_958] : memref<128xf32, #tpu.memory_space<vmem>>[vector<16xi32>], vector<16xf32>,
        %gather3A_982 = tpu.vector_load_idx %arg16[%add3A_958] : memref<128xf32, #tpu.memory_space<vmem>>[vector<16xi32>], vector<16xf32>,
        %max3A_983 = arith.maximumf %gather3A_975, %gather3A_960 : vector<16xf32>
        tpu.vector_store_idx %arg9[%add3A_958], %max3A_983 : memref<128xf32, #tpu.memory_space<vmem>>[vector<16xi32>], vector<16xf32>,
        %max3A_984 = arith.maximumf %gather3A_976, %gather3A_962 : vector<16xf32>
        tpu.vector_store_idx %arg10[%add3A_958], %max3A_984 : memref<128xf32, #tpu.memory_space<vmem>>[vector<16xi32>], vector<16xf32>,
        %max3A_985 = arith.maximumf %gather3A_977, %gather3A_964 : vector<16xf32>
        tpu.vector_store_idx %arg11[%add3A_958], %max3A_985 : memref<128xf32, #tpu.memory_space<vmem>>[vector<16xi32>], vector<16xf32>,
        %max3A_986 = arith.maximumf %gather3A_978, %gather3A_966 : vector<16xf32>
        tpu.vector_store_idx %arg12[%add3A_958], %max3A_986 : memref<128xf32, #tpu.memory_space<vmem>>[vector<16xi32>], vector<16xf32>,
        %max3A_987 = arith.maximumf %gather3A_979, %gather3A_968 : vector<16xf32>
        tpu.vector_store_idx %arg13[%add3A_958], %max3A_987 : memref<128xf32, #tpu.memory_space<vmem>>[vector<16xi32>], vector<16xf32>,
        %max3A_988 = arith.maximumf %gather3A_980, %gather3A_970 : vector<16xf32>
        tpu.vector_store_idx %arg14[%add3A_958], %max3A_988 : memref<128xf32, #tpu.memory_space<vmem>>[vector<16xi32>], vector<16xf32>,
        %max3A_989 = arith.maximumf %gather3A_981, %gather3A_972 : vector<16xf32>
        tpu.vector_store_idx %arg15[%add3A_958], %max3A_989 : memref<128xf32, #tpu.memory_space<vmem>>[vector<16xi32>], vector<16xf32>,
        %max3A_990 = arith.maximumf %gather3A_982, %gather3A_974 : vector<16xf32>
        tpu.vector_store_idx %arg16[%add3A_958], %max3A_990 : memref<128xf32, #tpu.memory_space<vmem>>[vector<16xi32>], vector<16xf32>,
        %add3A_991 = arith.constant 13 : i32
        %add3A_992 = arith.addi %mul3A_493, %add3A_991 : i32
        %slice3A_993 = vector.extract_strided_slice %mul3A_500 {offsets = [13], sizes = [1], strides = [1]} : vector<16xi32> to vector<1xi32>
        %squeeze3A_994 = vector.extract %slice3A_993[0] : i32 from vector<1xi32>
        %broadcast_in_dim3A_995 = vector.broadcast %squeeze3A_994 : i32 to vector<16xi32>
        %add3A_996 = arith.addi %broadcast_in_dim3A_995, %iota3A : vector<16xi32>
        %broadcast_in_dim3A_997 = vector.broadcast %add3A_992 : i32 to vector<16xi32>
        %gather3A_998 = tpu.vector_load_idx %arg6[%broadcast_in_dim3A_997, %add3A_131] : memref<400x128xf32, #tpu.memory_space<vmem>>[vector<16xi32>, vector<16xi32>], vector<16xf32>,
        %broadcast_in_dim3A_999 = vector.broadcast %add3A_992 : i32 to vector<16xi32>
        %gather3A_1000 = tpu.vector_load_idx %arg6[%broadcast_in_dim3A_999, %add3A_134] : memref<400x128xf32, #tpu.memory_space<vmem>>[vector<16xi32>, vector<16xi32>], vector<16xf32>,
        %broadcast_in_dim3A_1001 = vector.broadcast %add3A_992 : i32 to vector<16xi32>
        %gather3A_1002 = tpu.vector_load_idx %arg6[%broadcast_in_dim3A_1001, %add3A_137] : memref<400x128xf32, #tpu.memory_space<vmem>>[vector<16xi32>, vector<16xi32>], vector<16xf32>,
        %broadcast_in_dim3A_1003 = vector.broadcast %add3A_992 : i32 to vector<16xi32>
        %gather3A_1004 = tpu.vector_load_idx %arg6[%broadcast_in_dim3A_1003, %add3A_140] : memref<400x128xf32, #tpu.memory_space<vmem>>[vector<16xi32>, vector<16xi32>], vector<16xf32>,
        %broadcast_in_dim3A_1005 = vector.broadcast %add3A_992 : i32 to vector<16xi32>
        %gather3A_1006 = tpu.vector_load_idx %arg6[%broadcast_in_dim3A_1005, %add3A_143] : memref<400x128xf32, #tpu.memory_space<vmem>>[vector<16xi32>, vector<16xi32>], vector<16xf32>,
        %broadcast_in_dim3A_1007 = vector.broadcast %add3A_992 : i32 to vector<16xi32>
        %gather3A_1008 = tpu.vector_load_idx %arg6[%broadcast_in_dim3A_1007, %add3A_146] : memref<400x128xf32, #tpu.memory_space<vmem>>[vector<16xi32>, vector<16xi32>], vector<16xf32>,
        %broadcast_in_dim3A_1009 = vector.broadcast %add3A_992 : i32 to vector<16xi32>
        %gather3A_1010 = tpu.vector_load_idx %arg6[%broadcast_in_dim3A_1009, %add3A_149] : memref<400x128xf32, #tpu.memory_space<vmem>>[vector<16xi32>, vector<16xi32>], vector<16xf32>,
        %broadcast_in_dim3A_1011 = vector.broadcast %add3A_992 : i32 to vector<16xi32>
        %gather3A_1012 = tpu.vector_load_idx %arg6[%broadcast_in_dim3A_1011, %add3A_152] : memref<400x128xf32, #tpu.memory_space<vmem>>[vector<16xi32>, vector<16xi32>], vector<16xf32>,
        %gather3A_1013 = tpu.vector_load_idx %arg9[%add3A_996] : memref<128xf32, #tpu.memory_space<vmem>>[vector<16xi32>], vector<16xf32>,
        %gather3A_1014 = tpu.vector_load_idx %arg10[%add3A_996] : memref<128xf32, #tpu.memory_space<vmem>>[vector<16xi32>], vector<16xf32>,
        %gather3A_1015 = tpu.vector_load_idx %arg11[%add3A_996] : memref<128xf32, #tpu.memory_space<vmem>>[vector<16xi32>], vector<16xf32>,
        %gather3A_1016 = tpu.vector_load_idx %arg12[%add3A_996] : memref<128xf32, #tpu.memory_space<vmem>>[vector<16xi32>], vector<16xf32>,
        %gather3A_1017 = tpu.vector_load_idx %arg13[%add3A_996] : memref<128xf32, #tpu.memory_space<vmem>>[vector<16xi32>], vector<16xf32>,
        %gather3A_1018 = tpu.vector_load_idx %arg14[%add3A_996] : memref<128xf32, #tpu.memory_space<vmem>>[vector<16xi32>], vector<16xf32>,
        %gather3A_1019 = tpu.vector_load_idx %arg15[%add3A_996] : memref<128xf32, #tpu.memory_space<vmem>>[vector<16xi32>], vector<16xf32>,
        %gather3A_1020 = tpu.vector_load_idx %arg16[%add3A_996] : memref<128xf32, #tpu.memory_space<vmem>>[vector<16xi32>], vector<16xf32>,
        %max3A_1021 = arith.maximumf %gather3A_1013, %gather3A_998 : vector<16xf32>
        tpu.vector_store_idx %arg9[%add3A_996], %max3A_1021 : memref<128xf32, #tpu.memory_space<vmem>>[vector<16xi32>], vector<16xf32>,
        %max3A_1022 = arith.maximumf %gather3A_1014, %gather3A_1000 : vector<16xf32>
        tpu.vector_store_idx %arg10[%add3A_996], %max3A_1022 : memref<128xf32, #tpu.memory_space<vmem>>[vector<16xi32>], vector<16xf32>,
        %max3A_1023 = arith.maximumf %gather3A_1015, %gather3A_1002 : vector<16xf32>
        tpu.vector_store_idx %arg11[%add3A_996], %max3A_1023 : memref<128xf32, #tpu.memory_space<vmem>>[vector<16xi32>], vector<16xf32>,
        %max3A_1024 = arith.maximumf %gather3A_1016, %gather3A_1004 : vector<16xf32>
        tpu.vector_store_idx %arg12[%add3A_996], %max3A_1024 : memref<128xf32, #tpu.memory_space<vmem>>[vector<16xi32>], vector<16xf32>,
        %max3A_1025 = arith.maximumf %gather3A_1017, %gather3A_1006 : vector<16xf32>
        tpu.vector_store_idx %arg13[%add3A_996], %max3A_1025 : memref<128xf32, #tpu.memory_space<vmem>>[vector<16xi32>], vector<16xf32>,
        %max3A_1026 = arith.maximumf %gather3A_1018, %gather3A_1008 : vector<16xf32>
        tpu.vector_store_idx %arg14[%add3A_996], %max3A_1026 : memref<128xf32, #tpu.memory_space<vmem>>[vector<16xi32>], vector<16xf32>,
        %max3A_1027 = arith.maximumf %gather3A_1019, %gather3A_1010 : vector<16xf32>
        tpu.vector_store_idx %arg15[%add3A_996], %max3A_1027 : memref<128xf32, #tpu.memory_space<vmem>>[vector<16xi32>], vector<16xf32>,
        %max3A_1028 = arith.maximumf %gather3A_1020, %gather3A_1012 : vector<16xf32>
        tpu.vector_store_idx %arg16[%add3A_996], %max3A_1028 : memref<128xf32, #tpu.memory_space<vmem>>[vector<16xi32>], vector<16xf32>,
        %add3A_1029 = arith.constant 14 : i32
        %add3A_1030 = arith.addi %mul3A_493, %add3A_1029 : i32
        %slice3A_1031 = vector.extract_strided_slice %mul3A_500 {offsets = [14], sizes = [1], strides = [1]} : vector<16xi32> to vector<1xi32>
        %squeeze3A_1032 = vector.extract %slice3A_1031[0] : i32 from vector<1xi32>
        %broadcast_in_dim3A_1033 = vector.broadcast %squeeze3A_1032 : i32 to vector<16xi32>
        %add3A_1034 = arith.addi %broadcast_in_dim3A_1033, %iota3A : vector<16xi32>
        %broadcast_in_dim3A_1035 = vector.broadcast %add3A_1030 : i32 to vector<16xi32>
        %gather3A_1036 = tpu.vector_load_idx %arg6[%broadcast_in_dim3A_1035, %add3A_131] : memref<400x128xf32, #tpu.memory_space<vmem>>[vector<16xi32>, vector<16xi32>], vector<16xf32>,
        %broadcast_in_dim3A_1037 = vector.broadcast %add3A_1030 : i32 to vector<16xi32>
        %gather3A_1038 = tpu.vector_load_idx %arg6[%broadcast_in_dim3A_1037, %add3A_134] : memref<400x128xf32, #tpu.memory_space<vmem>>[vector<16xi32>, vector<16xi32>], vector<16xf32>,
        %broadcast_in_dim3A_1039 = vector.broadcast %add3A_1030 : i32 to vector<16xi32>
        %gather3A_1040 = tpu.vector_load_idx %arg6[%broadcast_in_dim3A_1039, %add3A_137] : memref<400x128xf32, #tpu.memory_space<vmem>>[vector<16xi32>, vector<16xi32>], vector<16xf32>,
        %broadcast_in_dim3A_1041 = vector.broadcast %add3A_1030 : i32 to vector<16xi32>
        %gather3A_1042 = tpu.vector_load_idx %arg6[%broadcast_in_dim3A_1041, %add3A_140] : memref<400x128xf32, #tpu.memory_space<vmem>>[vector<16xi32>, vector<16xi32>], vector<16xf32>,
        %broadcast_in_dim3A_1043 = vector.broadcast %add3A_1030 : i32 to vector<16xi32>
        %gather3A_1044 = tpu.vector_load_idx %arg6[%broadcast_in_dim3A_1043, %add3A_143] : memref<400x128xf32, #tpu.memory_space<vmem>>[vector<16xi32>, vector<16xi32>], vector<16xf32>,
        %broadcast_in_dim3A_1045 = vector.broadcast %add3A_1030 : i32 to vector<16xi32>
        %gather3A_1046 = tpu.vector_load_idx %arg6[%broadcast_in_dim3A_1045, %add3A_146] : memref<400x128xf32, #tpu.memory_space<vmem>>[vector<16xi32>, vector<16xi32>], vector<16xf32>,
        %broadcast_in_dim3A_1047 = vector.broadcast %add3A_1030 : i32 to vector<16xi32>
        %gather3A_1048 = tpu.vector_load_idx %arg6[%broadcast_in_dim3A_1047, %add3A_149] : memref<400x128xf32, #tpu.memory_space<vmem>>[vector<16xi32>, vector<16xi32>], vector<16xf32>,
        %broadcast_in_dim3A_1049 = vector.broadcast %add3A_1030 : i32 to vector<16xi32>
        %gather3A_1050 = tpu.vector_load_idx %arg6[%broadcast_in_dim3A_1049, %add3A_152] : memref<400x128xf32, #tpu.memory_space<vmem>>[vector<16xi32>, vector<16xi32>], vector<16xf32>,
        %gather3A_1051 = tpu.vector_load_idx %arg9[%add3A_1034] : memref<128xf32, #tpu.memory_space<vmem>>[vector<16xi32>], vector<16xf32>,
        %gather3A_1052 = tpu.vector_load_idx %arg10[%add3A_1034] : memref<128xf32, #tpu.memory_space<vmem>>[vector<16xi32>], vector<16xf32>,
        %gather3A_1053 = tpu.vector_load_idx %arg11[%add3A_1034] : memref<128xf32, #tpu.memory_space<vmem>>[vector<16xi32>], vector<16xf32>,
        %gather3A_1054 = tpu.vector_load_idx %arg12[%add3A_1034] : memref<128xf32, #tpu.memory_space<vmem>>[vector<16xi32>], vector<16xf32>,
        %gather3A_1055 = tpu.vector_load_idx %arg13[%add3A_1034] : memref<128xf32, #tpu.memory_space<vmem>>[vector<16xi32>], vector<16xf32>,
        %gather3A_1056 = tpu.vector_load_idx %arg14[%add3A_1034] : memref<128xf32, #tpu.memory_space<vmem>>[vector<16xi32>], vector<16xf32>,
        %gather3A_1057 = tpu.vector_load_idx %arg15[%add3A_1034] : memref<128xf32, #tpu.memory_space<vmem>>[vector<16xi32>], vector<16xf32>,
        %gather3A_1058 = tpu.vector_load_idx %arg16[%add3A_1034] : memref<128xf32, #tpu.memory_space<vmem>>[vector<16xi32>], vector<16xf32>,
        %max3A_1059 = arith.maximumf %gather3A_1051, %gather3A_1036 : vector<16xf32>
        tpu.vector_store_idx %arg9[%add3A_1034], %max3A_1059 : memref<128xf32, #tpu.memory_space<vmem>>[vector<16xi32>], vector<16xf32>,
        %max3A_1060 = arith.maximumf %gather3A_1052, %gather3A_1038 : vector<16xf32>
        tpu.vector_store_idx %arg10[%add3A_1034], %max3A_1060 : memref<128xf32, #tpu.memory_space<vmem>>[vector<16xi32>], vector<16xf32>,
        %max3A_1061 = arith.maximumf %gather3A_1053, %gather3A_1040 : vector<16xf32>
        tpu.vector_store_idx %arg11[%add3A_1034], %max3A_1061 : memref<128xf32, #tpu.memory_space<vmem>>[vector<16xi32>], vector<16xf32>,
        %max3A_1062 = arith.maximumf %gather3A_1054, %gather3A_1042 : vector<16xf32>
        tpu.vector_store_idx %arg12[%add3A_1034], %max3A_1062 : memref<128xf32, #tpu.memory_space<vmem>>[vector<16xi32>], vector<16xf32>,
        %max3A_1063 = arith.maximumf %gather3A_1055, %gather3A_1044 : vector<16xf32>
        tpu.vector_store_idx %arg13[%add3A_1034], %max3A_1063 : memref<128xf32, #tpu.memory_space<vmem>>[vector<16xi32>], vector<16xf32>,
        %max3A_1064 = arith.maximumf %gather3A_1056, %gather3A_1046 : vector<16xf32>
        tpu.vector_store_idx %arg14[%add3A_1034], %max3A_1064 : memref<128xf32, #tpu.memory_space<vmem>>[vector<16xi32>], vector<16xf32>,
        %max3A_1065 = arith.maximumf %gather3A_1057, %gather3A_1048 : vector<16xf32>
        tpu.vector_store_idx %arg15[%add3A_1034], %max3A_1065 : memref<128xf32, #tpu.memory_space<vmem>>[vector<16xi32>], vector<16xf32>,
        %max3A_1066 = arith.maximumf %gather3A_1058, %gather3A_1050 : vector<16xf32>
        tpu.vector_store_idx %arg16[%add3A_1034], %max3A_1066 : memref<128xf32, #tpu.memory_space<vmem>>[vector<16xi32>], vector<16xf32>,
        %add3A_1067 = arith.constant 15 : i32
        %add3A_1068 = arith.addi %mul3A_493, %add3A_1067 : i32
        %slice3A_1069 = vector.extract_strided_slice %mul3A_500 {offsets = [15], sizes = [1], strides = [1]} : vector<16xi32> to vector<1xi32>
        %squeeze3A_1070 = vector.extract %slice3A_1069[0] : i32 from vector<1xi32>
        %broadcast_in_dim3A_1071 = vector.broadcast %squeeze3A_1070 : i32 to vector<16xi32>
        %add3A_1072 = arith.addi %broadcast_in_dim3A_1071, %iota3A : vector<16xi32>
        %broadcast_in_dim3A_1073 = vector.broadcast %add3A_1068 : i32 to vector<16xi32>
        %gather3A_1074 = tpu.vector_load_idx %arg6[%broadcast_in_dim3A_1073, %add3A_131] : memref<400x128xf32, #tpu.memory_space<vmem>>[vector<16xi32>, vector<16xi32>], vector<16xf32>,
        %broadcast_in_dim3A_1075 = vector.broadcast %add3A_1068 : i32 to vector<16xi32>
        %gather3A_1076 = tpu.vector_load_idx %arg6[%broadcast_in_dim3A_1075, %add3A_134] : memref<400x128xf32, #tpu.memory_space<vmem>>[vector<16xi32>, vector<16xi32>], vector<16xf32>,
        %broadcast_in_dim3A_1077 = vector.broadcast %add3A_1068 : i32 to vector<16xi32>
        %gather3A_1078 = tpu.vector_load_idx %arg6[%broadcast_in_dim3A_1077, %add3A_137] : memref<400x128xf32, #tpu.memory_space<vmem>>[vector<16xi32>, vector<16xi32>], vector<16xf32>,
        %broadcast_in_dim3A_1079 = vector.broadcast %add3A_1068 : i32 to vector<16xi32>
        %gather3A_1080 = tpu.vector_load_idx %arg6[%broadcast_in_dim3A_1079, %add3A_140] : memref<400x128xf32, #tpu.memory_space<vmem>>[vector<16xi32>, vector<16xi32>], vector<16xf32>,
        %broadcast_in_dim3A_1081 = vector.broadcast %add3A_1068 : i32 to vector<16xi32>
        %gather3A_1082 = tpu.vector_load_idx %arg6[%broadcast_in_dim3A_1081, %add3A_143] : memref<400x128xf32, #tpu.memory_space<vmem>>[vector<16xi32>, vector<16xi32>], vector<16xf32>,
        %broadcast_in_dim3A_1083 = vector.broadcast %add3A_1068 : i32 to vector<16xi32>
        %gather3A_1084 = tpu.vector_load_idx %arg6[%broadcast_in_dim3A_1083, %add3A_146] : memref<400x128xf32, #tpu.memory_space<vmem>>[vector<16xi32>, vector<16xi32>], vector<16xf32>,
        %broadcast_in_dim3A_1085 = vector.broadcast %add3A_1068 : i32 to vector<16xi32>
        %gather3A_1086 = tpu.vector_load_idx %arg6[%broadcast_in_dim3A_1085, %add3A_149] : memref<400x128xf32, #tpu.memory_space<vmem>>[vector<16xi32>, vector<16xi32>], vector<16xf32>,
        %broadcast_in_dim3A_1087 = vector.broadcast %add3A_1068 : i32 to vector<16xi32>
        %gather3A_1088 = tpu.vector_load_idx %arg6[%broadcast_in_dim3A_1087, %add3A_152] : memref<400x128xf32, #tpu.memory_space<vmem>>[vector<16xi32>, vector<16xi32>], vector<16xf32>,
        %gather3A_1089 = tpu.vector_load_idx %arg9[%add3A_1072] : memref<128xf32, #tpu.memory_space<vmem>>[vector<16xi32>], vector<16xf32>,
        %gather3A_1090 = tpu.vector_load_idx %arg10[%add3A_1072] : memref<128xf32, #tpu.memory_space<vmem>>[vector<16xi32>], vector<16xf32>,
        %gather3A_1091 = tpu.vector_load_idx %arg11[%add3A_1072] : memref<128xf32, #tpu.memory_space<vmem>>[vector<16xi32>], vector<16xf32>,
        %gather3A_1092 = tpu.vector_load_idx %arg12[%add3A_1072] : memref<128xf32, #tpu.memory_space<vmem>>[vector<16xi32>], vector<16xf32>,
        %gather3A_1093 = tpu.vector_load_idx %arg13[%add3A_1072] : memref<128xf32, #tpu.memory_space<vmem>>[vector<16xi32>], vector<16xf32>,
        %gather3A_1094 = tpu.vector_load_idx %arg14[%add3A_1072] : memref<128xf32, #tpu.memory_space<vmem>>[vector<16xi32>], vector<16xf32>,
        %gather3A_1095 = tpu.vector_load_idx %arg15[%add3A_1072] : memref<128xf32, #tpu.memory_space<vmem>>[vector<16xi32>], vector<16xf32>,
        %gather3A_1096 = tpu.vector_load_idx %arg16[%add3A_1072] : memref<128xf32, #tpu.memory_space<vmem>>[vector<16xi32>], vector<16xf32>,
        %max3A_1097 = arith.maximumf %gather3A_1089, %gather3A_1074 : vector<16xf32>
        tpu.vector_store_idx %arg9[%add3A_1072], %max3A_1097 : memref<128xf32, #tpu.memory_space<vmem>>[vector<16xi32>], vector<16xf32>,
        %max3A_1098 = arith.maximumf %gather3A_1090, %gather3A_1076 : vector<16xf32>
        tpu.vector_store_idx %arg10[%add3A_1072], %max3A_1098 : memref<128xf32, #tpu.memory_space<vmem>>[vector<16xi32>], vector<16xf32>,
        %max3A_1099 = arith.maximumf %gather3A_1091, %gather3A_1078 : vector<16xf32>
        tpu.vector_store_idx %arg11[%add3A_1072], %max3A_1099 : memref<128xf32, #tpu.memory_space<vmem>>[vector<16xi32>], vector<16xf32>,
        %max3A_1100 = arith.maximumf %gather3A_1092, %gather3A_1080 : vector<16xf32>
        tpu.vector_store_idx %arg12[%add3A_1072], %max3A_1100 : memref<128xf32, #tpu.memory_space<vmem>>[vector<16xi32>], vector<16xf32>,
        %max3A_1101 = arith.maximumf %gather3A_1093, %gather3A_1082 : vector<16xf32>
        tpu.vector_store_idx %arg13[%add3A_1072], %max3A_1101 : memref<128xf32, #tpu.memory_space<vmem>>[vector<16xi32>], vector<16xf32>,
        %max3A_1102 = arith.maximumf %gather3A_1094, %gather3A_1084 : vector<16xf32>
        tpu.vector_store_idx %arg14[%add3A_1072], %max3A_1102 : memref<128xf32, #tpu.memory_space<vmem>>[vector<16xi32>], vector<16xf32>,
        %max3A_1103 = arith.maximumf %gather3A_1095, %gather3A_1086 : vector<16xf32>
        tpu.vector_store_idx %arg15[%add3A_1072], %max3A_1103 : memref<128xf32, #tpu.memory_space<vmem>>[vector<16xi32>], vector<16xf32>,
        %max3A_1104 = arith.maximumf %gather3A_1096, %gather3A_1088 : vector<16xf32>
        tpu.vector_store_idx %arg16[%add3A_1072], %max3A_1104 : memref<128xf32, #tpu.memory_space<vmem>>[vector<16xi32>], vector<16xf32>,
      }
      %scan3A_490 = arith.constant 25 : i32
    }
    %scan3A_166 = arith.constant 12 : i32
    %mul3A_167 = arith.constant 10000 : i32
    %mul3A_168 = arith.muli %add3A, %mul3A_167 : i32
    %add3A_169 = arith.constant 9600 : i32
    %add3A_170 = arith.addi %mul3A_168, %add3A_169 : i32
    %dma_wait3A = arith.constant 0 : i32
    %dma_wait3A_171 = tpu.memref_slice %arg2[%add3A_170, %dma_wait3A] : memref<320000x128xf32, #tpu.memory_space<hbm>> -> memref<400x128xf32, #tpu.memory_space<hbm>>
    %dma_wait3A_172 = arith.constant 0 : i32
    %dma_wait3A_173 = tpu.memref_slice %arg2[%add3A_170, %dma_wait3A_172] : memref<320000x128xf32, #tpu.memory_space<hbm>> -> memref<400x128xf32, #tpu.memory_space<hbm>>
    tpu.wait_dma2 semaphore(%arg18 : memref<!tpu.dma_semaphore, #tpu.memory_space<semaphore_mem>>) src(%dma_wait3A_173 : memref<400x128xf32, #tpu.memory_space<hbm>>) dst(%arg5 : memref<400x128xf32, #tpu.memory_space<vmem>>)
    %dma_wait3A_174 = tpu.memref_slice %arg3[%add3A_170] : memref<320000xi32, #tpu.memory_space<hbm>> -> memref<400xi32, #tpu.memory_space<hbm>>
    %dma_wait3A_175 = tpu.memref_slice %arg3[%add3A_170] : memref<320000xi32, #tpu.memory_space<hbm>> -> memref<400xi32, #tpu.memory_space<hbm>>
    tpu.wait_dma2 semaphore(%arg20 : memref<!tpu.dma_semaphore, #tpu.memory_space<semaphore_mem>>) src(%dma_wait3A_175 : memref<400xi32, #tpu.memory_space<hbm>>) dst(%arg7 : memref<400xi32, #tpu.memory_space<vmem>>)
    %scan3A_176 = arith.constant 0 : i32
    %scan3A_177 = arith.constant 0 : i32
    %scan3A_178 = arith.constant 25 : i32
    %scan3A_179 = arith.addi %scan3A_177, %scan3A_178 : i32
    %scan3A_180 = arith.constant 1 : i32
    scf.for %scan3A_437 = %scan3A_177 to %scan3A_179 step %scan3A_180  : i32 {
      %mul3A_438 = arith.constant 16 : i32
      %mul3A_439 = arith.muli %scan3A_437, %mul3A_438 : i32
      %get3A_440 = arith.index_cast %mul3A_439 : i32 to index
      %get3A_441 = tpu.vector_load %arg7[%get3A_440] {strides = array<i32>} : memref<400xi32, #tpu.memory_space<vmem>>, vector<16xi32>,
      %min3A = arith.constant 7 : i32
      %min3A_442 = vector.broadcast %min3A : i32 to vector<16xi32>
      %min3A_443 = arith.minsi %get3A_441, %min3A_442 : vector<16xi32>
      %mul3A_444 = arith.constant 16 : i32
      %mul3A_445 = vector.broadcast %mul3A_444 : i32 to vector<16xi32>
      %mul3A_446 = arith.muli %min3A_443, %mul3A_445 : vector<16xi32>
      %add3A_447 = arith.constant 0 : i32
      %add3A_448 = arith.addi %mul3A_439, %add3A_447 : i32
      %slice3A = vector.extract_strided_slice %mul3A_446 {offsets = [0], sizes = [1], strides = [1]} : vector<16xi32> to vector<1xi32>
      %squeeze3A = vector.extract %slice3A[0] : i32 from vector<1xi32>
      %broadcast_in_dim3A_449 = vector.broadcast %squeeze3A : i32 to vector<16xi32>
      %add3A_450 = arith.addi %broadcast_in_dim3A_449, %iota3A : vector<16xi32>
      %broadcast_in_dim3A_451 = vector.broadcast %add3A_448 : i32 to vector<16xi32>
      %gather3A = tpu.vector_load_idx %arg5[%broadcast_in_dim3A_451, %add3A_131] : memref<400x128xf32, #tpu.memory_space<vmem>>[vector<16xi32>, vector<16xi32>], vector<16xf32>,
      %broadcast_in_dim3A_452 = vector.broadcast %add3A_448 : i32 to vector<16xi32>
      %gather3A_453 = tpu.vector_load_idx %arg5[%broadcast_in_dim3A_452, %add3A_134] : memref<400x128xf32, #tpu.memory_space<vmem>>[vector<16xi32>, vector<16xi32>], vector<16xf32>,
      %broadcast_in_dim3A_454 = vector.broadcast %add3A_448 : i32 to vector<16xi32>
      %gather3A_455 = tpu.vector_load_idx %arg5[%broadcast_in_dim3A_454, %add3A_137] : memref<400x128xf32, #tpu.memory_space<vmem>>[vector<16xi32>, vector<16xi32>], vector<16xf32>,
      %broadcast_in_dim3A_456 = vector.broadcast %add3A_448 : i32 to vector<16xi32>
      %gather3A_457 = tpu.vector_load_idx %arg5[%broadcast_in_dim3A_456, %add3A_140] : memref<400x128xf32, #tpu.memory_space<vmem>>[vector<16xi32>, vector<16xi32>], vector<16xf32>,
      %broadcast_in_dim3A_458 = vector.broadcast %add3A_448 : i32 to vector<16xi32>
      %gather3A_459 = tpu.vector_load_idx %arg5[%broadcast_in_dim3A_458, %add3A_143] : memref<400x128xf32, #tpu.memory_space<vmem>>[vector<16xi32>, vector<16xi32>], vector<16xf32>,
      %broadcast_in_dim3A_460 = vector.broadcast %add3A_448 : i32 to vector<16xi32>
      %gather3A_461 = tpu.vector_load_idx %arg5[%broadcast_in_dim3A_460, %add3A_146] : memref<400x128xf32, #tpu.memory_space<vmem>>[vector<16xi32>, vector<16xi32>], vector<16xf32>,
      %broadcast_in_dim3A_462 = vector.broadcast %add3A_448 : i32 to vector<16xi32>
      %gather3A_463 = tpu.vector_load_idx %arg5[%broadcast_in_dim3A_462, %add3A_149] : memref<400x128xf32, #tpu.memory_space<vmem>>[vector<16xi32>, vector<16xi32>], vector<16xf32>,
      %broadcast_in_dim3A_464 = vector.broadcast %add3A_448 : i32 to vector<16xi32>
      %gather3A_465 = tpu.vector_load_idx %arg5[%broadcast_in_dim3A_464, %add3A_152] : memref<400x128xf32, #tpu.memory_space<vmem>>[vector<16xi32>, vector<16xi32>], vector<16xf32>,
      %gather3A_466 = tpu.vector_load_idx %arg9[%add3A_450] : memref<128xf32, #tpu.memory_space<vmem>>[vector<16xi32>], vector<16xf32>,
      %gather3A_467 = tpu.vector_load_idx %arg10[%add3A_450] : memref<128xf32, #tpu.memory_space<vmem>>[vector<16xi32>], vector<16xf32>,
      %gather3A_468 = tpu.vector_load_idx %arg11[%add3A_450] : memref<128xf32, #tpu.memory_space<vmem>>[vector<16xi32>], vector<16xf32>,
      %gather3A_469 = tpu.vector_load_idx %arg12[%add3A_450] : memref<128xf32, #tpu.memory_space<vmem>>[vector<16xi32>], vector<16xf32>,
      %gather3A_470 = tpu.vector_load_idx %arg13[%add3A_450] : memref<128xf32, #tpu.memory_space<vmem>>[vector<16xi32>], vector<16xf32>,
      %gather3A_471 = tpu.vector_load_idx %arg14[%add3A_450] : memref<128xf32, #tpu.memory_space<vmem>>[vector<16xi32>], vector<16xf32>,
      %gather3A_472 = tpu.vector_load_idx %arg15[%add3A_450] : memref<128xf32, #tpu.memory_space<vmem>>[vector<16xi32>], vector<16xf32>,
      %gather3A_473 = tpu.vector_load_idx %arg16[%add3A_450] : memref<128xf32, #tpu.memory_space<vmem>>[vector<16xi32>], vector<16xf32>,
      %max3A = arith.maximumf %gather3A_466, %gather3A : vector<16xf32>
      tpu.vector_store_idx %arg9[%add3A_450], %max3A : memref<128xf32, #tpu.memory_space<vmem>>[vector<16xi32>], vector<16xf32>,
      %max3A_474 = arith.maximumf %gather3A_467, %gather3A_453 : vector<16xf32>
      tpu.vector_store_idx %arg10[%add3A_450], %max3A_474 : memref<128xf32, #tpu.memory_space<vmem>>[vector<16xi32>], vector<16xf32>,
      %max3A_475 = arith.maximumf %gather3A_468, %gather3A_455 : vector<16xf32>
      tpu.vector_store_idx %arg11[%add3A_450], %max3A_475 : memref<128xf32, #tpu.memory_space<vmem>>[vector<16xi32>], vector<16xf32>,
      %max3A_476 = arith.maximumf %gather3A_469, %gather3A_457 : vector<16xf32>
      tpu.vector_store_idx %arg12[%add3A_450], %max3A_476 : memref<128xf32, #tpu.memory_space<vmem>>[vector<16xi32>], vector<16xf32>,
      %max3A_477 = arith.maximumf %gather3A_470, %gather3A_459 : vector<16xf32>
      tpu.vector_store_idx %arg13[%add3A_450], %max3A_477 : memref<128xf32, #tpu.memory_space<vmem>>[vector<16xi32>], vector<16xf32>,
      %max3A_478 = arith.maximumf %gather3A_471, %gather3A_461 : vector<16xf32>
      tpu.vector_store_idx %arg14[%add3A_450], %max3A_478 : memref<128xf32, #tpu.memory_space<vmem>>[vector<16xi32>], vector<16xf32>,
      %max3A_479 = arith.maximumf %gather3A_472, %gather3A_463 : vector<16xf32>
      tpu.vector_store_idx %arg15[%add3A_450], %max3A_479 : memref<128xf32, #tpu.memory_space<vmem>>[vector<16xi32>], vector<16xf32>,
      %max3A_480 = arith.maximumf %gather3A_473, %gather3A_465 : vector<16xf32>
      tpu.vector_store_idx %arg16[%add3A_450], %max3A_480 : memref<128xf32, #tpu.memory_space<vmem>>[vector<16xi32>], vector<16xf32>,
      %add3A_481 = arith.constant 1 : i32
      %add3A_482 = arith.addi %mul3A_439, %add3A_481 : i32
      %slice3A_483 = vector.extract_strided_slice %mul3A_446 {offsets = [1], sizes = [1], strides = [1]} : vector<16xi32> to vector<1xi32>
      %squeeze3A_484 = vector.extract %slice3A_483[0] : i32 from vector<1xi32>
      %broadcast_in_dim3A_485 = vector.broadcast %squeeze3A_484 : i32 to vector<16xi32>
      %add3A_486 = arith.addi %broadcast_in_dim3A_485, %iota3A : vector<16xi32>
      %broadcast_in_dim3A_487 = vector.broadcast %add3A_482 : i32 to vector<16xi32>
      %gather3A_488 = tpu.vector_load_idx %arg5[%broadcast_in_dim3A_487, %add3A_131] : memref<400x128xf32, #tpu.memory_space<vmem>>[vector<16xi32>, vector<16xi32>], vector<16xf32>,
      %broadcast_in_dim3A_489 = vector.broadcast %add3A_482 : i32 to vector<16xi32>
      %gather3A_490 = tpu.vector_load_idx %arg5[%broadcast_in_dim3A_489, %add3A_134] : memref<400x128xf32, #tpu.memory_space<vmem>>[vector<16xi32>, vector<16xi32>], vector<16xf32>,
      %broadcast_in_dim3A_491 = vector.broadcast %add3A_482 : i32 to vector<16xi32>
      %gather3A_492 = tpu.vector_load_idx %arg5[%broadcast_in_dim3A_491, %add3A_137] : memref<400x128xf32, #tpu.memory_space<vmem>>[vector<16xi32>, vector<16xi32>], vector<16xf32>,
      %broadcast_in_dim3A_493 = vector.broadcast %add3A_482 : i32 to vector<16xi32>
      %gather3A_494 = tpu.vector_load_idx %arg5[%broadcast_in_dim3A_493, %add3A_140] : memref<400x128xf32, #tpu.memory_space<vmem>>[vector<16xi32>, vector<16xi32>], vector<16xf32>,
      %broadcast_in_dim3A_495 = vector.broadcast %add3A_482 : i32 to vector<16xi32>
      %gather3A_496 = tpu.vector_load_idx %arg5[%broadcast_in_dim3A_495, %add3A_143] : memref<400x128xf32, #tpu.memory_space<vmem>>[vector<16xi32>, vector<16xi32>], vector<16xf32>,
      %broadcast_in_dim3A_497 = vector.broadcast %add3A_482 : i32 to vector<16xi32>
      %gather3A_498 = tpu.vector_load_idx %arg5[%broadcast_in_dim3A_497, %add3A_146] : memref<400x128xf32, #tpu.memory_space<vmem>>[vector<16xi32>, vector<16xi32>], vector<16xf32>,
      %broadcast_in_dim3A_499 = vector.broadcast %add3A_482 : i32 to vector<16xi32>
      %gather3A_500 = tpu.vector_load_idx %arg5[%broadcast_in_dim3A_499, %add3A_149] : memref<400x128xf32, #tpu.memory_space<vmem>>[vector<16xi32>, vector<16xi32>], vector<16xf32>,
      %broadcast_in_dim3A_501 = vector.broadcast %add3A_482 : i32 to vector<16xi32>
      %gather3A_502 = tpu.vector_load_idx %arg5[%broadcast_in_dim3A_501, %add3A_152] : memref<400x128xf32, #tpu.memory_space<vmem>>[vector<16xi32>, vector<16xi32>], vector<16xf32>,
      %gather3A_503 = tpu.vector_load_idx %arg9[%add3A_486] : memref<128xf32, #tpu.memory_space<vmem>>[vector<16xi32>], vector<16xf32>,
      %gather3A_504 = tpu.vector_load_idx %arg10[%add3A_486] : memref<128xf32, #tpu.memory_space<vmem>>[vector<16xi32>], vector<16xf32>,
      %gather3A_505 = tpu.vector_load_idx %arg11[%add3A_486] : memref<128xf32, #tpu.memory_space<vmem>>[vector<16xi32>], vector<16xf32>,
      %gather3A_506 = tpu.vector_load_idx %arg12[%add3A_486] : memref<128xf32, #tpu.memory_space<vmem>>[vector<16xi32>], vector<16xf32>,
      %gather3A_507 = tpu.vector_load_idx %arg13[%add3A_486] : memref<128xf32, #tpu.memory_space<vmem>>[vector<16xi32>], vector<16xf32>,
      %gather3A_508 = tpu.vector_load_idx %arg14[%add3A_486] : memref<128xf32, #tpu.memory_space<vmem>>[vector<16xi32>], vector<16xf32>,
      %gather3A_509 = tpu.vector_load_idx %arg15[%add3A_486] : memref<128xf32, #tpu.memory_space<vmem>>[vector<16xi32>], vector<16xf32>,
      %gather3A_510 = tpu.vector_load_idx %arg16[%add3A_486] : memref<128xf32, #tpu.memory_space<vmem>>[vector<16xi32>], vector<16xf32>,
      %max3A_511 = arith.maximumf %gather3A_503, %gather3A_488 : vector<16xf32>
      tpu.vector_store_idx %arg9[%add3A_486], %max3A_511 : memref<128xf32, #tpu.memory_space<vmem>>[vector<16xi32>], vector<16xf32>,
      %max3A_512 = arith.maximumf %gather3A_504, %gather3A_490 : vector<16xf32>
      tpu.vector_store_idx %arg10[%add3A_486], %max3A_512 : memref<128xf32, #tpu.memory_space<vmem>>[vector<16xi32>], vector<16xf32>,
      %max3A_513 = arith.maximumf %gather3A_505, %gather3A_492 : vector<16xf32>
      tpu.vector_store_idx %arg11[%add3A_486], %max3A_513 : memref<128xf32, #tpu.memory_space<vmem>>[vector<16xi32>], vector<16xf32>,
      %max3A_514 = arith.maximumf %gather3A_506, %gather3A_494 : vector<16xf32>
      tpu.vector_store_idx %arg12[%add3A_486], %max3A_514 : memref<128xf32, #tpu.memory_space<vmem>>[vector<16xi32>], vector<16xf32>,
      %max3A_515 = arith.maximumf %gather3A_507, %gather3A_496 : vector<16xf32>
      tpu.vector_store_idx %arg13[%add3A_486], %max3A_515 : memref<128xf32, #tpu.memory_space<vmem>>[vector<16xi32>], vector<16xf32>,
      %max3A_516 = arith.maximumf %gather3A_508, %gather3A_498 : vector<16xf32>
      tpu.vector_store_idx %arg14[%add3A_486], %max3A_516 : memref<128xf32, #tpu.memory_space<vmem>>[vector<16xi32>], vector<16xf32>,
      %max3A_517 = arith.maximumf %gather3A_509, %gather3A_500 : vector<16xf32>
      tpu.vector_store_idx %arg15[%add3A_486], %max3A_517 : memref<128xf32, #tpu.memory_space<vmem>>[vector<16xi32>], vector<16xf32>,
      %max3A_518 = arith.maximumf %gather3A_510, %gather3A_502 : vector<16xf32>
      tpu.vector_store_idx %arg16[%add3A_486], %max3A_518 : memref<128xf32, #tpu.memory_space<vmem>>[vector<16xi32>], vector<16xf32>,
      %add3A_519 = arith.constant 2 : i32
      %add3A_520 = arith.addi %mul3A_439, %add3A_519 : i32
      %slice3A_521 = vector.extract_strided_slice %mul3A_446 {offsets = [2], sizes = [1], strides = [1]} : vector<16xi32> to vector<1xi32>
      %squeeze3A_522 = vector.extract %slice3A_521[0] : i32 from vector<1xi32>
      %broadcast_in_dim3A_523 = vector.broadcast %squeeze3A_522 : i32 to vector<16xi32>
      %add3A_524 = arith.addi %broadcast_in_dim3A_523, %iota3A : vector<16xi32>
      %broadcast_in_dim3A_525 = vector.broadcast %add3A_520 : i32 to vector<16xi32>
      %gather3A_526 = tpu.vector_load_idx %arg5[%broadcast_in_dim3A_525, %add3A_131] : memref<400x128xf32, #tpu.memory_space<vmem>>[vector<16xi32>, vector<16xi32>], vector<16xf32>,
      %broadcast_in_dim3A_527 = vector.broadcast %add3A_520 : i32 to vector<16xi32>
      %gather3A_528 = tpu.vector_load_idx %arg5[%broadcast_in_dim3A_527, %add3A_134] : memref<400x128xf32, #tpu.memory_space<vmem>>[vector<16xi32>, vector<16xi32>], vector<16xf32>,
      %broadcast_in_dim3A_529 = vector.broadcast %add3A_520 : i32 to vector<16xi32>
      %gather3A_530 = tpu.vector_load_idx %arg5[%broadcast_in_dim3A_529, %add3A_137] : memref<400x128xf32, #tpu.memory_space<vmem>>[vector<16xi32>, vector<16xi32>], vector<16xf32>,
      %broadcast_in_dim3A_531 = vector.broadcast %add3A_520 : i32 to vector<16xi32>
      %gather3A_532 = tpu.vector_load_idx %arg5[%broadcast_in_dim3A_531, %add3A_140] : memref<400x128xf32, #tpu.memory_space<vmem>>[vector<16xi32>, vector<16xi32>], vector<16xf32>,
      %broadcast_in_dim3A_533 = vector.broadcast %add3A_520 : i32 to vector<16xi32>
      %gather3A_534 = tpu.vector_load_idx %arg5[%broadcast_in_dim3A_533, %add3A_143] : memref<400x128xf32, #tpu.memory_space<vmem>>[vector<16xi32>, vector<16xi32>], vector<16xf32>,
      %broadcast_in_dim3A_535 = vector.broadcast %add3A_520 : i32 to vector<16xi32>
      %gather3A_536 = tpu.vector_load_idx %arg5[%broadcast_in_dim3A_535, %add3A_146] : memref<400x128xf32, #tpu.memory_space<vmem>>[vector<16xi32>, vector<16xi32>], vector<16xf32>,
      %broadcast_in_dim3A_537 = vector.broadcast %add3A_520 : i32 to vector<16xi32>
      %gather3A_538 = tpu.vector_load_idx %arg5[%broadcast_in_dim3A_537, %add3A_149] : memref<400x128xf32, #tpu.memory_space<vmem>>[vector<16xi32>, vector<16xi32>], vector<16xf32>,
      %broadcast_in_dim3A_539 = vector.broadcast %add3A_520 : i32 to vector<16xi32>
      %gather3A_540 = tpu.vector_load_idx %arg5[%broadcast_in_dim3A_539, %add3A_152] : memref<400x128xf32, #tpu.memory_space<vmem>>[vector<16xi32>, vector<16xi32>], vector<16xf32>,
      %gather3A_541 = tpu.vector_load_idx %arg9[%add3A_524] : memref<128xf32, #tpu.memory_space<vmem>>[vector<16xi32>], vector<16xf32>,
      %gather3A_542 = tpu.vector_load_idx %arg10[%add3A_524] : memref<128xf32, #tpu.memory_space<vmem>>[vector<16xi32>], vector<16xf32>,
      %gather3A_543 = tpu.vector_load_idx %arg11[%add3A_524] : memref<128xf32, #tpu.memory_space<vmem>>[vector<16xi32>], vector<16xf32>,
      %gather3A_544 = tpu.vector_load_idx %arg12[%add3A_524] : memref<128xf32, #tpu.memory_space<vmem>>[vector<16xi32>], vector<16xf32>,
      %gather3A_545 = tpu.vector_load_idx %arg13[%add3A_524] : memref<128xf32, #tpu.memory_space<vmem>>[vector<16xi32>], vector<16xf32>,
      %gather3A_546 = tpu.vector_load_idx %arg14[%add3A_524] : memref<128xf32, #tpu.memory_space<vmem>>[vector<16xi32>], vector<16xf32>,
      %gather3A_547 = tpu.vector_load_idx %arg15[%add3A_524] : memref<128xf32, #tpu.memory_space<vmem>>[vector<16xi32>], vector<16xf32>,
      %gather3A_548 = tpu.vector_load_idx %arg16[%add3A_524] : memref<128xf32, #tpu.memory_space<vmem>>[vector<16xi32>], vector<16xf32>,
      %max3A_549 = arith.maximumf %gather3A_541, %gather3A_526 : vector<16xf32>
      tpu.vector_store_idx %arg9[%add3A_524], %max3A_549 : memref<128xf32, #tpu.memory_space<vmem>>[vector<16xi32>], vector<16xf32>,
      %max3A_550 = arith.maximumf %gather3A_542, %gather3A_528 : vector<16xf32>
      tpu.vector_store_idx %arg10[%add3A_524], %max3A_550 : memref<128xf32, #tpu.memory_space<vmem>>[vector<16xi32>], vector<16xf32>,
      %max3A_551 = arith.maximumf %gather3A_543, %gather3A_530 : vector<16xf32>
      tpu.vector_store_idx %arg11[%add3A_524], %max3A_551 : memref<128xf32, #tpu.memory_space<vmem>>[vector<16xi32>], vector<16xf32>,
      %max3A_552 = arith.maximumf %gather3A_544, %gather3A_532 : vector<16xf32>
      tpu.vector_store_idx %arg12[%add3A_524], %max3A_552 : memref<128xf32, #tpu.memory_space<vmem>>[vector<16xi32>], vector<16xf32>,
      %max3A_553 = arith.maximumf %gather3A_545, %gather3A_534 : vector<16xf32>
      tpu.vector_store_idx %arg13[%add3A_524], %max3A_553 : memref<128xf32, #tpu.memory_space<vmem>>[vector<16xi32>], vector<16xf32>,
      %max3A_554 = arith.maximumf %gather3A_546, %gather3A_536 : vector<16xf32>
      tpu.vector_store_idx %arg14[%add3A_524], %max3A_554 : memref<128xf32, #tpu.memory_space<vmem>>[vector<16xi32>], vector<16xf32>,
      %max3A_555 = arith.maximumf %gather3A_547, %gather3A_538 : vector<16xf32>
      tpu.vector_store_idx %arg15[%add3A_524], %max3A_555 : memref<128xf32, #tpu.memory_space<vmem>>[vector<16xi32>], vector<16xf32>,
      %max3A_556 = arith.maximumf %gather3A_548, %gather3A_540 : vector<16xf32>
      tpu.vector_store_idx %arg16[%add3A_524], %max3A_556 : memref<128xf32, #tpu.memory_space<vmem>>[vector<16xi32>], vector<16xf32>,
      %add3A_557 = arith.constant 3 : i32
      %add3A_558 = arith.addi %mul3A_439, %add3A_557 : i32
      %slice3A_559 = vector.extract_strided_slice %mul3A_446 {offsets = [3], sizes = [1], strides = [1]} : vector<16xi32> to vector<1xi32>
      %squeeze3A_560 = vector.extract %slice3A_559[0] : i32 from vector<1xi32>
      %broadcast_in_dim3A_561 = vector.broadcast %squeeze3A_560 : i32 to vector<16xi32>
      %add3A_562 = arith.addi %broadcast_in_dim3A_561, %iota3A : vector<16xi32>
      %broadcast_in_dim3A_563 = vector.broadcast %add3A_558 : i32 to vector<16xi32>
      %gather3A_564 = tpu.vector_load_idx %arg5[%broadcast_in_dim3A_563, %add3A_131] : memref<400x128xf32, #tpu.memory_space<vmem>>[vector<16xi32>, vector<16xi32>], vector<16xf32>,
      %broadcast_in_dim3A_565 = vector.broadcast %add3A_558 : i32 to vector<16xi32>
      %gather3A_566 = tpu.vector_load_idx %arg5[%broadcast_in_dim3A_565, %add3A_134] : memref<400x128xf32, #tpu.memory_space<vmem>>[vector<16xi32>, vector<16xi32>], vector<16xf32>,
      %broadcast_in_dim3A_567 = vector.broadcast %add3A_558 : i32 to vector<16xi32>
      %gather3A_568 = tpu.vector_load_idx %arg5[%broadcast_in_dim3A_567, %add3A_137] : memref<400x128xf32, #tpu.memory_space<vmem>>[vector<16xi32>, vector<16xi32>], vector<16xf32>,
      %broadcast_in_dim3A_569 = vector.broadcast %add3A_558 : i32 to vector<16xi32>
      %gather3A_570 = tpu.vector_load_idx %arg5[%broadcast_in_dim3A_569, %add3A_140] : memref<400x128xf32, #tpu.memory_space<vmem>>[vector<16xi32>, vector<16xi32>], vector<16xf32>,
      %broadcast_in_dim3A_571 = vector.broadcast %add3A_558 : i32 to vector<16xi32>
      %gather3A_572 = tpu.vector_load_idx %arg5[%broadcast_in_dim3A_571, %add3A_143] : memref<400x128xf32, #tpu.memory_space<vmem>>[vector<16xi32>, vector<16xi32>], vector<16xf32>,
      %broadcast_in_dim3A_573 = vector.broadcast %add3A_558 : i32 to vector<16xi32>
      %gather3A_574 = tpu.vector_load_idx %arg5[%broadcast_in_dim3A_573, %add3A_146] : memref<400x128xf32, #tpu.memory_space<vmem>>[vector<16xi32>, vector<16xi32>], vector<16xf32>,
      %broadcast_in_dim3A_575 = vector.broadcast %add3A_558 : i32 to vector<16xi32>
      %gather3A_576 = tpu.vector_load_idx %arg5[%broadcast_in_dim3A_575, %add3A_149] : memref<400x128xf32, #tpu.memory_space<vmem>>[vector<16xi32>, vector<16xi32>], vector<16xf32>,
      %broadcast_in_dim3A_577 = vector.broadcast %add3A_558 : i32 to vector<16xi32>
      %gather3A_578 = tpu.vector_load_idx %arg5[%broadcast_in_dim3A_577, %add3A_152] : memref<400x128xf32, #tpu.memory_space<vmem>>[vector<16xi32>, vector<16xi32>], vector<16xf32>,
      %gather3A_579 = tpu.vector_load_idx %arg9[%add3A_562] : memref<128xf32, #tpu.memory_space<vmem>>[vector<16xi32>], vector<16xf32>,
      %gather3A_580 = tpu.vector_load_idx %arg10[%add3A_562] : memref<128xf32, #tpu.memory_space<vmem>>[vector<16xi32>], vector<16xf32>,
      %gather3A_581 = tpu.vector_load_idx %arg11[%add3A_562] : memref<128xf32, #tpu.memory_space<vmem>>[vector<16xi32>], vector<16xf32>,
      %gather3A_582 = tpu.vector_load_idx %arg12[%add3A_562] : memref<128xf32, #tpu.memory_space<vmem>>[vector<16xi32>], vector<16xf32>,
      %gather3A_583 = tpu.vector_load_idx %arg13[%add3A_562] : memref<128xf32, #tpu.memory_space<vmem>>[vector<16xi32>], vector<16xf32>,
      %gather3A_584 = tpu.vector_load_idx %arg14[%add3A_562] : memref<128xf32, #tpu.memory_space<vmem>>[vector<16xi32>], vector<16xf32>,
      %gather3A_585 = tpu.vector_load_idx %arg15[%add3A_562] : memref<128xf32, #tpu.memory_space<vmem>>[vector<16xi32>], vector<16xf32>,
      %gather3A_586 = tpu.vector_load_idx %arg16[%add3A_562] : memref<128xf32, #tpu.memory_space<vmem>>[vector<16xi32>], vector<16xf32>,
      %max3A_587 = arith.maximumf %gather3A_579, %gather3A_564 : vector<16xf32>
      tpu.vector_store_idx %arg9[%add3A_562], %max3A_587 : memref<128xf32, #tpu.memory_space<vmem>>[vector<16xi32>], vector<16xf32>,
      %max3A_588 = arith.maximumf %gather3A_580, %gather3A_566 : vector<16xf32>
      tpu.vector_store_idx %arg10[%add3A_562], %max3A_588 : memref<128xf32, #tpu.memory_space<vmem>>[vector<16xi32>], vector<16xf32>,
      %max3A_589 = arith.maximumf %gather3A_581, %gather3A_568 : vector<16xf32>
      tpu.vector_store_idx %arg11[%add3A_562], %max3A_589 : memref<128xf32, #tpu.memory_space<vmem>>[vector<16xi32>], vector<16xf32>,
      %max3A_590 = arith.maximumf %gather3A_582, %gather3A_570 : vector<16xf32>
      tpu.vector_store_idx %arg12[%add3A_562], %max3A_590 : memref<128xf32, #tpu.memory_space<vmem>>[vector<16xi32>], vector<16xf32>,
      %max3A_591 = arith.maximumf %gather3A_583, %gather3A_572 : vector<16xf32>
      tpu.vector_store_idx %arg13[%add3A_562], %max3A_591 : memref<128xf32, #tpu.memory_space<vmem>>[vector<16xi32>], vector<16xf32>,
      %max3A_592 = arith.maximumf %gather3A_584, %gather3A_574 : vector<16xf32>
      tpu.vector_store_idx %arg14[%add3A_562], %max3A_592 : memref<128xf32, #tpu.memory_space<vmem>>[vector<16xi32>], vector<16xf32>,
      %max3A_593 = arith.maximumf %gather3A_585, %gather3A_576 : vector<16xf32>
      tpu.vector_store_idx %arg15[%add3A_562], %max3A_593 : memref<128xf32, #tpu.memory_space<vmem>>[vector<16xi32>], vector<16xf32>,
      %max3A_594 = arith.maximumf %gather3A_586, %gather3A_578 : vector<16xf32>
      tpu.vector_store_idx %arg16[%add3A_562], %max3A_594 : memref<128xf32, #tpu.memory_space<vmem>>[vector<16xi32>], vector<16xf32>,
      %add3A_595 = arith.constant 4 : i32
      %add3A_596 = arith.addi %mul3A_439, %add3A_595 : i32
      %slice3A_597 = vector.extract_strided_slice %mul3A_446 {offsets = [4], sizes = [1], strides = [1]} : vector<16xi32> to vector<1xi32>
      %squeeze3A_598 = vector.extract %slice3A_597[0] : i32 from vector<1xi32>
      %broadcast_in_dim3A_599 = vector.broadcast %squeeze3A_598 : i32 to vector<16xi32>
      %add3A_600 = arith.addi %broadcast_in_dim3A_599, %iota3A : vector<16xi32>
      %broadcast_in_dim3A_601 = vector.broadcast %add3A_596 : i32 to vector<16xi32>
      %gather3A_602 = tpu.vector_load_idx %arg5[%broadcast_in_dim3A_601, %add3A_131] : memref<400x128xf32, #tpu.memory_space<vmem>>[vector<16xi32>, vector<16xi32>], vector<16xf32>,
      %broadcast_in_dim3A_603 = vector.broadcast %add3A_596 : i32 to vector<16xi32>
      %gather3A_604 = tpu.vector_load_idx %arg5[%broadcast_in_dim3A_603, %add3A_134] : memref<400x128xf32, #tpu.memory_space<vmem>>[vector<16xi32>, vector<16xi32>], vector<16xf32>,
      %broadcast_in_dim3A_605 = vector.broadcast %add3A_596 : i32 to vector<16xi32>
      %gather3A_606 = tpu.vector_load_idx %arg5[%broadcast_in_dim3A_605, %add3A_137] : memref<400x128xf32, #tpu.memory_space<vmem>>[vector<16xi32>, vector<16xi32>], vector<16xf32>,
      %broadcast_in_dim3A_607 = vector.broadcast %add3A_596 : i32 to vector<16xi32>
      %gather3A_608 = tpu.vector_load_idx %arg5[%broadcast_in_dim3A_607, %add3A_140] : memref<400x128xf32, #tpu.memory_space<vmem>>[vector<16xi32>, vector<16xi32>], vector<16xf32>,
      %broadcast_in_dim3A_609 = vector.broadcast %add3A_596 : i32 to vector<16xi32>
      %gather3A_610 = tpu.vector_load_idx %arg5[%broadcast_in_dim3A_609, %add3A_143] : memref<400x128xf32, #tpu.memory_space<vmem>>[vector<16xi32>, vector<16xi32>], vector<16xf32>,
      %broadcast_in_dim3A_611 = vector.broadcast %add3A_596 : i32 to vector<16xi32>
      %gather3A_612 = tpu.vector_load_idx %arg5[%broadcast_in_dim3A_611, %add3A_146] : memref<400x128xf32, #tpu.memory_space<vmem>>[vector<16xi32>, vector<16xi32>], vector<16xf32>,
      %broadcast_in_dim3A_613 = vector.broadcast %add3A_596 : i32 to vector<16xi32>
      %gather3A_614 = tpu.vector_load_idx %arg5[%broadcast_in_dim3A_613, %add3A_149] : memref<400x128xf32, #tpu.memory_space<vmem>>[vector<16xi32>, vector<16xi32>], vector<16xf32>,
      %broadcast_in_dim3A_615 = vector.broadcast %add3A_596 : i32 to vector<16xi32>
      %gather3A_616 = tpu.vector_load_idx %arg5[%broadcast_in_dim3A_615, %add3A_152] : memref<400x128xf32, #tpu.memory_space<vmem>>[vector<16xi32>, vector<16xi32>], vector<16xf32>,
      %gather3A_617 = tpu.vector_load_idx %arg9[%add3A_600] : memref<128xf32, #tpu.memory_space<vmem>>[vector<16xi32>], vector<16xf32>,
      %gather3A_618 = tpu.vector_load_idx %arg10[%add3A_600] : memref<128xf32, #tpu.memory_space<vmem>>[vector<16xi32>], vector<16xf32>,
      %gather3A_619 = tpu.vector_load_idx %arg11[%add3A_600] : memref<128xf32, #tpu.memory_space<vmem>>[vector<16xi32>], vector<16xf32>,
      %gather3A_620 = tpu.vector_load_idx %arg12[%add3A_600] : memref<128xf32, #tpu.memory_space<vmem>>[vector<16xi32>], vector<16xf32>,
      %gather3A_621 = tpu.vector_load_idx %arg13[%add3A_600] : memref<128xf32, #tpu.memory_space<vmem>>[vector<16xi32>], vector<16xf32>,
      %gather3A_622 = tpu.vector_load_idx %arg14[%add3A_600] : memref<128xf32, #tpu.memory_space<vmem>>[vector<16xi32>], vector<16xf32>,
      %gather3A_623 = tpu.vector_load_idx %arg15[%add3A_600] : memref<128xf32, #tpu.memory_space<vmem>>[vector<16xi32>], vector<16xf32>,
      %gather3A_624 = tpu.vector_load_idx %arg16[%add3A_600] : memref<128xf32, #tpu.memory_space<vmem>>[vector<16xi32>], vector<16xf32>,
      %max3A_625 = arith.maximumf %gather3A_617, %gather3A_602 : vector<16xf32>
      tpu.vector_store_idx %arg9[%add3A_600], %max3A_625 : memref<128xf32, #tpu.memory_space<vmem>>[vector<16xi32>], vector<16xf32>,
      %max3A_626 = arith.maximumf %gather3A_618, %gather3A_604 : vector<16xf32>
      tpu.vector_store_idx %arg10[%add3A_600], %max3A_626 : memref<128xf32, #tpu.memory_space<vmem>>[vector<16xi32>], vector<16xf32>,
      %max3A_627 = arith.maximumf %gather3A_619, %gather3A_606 : vector<16xf32>
      tpu.vector_store_idx %arg11[%add3A_600], %max3A_627 : memref<128xf32, #tpu.memory_space<vmem>>[vector<16xi32>], vector<16xf32>,
      %max3A_628 = arith.maximumf %gather3A_620, %gather3A_608 : vector<16xf32>
      tpu.vector_store_idx %arg12[%add3A_600], %max3A_628 : memref<128xf32, #tpu.memory_space<vmem>>[vector<16xi32>], vector<16xf32>,
      %max3A_629 = arith.maximumf %gather3A_621, %gather3A_610 : vector<16xf32>
      tpu.vector_store_idx %arg13[%add3A_600], %max3A_629 : memref<128xf32, #tpu.memory_space<vmem>>[vector<16xi32>], vector<16xf32>,
      %max3A_630 = arith.maximumf %gather3A_622, %gather3A_612 : vector<16xf32>
      tpu.vector_store_idx %arg14[%add3A_600], %max3A_630 : memref<128xf32, #tpu.memory_space<vmem>>[vector<16xi32>], vector<16xf32>,
      %max3A_631 = arith.maximumf %gather3A_623, %gather3A_614 : vector<16xf32>
      tpu.vector_store_idx %arg15[%add3A_600], %max3A_631 : memref<128xf32, #tpu.memory_space<vmem>>[vector<16xi32>], vector<16xf32>,
      %max3A_632 = arith.maximumf %gather3A_624, %gather3A_616 : vector<16xf32>
      tpu.vector_store_idx %arg16[%add3A_600], %max3A_632 : memref<128xf32, #tpu.memory_space<vmem>>[vector<16xi32>], vector<16xf32>,
      %add3A_633 = arith.constant 5 : i32
      %add3A_634 = arith.addi %mul3A_439, %add3A_633 : i32
      %slice3A_635 = vector.extract_strided_slice %mul3A_446 {offsets = [5], sizes = [1], strides = [1]} : vector<16xi32> to vector<1xi32>
      %squeeze3A_636 = vector.extract %slice3A_635[0] : i32 from vector<1xi32>
      %broadcast_in_dim3A_637 = vector.broadcast %squeeze3A_636 : i32 to vector<16xi32>
      %add3A_638 = arith.addi %broadcast_in_dim3A_637, %iota3A : vector<16xi32>
      %broadcast_in_dim3A_639 = vector.broadcast %add3A_634 : i32 to vector<16xi32>
      %gather3A_640 = tpu.vector_load_idx %arg5[%broadcast_in_dim3A_639, %add3A_131] : memref<400x128xf32, #tpu.memory_space<vmem>>[vector<16xi32>, vector<16xi32>], vector<16xf32>,
      %broadcast_in_dim3A_641 = vector.broadcast %add3A_634 : i32 to vector<16xi32>
      %gather3A_642 = tpu.vector_load_idx %arg5[%broadcast_in_dim3A_641, %add3A_134] : memref<400x128xf32, #tpu.memory_space<vmem>>[vector<16xi32>, vector<16xi32>], vector<16xf32>,
      %broadcast_in_dim3A_643 = vector.broadcast %add3A_634 : i32 to vector<16xi32>
      %gather3A_644 = tpu.vector_load_idx %arg5[%broadcast_in_dim3A_643, %add3A_137] : memref<400x128xf32, #tpu.memory_space<vmem>>[vector<16xi32>, vector<16xi32>], vector<16xf32>,
      %broadcast_in_dim3A_645 = vector.broadcast %add3A_634 : i32 to vector<16xi32>
      %gather3A_646 = tpu.vector_load_idx %arg5[%broadcast_in_dim3A_645, %add3A_140] : memref<400x128xf32, #tpu.memory_space<vmem>>[vector<16xi32>, vector<16xi32>], vector<16xf32>,
      %broadcast_in_dim3A_647 = vector.broadcast %add3A_634 : i32 to vector<16xi32>
      %gather3A_648 = tpu.vector_load_idx %arg5[%broadcast_in_dim3A_647, %add3A_143] : memref<400x128xf32, #tpu.memory_space<vmem>>[vector<16xi32>, vector<16xi32>], vector<16xf32>,
      %broadcast_in_dim3A_649 = vector.broadcast %add3A_634 : i32 to vector<16xi32>
      %gather3A_650 = tpu.vector_load_idx %arg5[%broadcast_in_dim3A_649, %add3A_146] : memref<400x128xf32, #tpu.memory_space<vmem>>[vector<16xi32>, vector<16xi32>], vector<16xf32>,
      %broadcast_in_dim3A_651 = vector.broadcast %add3A_634 : i32 to vector<16xi32>
      %gather3A_652 = tpu.vector_load_idx %arg5[%broadcast_in_dim3A_651, %add3A_149] : memref<400x128xf32, #tpu.memory_space<vmem>>[vector<16xi32>, vector<16xi32>], vector<16xf32>,
      %broadcast_in_dim3A_653 = vector.broadcast %add3A_634 : i32 to vector<16xi32>
      %gather3A_654 = tpu.vector_load_idx %arg5[%broadcast_in_dim3A_653, %add3A_152] : memref<400x128xf32, #tpu.memory_space<vmem>>[vector<16xi32>, vector<16xi32>], vector<16xf32>,
      %gather3A_655 = tpu.vector_load_idx %arg9[%add3A_638] : memref<128xf32, #tpu.memory_space<vmem>>[vector<16xi32>], vector<16xf32>,
      %gather3A_656 = tpu.vector_load_idx %arg10[%add3A_638] : memref<128xf32, #tpu.memory_space<vmem>>[vector<16xi32>], vector<16xf32>,
      %gather3A_657 = tpu.vector_load_idx %arg11[%add3A_638] : memref<128xf32, #tpu.memory_space<vmem>>[vector<16xi32>], vector<16xf32>,
      %gather3A_658 = tpu.vector_load_idx %arg12[%add3A_638] : memref<128xf32, #tpu.memory_space<vmem>>[vector<16xi32>], vector<16xf32>,
      %gather3A_659 = tpu.vector_load_idx %arg13[%add3A_638] : memref<128xf32, #tpu.memory_space<vmem>>[vector<16xi32>], vector<16xf32>,
      %gather3A_660 = tpu.vector_load_idx %arg14[%add3A_638] : memref<128xf32, #tpu.memory_space<vmem>>[vector<16xi32>], vector<16xf32>,
      %gather3A_661 = tpu.vector_load_idx %arg15[%add3A_638] : memref<128xf32, #tpu.memory_space<vmem>>[vector<16xi32>], vector<16xf32>,
      %gather3A_662 = tpu.vector_load_idx %arg16[%add3A_638] : memref<128xf32, #tpu.memory_space<vmem>>[vector<16xi32>], vector<16xf32>,
      %max3A_663 = arith.maximumf %gather3A_655, %gather3A_640 : vector<16xf32>
      tpu.vector_store_idx %arg9[%add3A_638], %max3A_663 : memref<128xf32, #tpu.memory_space<vmem>>[vector<16xi32>], vector<16xf32>,
      %max3A_664 = arith.maximumf %gather3A_656, %gather3A_642 : vector<16xf32>
      tpu.vector_store_idx %arg10[%add3A_638], %max3A_664 : memref<128xf32, #tpu.memory_space<vmem>>[vector<16xi32>], vector<16xf32>,
      %max3A_665 = arith.maximumf %gather3A_657, %gather3A_644 : vector<16xf32>
      tpu.vector_store_idx %arg11[%add3A_638], %max3A_665 : memref<128xf32, #tpu.memory_space<vmem>>[vector<16xi32>], vector<16xf32>,
      %max3A_666 = arith.maximumf %gather3A_658, %gather3A_646 : vector<16xf32>
      tpu.vector_store_idx %arg12[%add3A_638], %max3A_666 : memref<128xf32, #tpu.memory_space<vmem>>[vector<16xi32>], vector<16xf32>,
      %max3A_667 = arith.maximumf %gather3A_659, %gather3A_648 : vector<16xf32>
      tpu.vector_store_idx %arg13[%add3A_638], %max3A_667 : memref<128xf32, #tpu.memory_space<vmem>>[vector<16xi32>], vector<16xf32>,
      %max3A_668 = arith.maximumf %gather3A_660, %gather3A_650 : vector<16xf32>
      tpu.vector_store_idx %arg14[%add3A_638], %max3A_668 : memref<128xf32, #tpu.memory_space<vmem>>[vector<16xi32>], vector<16xf32>,
      %max3A_669 = arith.maximumf %gather3A_661, %gather3A_652 : vector<16xf32>
      tpu.vector_store_idx %arg15[%add3A_638], %max3A_669 : memref<128xf32, #tpu.memory_space<vmem>>[vector<16xi32>], vector<16xf32>,
      %max3A_670 = arith.maximumf %gather3A_662, %gather3A_654 : vector<16xf32>
      tpu.vector_store_idx %arg16[%add3A_638], %max3A_670 : memref<128xf32, #tpu.memory_space<vmem>>[vector<16xi32>], vector<16xf32>,
      %add3A_671 = arith.constant 6 : i32
      %add3A_672 = arith.addi %mul3A_439, %add3A_671 : i32
      %slice3A_673 = vector.extract_strided_slice %mul3A_446 {offsets = [6], sizes = [1], strides = [1]} : vector<16xi32> to vector<1xi32>
      %squeeze3A_674 = vector.extract %slice3A_673[0] : i32 from vector<1xi32>
      %broadcast_in_dim3A_675 = vector.broadcast %squeeze3A_674 : i32 to vector<16xi32>
      %add3A_676 = arith.addi %broadcast_in_dim3A_675, %iota3A : vector<16xi32>
      %broadcast_in_dim3A_677 = vector.broadcast %add3A_672 : i32 to vector<16xi32>
      %gather3A_678 = tpu.vector_load_idx %arg5[%broadcast_in_dim3A_677, %add3A_131] : memref<400x128xf32, #tpu.memory_space<vmem>>[vector<16xi32>, vector<16xi32>], vector<16xf32>,
      %broadcast_in_dim3A_679 = vector.broadcast %add3A_672 : i32 to vector<16xi32>
      %gather3A_680 = tpu.vector_load_idx %arg5[%broadcast_in_dim3A_679, %add3A_134] : memref<400x128xf32, #tpu.memory_space<vmem>>[vector<16xi32>, vector<16xi32>], vector<16xf32>,
      %broadcast_in_dim3A_681 = vector.broadcast %add3A_672 : i32 to vector<16xi32>
      %gather3A_682 = tpu.vector_load_idx %arg5[%broadcast_in_dim3A_681, %add3A_137] : memref<400x128xf32, #tpu.memory_space<vmem>>[vector<16xi32>, vector<16xi32>], vector<16xf32>,
      %broadcast_in_dim3A_683 = vector.broadcast %add3A_672 : i32 to vector<16xi32>
      %gather3A_684 = tpu.vector_load_idx %arg5[%broadcast_in_dim3A_683, %add3A_140] : memref<400x128xf32, #tpu.memory_space<vmem>>[vector<16xi32>, vector<16xi32>], vector<16xf32>,
      %broadcast_in_dim3A_685 = vector.broadcast %add3A_672 : i32 to vector<16xi32>
      %gather3A_686 = tpu.vector_load_idx %arg5[%broadcast_in_dim3A_685, %add3A_143] : memref<400x128xf32, #tpu.memory_space<vmem>>[vector<16xi32>, vector<16xi32>], vector<16xf32>,
      %broadcast_in_dim3A_687 = vector.broadcast %add3A_672 : i32 to vector<16xi32>
      %gather3A_688 = tpu.vector_load_idx %arg5[%broadcast_in_dim3A_687, %add3A_146] : memref<400x128xf32, #tpu.memory_space<vmem>>[vector<16xi32>, vector<16xi32>], vector<16xf32>,
      %broadcast_in_dim3A_689 = vector.broadcast %add3A_672 : i32 to vector<16xi32>
      %gather3A_690 = tpu.vector_load_idx %arg5[%broadcast_in_dim3A_689, %add3A_149] : memref<400x128xf32, #tpu.memory_space<vmem>>[vector<16xi32>, vector<16xi32>], vector<16xf32>,
      %broadcast_in_dim3A_691 = vector.broadcast %add3A_672 : i32 to vector<16xi32>
      %gather3A_692 = tpu.vector_load_idx %arg5[%broadcast_in_dim3A_691, %add3A_152] : memref<400x128xf32, #tpu.memory_space<vmem>>[vector<16xi32>, vector<16xi32>], vector<16xf32>,
      %gather3A_693 = tpu.vector_load_idx %arg9[%add3A_676] : memref<128xf32, #tpu.memory_space<vmem>>[vector<16xi32>], vector<16xf32>,
      %gather3A_694 = tpu.vector_load_idx %arg10[%add3A_676] : memref<128xf32, #tpu.memory_space<vmem>>[vector<16xi32>], vector<16xf32>,
      %gather3A_695 = tpu.vector_load_idx %arg11[%add3A_676] : memref<128xf32, #tpu.memory_space<vmem>>[vector<16xi32>], vector<16xf32>,
      %gather3A_696 = tpu.vector_load_idx %arg12[%add3A_676] : memref<128xf32, #tpu.memory_space<vmem>>[vector<16xi32>], vector<16xf32>,
      %gather3A_697 = tpu.vector_load_idx %arg13[%add3A_676] : memref<128xf32, #tpu.memory_space<vmem>>[vector<16xi32>], vector<16xf32>,
      %gather3A_698 = tpu.vector_load_idx %arg14[%add3A_676] : memref<128xf32, #tpu.memory_space<vmem>>[vector<16xi32>], vector<16xf32>,
      %gather3A_699 = tpu.vector_load_idx %arg15[%add3A_676] : memref<128xf32, #tpu.memory_space<vmem>>[vector<16xi32>], vector<16xf32>,
      %gather3A_700 = tpu.vector_load_idx %arg16[%add3A_676] : memref<128xf32, #tpu.memory_space<vmem>>[vector<16xi32>], vector<16xf32>,
      %max3A_701 = arith.maximumf %gather3A_693, %gather3A_678 : vector<16xf32>
      tpu.vector_store_idx %arg9[%add3A_676], %max3A_701 : memref<128xf32, #tpu.memory_space<vmem>>[vector<16xi32>], vector<16xf32>,
      %max3A_702 = arith.maximumf %gather3A_694, %gather3A_680 : vector<16xf32>
      tpu.vector_store_idx %arg10[%add3A_676], %max3A_702 : memref<128xf32, #tpu.memory_space<vmem>>[vector<16xi32>], vector<16xf32>,
      %max3A_703 = arith.maximumf %gather3A_695, %gather3A_682 : vector<16xf32>
      tpu.vector_store_idx %arg11[%add3A_676], %max3A_703 : memref<128xf32, #tpu.memory_space<vmem>>[vector<16xi32>], vector<16xf32>,
      %max3A_704 = arith.maximumf %gather3A_696, %gather3A_684 : vector<16xf32>
      tpu.vector_store_idx %arg12[%add3A_676], %max3A_704 : memref<128xf32, #tpu.memory_space<vmem>>[vector<16xi32>], vector<16xf32>,
      %max3A_705 = arith.maximumf %gather3A_697, %gather3A_686 : vector<16xf32>
      tpu.vector_store_idx %arg13[%add3A_676], %max3A_705 : memref<128xf32, #tpu.memory_space<vmem>>[vector<16xi32>], vector<16xf32>,
      %max3A_706 = arith.maximumf %gather3A_698, %gather3A_688 : vector<16xf32>
      tpu.vector_store_idx %arg14[%add3A_676], %max3A_706 : memref<128xf32, #tpu.memory_space<vmem>>[vector<16xi32>], vector<16xf32>,
      %max3A_707 = arith.maximumf %gather3A_699, %gather3A_690 : vector<16xf32>
      tpu.vector_store_idx %arg15[%add3A_676], %max3A_707 : memref<128xf32, #tpu.memory_space<vmem>>[vector<16xi32>], vector<16xf32>,
      %max3A_708 = arith.maximumf %gather3A_700, %gather3A_692 : vector<16xf32>
      tpu.vector_store_idx %arg16[%add3A_676], %max3A_708 : memref<128xf32, #tpu.memory_space<vmem>>[vector<16xi32>], vector<16xf32>,
      %add3A_709 = arith.constant 7 : i32
      %add3A_710 = arith.addi %mul3A_439, %add3A_709 : i32
      %slice3A_711 = vector.extract_strided_slice %mul3A_446 {offsets = [7], sizes = [1], strides = [1]} : vector<16xi32> to vector<1xi32>
      %squeeze3A_712 = vector.extract %slice3A_711[0] : i32 from vector<1xi32>
      %broadcast_in_dim3A_713 = vector.broadcast %squeeze3A_712 : i32 to vector<16xi32>
      %add3A_714 = arith.addi %broadcast_in_dim3A_713, %iota3A : vector<16xi32>
      %broadcast_in_dim3A_715 = vector.broadcast %add3A_710 : i32 to vector<16xi32>
      %gather3A_716 = tpu.vector_load_idx %arg5[%broadcast_in_dim3A_715, %add3A_131] : memref<400x128xf32, #tpu.memory_space<vmem>>[vector<16xi32>, vector<16xi32>], vector<16xf32>,
      %broadcast_in_dim3A_717 = vector.broadcast %add3A_710 : i32 to vector<16xi32>
      %gather3A_718 = tpu.vector_load_idx %arg5[%broadcast_in_dim3A_717, %add3A_134] : memref<400x128xf32, #tpu.memory_space<vmem>>[vector<16xi32>, vector<16xi32>], vector<16xf32>,
      %broadcast_in_dim3A_719 = vector.broadcast %add3A_710 : i32 to vector<16xi32>
      %gather3A_720 = tpu.vector_load_idx %arg5[%broadcast_in_dim3A_719, %add3A_137] : memref<400x128xf32, #tpu.memory_space<vmem>>[vector<16xi32>, vector<16xi32>], vector<16xf32>,
      %broadcast_in_dim3A_721 = vector.broadcast %add3A_710 : i32 to vector<16xi32>
      %gather3A_722 = tpu.vector_load_idx %arg5[%broadcast_in_dim3A_721, %add3A_140] : memref<400x128xf32, #tpu.memory_space<vmem>>[vector<16xi32>, vector<16xi32>], vector<16xf32>,
      %broadcast_in_dim3A_723 = vector.broadcast %add3A_710 : i32 to vector<16xi32>
      %gather3A_724 = tpu.vector_load_idx %arg5[%broadcast_in_dim3A_723, %add3A_143] : memref<400x128xf32, #tpu.memory_space<vmem>>[vector<16xi32>, vector<16xi32>], vector<16xf32>,
      %broadcast_in_dim3A_725 = vector.broadcast %add3A_710 : i32 to vector<16xi32>
      %gather3A_726 = tpu.vector_load_idx %arg5[%broadcast_in_dim3A_725, %add3A_146] : memref<400x128xf32, #tpu.memory_space<vmem>>[vector<16xi32>, vector<16xi32>], vector<16xf32>,
      %broadcast_in_dim3A_727 = vector.broadcast %add3A_710 : i32 to vector<16xi32>
      %gather3A_728 = tpu.vector_load_idx %arg5[%broadcast_in_dim3A_727, %add3A_149] : memref<400x128xf32, #tpu.memory_space<vmem>>[vector<16xi32>, vector<16xi32>], vector<16xf32>,
      %broadcast_in_dim3A_729 = vector.broadcast %add3A_710 : i32 to vector<16xi32>
      %gather3A_730 = tpu.vector_load_idx %arg5[%broadcast_in_dim3A_729, %add3A_152] : memref<400x128xf32, #tpu.memory_space<vmem>>[vector<16xi32>, vector<16xi32>], vector<16xf32>,
      %gather3A_731 = tpu.vector_load_idx %arg9[%add3A_714] : memref<128xf32, #tpu.memory_space<vmem>>[vector<16xi32>], vector<16xf32>,
      %gather3A_732 = tpu.vector_load_idx %arg10[%add3A_714] : memref<128xf32, #tpu.memory_space<vmem>>[vector<16xi32>], vector<16xf32>,
      %gather3A_733 = tpu.vector_load_idx %arg11[%add3A_714] : memref<128xf32, #tpu.memory_space<vmem>>[vector<16xi32>], vector<16xf32>,
      %gather3A_734 = tpu.vector_load_idx %arg12[%add3A_714] : memref<128xf32, #tpu.memory_space<vmem>>[vector<16xi32>], vector<16xf32>,
      %gather3A_735 = tpu.vector_load_idx %arg13[%add3A_714] : memref<128xf32, #tpu.memory_space<vmem>>[vector<16xi32>], vector<16xf32>,
      %gather3A_736 = tpu.vector_load_idx %arg14[%add3A_714] : memref<128xf32, #tpu.memory_space<vmem>>[vector<16xi32>], vector<16xf32>,
      %gather3A_737 = tpu.vector_load_idx %arg15[%add3A_714] : memref<128xf32, #tpu.memory_space<vmem>>[vector<16xi32>], vector<16xf32>,
      %gather3A_738 = tpu.vector_load_idx %arg16[%add3A_714] : memref<128xf32, #tpu.memory_space<vmem>>[vector<16xi32>], vector<16xf32>,
      %max3A_739 = arith.maximumf %gather3A_731, %gather3A_716 : vector<16xf32>
      tpu.vector_store_idx %arg9[%add3A_714], %max3A_739 : memref<128xf32, #tpu.memory_space<vmem>>[vector<16xi32>], vector<16xf32>,
      %max3A_740 = arith.maximumf %gather3A_732, %gather3A_718 : vector<16xf32>
      tpu.vector_store_idx %arg10[%add3A_714], %max3A_740 : memref<128xf32, #tpu.memory_space<vmem>>[vector<16xi32>], vector<16xf32>,
      %max3A_741 = arith.maximumf %gather3A_733, %gather3A_720 : vector<16xf32>
      tpu.vector_store_idx %arg11[%add3A_714], %max3A_741 : memref<128xf32, #tpu.memory_space<vmem>>[vector<16xi32>], vector<16xf32>,
      %max3A_742 = arith.maximumf %gather3A_734, %gather3A_722 : vector<16xf32>
      tpu.vector_store_idx %arg12[%add3A_714], %max3A_742 : memref<128xf32, #tpu.memory_space<vmem>>[vector<16xi32>], vector<16xf32>,
      %max3A_743 = arith.maximumf %gather3A_735, %gather3A_724 : vector<16xf32>
      tpu.vector_store_idx %arg13[%add3A_714], %max3A_743 : memref<128xf32, #tpu.memory_space<vmem>>[vector<16xi32>], vector<16xf32>,
      %max3A_744 = arith.maximumf %gather3A_736, %gather3A_726 : vector<16xf32>
      tpu.vector_store_idx %arg14[%add3A_714], %max3A_744 : memref<128xf32, #tpu.memory_space<vmem>>[vector<16xi32>], vector<16xf32>,
      %max3A_745 = arith.maximumf %gather3A_737, %gather3A_728 : vector<16xf32>
      tpu.vector_store_idx %arg15[%add3A_714], %max3A_745 : memref<128xf32, #tpu.memory_space<vmem>>[vector<16xi32>], vector<16xf32>,
      %max3A_746 = arith.maximumf %gather3A_738, %gather3A_730 : vector<16xf32>
      tpu.vector_store_idx %arg16[%add3A_714], %max3A_746 : memref<128xf32, #tpu.memory_space<vmem>>[vector<16xi32>], vector<16xf32>,
      %add3A_747 = arith.constant 8 : i32
      %add3A_748 = arith.addi %mul3A_439, %add3A_747 : i32
      %slice3A_749 = vector.extract_strided_slice %mul3A_446 {offsets = [8], sizes = [1], strides = [1]} : vector<16xi32> to vector<1xi32>
      %squeeze3A_750 = vector.extract %slice3A_749[0] : i32 from vector<1xi32>
      %broadcast_in_dim3A_751 = vector.broadcast %squeeze3A_750 : i32 to vector<16xi32>
      %add3A_752 = arith.addi %broadcast_in_dim3A_751, %iota3A : vector<16xi32>
      %broadcast_in_dim3A_753 = vector.broadcast %add3A_748 : i32 to vector<16xi32>
      %gather3A_754 = tpu.vector_load_idx %arg5[%broadcast_in_dim3A_753, %add3A_131] : memref<400x128xf32, #tpu.memory_space<vmem>>[vector<16xi32>, vector<16xi32>], vector<16xf32>,
      %broadcast_in_dim3A_755 = vector.broadcast %add3A_748 : i32 to vector<16xi32>
      %gather3A_756 = tpu.vector_load_idx %arg5[%broadcast_in_dim3A_755, %add3A_134] : memref<400x128xf32, #tpu.memory_space<vmem>>[vector<16xi32>, vector<16xi32>], vector<16xf32>,
      %broadcast_in_dim3A_757 = vector.broadcast %add3A_748 : i32 to vector<16xi32>
      %gather3A_758 = tpu.vector_load_idx %arg5[%broadcast_in_dim3A_757, %add3A_137] : memref<400x128xf32, #tpu.memory_space<vmem>>[vector<16xi32>, vector<16xi32>], vector<16xf32>,
      %broadcast_in_dim3A_759 = vector.broadcast %add3A_748 : i32 to vector<16xi32>
      %gather3A_760 = tpu.vector_load_idx %arg5[%broadcast_in_dim3A_759, %add3A_140] : memref<400x128xf32, #tpu.memory_space<vmem>>[vector<16xi32>, vector<16xi32>], vector<16xf32>,
      %broadcast_in_dim3A_761 = vector.broadcast %add3A_748 : i32 to vector<16xi32>
      %gather3A_762 = tpu.vector_load_idx %arg5[%broadcast_in_dim3A_761, %add3A_143] : memref<400x128xf32, #tpu.memory_space<vmem>>[vector<16xi32>, vector<16xi32>], vector<16xf32>,
      %broadcast_in_dim3A_763 = vector.broadcast %add3A_748 : i32 to vector<16xi32>
      %gather3A_764 = tpu.vector_load_idx %arg5[%broadcast_in_dim3A_763, %add3A_146] : memref<400x128xf32, #tpu.memory_space<vmem>>[vector<16xi32>, vector<16xi32>], vector<16xf32>,
      %broadcast_in_dim3A_765 = vector.broadcast %add3A_748 : i32 to vector<16xi32>
      %gather3A_766 = tpu.vector_load_idx %arg5[%broadcast_in_dim3A_765, %add3A_149] : memref<400x128xf32, #tpu.memory_space<vmem>>[vector<16xi32>, vector<16xi32>], vector<16xf32>,
      %broadcast_in_dim3A_767 = vector.broadcast %add3A_748 : i32 to vector<16xi32>
      %gather3A_768 = tpu.vector_load_idx %arg5[%broadcast_in_dim3A_767, %add3A_152] : memref<400x128xf32, #tpu.memory_space<vmem>>[vector<16xi32>, vector<16xi32>], vector<16xf32>,
      %gather3A_769 = tpu.vector_load_idx %arg9[%add3A_752] : memref<128xf32, #tpu.memory_space<vmem>>[vector<16xi32>], vector<16xf32>,
      %gather3A_770 = tpu.vector_load_idx %arg10[%add3A_752] : memref<128xf32, #tpu.memory_space<vmem>>[vector<16xi32>], vector<16xf32>,
      %gather3A_771 = tpu.vector_load_idx %arg11[%add3A_752] : memref<128xf32, #tpu.memory_space<vmem>>[vector<16xi32>], vector<16xf32>,
      %gather3A_772 = tpu.vector_load_idx %arg12[%add3A_752] : memref<128xf32, #tpu.memory_space<vmem>>[vector<16xi32>], vector<16xf32>,
      %gather3A_773 = tpu.vector_load_idx %arg13[%add3A_752] : memref<128xf32, #tpu.memory_space<vmem>>[vector<16xi32>], vector<16xf32>,
      %gather3A_774 = tpu.vector_load_idx %arg14[%add3A_752] : memref<128xf32, #tpu.memory_space<vmem>>[vector<16xi32>], vector<16xf32>,
      %gather3A_775 = tpu.vector_load_idx %arg15[%add3A_752] : memref<128xf32, #tpu.memory_space<vmem>>[vector<16xi32>], vector<16xf32>,
      %gather3A_776 = tpu.vector_load_idx %arg16[%add3A_752] : memref<128xf32, #tpu.memory_space<vmem>>[vector<16xi32>], vector<16xf32>,
      %max3A_777 = arith.maximumf %gather3A_769, %gather3A_754 : vector<16xf32>
      tpu.vector_store_idx %arg9[%add3A_752], %max3A_777 : memref<128xf32, #tpu.memory_space<vmem>>[vector<16xi32>], vector<16xf32>,
      %max3A_778 = arith.maximumf %gather3A_770, %gather3A_756 : vector<16xf32>
      tpu.vector_store_idx %arg10[%add3A_752], %max3A_778 : memref<128xf32, #tpu.memory_space<vmem>>[vector<16xi32>], vector<16xf32>,
      %max3A_779 = arith.maximumf %gather3A_771, %gather3A_758 : vector<16xf32>
      tpu.vector_store_idx %arg11[%add3A_752], %max3A_779 : memref<128xf32, #tpu.memory_space<vmem>>[vector<16xi32>], vector<16xf32>,
      %max3A_780 = arith.maximumf %gather3A_772, %gather3A_760 : vector<16xf32>
      tpu.vector_store_idx %arg12[%add3A_752], %max3A_780 : memref<128xf32, #tpu.memory_space<vmem>>[vector<16xi32>], vector<16xf32>,
      %max3A_781 = arith.maximumf %gather3A_773, %gather3A_762 : vector<16xf32>
      tpu.vector_store_idx %arg13[%add3A_752], %max3A_781 : memref<128xf32, #tpu.memory_space<vmem>>[vector<16xi32>], vector<16xf32>,
      %max3A_782 = arith.maximumf %gather3A_774, %gather3A_764 : vector<16xf32>
      tpu.vector_store_idx %arg14[%add3A_752], %max3A_782 : memref<128xf32, #tpu.memory_space<vmem>>[vector<16xi32>], vector<16xf32>,
      %max3A_783 = arith.maximumf %gather3A_775, %gather3A_766 : vector<16xf32>
      tpu.vector_store_idx %arg15[%add3A_752], %max3A_783 : memref<128xf32, #tpu.memory_space<vmem>>[vector<16xi32>], vector<16xf32>,
      %max3A_784 = arith.maximumf %gather3A_776, %gather3A_768 : vector<16xf32>
      tpu.vector_store_idx %arg16[%add3A_752], %max3A_784 : memref<128xf32, #tpu.memory_space<vmem>>[vector<16xi32>], vector<16xf32>,
      %add3A_785 = arith.constant 9 : i32
      %add3A_786 = arith.addi %mul3A_439, %add3A_785 : i32
      %slice3A_787 = vector.extract_strided_slice %mul3A_446 {offsets = [9], sizes = [1], strides = [1]} : vector<16xi32> to vector<1xi32>
      %squeeze3A_788 = vector.extract %slice3A_787[0] : i32 from vector<1xi32>
      %broadcast_in_dim3A_789 = vector.broadcast %squeeze3A_788 : i32 to vector<16xi32>
      %add3A_790 = arith.addi %broadcast_in_dim3A_789, %iota3A : vector<16xi32>
      %broadcast_in_dim3A_791 = vector.broadcast %add3A_786 : i32 to vector<16xi32>
      %gather3A_792 = tpu.vector_load_idx %arg5[%broadcast_in_dim3A_791, %add3A_131] : memref<400x128xf32, #tpu.memory_space<vmem>>[vector<16xi32>, vector<16xi32>], vector<16xf32>,
      %broadcast_in_dim3A_793 = vector.broadcast %add3A_786 : i32 to vector<16xi32>
      %gather3A_794 = tpu.vector_load_idx %arg5[%broadcast_in_dim3A_793, %add3A_134] : memref<400x128xf32, #tpu.memory_space<vmem>>[vector<16xi32>, vector<16xi32>], vector<16xf32>,
      %broadcast_in_dim3A_795 = vector.broadcast %add3A_786 : i32 to vector<16xi32>
      %gather3A_796 = tpu.vector_load_idx %arg5[%broadcast_in_dim3A_795, %add3A_137] : memref<400x128xf32, #tpu.memory_space<vmem>>[vector<16xi32>, vector<16xi32>], vector<16xf32>,
      %broadcast_in_dim3A_797 = vector.broadcast %add3A_786 : i32 to vector<16xi32>
      %gather3A_798 = tpu.vector_load_idx %arg5[%broadcast_in_dim3A_797, %add3A_140] : memref<400x128xf32, #tpu.memory_space<vmem>>[vector<16xi32>, vector<16xi32>], vector<16xf32>,
      %broadcast_in_dim3A_799 = vector.broadcast %add3A_786 : i32 to vector<16xi32>
      %gather3A_800 = tpu.vector_load_idx %arg5[%broadcast_in_dim3A_799, %add3A_143] : memref<400x128xf32, #tpu.memory_space<vmem>>[vector<16xi32>, vector<16xi32>], vector<16xf32>,
      %broadcast_in_dim3A_801 = vector.broadcast %add3A_786 : i32 to vector<16xi32>
      %gather3A_802 = tpu.vector_load_idx %arg5[%broadcast_in_dim3A_801, %add3A_146] : memref<400x128xf32, #tpu.memory_space<vmem>>[vector<16xi32>, vector<16xi32>], vector<16xf32>,
      %broadcast_in_dim3A_803 = vector.broadcast %add3A_786 : i32 to vector<16xi32>
      %gather3A_804 = tpu.vector_load_idx %arg5[%broadcast_in_dim3A_803, %add3A_149] : memref<400x128xf32, #tpu.memory_space<vmem>>[vector<16xi32>, vector<16xi32>], vector<16xf32>,
      %broadcast_in_dim3A_805 = vector.broadcast %add3A_786 : i32 to vector<16xi32>
      %gather3A_806 = tpu.vector_load_idx %arg5[%broadcast_in_dim3A_805, %add3A_152] : memref<400x128xf32, #tpu.memory_space<vmem>>[vector<16xi32>, vector<16xi32>], vector<16xf32>,
      %gather3A_807 = tpu.vector_load_idx %arg9[%add3A_790] : memref<128xf32, #tpu.memory_space<vmem>>[vector<16xi32>], vector<16xf32>,
      %gather3A_808 = tpu.vector_load_idx %arg10[%add3A_790] : memref<128xf32, #tpu.memory_space<vmem>>[vector<16xi32>], vector<16xf32>,
      %gather3A_809 = tpu.vector_load_idx %arg11[%add3A_790] : memref<128xf32, #tpu.memory_space<vmem>>[vector<16xi32>], vector<16xf32>,
      %gather3A_810 = tpu.vector_load_idx %arg12[%add3A_790] : memref<128xf32, #tpu.memory_space<vmem>>[vector<16xi32>], vector<16xf32>,
      %gather3A_811 = tpu.vector_load_idx %arg13[%add3A_790] : memref<128xf32, #tpu.memory_space<vmem>>[vector<16xi32>], vector<16xf32>,
      %gather3A_812 = tpu.vector_load_idx %arg14[%add3A_790] : memref<128xf32, #tpu.memory_space<vmem>>[vector<16xi32>], vector<16xf32>,
      %gather3A_813 = tpu.vector_load_idx %arg15[%add3A_790] : memref<128xf32, #tpu.memory_space<vmem>>[vector<16xi32>], vector<16xf32>,
      %gather3A_814 = tpu.vector_load_idx %arg16[%add3A_790] : memref<128xf32, #tpu.memory_space<vmem>>[vector<16xi32>], vector<16xf32>,
      %max3A_815 = arith.maximumf %gather3A_807, %gather3A_792 : vector<16xf32>
      tpu.vector_store_idx %arg9[%add3A_790], %max3A_815 : memref<128xf32, #tpu.memory_space<vmem>>[vector<16xi32>], vector<16xf32>,
      %max3A_816 = arith.maximumf %gather3A_808, %gather3A_794 : vector<16xf32>
      tpu.vector_store_idx %arg10[%add3A_790], %max3A_816 : memref<128xf32, #tpu.memory_space<vmem>>[vector<16xi32>], vector<16xf32>,
      %max3A_817 = arith.maximumf %gather3A_809, %gather3A_796 : vector<16xf32>
      tpu.vector_store_idx %arg11[%add3A_790], %max3A_817 : memref<128xf32, #tpu.memory_space<vmem>>[vector<16xi32>], vector<16xf32>,
      %max3A_818 = arith.maximumf %gather3A_810, %gather3A_798 : vector<16xf32>
      tpu.vector_store_idx %arg12[%add3A_790], %max3A_818 : memref<128xf32, #tpu.memory_space<vmem>>[vector<16xi32>], vector<16xf32>,
      %max3A_819 = arith.maximumf %gather3A_811, %gather3A_800 : vector<16xf32>
      tpu.vector_store_idx %arg13[%add3A_790], %max3A_819 : memref<128xf32, #tpu.memory_space<vmem>>[vector<16xi32>], vector<16xf32>,
      %max3A_820 = arith.maximumf %gather3A_812, %gather3A_802 : vector<16xf32>
      tpu.vector_store_idx %arg14[%add3A_790], %max3A_820 : memref<128xf32, #tpu.memory_space<vmem>>[vector<16xi32>], vector<16xf32>,
      %max3A_821 = arith.maximumf %gather3A_813, %gather3A_804 : vector<16xf32>
      tpu.vector_store_idx %arg15[%add3A_790], %max3A_821 : memref<128xf32, #tpu.memory_space<vmem>>[vector<16xi32>], vector<16xf32>,
      %max3A_822 = arith.maximumf %gather3A_814, %gather3A_806 : vector<16xf32>
      tpu.vector_store_idx %arg16[%add3A_790], %max3A_822 : memref<128xf32, #tpu.memory_space<vmem>>[vector<16xi32>], vector<16xf32>,
      %add3A_823 = arith.constant 10 : i32
      %add3A_824 = arith.addi %mul3A_439, %add3A_823 : i32
      %slice3A_825 = vector.extract_strided_slice %mul3A_446 {offsets = [10], sizes = [1], strides = [1]} : vector<16xi32> to vector<1xi32>
      %squeeze3A_826 = vector.extract %slice3A_825[0] : i32 from vector<1xi32>
      %broadcast_in_dim3A_827 = vector.broadcast %squeeze3A_826 : i32 to vector<16xi32>
      %add3A_828 = arith.addi %broadcast_in_dim3A_827, %iota3A : vector<16xi32>
      %broadcast_in_dim3A_829 = vector.broadcast %add3A_824 : i32 to vector<16xi32>
      %gather3A_830 = tpu.vector_load_idx %arg5[%broadcast_in_dim3A_829, %add3A_131] : memref<400x128xf32, #tpu.memory_space<vmem>>[vector<16xi32>, vector<16xi32>], vector<16xf32>,
      %broadcast_in_dim3A_831 = vector.broadcast %add3A_824 : i32 to vector<16xi32>
      %gather3A_832 = tpu.vector_load_idx %arg5[%broadcast_in_dim3A_831, %add3A_134] : memref<400x128xf32, #tpu.memory_space<vmem>>[vector<16xi32>, vector<16xi32>], vector<16xf32>,
      %broadcast_in_dim3A_833 = vector.broadcast %add3A_824 : i32 to vector<16xi32>
      %gather3A_834 = tpu.vector_load_idx %arg5[%broadcast_in_dim3A_833, %add3A_137] : memref<400x128xf32, #tpu.memory_space<vmem>>[vector<16xi32>, vector<16xi32>], vector<16xf32>,
      %broadcast_in_dim3A_835 = vector.broadcast %add3A_824 : i32 to vector<16xi32>
      %gather3A_836 = tpu.vector_load_idx %arg5[%broadcast_in_dim3A_835, %add3A_140] : memref<400x128xf32, #tpu.memory_space<vmem>>[vector<16xi32>, vector<16xi32>], vector<16xf32>,
      %broadcast_in_dim3A_837 = vector.broadcast %add3A_824 : i32 to vector<16xi32>
      %gather3A_838 = tpu.vector_load_idx %arg5[%broadcast_in_dim3A_837, %add3A_143] : memref<400x128xf32, #tpu.memory_space<vmem>>[vector<16xi32>, vector<16xi32>], vector<16xf32>,
      %broadcast_in_dim3A_839 = vector.broadcast %add3A_824 : i32 to vector<16xi32>
      %gather3A_840 = tpu.vector_load_idx %arg5[%broadcast_in_dim3A_839, %add3A_146] : memref<400x128xf32, #tpu.memory_space<vmem>>[vector<16xi32>, vector<16xi32>], vector<16xf32>,
      %broadcast_in_dim3A_841 = vector.broadcast %add3A_824 : i32 to vector<16xi32>
      %gather3A_842 = tpu.vector_load_idx %arg5[%broadcast_in_dim3A_841, %add3A_149] : memref<400x128xf32, #tpu.memory_space<vmem>>[vector<16xi32>, vector<16xi32>], vector<16xf32>,
      %broadcast_in_dim3A_843 = vector.broadcast %add3A_824 : i32 to vector<16xi32>
      %gather3A_844 = tpu.vector_load_idx %arg5[%broadcast_in_dim3A_843, %add3A_152] : memref<400x128xf32, #tpu.memory_space<vmem>>[vector<16xi32>, vector<16xi32>], vector<16xf32>,
      %gather3A_845 = tpu.vector_load_idx %arg9[%add3A_828] : memref<128xf32, #tpu.memory_space<vmem>>[vector<16xi32>], vector<16xf32>,
      %gather3A_846 = tpu.vector_load_idx %arg10[%add3A_828] : memref<128xf32, #tpu.memory_space<vmem>>[vector<16xi32>], vector<16xf32>,
      %gather3A_847 = tpu.vector_load_idx %arg11[%add3A_828] : memref<128xf32, #tpu.memory_space<vmem>>[vector<16xi32>], vector<16xf32>,
      %gather3A_848 = tpu.vector_load_idx %arg12[%add3A_828] : memref<128xf32, #tpu.memory_space<vmem>>[vector<16xi32>], vector<16xf32>,
      %gather3A_849 = tpu.vector_load_idx %arg13[%add3A_828] : memref<128xf32, #tpu.memory_space<vmem>>[vector<16xi32>], vector<16xf32>,
      %gather3A_850 = tpu.vector_load_idx %arg14[%add3A_828] : memref<128xf32, #tpu.memory_space<vmem>>[vector<16xi32>], vector<16xf32>,
      %gather3A_851 = tpu.vector_load_idx %arg15[%add3A_828] : memref<128xf32, #tpu.memory_space<vmem>>[vector<16xi32>], vector<16xf32>,
      %gather3A_852 = tpu.vector_load_idx %arg16[%add3A_828] : memref<128xf32, #tpu.memory_space<vmem>>[vector<16xi32>], vector<16xf32>,
      %max3A_853 = arith.maximumf %gather3A_845, %gather3A_830 : vector<16xf32>
      tpu.vector_store_idx %arg9[%add3A_828], %max3A_853 : memref<128xf32, #tpu.memory_space<vmem>>[vector<16xi32>], vector<16xf32>,
      %max3A_854 = arith.maximumf %gather3A_846, %gather3A_832 : vector<16xf32>
      tpu.vector_store_idx %arg10[%add3A_828], %max3A_854 : memref<128xf32, #tpu.memory_space<vmem>>[vector<16xi32>], vector<16xf32>,
      %max3A_855 = arith.maximumf %gather3A_847, %gather3A_834 : vector<16xf32>
      tpu.vector_store_idx %arg11[%add3A_828], %max3A_855 : memref<128xf32, #tpu.memory_space<vmem>>[vector<16xi32>], vector<16xf32>,
      %max3A_856 = arith.maximumf %gather3A_848, %gather3A_836 : vector<16xf32>
      tpu.vector_store_idx %arg12[%add3A_828], %max3A_856 : memref<128xf32, #tpu.memory_space<vmem>>[vector<16xi32>], vector<16xf32>,
      %max3A_857 = arith.maximumf %gather3A_849, %gather3A_838 : vector<16xf32>
      tpu.vector_store_idx %arg13[%add3A_828], %max3A_857 : memref<128xf32, #tpu.memory_space<vmem>>[vector<16xi32>], vector<16xf32>,
      %max3A_858 = arith.maximumf %gather3A_850, %gather3A_840 : vector<16xf32>
      tpu.vector_store_idx %arg14[%add3A_828], %max3A_858 : memref<128xf32, #tpu.memory_space<vmem>>[vector<16xi32>], vector<16xf32>,
      %max3A_859 = arith.maximumf %gather3A_851, %gather3A_842 : vector<16xf32>
      tpu.vector_store_idx %arg15[%add3A_828], %max3A_859 : memref<128xf32, #tpu.memory_space<vmem>>[vector<16xi32>], vector<16xf32>,
      %max3A_860 = arith.maximumf %gather3A_852, %gather3A_844 : vector<16xf32>
      tpu.vector_store_idx %arg16[%add3A_828], %max3A_860 : memref<128xf32, #tpu.memory_space<vmem>>[vector<16xi32>], vector<16xf32>,
      %add3A_861 = arith.constant 11 : i32
      %add3A_862 = arith.addi %mul3A_439, %add3A_861 : i32
      %slice3A_863 = vector.extract_strided_slice %mul3A_446 {offsets = [11], sizes = [1], strides = [1]} : vector<16xi32> to vector<1xi32>
      %squeeze3A_864 = vector.extract %slice3A_863[0] : i32 from vector<1xi32>
      %broadcast_in_dim3A_865 = vector.broadcast %squeeze3A_864 : i32 to vector<16xi32>
      %add3A_866 = arith.addi %broadcast_in_dim3A_865, %iota3A : vector<16xi32>
      %broadcast_in_dim3A_867 = vector.broadcast %add3A_862 : i32 to vector<16xi32>
      %gather3A_868 = tpu.vector_load_idx %arg5[%broadcast_in_dim3A_867, %add3A_131] : memref<400x128xf32, #tpu.memory_space<vmem>>[vector<16xi32>, vector<16xi32>], vector<16xf32>,
      %broadcast_in_dim3A_869 = vector.broadcast %add3A_862 : i32 to vector<16xi32>
      %gather3A_870 = tpu.vector_load_idx %arg5[%broadcast_in_dim3A_869, %add3A_134] : memref<400x128xf32, #tpu.memory_space<vmem>>[vector<16xi32>, vector<16xi32>], vector<16xf32>,
      %broadcast_in_dim3A_871 = vector.broadcast %add3A_862 : i32 to vector<16xi32>
      %gather3A_872 = tpu.vector_load_idx %arg5[%broadcast_in_dim3A_871, %add3A_137] : memref<400x128xf32, #tpu.memory_space<vmem>>[vector<16xi32>, vector<16xi32>], vector<16xf32>,
      %broadcast_in_dim3A_873 = vector.broadcast %add3A_862 : i32 to vector<16xi32>
      %gather3A_874 = tpu.vector_load_idx %arg5[%broadcast_in_dim3A_873, %add3A_140] : memref<400x128xf32, #tpu.memory_space<vmem>>[vector<16xi32>, vector<16xi32>], vector<16xf32>,
      %broadcast_in_dim3A_875 = vector.broadcast %add3A_862 : i32 to vector<16xi32>
      %gather3A_876 = tpu.vector_load_idx %arg5[%broadcast_in_dim3A_875, %add3A_143] : memref<400x128xf32, #tpu.memory_space<vmem>>[vector<16xi32>, vector<16xi32>], vector<16xf32>,
      %broadcast_in_dim3A_877 = vector.broadcast %add3A_862 : i32 to vector<16xi32>
      %gather3A_878 = tpu.vector_load_idx %arg5[%broadcast_in_dim3A_877, %add3A_146] : memref<400x128xf32, #tpu.memory_space<vmem>>[vector<16xi32>, vector<16xi32>], vector<16xf32>,
      %broadcast_in_dim3A_879 = vector.broadcast %add3A_862 : i32 to vector<16xi32>
      %gather3A_880 = tpu.vector_load_idx %arg5[%broadcast_in_dim3A_879, %add3A_149] : memref<400x128xf32, #tpu.memory_space<vmem>>[vector<16xi32>, vector<16xi32>], vector<16xf32>,
      %broadcast_in_dim3A_881 = vector.broadcast %add3A_862 : i32 to vector<16xi32>
      %gather3A_882 = tpu.vector_load_idx %arg5[%broadcast_in_dim3A_881, %add3A_152] : memref<400x128xf32, #tpu.memory_space<vmem>>[vector<16xi32>, vector<16xi32>], vector<16xf32>,
      %gather3A_883 = tpu.vector_load_idx %arg9[%add3A_866] : memref<128xf32, #tpu.memory_space<vmem>>[vector<16xi32>], vector<16xf32>,
      %gather3A_884 = tpu.vector_load_idx %arg10[%add3A_866] : memref<128xf32, #tpu.memory_space<vmem>>[vector<16xi32>], vector<16xf32>,
      %gather3A_885 = tpu.vector_load_idx %arg11[%add3A_866] : memref<128xf32, #tpu.memory_space<vmem>>[vector<16xi32>], vector<16xf32>,
      %gather3A_886 = tpu.vector_load_idx %arg12[%add3A_866] : memref<128xf32, #tpu.memory_space<vmem>>[vector<16xi32>], vector<16xf32>,
      %gather3A_887 = tpu.vector_load_idx %arg13[%add3A_866] : memref<128xf32, #tpu.memory_space<vmem>>[vector<16xi32>], vector<16xf32>,
      %gather3A_888 = tpu.vector_load_idx %arg14[%add3A_866] : memref<128xf32, #tpu.memory_space<vmem>>[vector<16xi32>], vector<16xf32>,
      %gather3A_889 = tpu.vector_load_idx %arg15[%add3A_866] : memref<128xf32, #tpu.memory_space<vmem>>[vector<16xi32>], vector<16xf32>,
      %gather3A_890 = tpu.vector_load_idx %arg16[%add3A_866] : memref<128xf32, #tpu.memory_space<vmem>>[vector<16xi32>], vector<16xf32>,
      %max3A_891 = arith.maximumf %gather3A_883, %gather3A_868 : vector<16xf32>
      tpu.vector_store_idx %arg9[%add3A_866], %max3A_891 : memref<128xf32, #tpu.memory_space<vmem>>[vector<16xi32>], vector<16xf32>,
      %max3A_892 = arith.maximumf %gather3A_884, %gather3A_870 : vector<16xf32>
      tpu.vector_store_idx %arg10[%add3A_866], %max3A_892 : memref<128xf32, #tpu.memory_space<vmem>>[vector<16xi32>], vector<16xf32>,
      %max3A_893 = arith.maximumf %gather3A_885, %gather3A_872 : vector<16xf32>
      tpu.vector_store_idx %arg11[%add3A_866], %max3A_893 : memref<128xf32, #tpu.memory_space<vmem>>[vector<16xi32>], vector<16xf32>,
      %max3A_894 = arith.maximumf %gather3A_886, %gather3A_874 : vector<16xf32>
      tpu.vector_store_idx %arg12[%add3A_866], %max3A_894 : memref<128xf32, #tpu.memory_space<vmem>>[vector<16xi32>], vector<16xf32>,
      %max3A_895 = arith.maximumf %gather3A_887, %gather3A_876 : vector<16xf32>
      tpu.vector_store_idx %arg13[%add3A_866], %max3A_895 : memref<128xf32, #tpu.memory_space<vmem>>[vector<16xi32>], vector<16xf32>,
      %max3A_896 = arith.maximumf %gather3A_888, %gather3A_878 : vector<16xf32>
      tpu.vector_store_idx %arg14[%add3A_866], %max3A_896 : memref<128xf32, #tpu.memory_space<vmem>>[vector<16xi32>], vector<16xf32>,
      %max3A_897 = arith.maximumf %gather3A_889, %gather3A_880 : vector<16xf32>
      tpu.vector_store_idx %arg15[%add3A_866], %max3A_897 : memref<128xf32, #tpu.memory_space<vmem>>[vector<16xi32>], vector<16xf32>,
      %max3A_898 = arith.maximumf %gather3A_890, %gather3A_882 : vector<16xf32>
      tpu.vector_store_idx %arg16[%add3A_866], %max3A_898 : memref<128xf32, #tpu.memory_space<vmem>>[vector<16xi32>], vector<16xf32>,
      %add3A_899 = arith.constant 12 : i32
      %add3A_900 = arith.addi %mul3A_439, %add3A_899 : i32
      %slice3A_901 = vector.extract_strided_slice %mul3A_446 {offsets = [12], sizes = [1], strides = [1]} : vector<16xi32> to vector<1xi32>
      %squeeze3A_902 = vector.extract %slice3A_901[0] : i32 from vector<1xi32>
      %broadcast_in_dim3A_903 = vector.broadcast %squeeze3A_902 : i32 to vector<16xi32>
      %add3A_904 = arith.addi %broadcast_in_dim3A_903, %iota3A : vector<16xi32>
      %broadcast_in_dim3A_905 = vector.broadcast %add3A_900 : i32 to vector<16xi32>
      %gather3A_906 = tpu.vector_load_idx %arg5[%broadcast_in_dim3A_905, %add3A_131] : memref<400x128xf32, #tpu.memory_space<vmem>>[vector<16xi32>, vector<16xi32>], vector<16xf32>,
      %broadcast_in_dim3A_907 = vector.broadcast %add3A_900 : i32 to vector<16xi32>
      %gather3A_908 = tpu.vector_load_idx %arg5[%broadcast_in_dim3A_907, %add3A_134] : memref<400x128xf32, #tpu.memory_space<vmem>>[vector<16xi32>, vector<16xi32>], vector<16xf32>,
      %broadcast_in_dim3A_909 = vector.broadcast %add3A_900 : i32 to vector<16xi32>
      %gather3A_910 = tpu.vector_load_idx %arg5[%broadcast_in_dim3A_909, %add3A_137] : memref<400x128xf32, #tpu.memory_space<vmem>>[vector<16xi32>, vector<16xi32>], vector<16xf32>,
      %broadcast_in_dim3A_911 = vector.broadcast %add3A_900 : i32 to vector<16xi32>
      %gather3A_912 = tpu.vector_load_idx %arg5[%broadcast_in_dim3A_911, %add3A_140] : memref<400x128xf32, #tpu.memory_space<vmem>>[vector<16xi32>, vector<16xi32>], vector<16xf32>,
      %broadcast_in_dim3A_913 = vector.broadcast %add3A_900 : i32 to vector<16xi32>
      %gather3A_914 = tpu.vector_load_idx %arg5[%broadcast_in_dim3A_913, %add3A_143] : memref<400x128xf32, #tpu.memory_space<vmem>>[vector<16xi32>, vector<16xi32>], vector<16xf32>,
      %broadcast_in_dim3A_915 = vector.broadcast %add3A_900 : i32 to vector<16xi32>
      %gather3A_916 = tpu.vector_load_idx %arg5[%broadcast_in_dim3A_915, %add3A_146] : memref<400x128xf32, #tpu.memory_space<vmem>>[vector<16xi32>, vector<16xi32>], vector<16xf32>,
      %broadcast_in_dim3A_917 = vector.broadcast %add3A_900 : i32 to vector<16xi32>
      %gather3A_918 = tpu.vector_load_idx %arg5[%broadcast_in_dim3A_917, %add3A_149] : memref<400x128xf32, #tpu.memory_space<vmem>>[vector<16xi32>, vector<16xi32>], vector<16xf32>,
      %broadcast_in_dim3A_919 = vector.broadcast %add3A_900 : i32 to vector<16xi32>
      %gather3A_920 = tpu.vector_load_idx %arg5[%broadcast_in_dim3A_919, %add3A_152] : memref<400x128xf32, #tpu.memory_space<vmem>>[vector<16xi32>, vector<16xi32>], vector<16xf32>,
      %gather3A_921 = tpu.vector_load_idx %arg9[%add3A_904] : memref<128xf32, #tpu.memory_space<vmem>>[vector<16xi32>], vector<16xf32>,
      %gather3A_922 = tpu.vector_load_idx %arg10[%add3A_904] : memref<128xf32, #tpu.memory_space<vmem>>[vector<16xi32>], vector<16xf32>,
      %gather3A_923 = tpu.vector_load_idx %arg11[%add3A_904] : memref<128xf32, #tpu.memory_space<vmem>>[vector<16xi32>], vector<16xf32>,
      %gather3A_924 = tpu.vector_load_idx %arg12[%add3A_904] : memref<128xf32, #tpu.memory_space<vmem>>[vector<16xi32>], vector<16xf32>,
      %gather3A_925 = tpu.vector_load_idx %arg13[%add3A_904] : memref<128xf32, #tpu.memory_space<vmem>>[vector<16xi32>], vector<16xf32>,
      %gather3A_926 = tpu.vector_load_idx %arg14[%add3A_904] : memref<128xf32, #tpu.memory_space<vmem>>[vector<16xi32>], vector<16xf32>,
      %gather3A_927 = tpu.vector_load_idx %arg15[%add3A_904] : memref<128xf32, #tpu.memory_space<vmem>>[vector<16xi32>], vector<16xf32>,
      %gather3A_928 = tpu.vector_load_idx %arg16[%add3A_904] : memref<128xf32, #tpu.memory_space<vmem>>[vector<16xi32>], vector<16xf32>,
      %max3A_929 = arith.maximumf %gather3A_921, %gather3A_906 : vector<16xf32>
      tpu.vector_store_idx %arg9[%add3A_904], %max3A_929 : memref<128xf32, #tpu.memory_space<vmem>>[vector<16xi32>], vector<16xf32>,
      %max3A_930 = arith.maximumf %gather3A_922, %gather3A_908 : vector<16xf32>
      tpu.vector_store_idx %arg10[%add3A_904], %max3A_930 : memref<128xf32, #tpu.memory_space<vmem>>[vector<16xi32>], vector<16xf32>,
      %max3A_931 = arith.maximumf %gather3A_923, %gather3A_910 : vector<16xf32>
      tpu.vector_store_idx %arg11[%add3A_904], %max3A_931 : memref<128xf32, #tpu.memory_space<vmem>>[vector<16xi32>], vector<16xf32>,
      %max3A_932 = arith.maximumf %gather3A_924, %gather3A_912 : vector<16xf32>
      tpu.vector_store_idx %arg12[%add3A_904], %max3A_932 : memref<128xf32, #tpu.memory_space<vmem>>[vector<16xi32>], vector<16xf32>,
      %max3A_933 = arith.maximumf %gather3A_925, %gather3A_914 : vector<16xf32>
      tpu.vector_store_idx %arg13[%add3A_904], %max3A_933 : memref<128xf32, #tpu.memory_space<vmem>>[vector<16xi32>], vector<16xf32>,
      %max3A_934 = arith.maximumf %gather3A_926, %gather3A_916 : vector<16xf32>
      tpu.vector_store_idx %arg14[%add3A_904], %max3A_934 : memref<128xf32, #tpu.memory_space<vmem>>[vector<16xi32>], vector<16xf32>,
      %max3A_935 = arith.maximumf %gather3A_927, %gather3A_918 : vector<16xf32>
      tpu.vector_store_idx %arg15[%add3A_904], %max3A_935 : memref<128xf32, #tpu.memory_space<vmem>>[vector<16xi32>], vector<16xf32>,
      %max3A_936 = arith.maximumf %gather3A_928, %gather3A_920 : vector<16xf32>
      tpu.vector_store_idx %arg16[%add3A_904], %max3A_936 : memref<128xf32, #tpu.memory_space<vmem>>[vector<16xi32>], vector<16xf32>,
      %add3A_937 = arith.constant 13 : i32
      %add3A_938 = arith.addi %mul3A_439, %add3A_937 : i32
      %slice3A_939 = vector.extract_strided_slice %mul3A_446 {offsets = [13], sizes = [1], strides = [1]} : vector<16xi32> to vector<1xi32>
      %squeeze3A_940 = vector.extract %slice3A_939[0] : i32 from vector<1xi32>
      %broadcast_in_dim3A_941 = vector.broadcast %squeeze3A_940 : i32 to vector<16xi32>
      %add3A_942 = arith.addi %broadcast_in_dim3A_941, %iota3A : vector<16xi32>
      %broadcast_in_dim3A_943 = vector.broadcast %add3A_938 : i32 to vector<16xi32>
      %gather3A_944 = tpu.vector_load_idx %arg5[%broadcast_in_dim3A_943, %add3A_131] : memref<400x128xf32, #tpu.memory_space<vmem>>[vector<16xi32>, vector<16xi32>], vector<16xf32>,
      %broadcast_in_dim3A_945 = vector.broadcast %add3A_938 : i32 to vector<16xi32>
      %gather3A_946 = tpu.vector_load_idx %arg5[%broadcast_in_dim3A_945, %add3A_134] : memref<400x128xf32, #tpu.memory_space<vmem>>[vector<16xi32>, vector<16xi32>], vector<16xf32>,
      %broadcast_in_dim3A_947 = vector.broadcast %add3A_938 : i32 to vector<16xi32>
      %gather3A_948 = tpu.vector_load_idx %arg5[%broadcast_in_dim3A_947, %add3A_137] : memref<400x128xf32, #tpu.memory_space<vmem>>[vector<16xi32>, vector<16xi32>], vector<16xf32>,
      %broadcast_in_dim3A_949 = vector.broadcast %add3A_938 : i32 to vector<16xi32>
      %gather3A_950 = tpu.vector_load_idx %arg5[%broadcast_in_dim3A_949, %add3A_140] : memref<400x128xf32, #tpu.memory_space<vmem>>[vector<16xi32>, vector<16xi32>], vector<16xf32>,
      %broadcast_in_dim3A_951 = vector.broadcast %add3A_938 : i32 to vector<16xi32>
      %gather3A_952 = tpu.vector_load_idx %arg5[%broadcast_in_dim3A_951, %add3A_143] : memref<400x128xf32, #tpu.memory_space<vmem>>[vector<16xi32>, vector<16xi32>], vector<16xf32>,
      %broadcast_in_dim3A_953 = vector.broadcast %add3A_938 : i32 to vector<16xi32>
      %gather3A_954 = tpu.vector_load_idx %arg5[%broadcast_in_dim3A_953, %add3A_146] : memref<400x128xf32, #tpu.memory_space<vmem>>[vector<16xi32>, vector<16xi32>], vector<16xf32>,
      %broadcast_in_dim3A_955 = vector.broadcast %add3A_938 : i32 to vector<16xi32>
      %gather3A_956 = tpu.vector_load_idx %arg5[%broadcast_in_dim3A_955, %add3A_149] : memref<400x128xf32, #tpu.memory_space<vmem>>[vector<16xi32>, vector<16xi32>], vector<16xf32>,
      %broadcast_in_dim3A_957 = vector.broadcast %add3A_938 : i32 to vector<16xi32>
      %gather3A_958 = tpu.vector_load_idx %arg5[%broadcast_in_dim3A_957, %add3A_152] : memref<400x128xf32, #tpu.memory_space<vmem>>[vector<16xi32>, vector<16xi32>], vector<16xf32>,
      %gather3A_959 = tpu.vector_load_idx %arg9[%add3A_942] : memref<128xf32, #tpu.memory_space<vmem>>[vector<16xi32>], vector<16xf32>,
      %gather3A_960 = tpu.vector_load_idx %arg10[%add3A_942] : memref<128xf32, #tpu.memory_space<vmem>>[vector<16xi32>], vector<16xf32>,
      %gather3A_961 = tpu.vector_load_idx %arg11[%add3A_942] : memref<128xf32, #tpu.memory_space<vmem>>[vector<16xi32>], vector<16xf32>,
      %gather3A_962 = tpu.vector_load_idx %arg12[%add3A_942] : memref<128xf32, #tpu.memory_space<vmem>>[vector<16xi32>], vector<16xf32>,
      %gather3A_963 = tpu.vector_load_idx %arg13[%add3A_942] : memref<128xf32, #tpu.memory_space<vmem>>[vector<16xi32>], vector<16xf32>,
      %gather3A_964 = tpu.vector_load_idx %arg14[%add3A_942] : memref<128xf32, #tpu.memory_space<vmem>>[vector<16xi32>], vector<16xf32>,
      %gather3A_965 = tpu.vector_load_idx %arg15[%add3A_942] : memref<128xf32, #tpu.memory_space<vmem>>[vector<16xi32>], vector<16xf32>,
      %gather3A_966 = tpu.vector_load_idx %arg16[%add3A_942] : memref<128xf32, #tpu.memory_space<vmem>>[vector<16xi32>], vector<16xf32>,
      %max3A_967 = arith.maximumf %gather3A_959, %gather3A_944 : vector<16xf32>
      tpu.vector_store_idx %arg9[%add3A_942], %max3A_967 : memref<128xf32, #tpu.memory_space<vmem>>[vector<16xi32>], vector<16xf32>,
      %max3A_968 = arith.maximumf %gather3A_960, %gather3A_946 : vector<16xf32>
      tpu.vector_store_idx %arg10[%add3A_942], %max3A_968 : memref<128xf32, #tpu.memory_space<vmem>>[vector<16xi32>], vector<16xf32>,
      %max3A_969 = arith.maximumf %gather3A_961, %gather3A_948 : vector<16xf32>
      tpu.vector_store_idx %arg11[%add3A_942], %max3A_969 : memref<128xf32, #tpu.memory_space<vmem>>[vector<16xi32>], vector<16xf32>,
      %max3A_970 = arith.maximumf %gather3A_962, %gather3A_950 : vector<16xf32>
      tpu.vector_store_idx %arg12[%add3A_942], %max3A_970 : memref<128xf32, #tpu.memory_space<vmem>>[vector<16xi32>], vector<16xf32>,
      %max3A_971 = arith.maximumf %gather3A_963, %gather3A_952 : vector<16xf32>
      tpu.vector_store_idx %arg13[%add3A_942], %max3A_971 : memref<128xf32, #tpu.memory_space<vmem>>[vector<16xi32>], vector<16xf32>,
      %max3A_972 = arith.maximumf %gather3A_964, %gather3A_954 : vector<16xf32>
      tpu.vector_store_idx %arg14[%add3A_942], %max3A_972 : memref<128xf32, #tpu.memory_space<vmem>>[vector<16xi32>], vector<16xf32>,
      %max3A_973 = arith.maximumf %gather3A_965, %gather3A_956 : vector<16xf32>
      tpu.vector_store_idx %arg15[%add3A_942], %max3A_973 : memref<128xf32, #tpu.memory_space<vmem>>[vector<16xi32>], vector<16xf32>,
      %max3A_974 = arith.maximumf %gather3A_966, %gather3A_958 : vector<16xf32>
      tpu.vector_store_idx %arg16[%add3A_942], %max3A_974 : memref<128xf32, #tpu.memory_space<vmem>>[vector<16xi32>], vector<16xf32>,
      %add3A_975 = arith.constant 14 : i32
      %add3A_976 = arith.addi %mul3A_439, %add3A_975 : i32
      %slice3A_977 = vector.extract_strided_slice %mul3A_446 {offsets = [14], sizes = [1], strides = [1]} : vector<16xi32> to vector<1xi32>
      %squeeze3A_978 = vector.extract %slice3A_977[0] : i32 from vector<1xi32>
      %broadcast_in_dim3A_979 = vector.broadcast %squeeze3A_978 : i32 to vector<16xi32>
      %add3A_980 = arith.addi %broadcast_in_dim3A_979, %iota3A : vector<16xi32>
      %broadcast_in_dim3A_981 = vector.broadcast %add3A_976 : i32 to vector<16xi32>
      %gather3A_982 = tpu.vector_load_idx %arg5[%broadcast_in_dim3A_981, %add3A_131] : memref<400x128xf32, #tpu.memory_space<vmem>>[vector<16xi32>, vector<16xi32>], vector<16xf32>,
      %broadcast_in_dim3A_983 = vector.broadcast %add3A_976 : i32 to vector<16xi32>
      %gather3A_984 = tpu.vector_load_idx %arg5[%broadcast_in_dim3A_983, %add3A_134] : memref<400x128xf32, #tpu.memory_space<vmem>>[vector<16xi32>, vector<16xi32>], vector<16xf32>,
      %broadcast_in_dim3A_985 = vector.broadcast %add3A_976 : i32 to vector<16xi32>
      %gather3A_986 = tpu.vector_load_idx %arg5[%broadcast_in_dim3A_985, %add3A_137] : memref<400x128xf32, #tpu.memory_space<vmem>>[vector<16xi32>, vector<16xi32>], vector<16xf32>,
      %broadcast_in_dim3A_987 = vector.broadcast %add3A_976 : i32 to vector<16xi32>
      %gather3A_988 = tpu.vector_load_idx %arg5[%broadcast_in_dim3A_987, %add3A_140] : memref<400x128xf32, #tpu.memory_space<vmem>>[vector<16xi32>, vector<16xi32>], vector<16xf32>,
      %broadcast_in_dim3A_989 = vector.broadcast %add3A_976 : i32 to vector<16xi32>
      %gather3A_990 = tpu.vector_load_idx %arg5[%broadcast_in_dim3A_989, %add3A_143] : memref<400x128xf32, #tpu.memory_space<vmem>>[vector<16xi32>, vector<16xi32>], vector<16xf32>,
      %broadcast_in_dim3A_991 = vector.broadcast %add3A_976 : i32 to vector<16xi32>
      %gather3A_992 = tpu.vector_load_idx %arg5[%broadcast_in_dim3A_991, %add3A_146] : memref<400x128xf32, #tpu.memory_space<vmem>>[vector<16xi32>, vector<16xi32>], vector<16xf32>,
      %broadcast_in_dim3A_993 = vector.broadcast %add3A_976 : i32 to vector<16xi32>
      %gather3A_994 = tpu.vector_load_idx %arg5[%broadcast_in_dim3A_993, %add3A_149] : memref<400x128xf32, #tpu.memory_space<vmem>>[vector<16xi32>, vector<16xi32>], vector<16xf32>,
      %broadcast_in_dim3A_995 = vector.broadcast %add3A_976 : i32 to vector<16xi32>
      %gather3A_996 = tpu.vector_load_idx %arg5[%broadcast_in_dim3A_995, %add3A_152] : memref<400x128xf32, #tpu.memory_space<vmem>>[vector<16xi32>, vector<16xi32>], vector<16xf32>,
      %gather3A_997 = tpu.vector_load_idx %arg9[%add3A_980] : memref<128xf32, #tpu.memory_space<vmem>>[vector<16xi32>], vector<16xf32>,
      %gather3A_998 = tpu.vector_load_idx %arg10[%add3A_980] : memref<128xf32, #tpu.memory_space<vmem>>[vector<16xi32>], vector<16xf32>,
      %gather3A_999 = tpu.vector_load_idx %arg11[%add3A_980] : memref<128xf32, #tpu.memory_space<vmem>>[vector<16xi32>], vector<16xf32>,
      %gather3A_1000 = tpu.vector_load_idx %arg12[%add3A_980] : memref<128xf32, #tpu.memory_space<vmem>>[vector<16xi32>], vector<16xf32>,
      %gather3A_1001 = tpu.vector_load_idx %arg13[%add3A_980] : memref<128xf32, #tpu.memory_space<vmem>>[vector<16xi32>], vector<16xf32>,
      %gather3A_1002 = tpu.vector_load_idx %arg14[%add3A_980] : memref<128xf32, #tpu.memory_space<vmem>>[vector<16xi32>], vector<16xf32>,
      %gather3A_1003 = tpu.vector_load_idx %arg15[%add3A_980] : memref<128xf32, #tpu.memory_space<vmem>>[vector<16xi32>], vector<16xf32>,
      %gather3A_1004 = tpu.vector_load_idx %arg16[%add3A_980] : memref<128xf32, #tpu.memory_space<vmem>>[vector<16xi32>], vector<16xf32>,
      %max3A_1005 = arith.maximumf %gather3A_997, %gather3A_982 : vector<16xf32>
      tpu.vector_store_idx %arg9[%add3A_980], %max3A_1005 : memref<128xf32, #tpu.memory_space<vmem>>[vector<16xi32>], vector<16xf32>,
      %max3A_1006 = arith.maximumf %gather3A_998, %gather3A_984 : vector<16xf32>
      tpu.vector_store_idx %arg10[%add3A_980], %max3A_1006 : memref<128xf32, #tpu.memory_space<vmem>>[vector<16xi32>], vector<16xf32>,
      %max3A_1007 = arith.maximumf %gather3A_999, %gather3A_986 : vector<16xf32>
      tpu.vector_store_idx %arg11[%add3A_980], %max3A_1007 : memref<128xf32, #tpu.memory_space<vmem>>[vector<16xi32>], vector<16xf32>,
      %max3A_1008 = arith.maximumf %gather3A_1000, %gather3A_988 : vector<16xf32>
      tpu.vector_store_idx %arg12[%add3A_980], %max3A_1008 : memref<128xf32, #tpu.memory_space<vmem>>[vector<16xi32>], vector<16xf32>,
      %max3A_1009 = arith.maximumf %gather3A_1001, %gather3A_990 : vector<16xf32>
      tpu.vector_store_idx %arg13[%add3A_980], %max3A_1009 : memref<128xf32, #tpu.memory_space<vmem>>[vector<16xi32>], vector<16xf32>,
      %max3A_1010 = arith.maximumf %gather3A_1002, %gather3A_992 : vector<16xf32>
      tpu.vector_store_idx %arg14[%add3A_980], %max3A_1010 : memref<128xf32, #tpu.memory_space<vmem>>[vector<16xi32>], vector<16xf32>,
      %max3A_1011 = arith.maximumf %gather3A_1003, %gather3A_994 : vector<16xf32>
      tpu.vector_store_idx %arg15[%add3A_980], %max3A_1011 : memref<128xf32, #tpu.memory_space<vmem>>[vector<16xi32>], vector<16xf32>,
      %max3A_1012 = arith.maximumf %gather3A_1004, %gather3A_996 : vector<16xf32>
      tpu.vector_store_idx %arg16[%add3A_980], %max3A_1012 : memref<128xf32, #tpu.memory_space<vmem>>[vector<16xi32>], vector<16xf32>,
      %add3A_1013 = arith.constant 15 : i32
      %add3A_1014 = arith.addi %mul3A_439, %add3A_1013 : i32
      %slice3A_1015 = vector.extract_strided_slice %mul3A_446 {offsets = [15], sizes = [1], strides = [1]} : vector<16xi32> to vector<1xi32>
      %squeeze3A_1016 = vector.extract %slice3A_1015[0] : i32 from vector<1xi32>
      %broadcast_in_dim3A_1017 = vector.broadcast %squeeze3A_1016 : i32 to vector<16xi32>
      %add3A_1018 = arith.addi %broadcast_in_dim3A_1017, %iota3A : vector<16xi32>
      %broadcast_in_dim3A_1019 = vector.broadcast %add3A_1014 : i32 to vector<16xi32>
      %gather3A_1020 = tpu.vector_load_idx %arg5[%broadcast_in_dim3A_1019, %add3A_131] : memref<400x128xf32, #tpu.memory_space<vmem>>[vector<16xi32>, vector<16xi32>], vector<16xf32>,
      %broadcast_in_dim3A_1021 = vector.broadcast %add3A_1014 : i32 to vector<16xi32>
      %gather3A_1022 = tpu.vector_load_idx %arg5[%broadcast_in_dim3A_1021, %add3A_134] : memref<400x128xf32, #tpu.memory_space<vmem>>[vector<16xi32>, vector<16xi32>], vector<16xf32>,
      %broadcast_in_dim3A_1023 = vector.broadcast %add3A_1014 : i32 to vector<16xi32>
      %gather3A_1024 = tpu.vector_load_idx %arg5[%broadcast_in_dim3A_1023, %add3A_137] : memref<400x128xf32, #tpu.memory_space<vmem>>[vector<16xi32>, vector<16xi32>], vector<16xf32>,
      %broadcast_in_dim3A_1025 = vector.broadcast %add3A_1014 : i32 to vector<16xi32>
      %gather3A_1026 = tpu.vector_load_idx %arg5[%broadcast_in_dim3A_1025, %add3A_140] : memref<400x128xf32, #tpu.memory_space<vmem>>[vector<16xi32>, vector<16xi32>], vector<16xf32>,
      %broadcast_in_dim3A_1027 = vector.broadcast %add3A_1014 : i32 to vector<16xi32>
      %gather3A_1028 = tpu.vector_load_idx %arg5[%broadcast_in_dim3A_1027, %add3A_143] : memref<400x128xf32, #tpu.memory_space<vmem>>[vector<16xi32>, vector<16xi32>], vector<16xf32>,
      %broadcast_in_dim3A_1029 = vector.broadcast %add3A_1014 : i32 to vector<16xi32>
      %gather3A_1030 = tpu.vector_load_idx %arg5[%broadcast_in_dim3A_1029, %add3A_146] : memref<400x128xf32, #tpu.memory_space<vmem>>[vector<16xi32>, vector<16xi32>], vector<16xf32>,
      %broadcast_in_dim3A_1031 = vector.broadcast %add3A_1014 : i32 to vector<16xi32>
      %gather3A_1032 = tpu.vector_load_idx %arg5[%broadcast_in_dim3A_1031, %add3A_149] : memref<400x128xf32, #tpu.memory_space<vmem>>[vector<16xi32>, vector<16xi32>], vector<16xf32>,
      %broadcast_in_dim3A_1033 = vector.broadcast %add3A_1014 : i32 to vector<16xi32>
      %gather3A_1034 = tpu.vector_load_idx %arg5[%broadcast_in_dim3A_1033, %add3A_152] : memref<400x128xf32, #tpu.memory_space<vmem>>[vector<16xi32>, vector<16xi32>], vector<16xf32>,
      %gather3A_1035 = tpu.vector_load_idx %arg9[%add3A_1018] : memref<128xf32, #tpu.memory_space<vmem>>[vector<16xi32>], vector<16xf32>,
      %gather3A_1036 = tpu.vector_load_idx %arg10[%add3A_1018] : memref<128xf32, #tpu.memory_space<vmem>>[vector<16xi32>], vector<16xf32>,
      %gather3A_1037 = tpu.vector_load_idx %arg11[%add3A_1018] : memref<128xf32, #tpu.memory_space<vmem>>[vector<16xi32>], vector<16xf32>,
      %gather3A_1038 = tpu.vector_load_idx %arg12[%add3A_1018] : memref<128xf32, #tpu.memory_space<vmem>>[vector<16xi32>], vector<16xf32>,
      %gather3A_1039 = tpu.vector_load_idx %arg13[%add3A_1018] : memref<128xf32, #tpu.memory_space<vmem>>[vector<16xi32>], vector<16xf32>,
      %gather3A_1040 = tpu.vector_load_idx %arg14[%add3A_1018] : memref<128xf32, #tpu.memory_space<vmem>>[vector<16xi32>], vector<16xf32>,
      %gather3A_1041 = tpu.vector_load_idx %arg15[%add3A_1018] : memref<128xf32, #tpu.memory_space<vmem>>[vector<16xi32>], vector<16xf32>,
      %gather3A_1042 = tpu.vector_load_idx %arg16[%add3A_1018] : memref<128xf32, #tpu.memory_space<vmem>>[vector<16xi32>], vector<16xf32>,
      %max3A_1043 = arith.maximumf %gather3A_1035, %gather3A_1020 : vector<16xf32>
      tpu.vector_store_idx %arg9[%add3A_1018], %max3A_1043 : memref<128xf32, #tpu.memory_space<vmem>>[vector<16xi32>], vector<16xf32>,
      %max3A_1044 = arith.maximumf %gather3A_1036, %gather3A_1022 : vector<16xf32>
      tpu.vector_store_idx %arg10[%add3A_1018], %max3A_1044 : memref<128xf32, #tpu.memory_space<vmem>>[vector<16xi32>], vector<16xf32>,
      %max3A_1045 = arith.maximumf %gather3A_1037, %gather3A_1024 : vector<16xf32>
      tpu.vector_store_idx %arg11[%add3A_1018], %max3A_1045 : memref<128xf32, #tpu.memory_space<vmem>>[vector<16xi32>], vector<16xf32>,
      %max3A_1046 = arith.maximumf %gather3A_1038, %gather3A_1026 : vector<16xf32>
      tpu.vector_store_idx %arg12[%add3A_1018], %max3A_1046 : memref<128xf32, #tpu.memory_space<vmem>>[vector<16xi32>], vector<16xf32>,
      %max3A_1047 = arith.maximumf %gather3A_1039, %gather3A_1028 : vector<16xf32>
      tpu.vector_store_idx %arg13[%add3A_1018], %max3A_1047 : memref<128xf32, #tpu.memory_space<vmem>>[vector<16xi32>], vector<16xf32>,
      %max3A_1048 = arith.maximumf %gather3A_1040, %gather3A_1030 : vector<16xf32>
      tpu.vector_store_idx %arg14[%add3A_1018], %max3A_1048 : memref<128xf32, #tpu.memory_space<vmem>>[vector<16xi32>], vector<16xf32>,
      %max3A_1049 = arith.maximumf %gather3A_1041, %gather3A_1032 : vector<16xf32>
      tpu.vector_store_idx %arg15[%add3A_1018], %max3A_1049 : memref<128xf32, #tpu.memory_space<vmem>>[vector<16xi32>], vector<16xf32>,
      %max3A_1050 = arith.maximumf %gather3A_1042, %gather3A_1034 : vector<16xf32>
      tpu.vector_store_idx %arg16[%add3A_1018], %max3A_1050 : memref<128xf32, #tpu.memory_space<vmem>>[vector<16xi32>], vector<16xf32>,
    }
    %scan3A_181 = arith.constant 25 : i32
    %get3A = arith.constant 0 : index
    %get3A_182 = tpu.vector_load %arg9[%get3A] {strides = array<i32>} : memref<128xf32, #tpu.memory_space<vmem>>, vector<16xf32>,
    %swap3A_183 = arith.constant 0 : index
    %swap3A_184 = tpu.vector_load %arg17[%swap3A_183] {strides = array<i32>} : memref<1024xf32, #tpu.memory_space<vmem>>, vector<16xf32>,
    tpu.vector_store %arg17[%swap3A_183], %get3A_182 {strides = array<i32>} : memref<1024xf32, #tpu.memory_space<vmem>>, vector<16xf32>,
    %get3A_185 = arith.constant 0 : index
    %get3A_186 = tpu.vector_load %arg10[%get3A_185] {strides = array<i32>} : memref<128xf32, #tpu.memory_space<vmem>>, vector<16xf32>,
    %swap3A_187 = arith.constant 16 : index
    %swap3A_188 = tpu.vector_load %arg17[%swap3A_187] {strides = array<i32>} : memref<1024xf32, #tpu.memory_space<vmem>>, vector<16xf32>,
    tpu.vector_store %arg17[%swap3A_187], %get3A_186 {strides = array<i32>} : memref<1024xf32, #tpu.memory_space<vmem>>, vector<16xf32>,
    %get3A_189 = arith.constant 0 : index
    %get3A_190 = tpu.vector_load %arg11[%get3A_189] {strides = array<i32>} : memref<128xf32, #tpu.memory_space<vmem>>, vector<16xf32>,
    %swap3A_191 = arith.constant 32 : index
    %swap3A_192 = tpu.vector_load %arg17[%swap3A_191] {strides = array<i32>} : memref<1024xf32, #tpu.memory_space<vmem>>, vector<16xf32>,
    tpu.vector_store %arg17[%swap3A_191], %get3A_190 {strides = array<i32>} : memref<1024xf32, #tpu.memory_space<vmem>>, vector<16xf32>,
    %get3A_193 = arith.constant 0 : index
    %get3A_194 = tpu.vector_load %arg12[%get3A_193] {strides = array<i32>} : memref<128xf32, #tpu.memory_space<vmem>>, vector<16xf32>,
    %swap3A_195 = arith.constant 48 : index
    %swap3A_196 = tpu.vector_load %arg17[%swap3A_195] {strides = array<i32>} : memref<1024xf32, #tpu.memory_space<vmem>>, vector<16xf32>,
    tpu.vector_store %arg17[%swap3A_195], %get3A_194 {strides = array<i32>} : memref<1024xf32, #tpu.memory_space<vmem>>, vector<16xf32>,
    %get3A_197 = arith.constant 0 : index
    %get3A_198 = tpu.vector_load %arg13[%get3A_197] {strides = array<i32>} : memref<128xf32, #tpu.memory_space<vmem>>, vector<16xf32>,
    %swap3A_199 = arith.constant 64 : index
    %swap3A_200 = tpu.vector_load %arg17[%swap3A_199] {strides = array<i32>} : memref<1024xf32, #tpu.memory_space<vmem>>, vector<16xf32>,
    tpu.vector_store %arg17[%swap3A_199], %get3A_198 {strides = array<i32>} : memref<1024xf32, #tpu.memory_space<vmem>>, vector<16xf32>,
    %get3A_201 = arith.constant 0 : index
    %get3A_202 = tpu.vector_load %arg14[%get3A_201] {strides = array<i32>} : memref<128xf32, #tpu.memory_space<vmem>>, vector<16xf32>,
    %swap3A_203 = arith.constant 80 : index
    %swap3A_204 = tpu.vector_load %arg17[%swap3A_203] {strides = array<i32>} : memref<1024xf32, #tpu.memory_space<vmem>>, vector<16xf32>,
    tpu.vector_store %arg17[%swap3A_203], %get3A_202 {strides = array<i32>} : memref<1024xf32, #tpu.memory_space<vmem>>, vector<16xf32>,
    %get3A_205 = arith.constant 0 : index
    %get3A_206 = tpu.vector_load %arg15[%get3A_205] {strides = array<i32>} : memref<128xf32, #tpu.memory_space<vmem>>, vector<16xf32>,
    %swap3A_207 = arith.constant 96 : index
    %swap3A_208 = tpu.vector_load %arg17[%swap3A_207] {strides = array<i32>} : memref<1024xf32, #tpu.memory_space<vmem>>, vector<16xf32>,
    tpu.vector_store %arg17[%swap3A_207], %get3A_206 {strides = array<i32>} : memref<1024xf32, #tpu.memory_space<vmem>>, vector<16xf32>,
    %get3A_209 = arith.constant 0 : index
    %get3A_210 = tpu.vector_load %arg16[%get3A_209] {strides = array<i32>} : memref<128xf32, #tpu.memory_space<vmem>>, vector<16xf32>,
    %swap3A_211 = arith.constant 112 : index
    %swap3A_212 = tpu.vector_load %arg17[%swap3A_211] {strides = array<i32>} : memref<1024xf32, #tpu.memory_space<vmem>>, vector<16xf32>,
    tpu.vector_store %arg17[%swap3A_211], %get3A_210 {strides = array<i32>} : memref<1024xf32, #tpu.memory_space<vmem>>, vector<16xf32>,
    %get3A_213 = arith.constant 16 : index
    %get3A_214 = tpu.vector_load %arg9[%get3A_213] {strides = array<i32>} : memref<128xf32, #tpu.memory_space<vmem>>, vector<16xf32>,
    %swap3A_215 = arith.constant 128 : index
    %swap3A_216 = tpu.vector_load %arg17[%swap3A_215] {strides = array<i32>} : memref<1024xf32, #tpu.memory_space<vmem>>, vector<16xf32>,
    tpu.vector_store %arg17[%swap3A_215], %get3A_214 {strides = array<i32>} : memref<1024xf32, #tpu.memory_space<vmem>>, vector<16xf32>,
    %get3A_217 = arith.constant 16 : index
    %get3A_218 = tpu.vector_load %arg10[%get3A_217] {strides = array<i32>} : memref<128xf32, #tpu.memory_space<vmem>>, vector<16xf32>,
    %swap3A_219 = arith.constant 144 : index
    %swap3A_220 = tpu.vector_load %arg17[%swap3A_219] {strides = array<i32>} : memref<1024xf32, #tpu.memory_space<vmem>>, vector<16xf32>,
    tpu.vector_store %arg17[%swap3A_219], %get3A_218 {strides = array<i32>} : memref<1024xf32, #tpu.memory_space<vmem>>, vector<16xf32>,
    %get3A_221 = arith.constant 16 : index
    %get3A_222 = tpu.vector_load %arg11[%get3A_221] {strides = array<i32>} : memref<128xf32, #tpu.memory_space<vmem>>, vector<16xf32>,
    %swap3A_223 = arith.constant 160 : index
    %swap3A_224 = tpu.vector_load %arg17[%swap3A_223] {strides = array<i32>} : memref<1024xf32, #tpu.memory_space<vmem>>, vector<16xf32>,
    tpu.vector_store %arg17[%swap3A_223], %get3A_222 {strides = array<i32>} : memref<1024xf32, #tpu.memory_space<vmem>>, vector<16xf32>,
    %get3A_225 = arith.constant 16 : index
    %get3A_226 = tpu.vector_load %arg12[%get3A_225] {strides = array<i32>} : memref<128xf32, #tpu.memory_space<vmem>>, vector<16xf32>,
    %swap3A_227 = arith.constant 176 : index
    %swap3A_228 = tpu.vector_load %arg17[%swap3A_227] {strides = array<i32>} : memref<1024xf32, #tpu.memory_space<vmem>>, vector<16xf32>,
    tpu.vector_store %arg17[%swap3A_227], %get3A_226 {strides = array<i32>} : memref<1024xf32, #tpu.memory_space<vmem>>, vector<16xf32>,
    %get3A_229 = arith.constant 16 : index
    %get3A_230 = tpu.vector_load %arg13[%get3A_229] {strides = array<i32>} : memref<128xf32, #tpu.memory_space<vmem>>, vector<16xf32>,
    %swap3A_231 = arith.constant 192 : index
    %swap3A_232 = tpu.vector_load %arg17[%swap3A_231] {strides = array<i32>} : memref<1024xf32, #tpu.memory_space<vmem>>, vector<16xf32>,
    tpu.vector_store %arg17[%swap3A_231], %get3A_230 {strides = array<i32>} : memref<1024xf32, #tpu.memory_space<vmem>>, vector<16xf32>,
    %get3A_233 = arith.constant 16 : index
    %get3A_234 = tpu.vector_load %arg14[%get3A_233] {strides = array<i32>} : memref<128xf32, #tpu.memory_space<vmem>>, vector<16xf32>,
    %swap3A_235 = arith.constant 208 : index
    %swap3A_236 = tpu.vector_load %arg17[%swap3A_235] {strides = array<i32>} : memref<1024xf32, #tpu.memory_space<vmem>>, vector<16xf32>,
    tpu.vector_store %arg17[%swap3A_235], %get3A_234 {strides = array<i32>} : memref<1024xf32, #tpu.memory_space<vmem>>, vector<16xf32>,
    %get3A_237 = arith.constant 16 : index
    %get3A_238 = tpu.vector_load %arg15[%get3A_237] {strides = array<i32>} : memref<128xf32, #tpu.memory_space<vmem>>, vector<16xf32>,
    %swap3A_239 = arith.constant 224 : index
    %swap3A_240 = tpu.vector_load %arg17[%swap3A_239] {strides = array<i32>} : memref<1024xf32, #tpu.memory_space<vmem>>, vector<16xf32>,
    tpu.vector_store %arg17[%swap3A_239], %get3A_238 {strides = array<i32>} : memref<1024xf32, #tpu.memory_space<vmem>>, vector<16xf32>,
    %get3A_241 = arith.constant 16 : index
    %get3A_242 = tpu.vector_load %arg16[%get3A_241] {strides = array<i32>} : memref<128xf32, #tpu.memory_space<vmem>>, vector<16xf32>,
    %swap3A_243 = arith.constant 240 : index
    %swap3A_244 = tpu.vector_load %arg17[%swap3A_243] {strides = array<i32>} : memref<1024xf32, #tpu.memory_space<vmem>>, vector<16xf32>,
    tpu.vector_store %arg17[%swap3A_243], %get3A_242 {strides = array<i32>} : memref<1024xf32, #tpu.memory_space<vmem>>, vector<16xf32>,
    %get3A_245 = arith.constant 32 : index
    %get3A_246 = tpu.vector_load %arg9[%get3A_245] {strides = array<i32>} : memref<128xf32, #tpu.memory_space<vmem>>, vector<16xf32>,
    %swap3A_247 = arith.constant 256 : index
    %swap3A_248 = tpu.vector_load %arg17[%swap3A_247] {strides = array<i32>} : memref<1024xf32, #tpu.memory_space<vmem>>, vector<16xf32>,
    tpu.vector_store %arg17[%swap3A_247], %get3A_246 {strides = array<i32>} : memref<1024xf32, #tpu.memory_space<vmem>>, vector<16xf32>,
    %get3A_249 = arith.constant 32 : index
    %get3A_250 = tpu.vector_load %arg10[%get3A_249] {strides = array<i32>} : memref<128xf32, #tpu.memory_space<vmem>>, vector<16xf32>,
    %swap3A_251 = arith.constant 272 : index
    %swap3A_252 = tpu.vector_load %arg17[%swap3A_251] {strides = array<i32>} : memref<1024xf32, #tpu.memory_space<vmem>>, vector<16xf32>,
    tpu.vector_store %arg17[%swap3A_251], %get3A_250 {strides = array<i32>} : memref<1024xf32, #tpu.memory_space<vmem>>, vector<16xf32>,
    %get3A_253 = arith.constant 32 : index
    %get3A_254 = tpu.vector_load %arg11[%get3A_253] {strides = array<i32>} : memref<128xf32, #tpu.memory_space<vmem>>, vector<16xf32>,
    %swap3A_255 = arith.constant 288 : index
    %swap3A_256 = tpu.vector_load %arg17[%swap3A_255] {strides = array<i32>} : memref<1024xf32, #tpu.memory_space<vmem>>, vector<16xf32>,
    tpu.vector_store %arg17[%swap3A_255], %get3A_254 {strides = array<i32>} : memref<1024xf32, #tpu.memory_space<vmem>>, vector<16xf32>,
    %get3A_257 = arith.constant 32 : index
    %get3A_258 = tpu.vector_load %arg12[%get3A_257] {strides = array<i32>} : memref<128xf32, #tpu.memory_space<vmem>>, vector<16xf32>,
    %swap3A_259 = arith.constant 304 : index
    %swap3A_260 = tpu.vector_load %arg17[%swap3A_259] {strides = array<i32>} : memref<1024xf32, #tpu.memory_space<vmem>>, vector<16xf32>,
    tpu.vector_store %arg17[%swap3A_259], %get3A_258 {strides = array<i32>} : memref<1024xf32, #tpu.memory_space<vmem>>, vector<16xf32>,
    %get3A_261 = arith.constant 32 : index
    %get3A_262 = tpu.vector_load %arg13[%get3A_261] {strides = array<i32>} : memref<128xf32, #tpu.memory_space<vmem>>, vector<16xf32>,
    %swap3A_263 = arith.constant 320 : index
    %swap3A_264 = tpu.vector_load %arg17[%swap3A_263] {strides = array<i32>} : memref<1024xf32, #tpu.memory_space<vmem>>, vector<16xf32>,
    tpu.vector_store %arg17[%swap3A_263], %get3A_262 {strides = array<i32>} : memref<1024xf32, #tpu.memory_space<vmem>>, vector<16xf32>,
    %get3A_265 = arith.constant 32 : index
    %get3A_266 = tpu.vector_load %arg14[%get3A_265] {strides = array<i32>} : memref<128xf32, #tpu.memory_space<vmem>>, vector<16xf32>,
    %swap3A_267 = arith.constant 336 : index
    %swap3A_268 = tpu.vector_load %arg17[%swap3A_267] {strides = array<i32>} : memref<1024xf32, #tpu.memory_space<vmem>>, vector<16xf32>,
    tpu.vector_store %arg17[%swap3A_267], %get3A_266 {strides = array<i32>} : memref<1024xf32, #tpu.memory_space<vmem>>, vector<16xf32>,
    %get3A_269 = arith.constant 32 : index
    %get3A_270 = tpu.vector_load %arg15[%get3A_269] {strides = array<i32>} : memref<128xf32, #tpu.memory_space<vmem>>, vector<16xf32>,
    %swap3A_271 = arith.constant 352 : index
    %swap3A_272 = tpu.vector_load %arg17[%swap3A_271] {strides = array<i32>} : memref<1024xf32, #tpu.memory_space<vmem>>, vector<16xf32>,
    tpu.vector_store %arg17[%swap3A_271], %get3A_270 {strides = array<i32>} : memref<1024xf32, #tpu.memory_space<vmem>>, vector<16xf32>,
    %get3A_273 = arith.constant 32 : index
    %get3A_274 = tpu.vector_load %arg16[%get3A_273] {strides = array<i32>} : memref<128xf32, #tpu.memory_space<vmem>>, vector<16xf32>,
    %swap3A_275 = arith.constant 368 : index
    %swap3A_276 = tpu.vector_load %arg17[%swap3A_275] {strides = array<i32>} : memref<1024xf32, #tpu.memory_space<vmem>>, vector<16xf32>,
    tpu.vector_store %arg17[%swap3A_275], %get3A_274 {strides = array<i32>} : memref<1024xf32, #tpu.memory_space<vmem>>, vector<16xf32>,
    %get3A_277 = arith.constant 48 : index
    %get3A_278 = tpu.vector_load %arg9[%get3A_277] {strides = array<i32>} : memref<128xf32, #tpu.memory_space<vmem>>, vector<16xf32>,
    %swap3A_279 = arith.constant 384 : index
    %swap3A_280 = tpu.vector_load %arg17[%swap3A_279] {strides = array<i32>} : memref<1024xf32, #tpu.memory_space<vmem>>, vector<16xf32>,
    tpu.vector_store %arg17[%swap3A_279], %get3A_278 {strides = array<i32>} : memref<1024xf32, #tpu.memory_space<vmem>>, vector<16xf32>,
    %get3A_281 = arith.constant 48 : index
    %get3A_282 = tpu.vector_load %arg10[%get3A_281] {strides = array<i32>} : memref<128xf32, #tpu.memory_space<vmem>>, vector<16xf32>,
    %swap3A_283 = arith.constant 400 : index
    %swap3A_284 = tpu.vector_load %arg17[%swap3A_283] {strides = array<i32>} : memref<1024xf32, #tpu.memory_space<vmem>>, vector<16xf32>,
    tpu.vector_store %arg17[%swap3A_283], %get3A_282 {strides = array<i32>} : memref<1024xf32, #tpu.memory_space<vmem>>, vector<16xf32>,
    %get3A_285 = arith.constant 48 : index
    %get3A_286 = tpu.vector_load %arg11[%get3A_285] {strides = array<i32>} : memref<128xf32, #tpu.memory_space<vmem>>, vector<16xf32>,
    %swap3A_287 = arith.constant 416 : index
    %swap3A_288 = tpu.vector_load %arg17[%swap3A_287] {strides = array<i32>} : memref<1024xf32, #tpu.memory_space<vmem>>, vector<16xf32>,
    tpu.vector_store %arg17[%swap3A_287], %get3A_286 {strides = array<i32>} : memref<1024xf32, #tpu.memory_space<vmem>>, vector<16xf32>,
    %get3A_289 = arith.constant 48 : index
    %get3A_290 = tpu.vector_load %arg12[%get3A_289] {strides = array<i32>} : memref<128xf32, #tpu.memory_space<vmem>>, vector<16xf32>,
    %swap3A_291 = arith.constant 432 : index
    %swap3A_292 = tpu.vector_load %arg17[%swap3A_291] {strides = array<i32>} : memref<1024xf32, #tpu.memory_space<vmem>>, vector<16xf32>,
    tpu.vector_store %arg17[%swap3A_291], %get3A_290 {strides = array<i32>} : memref<1024xf32, #tpu.memory_space<vmem>>, vector<16xf32>,
    %get3A_293 = arith.constant 48 : index
    %get3A_294 = tpu.vector_load %arg13[%get3A_293] {strides = array<i32>} : memref<128xf32, #tpu.memory_space<vmem>>, vector<16xf32>,
    %swap3A_295 = arith.constant 448 : index
    %swap3A_296 = tpu.vector_load %arg17[%swap3A_295] {strides = array<i32>} : memref<1024xf32, #tpu.memory_space<vmem>>, vector<16xf32>,
    tpu.vector_store %arg17[%swap3A_295], %get3A_294 {strides = array<i32>} : memref<1024xf32, #tpu.memory_space<vmem>>, vector<16xf32>,
    %get3A_297 = arith.constant 48 : index
    %get3A_298 = tpu.vector_load %arg14[%get3A_297] {strides = array<i32>} : memref<128xf32, #tpu.memory_space<vmem>>, vector<16xf32>,
    %swap3A_299 = arith.constant 464 : index
    %swap3A_300 = tpu.vector_load %arg17[%swap3A_299] {strides = array<i32>} : memref<1024xf32, #tpu.memory_space<vmem>>, vector<16xf32>,
    tpu.vector_store %arg17[%swap3A_299], %get3A_298 {strides = array<i32>} : memref<1024xf32, #tpu.memory_space<vmem>>, vector<16xf32>,
    %get3A_301 = arith.constant 48 : index
    %get3A_302 = tpu.vector_load %arg15[%get3A_301] {strides = array<i32>} : memref<128xf32, #tpu.memory_space<vmem>>, vector<16xf32>,
    %swap3A_303 = arith.constant 480 : index
    %swap3A_304 = tpu.vector_load %arg17[%swap3A_303] {strides = array<i32>} : memref<1024xf32, #tpu.memory_space<vmem>>, vector<16xf32>,
    tpu.vector_store %arg17[%swap3A_303], %get3A_302 {strides = array<i32>} : memref<1024xf32, #tpu.memory_space<vmem>>, vector<16xf32>,
    %get3A_305 = arith.constant 48 : index
    %get3A_306 = tpu.vector_load %arg16[%get3A_305] {strides = array<i32>} : memref<128xf32, #tpu.memory_space<vmem>>, vector<16xf32>,
    %swap3A_307 = arith.constant 496 : index
    %swap3A_308 = tpu.vector_load %arg17[%swap3A_307] {strides = array<i32>} : memref<1024xf32, #tpu.memory_space<vmem>>, vector<16xf32>,
    tpu.vector_store %arg17[%swap3A_307], %get3A_306 {strides = array<i32>} : memref<1024xf32, #tpu.memory_space<vmem>>, vector<16xf32>,
    %get3A_309 = arith.constant 64 : index
    %get3A_310 = tpu.vector_load %arg9[%get3A_309] {strides = array<i32>} : memref<128xf32, #tpu.memory_space<vmem>>, vector<16xf32>,
    %swap3A_311 = arith.constant 512 : index
    %swap3A_312 = tpu.vector_load %arg17[%swap3A_311] {strides = array<i32>} : memref<1024xf32, #tpu.memory_space<vmem>>, vector<16xf32>,
    tpu.vector_store %arg17[%swap3A_311], %get3A_310 {strides = array<i32>} : memref<1024xf32, #tpu.memory_space<vmem>>, vector<16xf32>,
    %get3A_313 = arith.constant 64 : index
    %get3A_314 = tpu.vector_load %arg10[%get3A_313] {strides = array<i32>} : memref<128xf32, #tpu.memory_space<vmem>>, vector<16xf32>,
    %swap3A_315 = arith.constant 528 : index
    %swap3A_316 = tpu.vector_load %arg17[%swap3A_315] {strides = array<i32>} : memref<1024xf32, #tpu.memory_space<vmem>>, vector<16xf32>,
    tpu.vector_store %arg17[%swap3A_315], %get3A_314 {strides = array<i32>} : memref<1024xf32, #tpu.memory_space<vmem>>, vector<16xf32>,
    %get3A_317 = arith.constant 64 : index
    %get3A_318 = tpu.vector_load %arg11[%get3A_317] {strides = array<i32>} : memref<128xf32, #tpu.memory_space<vmem>>, vector<16xf32>,
    %swap3A_319 = arith.constant 544 : index
    %swap3A_320 = tpu.vector_load %arg17[%swap3A_319] {strides = array<i32>} : memref<1024xf32, #tpu.memory_space<vmem>>, vector<16xf32>,
    tpu.vector_store %arg17[%swap3A_319], %get3A_318 {strides = array<i32>} : memref<1024xf32, #tpu.memory_space<vmem>>, vector<16xf32>,
    %get3A_321 = arith.constant 64 : index
    %get3A_322 = tpu.vector_load %arg12[%get3A_321] {strides = array<i32>} : memref<128xf32, #tpu.memory_space<vmem>>, vector<16xf32>,
    %swap3A_323 = arith.constant 560 : index
    %swap3A_324 = tpu.vector_load %arg17[%swap3A_323] {strides = array<i32>} : memref<1024xf32, #tpu.memory_space<vmem>>, vector<16xf32>,
    tpu.vector_store %arg17[%swap3A_323], %get3A_322 {strides = array<i32>} : memref<1024xf32, #tpu.memory_space<vmem>>, vector<16xf32>,
    %get3A_325 = arith.constant 64 : index
    %get3A_326 = tpu.vector_load %arg13[%get3A_325] {strides = array<i32>} : memref<128xf32, #tpu.memory_space<vmem>>, vector<16xf32>,
    %swap3A_327 = arith.constant 576 : index
    %swap3A_328 = tpu.vector_load %arg17[%swap3A_327] {strides = array<i32>} : memref<1024xf32, #tpu.memory_space<vmem>>, vector<16xf32>,
    tpu.vector_store %arg17[%swap3A_327], %get3A_326 {strides = array<i32>} : memref<1024xf32, #tpu.memory_space<vmem>>, vector<16xf32>,
    %get3A_329 = arith.constant 64 : index
    %get3A_330 = tpu.vector_load %arg14[%get3A_329] {strides = array<i32>} : memref<128xf32, #tpu.memory_space<vmem>>, vector<16xf32>,
    %swap3A_331 = arith.constant 592 : index
    %swap3A_332 = tpu.vector_load %arg17[%swap3A_331] {strides = array<i32>} : memref<1024xf32, #tpu.memory_space<vmem>>, vector<16xf32>,
    tpu.vector_store %arg17[%swap3A_331], %get3A_330 {strides = array<i32>} : memref<1024xf32, #tpu.memory_space<vmem>>, vector<16xf32>,
    %get3A_333 = arith.constant 64 : index
    %get3A_334 = tpu.vector_load %arg15[%get3A_333] {strides = array<i32>} : memref<128xf32, #tpu.memory_space<vmem>>, vector<16xf32>,
    %swap3A_335 = arith.constant 608 : index
    %swap3A_336 = tpu.vector_load %arg17[%swap3A_335] {strides = array<i32>} : memref<1024xf32, #tpu.memory_space<vmem>>, vector<16xf32>,
    tpu.vector_store %arg17[%swap3A_335], %get3A_334 {strides = array<i32>} : memref<1024xf32, #tpu.memory_space<vmem>>, vector<16xf32>,
    %get3A_337 = arith.constant 64 : index
    %get3A_338 = tpu.vector_load %arg16[%get3A_337] {strides = array<i32>} : memref<128xf32, #tpu.memory_space<vmem>>, vector<16xf32>,
    %swap3A_339 = arith.constant 624 : index
    %swap3A_340 = tpu.vector_load %arg17[%swap3A_339] {strides = array<i32>} : memref<1024xf32, #tpu.memory_space<vmem>>, vector<16xf32>,
    tpu.vector_store %arg17[%swap3A_339], %get3A_338 {strides = array<i32>} : memref<1024xf32, #tpu.memory_space<vmem>>, vector<16xf32>,
    %get3A_341 = arith.constant 80 : index
    %get3A_342 = tpu.vector_load %arg9[%get3A_341] {strides = array<i32>} : memref<128xf32, #tpu.memory_space<vmem>>, vector<16xf32>,
    %swap3A_343 = arith.constant 640 : index
    %swap3A_344 = tpu.vector_load %arg17[%swap3A_343] {strides = array<i32>} : memref<1024xf32, #tpu.memory_space<vmem>>, vector<16xf32>,
    tpu.vector_store %arg17[%swap3A_343], %get3A_342 {strides = array<i32>} : memref<1024xf32, #tpu.memory_space<vmem>>, vector<16xf32>,
    %get3A_345 = arith.constant 80 : index
    %get3A_346 = tpu.vector_load %arg10[%get3A_345] {strides = array<i32>} : memref<128xf32, #tpu.memory_space<vmem>>, vector<16xf32>,
    %swap3A_347 = arith.constant 656 : index
    %swap3A_348 = tpu.vector_load %arg17[%swap3A_347] {strides = array<i32>} : memref<1024xf32, #tpu.memory_space<vmem>>, vector<16xf32>,
    tpu.vector_store %arg17[%swap3A_347], %get3A_346 {strides = array<i32>} : memref<1024xf32, #tpu.memory_space<vmem>>, vector<16xf32>,
    %get3A_349 = arith.constant 80 : index
    %get3A_350 = tpu.vector_load %arg11[%get3A_349] {strides = array<i32>} : memref<128xf32, #tpu.memory_space<vmem>>, vector<16xf32>,
    %swap3A_351 = arith.constant 672 : index
    %swap3A_352 = tpu.vector_load %arg17[%swap3A_351] {strides = array<i32>} : memref<1024xf32, #tpu.memory_space<vmem>>, vector<16xf32>,
    tpu.vector_store %arg17[%swap3A_351], %get3A_350 {strides = array<i32>} : memref<1024xf32, #tpu.memory_space<vmem>>, vector<16xf32>,
    %get3A_353 = arith.constant 80 : index
    %get3A_354 = tpu.vector_load %arg12[%get3A_353] {strides = array<i32>} : memref<128xf32, #tpu.memory_space<vmem>>, vector<16xf32>,
    %swap3A_355 = arith.constant 688 : index
    %swap3A_356 = tpu.vector_load %arg17[%swap3A_355] {strides = array<i32>} : memref<1024xf32, #tpu.memory_space<vmem>>, vector<16xf32>,
    tpu.vector_store %arg17[%swap3A_355], %get3A_354 {strides = array<i32>} : memref<1024xf32, #tpu.memory_space<vmem>>, vector<16xf32>,
    %get3A_357 = arith.constant 80 : index
    %get3A_358 = tpu.vector_load %arg13[%get3A_357] {strides = array<i32>} : memref<128xf32, #tpu.memory_space<vmem>>, vector<16xf32>,
    %swap3A_359 = arith.constant 704 : index
    %swap3A_360 = tpu.vector_load %arg17[%swap3A_359] {strides = array<i32>} : memref<1024xf32, #tpu.memory_space<vmem>>, vector<16xf32>,
    tpu.vector_store %arg17[%swap3A_359], %get3A_358 {strides = array<i32>} : memref<1024xf32, #tpu.memory_space<vmem>>, vector<16xf32>,
    %get3A_361 = arith.constant 80 : index
    %get3A_362 = tpu.vector_load %arg14[%get3A_361] {strides = array<i32>} : memref<128xf32, #tpu.memory_space<vmem>>, vector<16xf32>,
    %swap3A_363 = arith.constant 720 : index
    %swap3A_364 = tpu.vector_load %arg17[%swap3A_363] {strides = array<i32>} : memref<1024xf32, #tpu.memory_space<vmem>>, vector<16xf32>,
    tpu.vector_store %arg17[%swap3A_363], %get3A_362 {strides = array<i32>} : memref<1024xf32, #tpu.memory_space<vmem>>, vector<16xf32>,
    %get3A_365 = arith.constant 80 : index
    %get3A_366 = tpu.vector_load %arg15[%get3A_365] {strides = array<i32>} : memref<128xf32, #tpu.memory_space<vmem>>, vector<16xf32>,
    %swap3A_367 = arith.constant 736 : index
    %swap3A_368 = tpu.vector_load %arg17[%swap3A_367] {strides = array<i32>} : memref<1024xf32, #tpu.memory_space<vmem>>, vector<16xf32>,
    tpu.vector_store %arg17[%swap3A_367], %get3A_366 {strides = array<i32>} : memref<1024xf32, #tpu.memory_space<vmem>>, vector<16xf32>,
    %get3A_369 = arith.constant 80 : index
    %get3A_370 = tpu.vector_load %arg16[%get3A_369] {strides = array<i32>} : memref<128xf32, #tpu.memory_space<vmem>>, vector<16xf32>,
    %swap3A_371 = arith.constant 752 : index
    %swap3A_372 = tpu.vector_load %arg17[%swap3A_371] {strides = array<i32>} : memref<1024xf32, #tpu.memory_space<vmem>>, vector<16xf32>,
    tpu.vector_store %arg17[%swap3A_371], %get3A_370 {strides = array<i32>} : memref<1024xf32, #tpu.memory_space<vmem>>, vector<16xf32>,
    %get3A_373 = arith.constant 96 : index
    %get3A_374 = tpu.vector_load %arg9[%get3A_373] {strides = array<i32>} : memref<128xf32, #tpu.memory_space<vmem>>, vector<16xf32>,
    %swap3A_375 = arith.constant 768 : index
    %swap3A_376 = tpu.vector_load %arg17[%swap3A_375] {strides = array<i32>} : memref<1024xf32, #tpu.memory_space<vmem>>, vector<16xf32>,
    tpu.vector_store %arg17[%swap3A_375], %get3A_374 {strides = array<i32>} : memref<1024xf32, #tpu.memory_space<vmem>>, vector<16xf32>,
    %get3A_377 = arith.constant 96 : index
    %get3A_378 = tpu.vector_load %arg10[%get3A_377] {strides = array<i32>} : memref<128xf32, #tpu.memory_space<vmem>>, vector<16xf32>,
    %swap3A_379 = arith.constant 784 : index
    %swap3A_380 = tpu.vector_load %arg17[%swap3A_379] {strides = array<i32>} : memref<1024xf32, #tpu.memory_space<vmem>>, vector<16xf32>,
    tpu.vector_store %arg17[%swap3A_379], %get3A_378 {strides = array<i32>} : memref<1024xf32, #tpu.memory_space<vmem>>, vector<16xf32>,
    %get3A_381 = arith.constant 96 : index
    %get3A_382 = tpu.vector_load %arg11[%get3A_381] {strides = array<i32>} : memref<128xf32, #tpu.memory_space<vmem>>, vector<16xf32>,
    %swap3A_383 = arith.constant 800 : index
    %swap3A_384 = tpu.vector_load %arg17[%swap3A_383] {strides = array<i32>} : memref<1024xf32, #tpu.memory_space<vmem>>, vector<16xf32>,
    tpu.vector_store %arg17[%swap3A_383], %get3A_382 {strides = array<i32>} : memref<1024xf32, #tpu.memory_space<vmem>>, vector<16xf32>,
    %get3A_385 = arith.constant 96 : index
    %get3A_386 = tpu.vector_load %arg12[%get3A_385] {strides = array<i32>} : memref<128xf32, #tpu.memory_space<vmem>>, vector<16xf32>,
    %swap3A_387 = arith.constant 816 : index
    %swap3A_388 = tpu.vector_load %arg17[%swap3A_387] {strides = array<i32>} : memref<1024xf32, #tpu.memory_space<vmem>>, vector<16xf32>,
    tpu.vector_store %arg17[%swap3A_387], %get3A_386 {strides = array<i32>} : memref<1024xf32, #tpu.memory_space<vmem>>, vector<16xf32>,
    %get3A_389 = arith.constant 96 : index
    %get3A_390 = tpu.vector_load %arg13[%get3A_389] {strides = array<i32>} : memref<128xf32, #tpu.memory_space<vmem>>, vector<16xf32>,
    %swap3A_391 = arith.constant 832 : index
    %swap3A_392 = tpu.vector_load %arg17[%swap3A_391] {strides = array<i32>} : memref<1024xf32, #tpu.memory_space<vmem>>, vector<16xf32>,
    tpu.vector_store %arg17[%swap3A_391], %get3A_390 {strides = array<i32>} : memref<1024xf32, #tpu.memory_space<vmem>>, vector<16xf32>,
    %get3A_393 = arith.constant 96 : index
    %get3A_394 = tpu.vector_load %arg14[%get3A_393] {strides = array<i32>} : memref<128xf32, #tpu.memory_space<vmem>>, vector<16xf32>,
    %swap3A_395 = arith.constant 848 : index
    %swap3A_396 = tpu.vector_load %arg17[%swap3A_395] {strides = array<i32>} : memref<1024xf32, #tpu.memory_space<vmem>>, vector<16xf32>,
    tpu.vector_store %arg17[%swap3A_395], %get3A_394 {strides = array<i32>} : memref<1024xf32, #tpu.memory_space<vmem>>, vector<16xf32>,
    %get3A_397 = arith.constant 96 : index
    %get3A_398 = tpu.vector_load %arg15[%get3A_397] {strides = array<i32>} : memref<128xf32, #tpu.memory_space<vmem>>, vector<16xf32>,
    %swap3A_399 = arith.constant 864 : index
    %swap3A_400 = tpu.vector_load %arg17[%swap3A_399] {strides = array<i32>} : memref<1024xf32, #tpu.memory_space<vmem>>, vector<16xf32>,
    tpu.vector_store %arg17[%swap3A_399], %get3A_398 {strides = array<i32>} : memref<1024xf32, #tpu.memory_space<vmem>>, vector<16xf32>,
    %get3A_401 = arith.constant 96 : index
    %get3A_402 = tpu.vector_load %arg16[%get3A_401] {strides = array<i32>} : memref<128xf32, #tpu.memory_space<vmem>>, vector<16xf32>,
    %swap3A_403 = arith.constant 880 : index
    %swap3A_404 = tpu.vector_load %arg17[%swap3A_403] {strides = array<i32>} : memref<1024xf32, #tpu.memory_space<vmem>>, vector<16xf32>,
    tpu.vector_store %arg17[%swap3A_403], %get3A_402 {strides = array<i32>} : memref<1024xf32, #tpu.memory_space<vmem>>, vector<16xf32>,
    %get3A_405 = arith.constant 112 : index
    %get3A_406 = tpu.vector_load %arg9[%get3A_405] {strides = array<i32>} : memref<128xf32, #tpu.memory_space<vmem>>, vector<16xf32>,
    %swap3A_407 = arith.constant 896 : index
    %swap3A_408 = tpu.vector_load %arg17[%swap3A_407] {strides = array<i32>} : memref<1024xf32, #tpu.memory_space<vmem>>, vector<16xf32>,
    tpu.vector_store %arg17[%swap3A_407], %get3A_406 {strides = array<i32>} : memref<1024xf32, #tpu.memory_space<vmem>>, vector<16xf32>,
    %get3A_409 = arith.constant 112 : index
    %get3A_410 = tpu.vector_load %arg10[%get3A_409] {strides = array<i32>} : memref<128xf32, #tpu.memory_space<vmem>>, vector<16xf32>,
    %swap3A_411 = arith.constant 912 : index
    %swap3A_412 = tpu.vector_load %arg17[%swap3A_411] {strides = array<i32>} : memref<1024xf32, #tpu.memory_space<vmem>>, vector<16xf32>,
    tpu.vector_store %arg17[%swap3A_411], %get3A_410 {strides = array<i32>} : memref<1024xf32, #tpu.memory_space<vmem>>, vector<16xf32>,
    %get3A_413 = arith.constant 112 : index
    %get3A_414 = tpu.vector_load %arg11[%get3A_413] {strides = array<i32>} : memref<128xf32, #tpu.memory_space<vmem>>, vector<16xf32>,
    %swap3A_415 = arith.constant 928 : index
    %swap3A_416 = tpu.vector_load %arg17[%swap3A_415] {strides = array<i32>} : memref<1024xf32, #tpu.memory_space<vmem>>, vector<16xf32>,
    tpu.vector_store %arg17[%swap3A_415], %get3A_414 {strides = array<i32>} : memref<1024xf32, #tpu.memory_space<vmem>>, vector<16xf32>,
    %get3A_417 = arith.constant 112 : index
    %get3A_418 = tpu.vector_load %arg12[%get3A_417] {strides = array<i32>} : memref<128xf32, #tpu.memory_space<vmem>>, vector<16xf32>,
    %swap3A_419 = arith.constant 944 : index
    %swap3A_420 = tpu.vector_load %arg17[%swap3A_419] {strides = array<i32>} : memref<1024xf32, #tpu.memory_space<vmem>>, vector<16xf32>,
    tpu.vector_store %arg17[%swap3A_419], %get3A_418 {strides = array<i32>} : memref<1024xf32, #tpu.memory_space<vmem>>, vector<16xf32>,
    %get3A_421 = arith.constant 112 : index
    %get3A_422 = tpu.vector_load %arg13[%get3A_421] {strides = array<i32>} : memref<128xf32, #tpu.memory_space<vmem>>, vector<16xf32>,
    %swap3A_423 = arith.constant 960 : index
    %swap3A_424 = tpu.vector_load %arg17[%swap3A_423] {strides = array<i32>} : memref<1024xf32, #tpu.memory_space<vmem>>, vector<16xf32>,
    tpu.vector_store %arg17[%swap3A_423], %get3A_422 {strides = array<i32>} : memref<1024xf32, #tpu.memory_space<vmem>>, vector<16xf32>,
    %get3A_425 = arith.constant 112 : index
    %get3A_426 = tpu.vector_load %arg14[%get3A_425] {strides = array<i32>} : memref<128xf32, #tpu.memory_space<vmem>>, vector<16xf32>,
    %swap3A_427 = arith.constant 976 : index
    %swap3A_428 = tpu.vector_load %arg17[%swap3A_427] {strides = array<i32>} : memref<1024xf32, #tpu.memory_space<vmem>>, vector<16xf32>,
    tpu.vector_store %arg17[%swap3A_427], %get3A_426 {strides = array<i32>} : memref<1024xf32, #tpu.memory_space<vmem>>, vector<16xf32>,
    %get3A_429 = arith.constant 112 : index
    %get3A_430 = tpu.vector_load %arg15[%get3A_429] {strides = array<i32>} : memref<128xf32, #tpu.memory_space<vmem>>, vector<16xf32>,
    %swap3A_431 = arith.constant 992 : index
    %swap3A_432 = tpu.vector_load %arg17[%swap3A_431] {strides = array<i32>} : memref<1024xf32, #tpu.memory_space<vmem>>, vector<16xf32>,
    tpu.vector_store %arg17[%swap3A_431], %get3A_430 {strides = array<i32>} : memref<1024xf32, #tpu.memory_space<vmem>>, vector<16xf32>,
    %get3A_433 = arith.constant 112 : index
    %get3A_434 = tpu.vector_load %arg16[%get3A_433] {strides = array<i32>} : memref<128xf32, #tpu.memory_space<vmem>>, vector<16xf32>,
    %swap3A_435 = arith.constant 1008 : index
    %swap3A_436 = tpu.vector_load %arg17[%swap3A_435] {strides = array<i32>} : memref<1024xf32, #tpu.memory_space<vmem>>, vector<16xf32>,
    tpu.vector_store %arg17[%swap3A_435], %get3A_434 {strides = array<i32>} : memref<1024xf32, #tpu.memory_space<vmem>>, vector<16xf32>,
    "tpu.region"() ({
      %run_scoped3A = tpu.sem_alloc : memref<!tpu.dma_semaphore, #tpu.memory_space<semaphore_mem>>
      %dma_start3A_437 = arith.constant 0 : i32
      %dma_start3A_438 = tpu.memref_slice %arg4[%add3A, %dma_start3A_437] : memref<32x1024xf32, #tpu.memory_space<hbm>> -> memref<1x1024xf32, #tpu.memory_space<hbm>>
      %dma_start3A_439 = tpu.memref_squeeze %dma_start3A_438 : memref<1x1024xf32, #tpu.memory_space<hbm>> -> memref<1024xf32, #tpu.memory_space<hbm>>
      %dma_start3A_440 = arith.constant 0 : i32
      %dma_start3A_441 = tpu.memref_slice %arg4[%add3A, %dma_start3A_440] : memref<32x1024xf32, #tpu.memory_space<hbm>> -> memref<1x1024xf32, #tpu.memory_space<hbm>>
      %dma_start3A_442 = tpu.memref_squeeze %dma_start3A_441 : memref<1x1024xf32, #tpu.memory_space<hbm>> -> memref<1024xf32, #tpu.memory_space<hbm>>
      tpu.enqueue_dma source(%arg17 : memref<1024xf32, #tpu.memory_space<vmem>>) target(%dma_start3A_442 : memref<1024xf32, #tpu.memory_space<hbm>>) target_semaphore(%run_scoped3A : memref<!tpu.dma_semaphore, #tpu.memory_space<semaphore_mem>>)
      %dma_wait3A_443 = arith.constant 0 : i32
      %dma_wait3A_444 = tpu.memref_slice %arg4[%add3A, %dma_wait3A_443] : memref<32x1024xf32, #tpu.memory_space<hbm>> -> memref<1x1024xf32, #tpu.memory_space<hbm>>
      %dma_wait3A_445 = tpu.memref_squeeze %dma_wait3A_444 : memref<1x1024xf32, #tpu.memory_space<hbm>> -> memref<1024xf32, #tpu.memory_space<hbm>>
      %dma_wait3A_446 = arith.constant 0 : i32
      %dma_wait3A_447 = tpu.memref_slice %arg4[%add3A, %dma_wait3A_446] : memref<32x1024xf32, #tpu.memory_space<hbm>> -> memref<1x1024xf32, #tpu.memory_space<hbm>>
      %dma_wait3A_448 = tpu.memref_squeeze %dma_wait3A_447 : memref<1x1024xf32, #tpu.memory_space<hbm>> -> memref<1024xf32, #tpu.memory_space<hbm>>
      tpu.wait_dma2 semaphore(%run_scoped3A : memref<!tpu.dma_semaphore, #tpu.memory_space<semaphore_mem>>) src(%arg17 : memref<1024xf32, #tpu.memory_space<vmem>>) dst(%dma_wait3A_448 : memref<1024xf32, #tpu.memory_space<hbm>>)
      tpu.yield
    }) : () -> ()
    return
  }
}

</mosaic_0001>

<sc_bundles>
// kernel: kernel.3.cloned.1.call-start
scs
__scs_entry_jumppad:
0x0: {  	(pc) =	sbr.rel $0x88, $3  }
0x1: {  	(tag) =	ssettag $0x0;
	lr =	simm.s32 $0x1  }
0x2: {  	[smem:$0x3F9F] =	sst lr;
	_ =	strace $0xD0000000  }
0x3: {  	_ = 	snop  }
0x4: {  	_ = 	snop  }
0x5: {  	_ = 	snop  }
0x6: {  	_ = 	snop  }
0x7: {  	_ = 	snop  }
__scs_overlays_trampoline_lowered:
0x8: {  	[smem:$0x3FAE] =	sst s0  }
0x9: {  	[smem:$0x3FAF] =	sst s1  }
0xa: {  	[smem:$0x3FB0] =	sst s2  }
0xb: {  	[smem:$0x3FB1] =	sst s3  }
0xc: {  	[smem:$0x3FB2] =	sst s4  }
0xd: {  	[smem:$0x3FB3] =	sst s5  }
0xe: {  	[smem:$0x3FB4] =	sst s6  }
0xf: {  	[smem:$0x3FB5] =	sst s7  }
0x10: {  	[smem:$0x3FB6] =	sst s8  }
0x11: {  	[smem:$0x3FB7] =	sst s9;
	s0 =	simm.s32 @!p0 $0x0  }
0x12: {  	s1 =	sld [smem:$0x3F9D];
	s0 =	simm.s32 @p0 $0x1  }
0x13: {  	[smem:$0x3FB8] =	sst s0;
	s0 =	simm.s32 @!p1 $0x0  }
0x14: {  	s2 =	sld [smem:$0x3F9C];
	s0 =	simm.s32 @p1 $0x1  }
0x15: {  	[smem:$0x3FB9] =	sst s0;
	s0 =	simm.s32 @!p2 $0x0  }
0x16: {  	s3 =	sld [smem:$0x3FDB];
	s0 =	simm.s32 @p2 $0x1  }
0x17: {  	s4 =	simm.s32 $0x1BF5;
	[smem:$0x3FBB] =	sst s0  }
0x18: {  	s0 =	sld [smem:$0x3F9E];
	_ =	swait.ge [sflag:s4], $0x0  }
0x19: {  	s7 =	sld [smem:$0x3F9F]  }
0x1a: {  	s8 =	sadd.s32 $0xFFFFE003, lr  }
0x1b: {  	s9 =	sadd.s32 $0xFFFFFEF7, lr;
	s5 =	simm.s32 $0xFFFFFFFF;
	p2 =	slt.u32 s8, $0xFFFFF086  }
0x1c: {  	p1 =	slt.u32 s9, $0xF7A;
	s5 =	simm.s32 @!p2 $0x0  }
0x1d: {  	s5 =	simm.s32 @p1 $0x1;
	p0 =	seq.s32 s7, s2  }
0x1e: {  	s7 =	smul.u32 @!p0 $0xF7A, s2;
	p2 =	seq.s32 @!p0 s5, $0x0  }
0x1f: {  	s9 =	smul.u32 $0xF7A, s1;
	s8 =	simm.s32 @!p0 $0x1BF5;
	p2 =	por !p2, p0  }
0x20: {  	[sflag:s8] =	ssyncset.s32 @!p0 $0xFFFFF086;
	s6 =	sadd.s32 @!p0 s3, s7;
	s7 =	simm.s32 @!p0 $0x108  }
0x21: {  	s3 =	sadd.s32 s3, s9;
	s6 =	sadd.s32 @!p0 $0x88, s6;
	s7 =	simm.s32 @p2 $0x1082  }
0x22: {  	[simem:s7], [sflag:s8] =	dma.local @!p0 [hbm:s6], $0xF7A  }
0x23: {  	s9 =	sor.u32 $0xD0000000, s2;
	s6 =	simm.s32 $0x108;
	_ =	swait.ge @!p0 [sflag:s8], $0x0  }
0x24: {  	s3 =	sadd.s32 $0x88, s3;
	s6 =	simm.s32 @!p1 $0x1082;
	[sflag:s4] =	ssyncset.s32 $0xFFFFF086  }
0x25: {  	[simem:s6], [sflag:s4] =	dma.local [hbm:s3], $0xF7A  }
0x26: {  	[smem:$0x3F9F] =	sst s1;
	(tag) =	ssettag s2;
	_ =	strace s9  }
0x27: {  	s1 =	sld [smem:$0x3FAF]  }
0x28: {  	s2 =	sld [smem:$0x3FB0]  }
0x29: {  	s4 =	sld [smem:$0x3FB2]  }
0x2a: {  	p0 =	seq.s32 s5, $0x0;
	s5 =	sld [smem:$0x3FB3]  }
0x2b: {  	s6 =	sld [smem:$0x3FB4]  }
0x2c: {  	s7 =	sld [smem:$0x3FB5]  }
0x2d: {  	s3 =	simm.s32 $0x108;
	s8 =	sld [smem:$0x3FB6]  }
0x2e: {  	s3 =	simm.s32 @!p0 $0x1082;
	s9 =	sld [smem:$0x3FB7]  }
0x2f: {  	lr =	sadd.s32 s0, s3;
	s0 =	sld [smem:$0x3FAE]  }
0x30: {  	s3 =	sld [smem:$0x3FB1]  }
0x31: {  	[smem:$0x3FBA] =	sst s10  }
0x32: {  	s10 =	sld [smem:$0x3FB8];
	_ =	sdelay $0x3  }
0x33: {  	p0 =	seq.s32 s10, $0x1;
	s10 =	sld [smem:$0x3FBA];
	_ =	sdelay $0x3  }
0x34: {  	[smem:$0x3FBA] =	sst s10  }
0x35: {  	s10 =	sld [smem:$0x3FB9];
	_ =	sdelay $0x3  }
0x36: {  	p1 =	seq.s32 s10, $0x1;
	s10 =	sld [smem:$0x3FBA];
	_ =	sdelay $0x3  }
0x37: {  	[smem:$0x3FBA] =	sst s10  }
0x38: {  	s10 =	sld [smem:$0x3FBB]  }
0x39: {  	_ = 	snop;
	(pc) =	sbr.ind lr, $3  }
0x3a: {  	_ = 	snop  }
0x3b: {  	_ = 	snop  }
0x3c: {  	p2 =	seq.s32 s10, $0x1;
	s10 =	sld [smem:$0x3FBA]  }
0x3d: {  	_ =	shalt  }
0x3e: {  	_ =	shalt  }
0x3f: {  	_ =	shalt  }
0x40: {  	_ =	shalt  }
0x41: {  	_ =	shalt  }
0x42: {  	_ =	shalt  }
0x43: {  	_ =	shalt  }
0x44: {  	_ =	shalt  }
0x45: {  	_ =	shalt  }
0x46: {  	_ =	shalt  }
0x47: {  	_ =	shalt  }
0x48: {  	_ =	shalt  }
0x49: {  	_ =	shalt  }
0x4a: {  	_ =	shalt  }
0x4b: {  	_ =	shalt  }
0x4c: {  	_ =	shalt  }
0x4d: {  	_ =	shalt  }
0x4e: {  	_ =	shalt  }
0x4f: {  	_ =	shalt  }
0x50: {  	_ =	shalt  }
0x51: {  	_ =	shalt  }
0x52: {  	_ =	shalt  }
0x53: {  	_ =	shalt  }
0x54: {  	_ =	shalt  }
0x55: {  	_ =	shalt  }
0x56: {  	_ =	shalt  }
0x57: {  	_ =	shalt  }
0x58: {  	_ =	shalt  }
0x59: {  	_ =	shalt  }
0x5a: {  	_ =	shalt  }
0x5b: {  	_ =	shalt  }
0x5c: {  	_ =	shalt  }
0x5d: {  	_ =	shalt  }
0x5e: {  	_ =	shalt  }
0x5f: {  	_ =	shalt  }
0x60: {  	_ =	shalt  }
0x61: {  	_ =	shalt  }
0x62: {  	_ =	shalt  }
0x63: {  	_ =	shalt  }
0x64: {  	_ =	shalt  }
0x65: {  	_ =	shalt  }
0x66: {  	_ =	shalt  }
0x67: {  	_ =	shalt  }
0x68: {  	_ =	shalt  }
0x69: {  	_ =	shalt  }
0x6a: {  	_ =	shalt  }
0x6b: {  	_ =	shalt  }
0x6c: {  	_ =	shalt  }
0x6d: {  	_ =	shalt  }
0x6e: {  	_ =	shalt  }
0x6f: {  	_ =	shalt  }
0x70: {  	_ =	shalt  }
0x71: {  	_ =	shalt  }
0x72: {  	_ =	shalt  }
0x73: {  	_ =	shalt  }
0x74: {  	_ =	shalt  }
0x75: {  	_ =	shalt  }
0x76: {  	_ =	shalt  }
0x77: {  	_ =	shalt  }
0x78: {  	_ =	shalt  }
0x79: {  	_ =	shalt  }
0x7a: {  	_ =	shalt  }
0x7b: {  	_ =	shalt  }
0x7c: {  	_ =	shalt  }
0x7d: {  	_ =	shalt  }
0x7e: {  	_ =	shalt  }
0x7f: {  	_ =	shalt  }
0x80: {  	_ =	shalt  }
0x81: {  	_ =	shalt  }
0x82: {  	_ =	shalt  }
0x83: {  	_ =	shalt  }
0x84: {  	_ =	shalt  }
0x85: {  	_ =	shalt  }
0x86: {  	_ =	shalt  }
0x87: {  	_ =	shalt  }
.Lfunc_end0:
.L_simem_size_0:
called_computation_lowered:
.L_overlay_start_0:
0x88: {  	s2 =	sld [smem:$0x3FD9]  }
0x89: {  	s3 =	sld [smem:$0x3FFE];
	_ =	sdelay $0x1  }
0x8a: {  	s1 =	srdreg.scid  }
0x8b: {  	s0 =	sand.u32 $0x1, s1  }
0x8c: {  	s17 =	sshll.u32 s0, $0xA;
	s2 =	sadd.s32 s3, s2  }
0x8d: {  	s2 =	sadd.s32 s2, s17  }
0x8e: {  	[smem:$0x3FC6] =	sst s2  }
0x8f: {  	_ = 	snop  }
0x90: {  	s2 =	sld [smem:$0x3FC9];
	(tm) =	ssettm $0x1  }
0x91: {  	s18 =	sld [smem:$0x3FFB];
	_ =	sdelay $0x3  }
0x92: {  	_ =	strace s18  }
0x93: {  	s3 =	sld [smem:$0x3FFC];
	_ =	sdelay $0x3  }
0x94: {  	_ =	strace s3  }
0x95: {  	s3 =	sld [smem:$0x3FFD];
	_ =	sdelay $0x3  }
0x96: {  	_ =	strace s3  }
0x97: {  	_ =	strace $0x8FFFFFFF  }
0x98: {  	s19 =	sld [smem:$0x3FDB];
	_ =	sdelay $0x1  }
0x99: {  	s4 =	simm.s32 $_scs_section_size  }
0x9a: {  	s5 =	simm.s32 $_size__tile_overlayer_lowered;
	s6 =	simm.s32 $_tile_overlayer_lowered  }
0x9b: {  	s22 =	simm.s32 $0x1BFF;
	s21 =	sshll.u32 s6, $0x1;
	s3 =	sadd.s32 s4, s19  }
0x9c: {  	s7 =	simm.s32 $0x0;
	s20 =	sshll.u32 s5, $0x1;
	s5 =	sadd.s32 s21, s3  }
0x9d: {  	[timem:s7], [sflag:s22] =	dma.local [hbm:s5], s20  }
0x9e: {  	_ =	swait.ge [sflag:s22], s20  }
0x9f: {  	s4 =	ssub.s32 $0x0, s20;
	[sflag:s22] =	ssyncset.done $0x0  }
0xa0: {  	[sflag:s22] =	ssyncadd.s32 s4;
	_ =	sdelay $0x1  }
0xa1: {  	s23 =	simm.s32 $0x1B8B  }
0xa2: {  	_ =	swait.ge [sflag:s23], $0x1  }
0xa3: {  	[sflag:s23] =	ssyncset.done $0x0  }
0xa4: {  	s25 =	simm.s32 $0x1B8E;
	s24 =	sld [smem:$0x3FFE];
	[sflag:s23] =	ssyncadd.s32 $0xFFFFFFFF  }
0xa5: {  	s26 =	simm.s32 $execute0_lowered;
	[smem:$0x3FD2] =	sst s25  }
0xa6: {  	s5 =	sshll.u32 s26, $0x1;
	_ =	strace $0x80000046;
	[dreg:$0x1] =	wrdreg $0xFFFFFFFF  }
0xa7: {  	s28 =	simm.s32 $_size_execute0_lowered;
	s3 =	sadd.s32 s3, s5;
	[dreg:$0x0] =	wrdreg $0x0  }
0xa8: {  	s5 =	sshll.u32 s28, $0x1;
	[dreg:$0x2] =	wrdreg s3  }
0xa9: {  	[dreg:$0x3] =	wrdreg s5  }
0xaa: {  	[dreg:$0x4] =	wrdreg $0xC0  }
0xab: {  	_ =	task [dreg:s7], $0x5FFFF  }
0xac: {  	[dreg:$0x1] =	wrdreg $0xFFFFFFFF  }
0xad: {  	[dreg:$0x0] =	wrdreg $0x60  }
0xae: {  	[dreg:$0x2] =	wrdreg s2  }
0xaf: {  	[dreg:$0x3] =	wrdreg s24  }
0xb0: {  	[dreg:$0x4] =	wrdreg $0x9  }
0xb1: {  	_ =	task.clear_ibuf [dreg:s7], $0x5FFFF;
	_ =	strace $0x90000046  }
0xb2: {  	s29 =	simm.s32 $0x9;
	_ =	strace $0x80000048  }
0xb3: {  	_ =	swait.ge [sflag:s29], $0x1  }
0xb4: {  	[sflag:s29] =	ssyncadd.s32 $0xFFFFFFFF  }
0xb5: {  	_ =	strace $0x90000048  }
0xb6: {  	_ =	sfence  }
0xb7: {  	s30 =	sld [smem:$0x0];
	_ =	sdelay $0x2  }
0xb8: {  	s31 =	sshll.u32 s1, $0xD;
	s1 =	sshrl.u32 s1, $0x2  }
0xb9: {  	s3 =	sand.u32 $0x4000, s31;
	s1 =	sadd.s32 s1, s30  }
0xba: {  	s0 =	sor.u32 s3, s0;
	s1 =	sshll.u32 s1, $0x11  }
0xbb: {  	s0 =	sor.u32 s1, s0  }
0xbc: {  	s0 =	sadd.s32 $0x8F2B, s0  }
0xbd: {  	[sflag:s0] =	ssyncadd.remote.s32 $0x1  }
0xbe: {  	_ =	sfence.sel $0xFFFF  }
0xbf: {  	[dreg:$0x0] =	wrdreg $0xFFFFFFFF;
	(pc) =	sbr.abs _section_cstart, $3  }
0xc0: {  	[dreg:$0x1] =	wrdreg $0xFFFFFFFF  }
0xc1: {  	_ =	task.clear_ibuf [dreg:s7], $0x2FFFF;
	_ =	strace $0x9FFFFFFF  }
0xc2: {  	(tm) =	ssettm $0x7FFFFFFF  }
0xc3: {  	_ =	shalt  }
tec
execute0_lowered:
.L_overlay_start_1:
0x0: {  	(tag) =	ssettag $0x1  }
0x1: {  	s1 =	rddreg [dreg:$0x0]  }
0x2: {  	s3 =	rddreg [dreg:$0x1];
	s4 =	simm.s32 $0x0;
	s5 =	stileid.u32  }
0x3: {  	s0 =	srdreg.scid;
	s11 =	simm.s32 $0x19000;
	s12 =	simm.s32 $0xC800  }
0x4: {  	s13 =	simm.s32 $0x19200;
	s14 =	simm.s32 $0x1;
	s15 =	simm.s32 $0x3  }
0x5: {  	s16 =	simm.s32 $0x19400;
	s17 =	simm.s32 $0x19480;
	s18 =	simm.s32 $0x19500  }
0x6: {  	s19 =	simm.s32 $0x19580;
	s20 =	simm.s32 $0x19600;
	s21 =	simm.s32 $0x19680  }
0x7: {  	s22 =	simm.s32 $0x19700;
	s23 =	simm.s32 $0x19780;
	s24 =	simm.s32 $0x2  }
0x8: {  	s25 =	simm.s32 $0x4;
	s30 =	simm.s32 $0x5;
	[smem:$0x7FF] =	sst s4  }
0x9: {  	s2 =	sshll.u32 s5, $0x8;
	s0 =	sand.u32 $0x1, s0;
	s5 =	sshll.u32 s5, $0x1  }
0xa: {  	s31 =	simm.s32 $0x0;
	_ =	strace $0x80000047;
	s5 =	sor.u32 s0, s5  }
0xb: {  	s2 =	sand.u32 $0xC00, s2;
	s0 =	ssub.s32 $0x2, s0;
	s8 =	smul.u32 $0x2710, s5  }
0xc: {  	s6 =	sshrl.u32 s0, $0x1;
	s7 =	smul.u32 $0x27100, s5;
	s5 =	sshll.u32 s5, $0x4  }
0xd: {  	v0 =	vlaneseq.u32;
	s2 =	sadd.s32 s2, s3;
	s0 =	ssub.s32 s0, s6;
	s9 =	sand.u32 $0x70, s5  }
0xe: {  	v1 =	vimm.f32 $-Inf;
	v2 =	vor.u32 $0x10, v0;
	s28 =	sshrl.u32 s8, $0x3;
	s29 =	sadd.s32 s1, s7;
	s2 =	sadd.s32 s9, s2  }
0xf: {  	v3 =	vor.u32 $0x20, v0;
	v4 =	vor.u32 $0x30, v0;
	v5 =	vor.u32 $0x40, v0;
	s7 =	sadd.s32 $0x190, s8;
	s8 =	sadd.s32 $0x320, s8;
	s10 =	smax.u32 s0, $0x1  }
0x10: {  	v6 =	vor.u32 $0x50, v0;
	v7 =	vor.u32 $0x60, v0;
	v8 =	vor.u32 $0x70, v0;
	[dreg:$0x3] =	wrdreg s29;
	s6 =	sadd.s32 s3, s28;
	s9 =	sadd.s32 $0x9E00, s2  }
.LBB2_1:
0x11: {  	[tilespmem:$0x19400] =	vst v1  }
0x12: {  	[tilespmem:$0x19410] =	vst v1  }
0x13: {  	[tilespmem:$0x19420] =	vst v1  }
0x14: {  	[tilespmem:$0x19430] =	vst v1  }
0x15: {  	[tilespmem:$0x19440] =	vst v1  }
0x16: {  	[tilespmem:$0x19450] =	vst v1  }
0x17: {  	[tilespmem:$0x19460] =	vst v1  }
0x18: {  	[tilespmem:$0x19470] =	vst v1  }
0x19: {  	[tilespmem:$0x19480] =	vst v1  }
0x1a: {  	[tilespmem:$0x19490] =	vst v1  }
0x1b: {  	[tilespmem:$0x194A0] =	vst v1  }
0x1c: {  	[tilespmem:$0x194B0] =	vst v1  }
0x1d: {  	[tilespmem:$0x194C0] =	vst v1  }
0x1e: {  	[tilespmem:$0x194D0] =	vst v1  }
0x1f: {  	[tilespmem:$0x194E0] =	vst v1  }
0x20: {  	[tilespmem:$0x194F0] =	vst v1  }
0x21: {  	[tilespmem:$0x19500] =	vst v1  }
0x22: {  	[tilespmem:$0x19510] =	vst v1  }
0x23: {  	[tilespmem:$0x19520] =	vst v1  }
0x24: {  	[tilespmem:$0x19530] =	vst v1  }
0x25: {  	[tilespmem:$0x19540] =	vst v1  }
0x26: {  	[tilespmem:$0x19550] =	vst v1  }
0x27: {  	[tilespmem:$0x19560] =	vst v1  }
0x28: {  	[tilespmem:$0x19570] =	vst v1  }
0x29: {  	[tilespmem:$0x19580] =	vst v1  }
0x2a: {  	[tilespmem:$0x19590] =	vst v1  }
0x2b: {  	[tilespmem:$0x195A0] =	vst v1  }
0x2c: {  	[tilespmem:$0x195B0] =	vst v1  }
0x2d: {  	[tilespmem:$0x195C0] =	vst v1  }
0x2e: {  	[tilespmem:$0x195D0] =	vst v1  }
0x2f: {  	[tilespmem:$0x195E0] =	vst v1  }
0x30: {  	[tilespmem:$0x195F0] =	vst v1  }
0x31: {  	[tilespmem:$0x19600] =	vst v1  }
0x32: {  	[tilespmem:$0x19610] =	vst v1  }
0x33: {  	[tilespmem:$0x19620] =	vst v1  }
0x34: {  	[tilespmem:$0x19630] =	vst v1  }
0x35: {  	[tilespmem:$0x19640] =	vst v1  }
0x36: {  	[tilespmem:$0x19650] =	vst v1  }
0x37: {  	[tilespmem:$0x19660] =	vst v1  }
0x38: {  	[tilespmem:$0x19670] =	vst v1  }
0x39: {  	[tilespmem:$0x19680] =	vst v1  }
0x3a: {  	[tilespmem:$0x19690] =	vst v1  }
0x3b: {  	[tilespmem:$0x196A0] =	vst v1  }
0x3c: {  	[tilespmem:$0x196B0] =	vst v1  }
0x3d: {  	[tilespmem:$0x196C0] =	vst v1  }
0x3e: {  	[tilespmem:$0x196D0] =	vst v1  }
0x3f: {  	[tilespmem:$0x196E0] =	vst v1  }
0x40: {  	[tilespmem:$0x196F0] =	vst v1  }
0x41: {  	[tilespmem:$0x19700] =	vst v1  }
0x42: {  	[tilespmem:$0x19710] =	vst v1  }
0x43: {  	[tilespmem:$0x19720] =	vst v1  }
0x44: {  	[tilespmem:$0x19730] =	vst v1  }
0x45: {  	[tilespmem:$0x19740] =	vst v1  }
0x46: {  	[tilespmem:$0x19750] =	vst v1  }
0x47: {  	[tilespmem:$0x19760] =	vst v1  }
0x48: {  	[tilespmem:$0x19770] =	vst v1  }
0x49: {  	[tilespmem:$0x19780] =	vst v1  }
0x4a: {  	[tilespmem:$0x19790] =	vst v1  }
0x4b: {  	[tilespmem:$0x197A0] =	vst v1  }
0x4c: {  	[tilespmem:$0x197B0] =	vst v1  }
0x4d: {  	[tilespmem:$0x197C0] =	vst v1  }
0x4e: {  	[tilespmem:$0x197D0] =	vst v1  }
0x4f: {  	[tilespmem:$0x197E0] =	vst v1  }
0x50: {  	[tilespmem:$0x197F0] =	vst v1;
	s0 =	rddreg [dreg:$0x3]  }
0x51: {  	[tilespmem:s4], [sflag:$0x1] =	stream.linear.gather [hbm4b:s0+s4], $0xC800, $0x38;
	[tilespmem:$0x19C00] =	vst v63  }
0x52: {  	s0 =	simm.s32 $0x0  }
0x53: {  	[tilespmem:s11], [sflag:$0x3] =	stream.linear.gather [hbm4b:s6+s4], $0x190, $0x38;
	[tilespmem:$0x19C00] =	vst v63  }
.LBB2_2:
0x54: {  	s2 =	smul.u32 $0x320, s0;
	_ =	sdelay $0x1  }
0x55: {  	s26 =	sadd.s32 s2, s7  }
0x56: {  	s28 =	sshll.u32 s26, $0x4  }
0x57: {  	s26 =	sshrl.u32 s26, $0x3;
	s28 =	sadd.s32 s1, s28  }
0x58: {  	[tilespmem:s12], [sflag:$0x2] =	stream.linear.gather [hbm4b:s28+s4], $0xC800, $0x38;
	[tilespmem:$0x19C00] =	vst v63  }
0x59: {  	s26 =	sadd.s32 s3, s26  }
0x5a: {  	[tilespmem:s13], [sflag:$0x4] =	stream.linear.gather [hbm4b:s26+s4], $0x190, $0x38;
	[tilespmem:$0x19C00] =	vst v63  }
0x5b: {  	_ =	swait.ge [sflag:s14], $0xC800  }
0x5c: {  	[sflag:s14] =	ssyncset.done $0x0  }
0x5d: {  	[sflag:s14] =	ssyncadd.s32 $0xFFFF3800  }
0x5e: {  	_ =	swait.ge [sflag:s15], $0x190  }
0x5f: {  	[sflag:s15] =	ssyncset.done $0x0  }
0x60: {  	s28 =	simm.s32 $0x19000;
	s26 =	simm.s32 $0xF;
	[sflag:s15] =	ssyncadd.s32 $0xFFFFFE70  }
.LBB2_3:
0x61: {  	v9 =	vld [tilespmem:s28+$0x0];
	s29 =	sshll.u32 s26, $0x7  }
0x62: {  	s5 =	sadd.s32 $0xFFFFF880, s29  }
0x63: {  	v10 =	vor.u32 s5, v0  }
0x64: {  	v11 =	vor.u32 s5, v2  }
0x65: {  	v12 =	vor.u32 s5, v3  }
0x66: {  	v13 =	vor.u32 s5, v4;
	vm0 =	vlt.s32 v9, $0x7  }
0x67: {  	v14 =	vor.u32 s5, v5;
	v9 =	vnsel vm0, $0x7, v9  }
0x68: {  	v15 =	vor.u32 s5, v6;
	v9 =	vshll.u32 v9, $0x4;
	v10 =	vld.idx.msk [tilespmem:v10+s4+$0x0], $0xffff  }
0x69: {  	v17 =	vor.u32 s5, v7;
	v11 =	vld.idx.msk [tilespmem:v11+s4+$0x0], $0xffff;
	v16 =	vbroadcast v9, $0x0  }
0x6a: {  	v18 =	vor.u32 s5, v8;
	v12 =	vld.idx.msk [tilespmem:v12+s4+$0x0], $0xffff  }
0x6b: {  	v13 =	vld.idx.msk [tilespmem:v13+s4+$0x0], $0xffff;
	v16 =	vor.u32 v0, v16  }
0x6c: {  	v14 =	vld.idx.msk [tilespmem:v14+s4+$0x0], $0xffff  }
0x6d: {  	v15 =	vld.idx.msk [tilespmem:v15+s4+$0x0], $0xffff  }
0x6e: {  	v17 =	vld.idx.msk [tilespmem:v17+s4+$0x0], $0xffff  }
0x6f: {  	v18 =	vld.idx.msk [tilespmem:v18+s4+$0x0], $0xffff  }
0x70: {  	v19 =	vld.idx.msk [tilespmem:v16+s16+$0x0], $0xffff  }
0x71: {  	v20 =	vld.idx.msk [tilespmem:v16+s17+$0x0], $0xffff  }
0x72: {  	v21 =	vld.idx.msk [tilespmem:v16+s18+$0x0], $0xffff  }
0x73: {  	v22 =	vld.idx.msk [tilespmem:v16+s19+$0x0], $0xffff  }
0x74: {  	v23 =	vld.idx.msk [tilespmem:v16+s20+$0x0], $0xffff  }
0x75: {  	v24 =	vld.idx.msk [tilespmem:v16+s21+$0x0], $0xffff  }
0x76: {  	v25 =	vld.idx.msk [tilespmem:v16+s22+$0x0], $0xffff;
	v10 =	vmax.f32 v19, v10  }
0x77: {  	v26 =	vld.idx.msk [tilespmem:v16+s23+$0x0], $0xffff;
	[tilespmem:v16+s16+$0x0] =	vst.idx.msk $0xffff, v10;
	v10 =	vmax.f32 v20, v11  }
0x78: {  	[tilespmem:v16+s17+$0x0] =	vst.idx.msk $0xffff, v10;
	v10 =	vmax.f32 v21, v12  }
0x79: {  	s5 =	sadd.s32 $0xFFFFF900, s29;
	[tilespmem:v16+s18+$0x0] =	vst.idx.msk $0xffff, v10;
	v10 =	vmax.f32 v22, v13  }
0x7a: {  	v11 =	vor.u32 s5, v0;
	[tilespmem:v16+s19+$0x0] =	vst.idx.msk $0xffff, v10;
	v10 =	vmax.f32 v23, v14  }
0x7b: {  	v27 =	vor.u32 s5, v4;
	[tilespmem:v16+s20+$0x0] =	vst.idx.msk $0xffff, v10;
	v10 =	vmax.f32 v24, v15  }
0x7c: {  	v28 =	vor.u32 s5, v6;
	[tilespmem:v16+s21+$0x0] =	vst.idx.msk $0xffff, v10;
	v10 =	vmax.f32 v25, v17  }
0x7d: {  	v30 =	vor.u32 s5, v7;
	[tilespmem:v16+s22+$0x0] =	vst.idx.msk $0xffff, v10;
	v10 =	vmax.f32 v26, v18  }
0x7e: {  	v31 =	vor.u32 s5, v8;
	[tilespmem:v16+s23+$0x0] =	vst.idx.msk $0xffff, v10  }
0x7f: {  	v24 =	vor.u32 s5, v2;
	v11 =	vld.idx.msk [tilespmem:v11+s4+$0x0], $0xffff  }
0x80: {  	v29 =	vbroadcast v9, $0x1;
	v25 =	vor.u32 s5, v3;
	v14 =	vld.idx.msk [tilespmem:v27+s4+$0x0], $0xffff  }
0x81: {  	v10 =	vor.u32 s5, v5;
	v15 =	vld.idx.msk [tilespmem:v28+s4+$0x0], $0xffff  }
0x82: {  	v16 =	vor.u32 v0, v29;
	v17 =	vld.idx.msk [tilespmem:v30+s4+$0x0], $0xffff  }
0x83: {  	v18 =	vld.idx.msk [tilespmem:v31+s4+$0x0], $0xffff  }
0x84: {  	v12 =	vld.idx.msk [tilespmem:v24+s4+$0x0], $0xffff  }
0x85: {  	v13 =	vld.idx.msk [tilespmem:v25+s4+$0x0], $0xffff  }
0x86: {  	v10 =	vld.idx.msk [tilespmem:v10+s4+$0x0], $0xffff  }
0x87: {  	v32 =	vld.idx.msk [tilespmem:v16+s16+$0x0], $0xffff  }
0x88: {  	v33 =	vld.idx.msk [tilespmem:v16+s17+$0x0], $0xffff  }
0x89: {  	v34 =	vld.idx.msk [tilespmem:v16+s18+$0x0], $0xffff  }
0x8a: {  	v35 =	vld.idx.msk [tilespmem:v16+s19+$0x0], $0xffff  }
0x8b: {  	v36 =	vld.idx.msk [tilespmem:v16+s20+$0x0], $0xffff  }
0x8c: {  	v37 =	vld.idx.msk [tilespmem:v16+s21+$0x0], $0xffff  }
0x8d: {  	v38 =	vld.idx.msk [tilespmem:v16+s22+$0x0], $0xffff;
	v11 =	vmax.f32 v32, v11  }
0x8e: {  	v39 =	vld.idx.msk [tilespmem:v16+s23+$0x0], $0xffff;
	[tilespmem:v16+s16+$0x0] =	vst.idx.msk $0xffff, v11;
	v11 =	vmax.f32 v33, v12  }
0x8f: {  	[tilespmem:v16+s17+$0x0] =	vst.idx.msk $0xffff, v11;
	v11 =	vmax.f32 v34, v13  }
0x90: {  	s5 =	sadd.s32 $0xFFFFF980, s29;
	[tilespmem:v16+s18+$0x0] =	vst.idx.msk $0xffff, v11;
	v11 =	vmax.f32 v35, v14  }
0x91: {  	v10 =	vmax.f32 v36, v10;
	[tilespmem:v16+s19+$0x0] =	vst.idx.msk $0xffff, v11;
	v11 =	vor.u32 s5, v0  }
0x92: {  	v40 =	vor.u32 s5, v2;
	[tilespmem:v16+s20+$0x0] =	vst.idx.msk $0xffff, v10;
	v10 =	vmax.f32 v37, v15  }
0x93: {  	v41 =	vor.u32 s5, v3;
	[tilespmem:v16+s21+$0x0] =	vst.idx.msk $0xffff, v10;
	v10 =	vmax.f32 v38, v17  }
0x94: {  	v42 =	vor.u32 s5, v4;
	[tilespmem:v16+s22+$0x0] =	vst.idx.msk $0xffff, v10;
	v10 =	vmax.f32 v39, v18  }
0x95: {  	v43 =	vor.u32 s5, v6;
	[tilespmem:v16+s23+$0x0] =	vst.idx.msk $0xffff, v10  }
0x96: {  	v45 =	vor.u32 s5, v7;
	v11 =	vld.idx.msk [tilespmem:v11+s4+$0x0], $0xffff  }
0x97: {  	v44 =	vbroadcast v9, $0x2;
	v46 =	vor.u32 s5, v8;
	v12 =	vld.idx.msk [tilespmem:v40+s4+$0x0], $0xffff  }
0x98: {  	v10 =	vor.u32 s5, v5;
	v13 =	vld.idx.msk [tilespmem:v41+s4+$0x0], $0xffff  }
0x99: {  	v16 =	vor.u32 v0, v44;
	v14 =	vld.idx.msk [tilespmem:v42+s4+$0x0], $0xffff  }
0x9a: {  	v15 =	vld.idx.msk [tilespmem:v43+s4+$0x0], $0xffff  }
0x9b: {  	v17 =	vld.idx.msk [tilespmem:v45+s4+$0x0], $0xffff  }
0x9c: {  	v18 =	vld.idx.msk [tilespmem:v46+s4+$0x0], $0xffff  }
0x9d: {  	v10 =	vld.idx.msk [tilespmem:v10+s4+$0x0], $0xffff  }
0x9e: {  	v47 =	vld.idx.msk [tilespmem:v16+s16+$0x0], $0xffff  }
0x9f: {  	v48 =	vld.idx.msk [tilespmem:v16+s17+$0x0], $0xffff  }
0xa0: {  	v49 =	vld.idx.msk [tilespmem:v16+s18+$0x0], $0xffff  }
0xa1: {  	v50 =	vld.idx.msk [tilespmem:v16+s19+$0x0], $0xffff  }
0xa2: {  	v51 =	vld.idx.msk [tilespmem:v16+s20+$0x0], $0xffff  }
0xa3: {  	v52 =	vld.idx.msk [tilespmem:v16+s21+$0x0], $0xffff  }
0xa4: {  	v53 =	vld.idx.msk [tilespmem:v16+s22+$0x0], $0xffff;
	v11 =	vmax.f32 v47, v11  }
0xa5: {  	v54 =	vld.idx.msk [tilespmem:v16+s23+$0x0], $0xffff;
	[tilespmem:v16+s16+$0x0] =	vst.idx.msk $0xffff, v11;
	v11 =	vmax.f32 v48, v12  }
0xa6: {  	[tilespmem:v16+s17+$0x0] =	vst.idx.msk $0xffff, v11;
	v11 =	vmax.f32 v49, v13  }
0xa7: {  	s5 =	sadd.s32 $0xFFFFFA00, s29;
	[tilespmem:v16+s18+$0x0] =	vst.idx.msk $0xffff, v11;
	v11 =	vmax.f32 v50, v14  }
0xa8: {  	v10 =	vmax.f32 v51, v10;
	[tilespmem:v16+s19+$0x0] =	vst.idx.msk $0xffff, v11;
	v11 =	vor.u32 s5, v0  }
0xa9: {  	v55 =	vor.u32 s5, v2;
	[tilespmem:v16+s20+$0x0] =	vst.idx.msk $0xffff, v10;
	v10 =	vmax.f32 v52, v15  }
0xaa: {  	v56 =	vor.u32 s5, v3;
	[tilespmem:v16+s21+$0x0] =	vst.idx.msk $0xffff, v10;
	v10 =	vmax.f32 v53, v17  }
0xab: {  	v57 =	vor.u32 s5, v4;
	[tilespmem:v16+s22+$0x0] =	vst.idx.msk $0xffff, v10;
	v10 =	vmax.f32 v54, v18  }
0xac: {  	v58 =	vor.u32 s5, v6;
	[tilespmem:v16+s23+$0x0] =	vst.idx.msk $0xffff, v10  }
0xad: {  	v60 =	vor.u32 s5, v7;
	v11 =	vld.idx.msk [tilespmem:v11+s4+$0x0], $0xffff  }
0xae: {  	v59 =	vbroadcast v9, $0x3;
	v61 =	vor.u32 s5, v8;
	v12 =	vld.idx.msk [tilespmem:v55+s4+$0x0], $0xffff  }
0xaf: {  	v10 =	vor.u32 s5, v5;
	v13 =	vld.idx.msk [tilespmem:v56+s4+$0x0], $0xffff  }
0xb0: {  	v16 =	vor.u32 v0, v59;
	v14 =	vld.idx.msk [tilespmem:v57+s4+$0x0], $0xffff  }
0xb1: {  	v15 =	vld.idx.msk [tilespmem:v58+s4+$0x0], $0xffff  }
0xb2: {  	v17 =	vld.idx.msk [tilespmem:v60+s4+$0x0], $0xffff  }
0xb3: {  	v18 =	vld.idx.msk [tilespmem:v61+s4+$0x0], $0xffff  }
0xb4: {  	v10 =	vld.idx.msk [tilespmem:v10+s4+$0x0], $0xffff  }
0xb5: {  	v62 =	vld.idx.msk [tilespmem:v16+s16+$0x0], $0xffff  }
0xb6: {  	v63 =	vld.idx.msk [tilespmem:v16+s17+$0x0], $0xffff  }
0xb7: {  	v28 =	vld.idx.msk [tilespmem:v16+s18+$0x0], $0xffff  }
0xb8: {  	v29 =	vld.idx.msk [tilespmem:v16+s19+$0x0], $0xffff  }
0xb9: {  	v30 =	vld.idx.msk [tilespmem:v16+s20+$0x0], $0xffff  }
0xba: {  	v31 =	vld.idx.msk [tilespmem:v16+s21+$0x0], $0xffff  }
0xbb: {  	v32 =	vld.idx.msk [tilespmem:v16+s22+$0x0], $0xffff;
	v11 =	vmax.f32 v62, v11  }
0xbc: {  	v33 =	vld.idx.msk [tilespmem:v16+s23+$0x0], $0xffff;
	[tilespmem:v16+s16+$0x0] =	vst.idx.msk $0xffff, v11;
	v11 =	vmax.f32 v63, v12  }
0xbd: {  	[tilespmem:v16+s17+$0x0] =	vst.idx.msk $0xffff, v11;
	v11 =	vmax.f32 v28, v13  }
0xbe: {  	s5 =	sadd.s32 $0xFFFFFA80, s29;
	[tilespmem:v16+s18+$0x0] =	vst.idx.msk $0xffff, v11;
	v11 =	vmax.f32 v29, v14  }
0xbf: {  	v10 =	vmax.f32 v30, v10;
	[tilespmem:v16+s19+$0x0] =	vst.idx.msk $0xffff, v11;
	v11 =	vor.u32 s5, v0  }
0xc0: {  	v34 =	vor.u32 s5, v2;
	[tilespmem:v16+s20+$0x0] =	vst.idx.msk $0xffff, v10;
	v10 =	vmax.f32 v31, v15  }
0xc1: {  	v35 =	vor.u32 s5, v3;
	[tilespmem:v16+s21+$0x0] =	vst.idx.msk $0xffff, v10;
	v10 =	vmax.f32 v32, v17  }
0xc2: {  	v36 =	vor.u32 s5, v4;
	[tilespmem:v16+s22+$0x0] =	vst.idx.msk $0xffff, v10;
	v10 =	vmax.f32 v33, v18  }
0xc3: {  	v37 =	vor.u32 s5, v6;
	[tilespmem:v16+s23+$0x0] =	vst.idx.msk $0xffff, v10  }
0xc4: {  	v39 =	vor.u32 s5, v7;
	v11 =	vld.idx.msk [tilespmem:v11+s4+$0x0], $0xffff  }
0xc5: {  	v38 =	vbroadcast v9, $0x4;
	v40 =	vor.u32 s5, v8;
	v12 =	vld.idx.msk [tilespmem:v34+s4+$0x0], $0xffff  }
0xc6: {  	v10 =	vor.u32 s5, v5;
	v13 =	vld.idx.msk [tilespmem:v35+s4+$0x0], $0xffff  }
0xc7: {  	v16 =	vor.u32 v0, v38;
	v14 =	vld.idx.msk [tilespmem:v36+s4+$0x0], $0xffff  }
0xc8: {  	v15 =	vld.idx.msk [tilespmem:v37+s4+$0x0], $0xffff  }
0xc9: {  	v17 =	vld.idx.msk [tilespmem:v39+s4+$0x0], $0xffff  }
0xca: {  	v18 =	vld.idx.msk [tilespmem:v40+s4+$0x0], $0xffff  }
0xcb: {  	v10 =	vld.idx.msk [tilespmem:v10+s4+$0x0], $0xffff  }
0xcc: {  	v41 =	vld.idx.msk [tilespmem:v16+s16+$0x0], $0xffff  }
0xcd: {  	v42 =	vld.idx.msk [tilespmem:v16+s17+$0x0], $0xffff  }
0xce: {  	v43 =	vld.idx.msk [tilespmem:v16+s18+$0x0], $0xffff  }
0xcf: {  	v44 =	vld.idx.msk [tilespmem:v16+s19+$0x0], $0xffff  }
0xd0: {  	v45 =	vld.idx.msk [tilespmem:v16+s20+$0x0], $0xffff  }
0xd1: {  	v46 =	vld.idx.msk [tilespmem:v16+s21+$0x0], $0xffff  }
0xd2: {  	v47 =	vld.idx.msk [tilespmem:v16+s22+$0x0], $0xffff;
	v11 =	vmax.f32 v41, v11  }
0xd3: {  	v48 =	vld.idx.msk [tilespmem:v16+s23+$0x0], $0xffff;
	[tilespmem:v16+s16+$0x0] =	vst.idx.msk $0xffff, v11;
	v11 =	vmax.f32 v42, v12  }
0xd4: {  	[tilespmem:v16+s17+$0x0] =	vst.idx.msk $0xffff, v11;
	v11 =	vmax.f32 v43, v13  }
0xd5: {  	s5 =	sadd.s32 $0xFFFFFB00, s29;
	[tilespmem:v16+s18+$0x0] =	vst.idx.msk $0xffff, v11;
	v11 =	vmax.f32 v44, v14  }
0xd6: {  	v10 =	vmax.f32 v45, v10;
	[tilespmem:v16+s19+$0x0] =	vst.idx.msk $0xffff, v11;
	v11 =	vor.u32 s5, v0  }
0xd7: {  	v49 =	vor.u32 s5, v2;
	[tilespmem:v16+s20+$0x0] =	vst.idx.msk $0xffff, v10;
	v10 =	vmax.f32 v46, v15  }
0xd8: {  	v50 =	vor.u32 s5, v3;
	[tilespmem:v16+s21+$0x0] =	vst.idx.msk $0xffff, v10;
	v10 =	vmax.f32 v47, v17  }
0xd9: {  	v51 =	vor.u32 s5, v4;
	[tilespmem:v16+s22+$0x0] =	vst.idx.msk $0xffff, v10;
	v10 =	vmax.f32 v48, v18  }
0xda: {  	v52 =	vor.u32 s5, v6;
	[tilespmem:v16+s23+$0x0] =	vst.idx.msk $0xffff, v10  }
0xdb: {  	v54 =	vor.u32 s5, v7;
	v11 =	vld.idx.msk [tilespmem:v11+s4+$0x0], $0xffff  }
0xdc: {  	v53 =	vbroadcast v9, $0x5;
	v55 =	vor.u32 s5, v8;
	v12 =	vld.idx.msk [tilespmem:v49+s4+$0x0], $0xffff  }
0xdd: {  	v10 =	vor.u32 s5, v5;
	v13 =	vld.idx.msk [tilespmem:v50+s4+$0x0], $0xffff  }
0xde: {  	v16 =	vor.u32 v0, v53;
	v14 =	vld.idx.msk [tilespmem:v51+s4+$0x0], $0xffff  }
0xdf: {  	v15 =	vld.idx.msk [tilespmem:v52+s4+$0x0], $0xffff  }
0xe0: {  	v17 =	vld.idx.msk [tilespmem:v54+s4+$0x0], $0xffff  }
0xe1: {  	v18 =	vld.idx.msk [tilespmem:v55+s4+$0x0], $0xffff  }
0xe2: {  	v10 =	vld.idx.msk [tilespmem:v10+s4+$0x0], $0xffff  }
0xe3: {  	v56 =	vld.idx.msk [tilespmem:v16+s16+$0x0], $0xffff  }
0xe4: {  	v57 =	vld.idx.msk [tilespmem:v16+s17+$0x0], $0xffff  }
0xe5: {  	v58 =	vld.idx.msk [tilespmem:v16+s18+$0x0], $0xffff  }
0xe6: {  	v59 =	vld.idx.msk [tilespmem:v16+s19+$0x0], $0xffff  }
0xe7: {  	v60 =	vld.idx.msk [tilespmem:v16+s20+$0x0], $0xffff  }
0xe8: {  	v61 =	vld.idx.msk [tilespmem:v16+s21+$0x0], $0xffff  }
0xe9: {  	v62 =	vld.idx.msk [tilespmem:v16+s22+$0x0], $0xffff;
	v11 =	vmax.f32 v56, v11  }
0xea: {  	v63 =	vld.idx.msk [tilespmem:v16+s23+$0x0], $0xffff;
	[tilespmem:v16+s16+$0x0] =	vst.idx.msk $0xffff, v11;
	v11 =	vmax.f32 v57, v12  }
0xeb: {  	[tilespmem:v16+s17+$0x0] =	vst.idx.msk $0xffff, v11;
	v11 =	vmax.f32 v58, v13  }
0xec: {  	s5 =	sadd.s32 $0xFFFFFB80, s29;
	[tilespmem:v16+s18+$0x0] =	vst.idx.msk $0xffff, v11;
	v11 =	vmax.f32 v59, v14  }
0xed: {  	v10 =	vmax.f32 v60, v10;
	[tilespmem:v16+s19+$0x0] =	vst.idx.msk $0xffff, v11;
	v11 =	vor.u32 s5, v0  }
0xee: {  	v24 =	vor.u32 s5, v2;
	[tilespmem:v16+s20+$0x0] =	vst.idx.msk $0xffff, v10;
	v10 =	vmax.f32 v61, v15  }
0xef: {  	v25 =	vor.u32 s5, v3;
	[tilespmem:v16+s21+$0x0] =	vst.idx.msk $0xffff, v10;
	v10 =	vmax.f32 v62, v17  }
0xf0: {  	v27 =	vor.u32 s5, v4;
	[tilespmem:v16+s22+$0x0] =	vst.idx.msk $0xffff, v10;
	v10 =	vmax.f32 v63, v18  }
0xf1: {  	v28 =	vor.u32 s5, v6;
	[tilespmem:v16+s23+$0x0] =	vst.idx.msk $0xffff, v10  }
0xf2: {  	v30 =	vor.u32 s5, v7;
	v11 =	vld.idx.msk [tilespmem:v11+s4+$0x0], $0xffff  }
0xf3: {  	v29 =	vbroadcast v9, $0x6;
	v31 =	vor.u32 s5, v8;
	v12 =	vld.idx.msk [tilespmem:v24+s4+$0x0], $0xffff  }
0xf4: {  	v10 =	vor.u32 s5, v5;
	v13 =	vld.idx.msk [tilespmem:v25+s4+$0x0], $0xffff  }
0xf5: {  	v16 =	vor.u32 v0, v29;
	v14 =	vld.idx.msk [tilespmem:v27+s4+$0x0], $0xffff  }
0xf6: {  	v15 =	vld.idx.msk [tilespmem:v28+s4+$0x0], $0xffff  }
0xf7: {  	v17 =	vld.idx.msk [tilespmem:v30+s4+$0x0], $0xffff  }
0xf8: {  	v18 =	vld.idx.msk [tilespmem:v31+s4+$0x0], $0xffff  }
0xf9: {  	v10 =	vld.idx.msk [tilespmem:v10+s4+$0x0], $0xffff  }
0xfa: {  	v32 =	vld.idx.msk [tilespmem:v16+s16+$0x0], $0xffff  }
0xfb: {  	v33 =	vld.idx.msk [tilespmem:v16+s17+$0x0], $0xffff  }
0xfc: {  	v34 =	vld.idx.msk [tilespmem:v16+s18+$0x0], $0xffff  }
0xfd: {  	v35 =	vld.idx.msk [tilespmem:v16+s19+$0x0], $0xffff  }
0xfe: {  	v36 =	vld.idx.msk [tilespmem:v16+s20+$0x0], $0xffff  }
0xff: {  	v37 =	vld.idx.msk [tilespmem:v16+s21+$0x0], $0xffff  }
0x100: {  	v38 =	vld.idx.msk [tilespmem:v16+s22+$0x0], $0xffff;
	v11 =	vmax.f32 v32, v11  }
0x101: {  	v39 =	vld.idx.msk [tilespmem:v16+s23+$0x0], $0xffff;
	[tilespmem:v16+s16+$0x0] =	vst.idx.msk $0xffff, v11;
	v11 =	vmax.f32 v33, v12  }
0x102: {  	[tilespmem:v16+s17+$0x0] =	vst.idx.msk $0xffff, v11;
	v11 =	vmax.f32 v34, v13  }
0x103: {  	s5 =	sadd.s32 $0xFFFFFC00, s29;
	[tilespmem:v16+s18+$0x0] =	vst.idx.msk $0xffff, v11;
	v11 =	vmax.f32 v35, v14  }
0x104: {  	v10 =	vmax.f32 v36, v10;
	[tilespmem:v16+s19+$0x0] =	vst.idx.msk $0xffff, v11;
	v11 =	vor.u32 s5, v0  }
0x105: {  	v40 =	vor.u32 s5, v2;
	[tilespmem:v16+s20+$0x0] =	vst.idx.msk $0xffff, v10;
	v10 =	vmax.f32 v37, v15  }
0x106: {  	v41 =	vor.u32 s5, v3;
	[tilespmem:v16+s21+$0x0] =	vst.idx.msk $0xffff, v10;
	v10 =	vmax.f32 v38, v17  }
0x107: {  	v42 =	vor.u32 s5, v4;
	[tilespmem:v16+s22+$0x0] =	vst.idx.msk $0xffff, v10;
	v10 =	vmax.f32 v39, v18  }
0x108: {  	v43 =	vor.u32 s5, v6;
	[tilespmem:v16+s23+$0x0] =	vst.idx.msk $0xffff, v10  }
0x109: {  	v45 =	vor.u32 s5, v7;
	v11 =	vld.idx.msk [tilespmem:v11+s4+$0x0], $0xffff  }
0x10a: {  	v44 =	vbroadcast v9, $0x7;
	v46 =	vor.u32 s5, v8;
	v12 =	vld.idx.msk [tilespmem:v40+s4+$0x0], $0xffff  }
0x10b: {  	v10 =	vor.u32 s5, v5;
	v13 =	vld.idx.msk [tilespmem:v41+s4+$0x0], $0xffff  }
0x10c: {  	v16 =	vor.u32 v0, v44;
	v14 =	vld.idx.msk [tilespmem:v42+s4+$0x0], $0xffff  }
0x10d: {  	v15 =	vld.idx.msk [tilespmem:v43+s4+$0x0], $0xffff  }
0x10e: {  	v17 =	vld.idx.msk [tilespmem:v45+s4+$0x0], $0xffff  }
0x10f: {  	v18 =	vld.idx.msk [tilespmem:v46+s4+$0x0], $0xffff  }
0x110: {  	v10 =	vld.idx.msk [tilespmem:v10+s4+$0x0], $0xffff  }
0x111: {  	v47 =	vld.idx.msk [tilespmem:v16+s16+$0x0], $0xffff  }
0x112: {  	v48 =	vld.idx.msk [tilespmem:v16+s17+$0x0], $0xffff  }
0x113: {  	v49 =	vld.idx.msk [tilespmem:v16+s18+$0x0], $0xffff  }
0x114: {  	v50 =	vld.idx.msk [tilespmem:v16+s19+$0x0], $0xffff  }
0x115: {  	v51 =	vld.idx.msk [tilespmem:v16+s20+$0x0], $0xffff  }
0x116: {  	v52 =	vld.idx.msk [tilespmem:v16+s21+$0x0], $0xffff  }
0x117: {  	v53 =	vld.idx.msk [tilespmem:v16+s22+$0x0], $0xffff;
	v11 =	vmax.f32 v47, v11  }
0x118: {  	v54 =	vld.idx.msk [tilespmem:v16+s23+$0x0], $0xffff;
	[tilespmem:v16+s16+$0x0] =	vst.idx.msk $0xffff, v11;
	v11 =	vmax.f32 v48, v12  }
0x119: {  	[tilespmem:v16+s17+$0x0] =	vst.idx.msk $0xffff, v11;
	v11 =	vmax.f32 v49, v13  }
0x11a: {  	s5 =	sadd.s32 $0xFFFFFC80, s29;
	[tilespmem:v16+s18+$0x0] =	vst.idx.msk $0xffff, v11;
	v11 =	vmax.f32 v50, v14  }
0x11b: {  	v10 =	vmax.f32 v51, v10;
	[tilespmem:v16+s19+$0x0] =	vst.idx.msk $0xffff, v11;
	v11 =	vor.u32 s5, v0  }
0x11c: {  	v55 =	vor.u32 s5, v2;
	[tilespmem:v16+s20+$0x0] =	vst.idx.msk $0xffff, v10;
	v10 =	vmax.f32 v52, v15  }
0x11d: {  	v56 =	vor.u32 s5, v3;
	[tilespmem:v16+s21+$0x0] =	vst.idx.msk $0xffff, v10;
	v10 =	vmax.f32 v53, v17  }
0x11e: {  	v57 =	vor.u32 s5, v4;
	[tilespmem:v16+s22+$0x0] =	vst.idx.msk $0xffff, v10;
	v10 =	vmax.f32 v54, v18  }
0x11f: {  	v58 =	vor.u32 s5, v6;
	[tilespmem:v16+s23+$0x0] =	vst.idx.msk $0xffff, v10  }
0x120: {  	v60 =	vor.u32 s5, v7;
	v11 =	vld.idx.msk [tilespmem:v11+s4+$0x0], $0xffff  }
0x121: {  	v59 =	vbroadcast v9, $0x8;
	v61 =	vor.u32 s5, v8;
	v12 =	vld.idx.msk [tilespmem:v55+s4+$0x0], $0xffff  }
0x122: {  	v10 =	vor.u32 s5, v5;
	v13 =	vld.idx.msk [tilespmem:v56+s4+$0x0], $0xffff  }
0x123: {  	v16 =	vor.u32 v0, v59;
	v14 =	vld.idx.msk [tilespmem:v57+s4+$0x0], $0xffff  }
0x124: {  	v15 =	vld.idx.msk [tilespmem:v58+s4+$0x0], $0xffff  }
0x125: {  	v17 =	vld.idx.msk [tilespmem:v60+s4+$0x0], $0xffff  }
0x126: {  	v18 =	vld.idx.msk [tilespmem:v61+s4+$0x0], $0xffff  }
0x127: {  	v10 =	vld.idx.msk [tilespmem:v10+s4+$0x0], $0xffff  }
0x128: {  	v62 =	vld.idx.msk [tilespmem:v16+s16+$0x0], $0xffff  }
0x129: {  	v63 =	vld.idx.msk [tilespmem:v16+s17+$0x0], $0xffff  }
0x12a: {  	v28 =	vld.idx.msk [tilespmem:v16+s18+$0x0], $0xffff  }
0x12b: {  	v29 =	vld.idx.msk [tilespmem:v16+s19+$0x0], $0xffff  }
0x12c: {  	v30 =	vld.idx.msk [tilespmem:v16+s20+$0x0], $0xffff  }
0x12d: {  	v31 =	vld.idx.msk [tilespmem:v16+s21+$0x0], $0xffff  }
0x12e: {  	v32 =	vld.idx.msk [tilespmem:v16+s22+$0x0], $0xffff;
	v11 =	vmax.f32 v62, v11  }
0x12f: {  	v33 =	vld.idx.msk [tilespmem:v16+s23+$0x0], $0xffff;
	[tilespmem:v16+s16+$0x0] =	vst.idx.msk $0xffff, v11;
	v11 =	vmax.f32 v63, v12  }
0x130: {  	[tilespmem:v16+s17+$0x0] =	vst.idx.msk $0xffff, v11;
	v11 =	vmax.f32 v28, v13  }
0x131: {  	s5 =	sadd.s32 $0xFFFFFD00, s29;
	[tilespmem:v16+s18+$0x0] =	vst.idx.msk $0xffff, v11;
	v11 =	vmax.f32 v29, v14  }
0x132: {  	v10 =	vmax.f32 v30, v10;
	[tilespmem:v16+s19+$0x0] =	vst.idx.msk $0xffff, v11;
	v11 =	vor.u32 s5, v0  }
0x133: {  	v34 =	vor.u32 s5, v2;
	[tilespmem:v16+s20+$0x0] =	vst.idx.msk $0xffff, v10;
	v10 =	vmax.f32 v31, v15  }
0x134: {  	v35 =	vor.u32 s5, v3;
	[tilespmem:v16+s21+$0x0] =	vst.idx.msk $0xffff, v10;
	v10 =	vmax.f32 v32, v17  }
0x135: {  	v36 =	vor.u32 s5, v4;
	[tilespmem:v16+s22+$0x0] =	vst.idx.msk $0xffff, v10;
	v10 =	vmax.f32 v33, v18  }
0x136: {  	v37 =	vor.u32 s5, v6;
	[tilespmem:v16+s23+$0x0] =	vst.idx.msk $0xffff, v10  }
0x137: {  	v39 =	vor.u32 s5, v7;
	v11 =	vld.idx.msk [tilespmem:v11+s4+$0x0], $0xffff  }
0x138: {  	v38 =	vbroadcast v9, $0x9;
	v40 =	vor.u32 s5, v8;
	v12 =	vld.idx.msk [tilespmem:v34+s4+$0x0], $0xffff  }
0x139: {  	v10 =	vor.u32 s5, v5;
	v13 =	vld.idx.msk [tilespmem:v35+s4+$0x0], $0xffff  }
0x13a: {  	v16 =	vor.u32 v0, v38;
	v14 =	vld.idx.msk [tilespmem:v36+s4+$0x0], $0xffff  }
0x13b: {  	v15 =	vld.idx.msk [tilespmem:v37+s4+$0x0], $0xffff  }
0x13c: {  	v17 =	vld.idx.msk [tilespmem:v39+s4+$0x0], $0xffff  }
0x13d: {  	v18 =	vld.idx.msk [tilespmem:v40+s4+$0x0], $0xffff  }
0x13e: {  	v10 =	vld.idx.msk [tilespmem:v10+s4+$0x0], $0xffff  }
0x13f: {  	v41 =	vld.idx.msk [tilespmem:v16+s16+$0x0], $0xffff  }
0x140: {  	v42 =	vld.idx.msk [tilespmem:v16+s17+$0x0], $0xffff  }
0x141: {  	v43 =	vld.idx.msk [tilespmem:v16+s18+$0x0], $0xffff  }
0x142: {  	v44 =	vld.idx.msk [tilespmem:v16+s19+$0x0], $0xffff  }
0x143: {  	v45 =	vld.idx.msk [tilespmem:v16+s20+$0x0], $0xffff  }
0x144: {  	v46 =	vld.idx.msk [tilespmem:v16+s21+$0x0], $0xffff  }
0x145: {  	v47 =	vld.idx.msk [tilespmem:v16+s22+$0x0], $0xffff;
	v11 =	vmax.f32 v41, v11  }
0x146: {  	v48 =	vld.idx.msk [tilespmem:v16+s23+$0x0], $0xffff;
	[tilespmem:v16+s16+$0x0] =	vst.idx.msk $0xffff, v11;
	v11 =	vmax.f32 v42, v12  }
0x147: {  	[tilespmem:v16+s17+$0x0] =	vst.idx.msk $0xffff, v11;
	v11 =	vmax.f32 v43, v13  }
0x148: {  	s5 =	sadd.s32 $0xFFFFFD80, s29;
	[tilespmem:v16+s18+$0x0] =	vst.idx.msk $0xffff, v11;
	v11 =	vmax.f32 v44, v14  }
0x149: {  	v10 =	vmax.f32 v45, v10;
	[tilespmem:v16+s19+$0x0] =	vst.idx.msk $0xffff, v11;
	v11 =	vor.u32 s5, v0  }
0x14a: {  	v49 =	vor.u32 s5, v2;
	[tilespmem:v16+s20+$0x0] =	vst.idx.msk $0xffff, v10;
	v10 =	vmax.f32 v46, v15  }
0x14b: {  	v50 =	vor.u32 s5, v3;
	[tilespmem:v16+s21+$0x0] =	vst.idx.msk $0xffff, v10;
	v10 =	vmax.f32 v47, v17  }
0x14c: {  	v51 =	vor.u32 s5, v4;
	[tilespmem:v16+s22+$0x0] =	vst.idx.msk $0xffff, v10;
	v10 =	vmax.f32 v48, v18  }
0x14d: {  	v52 =	vor.u32 s5, v6;
	[tilespmem:v16+s23+$0x0] =	vst.idx.msk $0xffff, v10  }
0x14e: {  	v54 =	vor.u32 s5, v7;
	v11 =	vld.idx.msk [tilespmem:v11+s4+$0x0], $0xffff  }
0x14f: {  	v53 =	vbroadcast v9, $0xA;
	v55 =	vor.u32 s5, v8;
	v12 =	vld.idx.msk [tilespmem:v49+s4+$0x0], $0xffff  }
0x150: {  	v10 =	vor.u32 s5, v5;
	v13 =	vld.idx.msk [tilespmem:v50+s4+$0x0], $0xffff  }
0x151: {  	v16 =	vor.u32 v0, v53;
	v14 =	vld.idx.msk [tilespmem:v51+s4+$0x0], $0xffff  }
0x152: {  	v15 =	vld.idx.msk [tilespmem:v52+s4+$0x0], $0xffff  }
0x153: {  	v17 =	vld.idx.msk [tilespmem:v54+s4+$0x0], $0xffff  }
0x154: {  	v18 =	vld.idx.msk [tilespmem:v55+s4+$0x0], $0xffff  }
0x155: {  	v10 =	vld.idx.msk [tilespmem:v10+s4+$0x0], $0xffff  }
0x156: {  	v56 =	vld.idx.msk [tilespmem:v16+s16+$0x0], $0xffff  }
0x157: {  	v57 =	vld.idx.msk [tilespmem:v16+s17+$0x0], $0xffff  }
0x158: {  	v58 =	vld.idx.msk [tilespmem:v16+s18+$0x0], $0xffff  }
0x159: {  	v59 =	vld.idx.msk [tilespmem:v16+s19+$0x0], $0xffff  }
0x15a: {  	v60 =	vld.idx.msk [tilespmem:v16+s20+$0x0], $0xffff  }
0x15b: {  	v61 =	vld.idx.msk [tilespmem:v16+s21+$0x0], $0xffff  }
0x15c: {  	v62 =	vld.idx.msk [tilespmem:v16+s22+$0x0], $0xffff;
	v11 =	vmax.f32 v56, v11  }
0x15d: {  	v63 =	vld.idx.msk [tilespmem:v16+s23+$0x0], $0xffff;
	[tilespmem:v16+s16+$0x0] =	vst.idx.msk $0xffff, v11;
	v11 =	vmax.f32 v57, v12  }
0x15e: {  	[tilespmem:v16+s17+$0x0] =	vst.idx.msk $0xffff, v11;
	v11 =	vmax.f32 v58, v13  }
0x15f: {  	s5 =	sadd.s32 $0xFFFFFE00, s29;
	[tilespmem:v16+s18+$0x0] =	vst.idx.msk $0xffff, v11;
	v11 =	vmax.f32 v59, v14  }
0x160: {  	v10 =	vmax.f32 v60, v10;
	[tilespmem:v16+s19+$0x0] =	vst.idx.msk $0xffff, v11;
	v11 =	vor.u32 s5, v0  }
0x161: {  	v24 =	vor.u32 s5, v2;
	[tilespmem:v16+s20+$0x0] =	vst.idx.msk $0xffff, v10;
	v10 =	vmax.f32 v61, v15  }
0x162: {  	v27 =	vor.u32 s5, v3;
	[tilespmem:v16+s21+$0x0] =	vst.idx.msk $0xffff, v10;
	v10 =	vmax.f32 v62, v17  }
0x163: {  	v28 =	vor.u32 s5, v4;
	[tilespmem:v16+s22+$0x0] =	vst.idx.msk $0xffff, v10;
	v10 =	vmax.f32 v63, v18  }
0x164: {  	v29 =	vor.u32 s5, v6;
	[tilespmem:v16+s23+$0x0] =	vst.idx.msk $0xffff, v10  }
0x165: {  	v31 =	vor.u32 s5, v7;
	v11 =	vld.idx.msk [tilespmem:v11+s4+$0x0], $0xffff  }
0x166: {  	v30 =	vbroadcast v9, $0xB;
	v32 =	vor.u32 s5, v8;
	v12 =	vld.idx.msk [tilespmem:v24+s4+$0x0], $0xffff  }
0x167: {  	v10 =	vor.u32 s5, v5;
	v13 =	vld.idx.msk [tilespmem:v27+s4+$0x0], $0xffff  }
0x168: {  	v16 =	vor.u32 v0, v30;
	v14 =	vld.idx.msk [tilespmem:v28+s4+$0x0], $0xffff  }
0x169: {  	v15 =	vld.idx.msk [tilespmem:v29+s4+$0x0], $0xffff  }
0x16a: {  	v17 =	vld.idx.msk [tilespmem:v31+s4+$0x0], $0xffff  }
0x16b: {  	v18 =	vld.idx.msk [tilespmem:v32+s4+$0x0], $0xffff  }
0x16c: {  	v10 =	vld.idx.msk [tilespmem:v10+s4+$0x0], $0xffff  }
0x16d: {  	v33 =	vld.idx.msk [tilespmem:v16+s16+$0x0], $0xffff  }
0x16e: {  	v34 =	vld.idx.msk [tilespmem:v16+s17+$0x0], $0xffff  }
0x16f: {  	v35 =	vld.idx.msk [tilespmem:v16+s18+$0x0], $0xffff  }
0x170: {  	v36 =	vld.idx.msk [tilespmem:v16+s19+$0x0], $0xffff  }
0x171: {  	v37 =	vld.idx.msk [tilespmem:v16+s20+$0x0], $0xffff  }
0x172: {  	v38 =	vld.idx.msk [tilespmem:v16+s21+$0x0], $0xffff  }
0x173: {  	v39 =	vld.idx.msk [tilespmem:v16+s22+$0x0], $0xffff;
	v11 =	vmax.f32 v33, v11  }
0x174: {  	v40 =	vld.idx.msk [tilespmem:v16+s23+$0x0], $0xffff;
	[tilespmem:v16+s16+$0x0] =	vst.idx.msk $0xffff, v11;
	v11 =	vmax.f32 v34, v12  }
0x175: {  	[tilespmem:v16+s17+$0x0] =	vst.idx.msk $0xffff, v11;
	v11 =	vmax.f32 v35, v13  }
0x176: {  	s5 =	sadd.s32 $0xFFFFFE80, s29;
	[tilespmem:v16+s18+$0x0] =	vst.idx.msk $0xffff, v11;
	v11 =	vmax.f32 v36, v14  }
0x177: {  	v10 =	vmax.f32 v37, v10;
	[tilespmem:v16+s19+$0x0] =	vst.idx.msk $0xffff, v11;
	v11 =	vor.u32 s5, v0  }
0x178: {  	v41 =	vor.u32 s5, v2;
	[tilespmem:v16+s20+$0x0] =	vst.idx.msk $0xffff, v10;
	v10 =	vmax.f32 v38, v15  }
0x179: {  	v42 =	vor.u32 s5, v3;
	[tilespmem:v16+s21+$0x0] =	vst.idx.msk $0xffff, v10;
	v10 =	vmax.f32 v39, v17  }
0x17a: {  	v43 =	vor.u32 s5, v4;
	[tilespmem:v16+s22+$0x0] =	vst.idx.msk $0xffff, v10;
	v10 =	vmax.f32 v40, v18  }
0x17b: {  	v44 =	vor.u32 s5, v6;
	[tilespmem:v16+s23+$0x0] =	vst.idx.msk $0xffff, v10  }
0x17c: {  	v46 =	vor.u32 s5, v7;
	v11 =	vld.idx.msk [tilespmem:v11+s4+$0x0], $0xffff  }
0x17d: {  	v45 =	vbroadcast v9, $0xC;
	v47 =	vor.u32 s5, v8;
	v12 =	vld.idx.msk [tilespmem:v41+s4+$0x0], $0xffff  }
0x17e: {  	v10 =	vor.u32 s5, v5;
	v13 =	vld.idx.msk [tilespmem:v42+s4+$0x0], $0xffff  }
0x17f: {  	v16 =	vor.u32 v0, v45;
	v14 =	vld.idx.msk [tilespmem:v43+s4+$0x0], $0xffff  }
0x180: {  	v15 =	vld.idx.msk [tilespmem:v44+s4+$0x0], $0xffff  }
0x181: {  	v17 =	vld.idx.msk [tilespmem:v46+s4+$0x0], $0xffff  }
0x182: {  	v18 =	vld.idx.msk [tilespmem:v47+s4+$0x0], $0xffff  }
0x183: {  	v10 =	vld.idx.msk [tilespmem:v10+s4+$0x0], $0xffff  }
0x184: {  	v48 =	vld.idx.msk [tilespmem:v16+s16+$0x0], $0xffff  }
0x185: {  	v49 =	vld.idx.msk [tilespmem:v16+s17+$0x0], $0xffff  }
0x186: {  	v50 =	vld.idx.msk [tilespmem:v16+s18+$0x0], $0xffff  }
0x187: {  	v51 =	vld.idx.msk [tilespmem:v16+s19+$0x0], $0xffff  }
0x188: {  	v52 =	vld.idx.msk [tilespmem:v16+s20+$0x0], $0xffff  }
0x189: {  	v53 =	vld.idx.msk [tilespmem:v16+s21+$0x0], $0xffff  }
0x18a: {  	v54 =	vld.idx.msk [tilespmem:v16+s22+$0x0], $0xffff;
	v11 =	vmax.f32 v48, v11  }
0x18b: {  	v55 =	vld.idx.msk [tilespmem:v16+s23+$0x0], $0xffff;
	[tilespmem:v16+s16+$0x0] =	vst.idx.msk $0xffff, v11;
	v11 =	vmax.f32 v49, v12  }
0x18c: {  	[tilespmem:v16+s17+$0x0] =	vst.idx.msk $0xffff, v11;
	v11 =	vmax.f32 v50, v13  }
0x18d: {  	s5 =	sadd.s32 $0xFFFFFF00, s29;
	[tilespmem:v16+s18+$0x0] =	vst.idx.msk $0xffff, v11;
	v11 =	vmax.f32 v51, v14  }
0x18e: {  	v10 =	vmax.f32 v52, v10;
	[tilespmem:v16+s19+$0x0] =	vst.idx.msk $0xffff, v11;
	v11 =	vor.u32 s5, v0  }
0x18f: {  	v56 =	vor.u32 s5, v2;
	[tilespmem:v16+s20+$0x0] =	vst.idx.msk $0xffff, v10;
	v10 =	vmax.f32 v53, v15  }
0x190: {  	v57 =	vor.u32 s5, v3;
	[tilespmem:v16+s21+$0x0] =	vst.idx.msk $0xffff, v10;
	v10 =	vmax.f32 v54, v17  }
0x191: {  	v58 =	vor.u32 s5, v4;
	[tilespmem:v16+s22+$0x0] =	vst.idx.msk $0xffff, v10;
	v10 =	vmax.f32 v55, v18  }
0x192: {  	v59 =	vor.u32 s5, v6;
	[tilespmem:v16+s23+$0x0] =	vst.idx.msk $0xffff, v10  }
0x193: {  	v61 =	vor.u32 s5, v7;
	v11 =	vld.idx.msk [tilespmem:v11+s4+$0x0], $0xffff  }
0x194: {  	v60 =	vbroadcast v9, $0xD;
	v62 =	vor.u32 s5, v8;
	v12 =	vld.idx.msk [tilespmem:v56+s4+$0x0], $0xffff  }
0x195: {  	v10 =	vor.u32 s5, v5;
	v13 =	vld.idx.msk [tilespmem:v57+s4+$0x0], $0xffff  }
0x196: {  	v16 =	vor.u32 v0, v60;
	v14 =	vld.idx.msk [tilespmem:v58+s4+$0x0], $0xffff  }
0x197: {  	v15 =	vld.idx.msk [tilespmem:v59+s4+$0x0], $0xffff  }
0x198: {  	v17 =	vld.idx.msk [tilespmem:v61+s4+$0x0], $0xffff  }
0x199: {  	v18 =	vld.idx.msk [tilespmem:v62+s4+$0x0], $0xffff  }
0x19a: {  	v10 =	vld.idx.msk [tilespmem:v10+s4+$0x0], $0xffff  }
0x19b: {  	v63 =	vld.idx.msk [tilespmem:v16+s16+$0x0], $0xffff  }
0x19c: {  	v28 =	vld.idx.msk [tilespmem:v16+s17+$0x0], $0xffff  }
0x19d: {  	v29 =	vld.idx.msk [tilespmem:v16+s18+$0x0], $0xffff  }
0x19e: {  	v30 =	vld.idx.msk [tilespmem:v16+s19+$0x0], $0xffff  }
0x19f: {  	v31 =	vld.idx.msk [tilespmem:v16+s20+$0x0], $0xffff  }
0x1a0: {  	v32 =	vld.idx.msk [tilespmem:v16+s21+$0x0], $0xffff  }
0x1a1: {  	v33 =	vld.idx.msk [tilespmem:v16+s22+$0x0], $0xffff;
	v11 =	vmax.f32 v63, v11  }
0x1a2: {  	v34 =	vld.idx.msk [tilespmem:v16+s23+$0x0], $0xffff;
	[tilespmem:v16+s16+$0x0] =	vst.idx.msk $0xffff, v11;
	v11 =	vmax.f32 v28, v12  }
0x1a3: {  	[tilespmem:v16+s17+$0x0] =	vst.idx.msk $0xffff, v11;
	v11 =	vmax.f32 v29, v13  }
0x1a4: {  	s5 =	sadd.s32 $0xFFFFFF80, s29;
	[tilespmem:v16+s18+$0x0] =	vst.idx.msk $0xffff, v11;
	v11 =	vmax.f32 v30, v14  }
0x1a5: {  	v10 =	vmax.f32 v31, v10;
	[tilespmem:v16+s19+$0x0] =	vst.idx.msk $0xffff, v11;
	v11 =	vor.u32 s5, v0  }
0x1a6: {  	v35 =	vor.u32 s5, v2;
	[tilespmem:v16+s20+$0x0] =	vst.idx.msk $0xffff, v10;
	v10 =	vmax.f32 v32, v15  }
0x1a7: {  	v36 =	vor.u32 s5, v3;
	[tilespmem:v16+s21+$0x0] =	vst.idx.msk $0xffff, v10;
	v10 =	vmax.f32 v33, v17  }
0x1a8: {  	v37 =	vor.u32 s5, v4;
	[tilespmem:v16+s22+$0x0] =	vst.idx.msk $0xffff, v10;
	v10 =	vmax.f32 v34, v18  }
0x1a9: {  	v38 =	vor.u32 s5, v6;
	[tilespmem:v16+s23+$0x0] =	vst.idx.msk $0xffff, v10  }
0x1aa: {  	v40 =	vor.u32 s5, v7;
	v11 =	vld.idx.msk [tilespmem:v11+s4+$0x0], $0xffff  }
0x1ab: {  	v39 =	vbroadcast v9, $0xE;
	v41 =	vor.u32 s5, v8;
	v12 =	vld.idx.msk [tilespmem:v35+s4+$0x0], $0xffff  }
0x1ac: {  	v10 =	vor.u32 s5, v5;
	v13 =	vld.idx.msk [tilespmem:v36+s4+$0x0], $0xffff  }
0x1ad: {  	v16 =	vor.u32 v0, v39;
	v14 =	vld.idx.msk [tilespmem:v37+s4+$0x0], $0xffff  }
0x1ae: {  	v15 =	vld.idx.msk [tilespmem:v38+s4+$0x0], $0xffff  }
0x1af: {  	v17 =	vld.idx.msk [tilespmem:v40+s4+$0x0], $0xffff  }
0x1b0: {  	v18 =	vld.idx.msk [tilespmem:v41+s4+$0x0], $0xffff  }
0x1b1: {  	v10 =	vld.idx.msk [tilespmem:v10+s4+$0x0], $0xffff  }
0x1b2: {  	v42 =	vld.idx.msk [tilespmem:v16+s16+$0x0], $0xffff  }
0x1b3: {  	v43 =	vld.idx.msk [tilespmem:v16+s17+$0x0], $0xffff  }
0x1b4: {  	v44 =	vld.idx.msk [tilespmem:v16+s18+$0x0], $0xffff  }
0x1b5: {  	v45 =	vld.idx.msk [tilespmem:v16+s19+$0x0], $0xffff  }
0x1b6: {  	v46 =	vld.idx.msk [tilespmem:v16+s20+$0x0], $0xffff  }
0x1b7: {  	v47 =	vld.idx.msk [tilespmem:v16+s21+$0x0], $0xffff  }
0x1b8: {  	v48 =	vld.idx.msk [tilespmem:v16+s22+$0x0], $0xffff;
	v11 =	vmax.f32 v42, v11  }
0x1b9: {  	v49 =	vld.idx.msk [tilespmem:v16+s23+$0x0], $0xffff;
	[tilespmem:v16+s16+$0x0] =	vst.idx.msk $0xffff, v11;
	v11 =	vmax.f32 v43, v12  }
0x1ba: {  	[tilespmem:v16+s17+$0x0] =	vst.idx.msk $0xffff, v11;
	v11 =	vmax.f32 v44, v13  }
0x1bb: {  	[tilespmem:v16+s18+$0x0] =	vst.idx.msk $0xffff, v11;
	v11 =	vmax.f32 v45, v14  }
0x1bc: {  	v10 =	vmax.f32 v46, v10;
	[tilespmem:v16+s19+$0x0] =	vst.idx.msk $0xffff, v11;
	v11 =	vor.u32 s29, v0  }
0x1bd: {  	v50 =	vor.u32 s29, v2;
	[tilespmem:v16+s20+$0x0] =	vst.idx.msk $0xffff, v10;
	v10 =	vmax.f32 v47, v15  }
0x1be: {  	v51 =	vor.u32 s29, v3;
	[tilespmem:v16+s21+$0x0] =	vst.idx.msk $0xffff, v10;
	v10 =	vmax.f32 v48, v17  }
0x1bf: {  	v52 =	vor.u32 s29, v4;
	[tilespmem:v16+s22+$0x0] =	vst.idx.msk $0xffff, v10;
	v10 =	vmax.f32 v49, v18  }
0x1c0: {  	v53 =	vor.u32 s29, v6;
	[tilespmem:v16+s23+$0x0] =	vst.idx.msk $0xffff, v10  }
0x1c1: {  	v9 =	vbroadcast v9, $0xF;
	v54 =	vor.u32 s29, v7;
	v11 =	vld.idx.msk [tilespmem:v11+s4+$0x0], $0xffff  }
0x1c2: {  	v55 =	vor.u32 s29, v8;
	v12 =	vld.idx.msk [tilespmem:v50+s4+$0x0], $0xffff  }
0x1c3: {  	v9 =	vor.u32 v0, v9;
	v13 =	vld.idx.msk [tilespmem:v51+s4+$0x0], $0xffff  }
0x1c4: {  	v14 =	vld.idx.msk [tilespmem:v52+s4+$0x0], $0xffff  }
0x1c5: {  	v15 =	vld.idx.msk [tilespmem:v53+s4+$0x0], $0xffff  }
0x1c6: {  	v16 =	vld.idx.msk [tilespmem:v54+s4+$0x0], $0xffff  }
0x1c7: {  	v17 =	vld.idx.msk [tilespmem:v55+s4+$0x0], $0xffff  }
0x1c8: {  	v56 =	vld.idx.msk [tilespmem:v9+s16+$0x0], $0xffff  }
0x1c9: {  	v10 =	vor.u32 s29, v5;
	v57 =	vld.idx.msk [tilespmem:v9+s17+$0x0], $0xffff  }
0x1ca: {  	v58 =	vld.idx.msk [tilespmem:v9+s18+$0x0], $0xffff  }
0x1cb: {  	v59 =	vld.idx.msk [tilespmem:v9+s19+$0x0], $0xffff  }
0x1cc: {  	v60 =	vld.idx.msk [tilespmem:v9+s20+$0x0], $0xffff  }
0x1cd: {  	v61 =	vld.idx.msk [tilespmem:v9+s21+$0x0], $0xffff  }
0x1ce: {  	v10 =	vld.idx.msk [tilespmem:v10+s4+$0x0], $0xffff  }
0x1cf: {  	v62 =	vld.idx.msk [tilespmem:v9+s22+$0x0], $0xffff;
	v11 =	vmax.f32 v56, v11  }
0x1d0: {  	v63 =	vld.idx.msk [tilespmem:v9+s23+$0x0], $0xffff;
	[tilespmem:v9+s16+$0x0] =	vst.idx.msk $0xffff, v11;
	v11 =	vmax.f32 v57, v12  }
0x1d1: {  	[tilespmem:v9+s17+$0x0] =	vst.idx.msk $0xffff, v11;
	v11 =	vmax.f32 v58, v13  }
0x1d2: {  	p0 =	sne.s32 s26, $0x18F;
	[tilespmem:v9+s18+$0x0] =	vst.idx.msk $0xffff, v11;
	v11 =	vmax.f32 v59, v14  }
.Ltmp0:
0x1d3: {  	[tilespmem:v9+s19+$0x0] =	vst.idx.msk $0xffff, v11;
	v10 =	vmax.f32 v60, v10;
	(pc) =	sbr.rel @p0 .LBB2_3-.Ltmp0, $4  }
0x1d4: {  	[tilespmem:v9+s20+$0x0] =	vst.idx.msk $0xffff, v10;
	v10 =	vmax.f32 v61, v15  }
0x1d5: {  	[tilespmem:v9+s21+$0x0] =	vst.idx.msk $0xffff, v10;
	v10 =	vmax.f32 v62, v16  }
0x1d6: {  	[tilespmem:v9+s22+$0x0] =	vst.idx.msk $0xffff, v10;
	v10 =	vmax.f32 v63, v17  }
0x1d7: {  	s28 =	sadd.s32 $0x10, s28;
	s26 =	sadd.s32 $0x10, s26;
	[tilespmem:v9+s23+$0x0] =	vst.idx.msk $0xffff, v10  }
0x1d8: {  	s2 =	sadd.s32 s2, s8  }
0x1d9: {  	s5 =	sshll.u32 s2, $0x4  }
0x1da: {  	s2 =	sshrl.u32 s2, $0x3;
	s5 =	sadd.s32 s1, s5  }
0x1db: {  	[tilespmem:s4], [sflag:$0x1] =	stream.linear.gather [hbm4b:s5+s4], $0xC800, $0x38;
	[tilespmem:$0x19C00] =	vst v63  }
0x1dc: {  	s2 =	sadd.s32 s3, s2  }
0x1dd: {  	[tilespmem:s11], [sflag:$0x3] =	stream.linear.gather [hbm4b:s2+s4], $0x190, $0x38;
	[tilespmem:$0x19C00] =	vst v63  }
0x1de: {  	_ =	swait.ge [sflag:s24], $0xC800  }
0x1df: {  	[sflag:s24] =	ssyncset.done $0x0  }
0x1e0: {  	[sflag:s24] =	ssyncadd.s32 $0xFFFF3800  }
0x1e1: {  	_ =	swait.ge [sflag:s25], $0x190  }
0x1e2: {  	[sflag:s25] =	ssyncset.done $0x0  }
0x1e3: {  	s26 =	simm.s32 $0x19200;
	s2 =	simm.s32 $0xF;
	[sflag:s25] =	ssyncadd.s32 $0xFFFFFE70  }
.LBB2_5:
0x1e4: {  	v9 =	vld [tilespmem:s26+$0x0];
	s28 =	sshll.u32 s2, $0x7  }
0x1e5: {  	s5 =	sadd.s32 $0xFFFFF880, s28  }
0x1e6: {  	v10 =	vor.u32 s5, v0  }
0x1e7: {  	v11 =	vor.u32 s5, v2  }
0x1e8: {  	v12 =	vor.u32 s5, v3  }
0x1e9: {  	v13 =	vor.u32 s5, v4;
	vm0 =	vlt.s32 v9, $0x7  }
0x1ea: {  	v14 =	vor.u32 s5, v5;
	v9 =	vnsel vm0, $0x7, v9  }
0x1eb: {  	v15 =	vor.u32 s5, v6;
	v9 =	vshll.u32 v9, $0x4;
	v10 =	vld.idx.msk [tilespmem:v10+s12+$0x0], $0xffff  }
0x1ec: {  	v17 =	vor.u32 s5, v7;
	v11 =	vld.idx.msk [tilespmem:v11+s12+$0x0], $0xffff;
	v16 =	vbroadcast v9, $0x0  }
0x1ed: {  	v18 =	vor.u32 s5, v8;
	v12 =	vld.idx.msk [tilespmem:v12+s12+$0x0], $0xffff  }
0x1ee: {  	v13 =	vld.idx.msk [tilespmem:v13+s12+$0x0], $0xffff;
	v16 =	vor.u32 v0, v16  }
0x1ef: {  	v14 =	vld.idx.msk [tilespmem:v14+s12+$0x0], $0xffff  }
0x1f0: {  	v15 =	vld.idx.msk [tilespmem:v15+s12+$0x0], $0xffff  }
0x1f1: {  	v17 =	vld.idx.msk [tilespmem:v17+s12+$0x0], $0xffff  }
0x1f2: {  	v18 =	vld.idx.msk [tilespmem:v18+s12+$0x0], $0xffff  }
0x1f3: {  	v19 =	vld.idx.msk [tilespmem:v16+s16+$0x0], $0xffff  }
0x1f4: {  	v20 =	vld.idx.msk [tilespmem:v16+s17+$0x0], $0xffff  }
0x1f5: {  	v21 =	vld.idx.msk [tilespmem:v16+s18+$0x0], $0xffff  }
0x1f6: {  	v22 =	vld.idx.msk [tilespmem:v16+s19+$0x0], $0xffff  }
0x1f7: {  	v23 =	vld.idx.msk [tilespmem:v16+s20+$0x0], $0xffff  }
0x1f8: {  	v24 =	vld.idx.msk [tilespmem:v16+s21+$0x0], $0xffff  }
0x1f9: {  	v25 =	vld.idx.msk [tilespmem:v16+s22+$0x0], $0xffff;
	v10 =	vmax.f32 v19, v10  }
0x1fa: {  	v26 =	vld.idx.msk [tilespmem:v16+s23+$0x0], $0xffff;
	[tilespmem:v16+s16+$0x0] =	vst.idx.msk $0xffff, v10;
	v10 =	vmax.f32 v20, v11  }
0x1fb: {  	[tilespmem:v16+s17+$0x0] =	vst.idx.msk $0xffff, v10;
	v10 =	vmax.f32 v21, v12  }
0x1fc: {  	s29 =	sadd.s32 $0xFFFFF900, s28;
	[tilespmem:v16+s18+$0x0] =	vst.idx.msk $0xffff, v10;
	v10 =	vmax.f32 v22, v13  }
0x1fd: {  	v11 =	vor.u32 s29, v0;
	[tilespmem:v16+s19+$0x0] =	vst.idx.msk $0xffff, v10;
	v10 =	vmax.f32 v23, v14  }
0x1fe: {  	v27 =	vor.u32 s29, v4;
	[tilespmem:v16+s20+$0x0] =	vst.idx.msk $0xffff, v10;
	v10 =	vmax.f32 v24, v15  }
0x1ff: {  	v28 =	vor.u32 s29, v6;
	[tilespmem:v16+s21+$0x0] =	vst.idx.msk $0xffff, v10;
	v10 =	vmax.f32 v25, v17  }
0x200: {  	v30 =	vor.u32 s29, v7;
	[tilespmem:v16+s22+$0x0] =	vst.idx.msk $0xffff, v10;
	v10 =	vmax.f32 v26, v18  }
0x201: {  	v31 =	vor.u32 s29, v8;
	[tilespmem:v16+s23+$0x0] =	vst.idx.msk $0xffff, v10  }
0x202: {  	v24 =	vor.u32 s29, v2;
	v11 =	vld.idx.msk [tilespmem:v11+s12+$0x0], $0xffff  }
0x203: {  	v29 =	vbroadcast v9, $0x1;
	v25 =	vor.u32 s29, v3;
	v14 =	vld.idx.msk [tilespmem:v27+s12+$0x0], $0xffff  }
0x204: {  	v10 =	vor.u32 s29, v5;
	v15 =	vld.idx.msk [tilespmem:v28+s12+$0x0], $0xffff  }
0x205: {  	v16 =	vor.u32 v0, v29;
	v17 =	vld.idx.msk [tilespmem:v30+s12+$0x0], $0xffff  }
0x206: {  	v18 =	vld.idx.msk [tilespmem:v31+s12+$0x0], $0xffff  }
0x207: {  	v12 =	vld.idx.msk [tilespmem:v24+s12+$0x0], $0xffff  }
0x208: {  	v13 =	vld.idx.msk [tilespmem:v25+s12+$0x0], $0xffff  }
0x209: {  	v10 =	vld.idx.msk [tilespmem:v10+s12+$0x0], $0xffff  }
0x20a: {  	v32 =	vld.idx.msk [tilespmem:v16+s16+$0x0], $0xffff  }
0x20b: {  	v33 =	vld.idx.msk [tilespmem:v16+s17+$0x0], $0xffff  }
0x20c: {  	v34 =	vld.idx.msk [tilespmem:v16+s18+$0x0], $0xffff  }
0x20d: {  	v35 =	vld.idx.msk [tilespmem:v16+s19+$0x0], $0xffff  }
0x20e: {  	v36 =	vld.idx.msk [tilespmem:v16+s20+$0x0], $0xffff  }
0x20f: {  	v37 =	vld.idx.msk [tilespmem:v16+s21+$0x0], $0xffff  }
0x210: {  	v38 =	vld.idx.msk [tilespmem:v16+s22+$0x0], $0xffff;
	v11 =	vmax.f32 v32, v11  }
0x211: {  	v39 =	vld.idx.msk [tilespmem:v16+s23+$0x0], $0xffff;
	[tilespmem:v16+s16+$0x0] =	vst.idx.msk $0xffff, v11;
	v11 =	vmax.f32 v33, v12  }
0x212: {  	[tilespmem:v16+s17+$0x0] =	vst.idx.msk $0xffff, v11;
	v11 =	vmax.f32 v34, v13  }
0x213: {  	s29 =	sadd.s32 $0xFFFFF980, s28;
	[tilespmem:v16+s18+$0x0] =	vst.idx.msk $0xffff, v11;
	v11 =	vmax.f32 v35, v14  }
0x214: {  	v10 =	vmax.f32 v36, v10;
	[tilespmem:v16+s19+$0x0] =	vst.idx.msk $0xffff, v11;
	v11 =	vor.u32 s29, v0  }
0x215: {  	v40 =	vor.u32 s29, v2;
	[tilespmem:v16+s20+$0x0] =	vst.idx.msk $0xffff, v10;
	v10 =	vmax.f32 v37, v15  }
0x216: {  	v41 =	vor.u32 s29, v3;
	[tilespmem:v16+s21+$0x0] =	vst.idx.msk $0xffff, v10;
	v10 =	vmax.f32 v38, v17  }
0x217: {  	v42 =	vor.u32 s29, v4;
	[tilespmem:v16+s22+$0x0] =	vst.idx.msk $0xffff, v10;
	v10 =	vmax.f32 v39, v18  }
0x218: {  	v43 =	vor.u32 s29, v6;
	[tilespmem:v16+s23+$0x0] =	vst.idx.msk $0xffff, v10  }
0x219: {  	v45 =	vor.u32 s29, v7;
	v11 =	vld.idx.msk [tilespmem:v11+s12+$0x0], $0xffff  }
0x21a: {  	v44 =	vbroadcast v9, $0x2;
	v46 =	vor.u32 s29, v8;
	v12 =	vld.idx.msk [tilespmem:v40+s12+$0x0], $0xffff  }
0x21b: {  	v10 =	vor.u32 s29, v5;
	v13 =	vld.idx.msk [tilespmem:v41+s12+$0x0], $0xffff  }
0x21c: {  	v16 =	vor.u32 v0, v44;
	v14 =	vld.idx.msk [tilespmem:v42+s12+$0x0], $0xffff  }
0x21d: {  	v15 =	vld.idx.msk [tilespmem:v43+s12+$0x0], $0xffff  }
0x21e: {  	v17 =	vld.idx.msk [tilespmem:v45+s12+$0x0], $0xffff  }
0x21f: {  	v18 =	vld.idx.msk [tilespmem:v46+s12+$0x0], $0xffff  }
0x220: {  	v10 =	vld.idx.msk [tilespmem:v10+s12+$0x0], $0xffff  }
0x221: {  	v47 =	vld.idx.msk [tilespmem:v16+s16+$0x0], $0xffff  }
0x222: {  	v48 =	vld.idx.msk [tilespmem:v16+s17+$0x0], $0xffff  }
0x223: {  	v49 =	vld.idx.msk [tilespmem:v16+s18+$0x0], $0xffff  }
0x224: {  	v50 =	vld.idx.msk [tilespmem:v16+s19+$0x0], $0xffff  }
0x225: {  	v51 =	vld.idx.msk [tilespmem:v16+s20+$0x0], $0xffff  }
0x226: {  	v52 =	vld.idx.msk [tilespmem:v16+s21+$0x0], $0xffff  }
0x227: {  	v53 =	vld.idx.msk [tilespmem:v16+s22+$0x0], $0xffff;
	v11 =	vmax.f32 v47, v11  }
0x228: {  	v54 =	vld.idx.msk [tilespmem:v16+s23+$0x0], $0xffff;
	[tilespmem:v16+s16+$0x0] =	vst.idx.msk $0xffff, v11;
	v11 =	vmax.f32 v48, v12  }
0x229: {  	[tilespmem:v16+s17+$0x0] =	vst.idx.msk $0xffff, v11;
	v11 =	vmax.f32 v49, v13  }
0x22a: {  	s29 =	sadd.s32 $0xFFFFFA00, s28;
	[tilespmem:v16+s18+$0x0] =	vst.idx.msk $0xffff, v11;
	v11 =	vmax.f32 v50, v14  }
0x22b: {  	v10 =	vmax.f32 v51, v10;
	[tilespmem:v16+s19+$0x0] =	vst.idx.msk $0xffff, v11;
	v11 =	vor.u32 s29, v0  }
0x22c: {  	v55 =	vor.u32 s29, v2;
	[tilespmem:v16+s20+$0x0] =	vst.idx.msk $0xffff, v10;
	v10 =	vmax.f32 v52, v15  }
0x22d: {  	v56 =	vor.u32 s29, v3;
	[tilespmem:v16+s21+$0x0] =	vst.idx.msk $0xffff, v10;
	v10 =	vmax.f32 v53, v17  }
0x22e: {  	v57 =	vor.u32 s29, v4;
	[tilespmem:v16+s22+$0x0] =	vst.idx.msk $0xffff, v10;
	v10 =	vmax.f32 v54, v18  }
0x22f: {  	v58 =	vor.u32 s29, v6;
	[tilespmem:v16+s23+$0x0] =	vst.idx.msk $0xffff, v10  }
0x230: {  	v60 =	vor.u32 s29, v7;
	v11 =	vld.idx.msk [tilespmem:v11+s12+$0x0], $0xffff  }
0x231: {  	v59 =	vbroadcast v9, $0x3;
	v61 =	vor.u32 s29, v8;
	v12 =	vld.idx.msk [tilespmem:v55+s12+$0x0], $0xffff  }
0x232: {  	v10 =	vor.u32 s29, v5;
	v13 =	vld.idx.msk [tilespmem:v56+s12+$0x0], $0xffff  }
0x233: {  	v16 =	vor.u32 v0, v59;
	v14 =	vld.idx.msk [tilespmem:v57+s12+$0x0], $0xffff  }
0x234: {  	v15 =	vld.idx.msk [tilespmem:v58+s12+$0x0], $0xffff  }
0x235: {  	v17 =	vld.idx.msk [tilespmem:v60+s12+$0x0], $0xffff  }
0x236: {  	v18 =	vld.idx.msk [tilespmem:v61+s12+$0x0], $0xffff  }
0x237: {  	v10 =	vld.idx.msk [tilespmem:v10+s12+$0x0], $0xffff  }
0x238: {  	v62 =	vld.idx.msk [tilespmem:v16+s16+$0x0], $0xffff  }
0x239: {  	v63 =	vld.idx.msk [tilespmem:v16+s17+$0x0], $0xffff  }
0x23a: {  	v28 =	vld.idx.msk [tilespmem:v16+s18+$0x0], $0xffff  }
0x23b: {  	v29 =	vld.idx.msk [tilespmem:v16+s19+$0x0], $0xffff  }
0x23c: {  	v30 =	vld.idx.msk [tilespmem:v16+s20+$0x0], $0xffff  }
0x23d: {  	v31 =	vld.idx.msk [tilespmem:v16+s21+$0x0], $0xffff  }
0x23e: {  	v32 =	vld.idx.msk [tilespmem:v16+s22+$0x0], $0xffff;
	v11 =	vmax.f32 v62, v11  }
0x23f: {  	v33 =	vld.idx.msk [tilespmem:v16+s23+$0x0], $0xffff;
	[tilespmem:v16+s16+$0x0] =	vst.idx.msk $0xffff, v11;
	v11 =	vmax.f32 v63, v12  }
0x240: {  	[tilespmem:v16+s17+$0x0] =	vst.idx.msk $0xffff, v11;
	v11 =	vmax.f32 v28, v13  }
0x241: {  	s29 =	sadd.s32 $0xFFFFFA80, s28;
	[tilespmem:v16+s18+$0x0] =	vst.idx.msk $0xffff, v11;
	v11 =	vmax.f32 v29, v14  }
0x242: {  	v10 =	vmax.f32 v30, v10;
	[tilespmem:v16+s19+$0x0] =	vst.idx.msk $0xffff, v11;
	v11 =	vor.u32 s29, v0  }
0x243: {  	v34 =	vor.u32 s29, v2;
	[tilespmem:v16+s20+$0x0] =	vst.idx.msk $0xffff, v10;
	v10 =	vmax.f32 v31, v15  }
0x244: {  	v35 =	vor.u32 s29, v3;
	[tilespmem:v16+s21+$0x0] =	vst.idx.msk $0xffff, v10;
	v10 =	vmax.f32 v32, v17  }
0x245: {  	v36 =	vor.u32 s29, v4;
	[tilespmem:v16+s22+$0x0] =	vst.idx.msk $0xffff, v10;
	v10 =	vmax.f32 v33, v18  }
0x246: {  	v37 =	vor.u32 s29, v6;
	[tilespmem:v16+s23+$0x0] =	vst.idx.msk $0xffff, v10  }
0x247: {  	v39 =	vor.u32 s29, v7;
	v11 =	vld.idx.msk [tilespmem:v11+s12+$0x0], $0xffff  }
0x248: {  	v38 =	vbroadcast v9, $0x4;
	v40 =	vor.u32 s29, v8;
	v12 =	vld.idx.msk [tilespmem:v34+s12+$0x0], $0xffff  }
0x249: {  	v10 =	vor.u32 s29, v5;
	v13 =	vld.idx.msk [tilespmem:v35+s12+$0x0], $0xffff  }
0x24a: {  	v16 =	vor.u32 v0, v38;
	v14 =	vld.idx.msk [tilespmem:v36+s12+$0x0], $0xffff  }
0x24b: {  	v15 =	vld.idx.msk [tilespmem:v37+s12+$0x0], $0xffff  }
0x24c: {  	v17 =	vld.idx.msk [tilespmem:v39+s12+$0x0], $0xffff  }
0x24d: {  	v18 =	vld.idx.msk [tilespmem:v40+s12+$0x0], $0xffff  }
0x24e: {  	v10 =	vld.idx.msk [tilespmem:v10+s12+$0x0], $0xffff  }
0x24f: {  	v41 =	vld.idx.msk [tilespmem:v16+s16+$0x0], $0xffff  }
0x250: {  	v42 =	vld.idx.msk [tilespmem:v16+s17+$0x0], $0xffff  }
0x251: {  	v43 =	vld.idx.msk [tilespmem:v16+s18+$0x0], $0xffff  }
0x252: {  	v44 =	vld.idx.msk [tilespmem:v16+s19+$0x0], $0xffff  }
0x253: {  	v45 =	vld.idx.msk [tilespmem:v16+s20+$0x0], $0xffff  }
0x254: {  	v46 =	vld.idx.msk [tilespmem:v16+s21+$0x0], $0xffff  }
0x255: {  	v47 =	vld.idx.msk [tilespmem:v16+s22+$0x0], $0xffff;
	v11 =	vmax.f32 v41, v11  }
0x256: {  	v48 =	vld.idx.msk [tilespmem:v16+s23+$0x0], $0xffff;
	[tilespmem:v16+s16+$0x0] =	vst.idx.msk $0xffff, v11;
	v11 =	vmax.f32 v42, v12  }
0x257: {  	[tilespmem:v16+s17+$0x0] =	vst.idx.msk $0xffff, v11;
	v11 =	vmax.f32 v43, v13  }
0x258: {  	s29 =	sadd.s32 $0xFFFFFB00, s28;
	[tilespmem:v16+s18+$0x0] =	vst.idx.msk $0xffff, v11;
	v11 =	vmax.f32 v44, v14  }
0x259: {  	v10 =	vmax.f32 v45, v10;
	[tilespmem:v16+s19+$0x0] =	vst.idx.msk $0xffff, v11;
	v11 =	vor.u32 s29, v0  }
0x25a: {  	v49 =	vor.u32 s29, v2;
	[tilespmem:v16+s20+$0x0] =	vst.idx.msk $0xffff, v10;
	v10 =	vmax.f32 v46, v15  }
0x25b: {  	v50 =	vor.u32 s29, v3;
	[tilespmem:v16+s21+$0x0] =	vst.idx.msk $0xffff, v10;
	v10 =	vmax.f32 v47, v17  }
0x25c: {  	v51 =	vor.u32 s29, v4;
	[tilespmem:v16+s22+$0x0] =	vst.idx.msk $0xffff, v10;
	v10 =	vmax.f32 v48, v18  }
0x25d: {  	v52 =	vor.u32 s29, v6;
	[tilespmem:v16+s23+$0x0] =	vst.idx.msk $0xffff, v10  }
0x25e: {  	v54 =	vor.u32 s29, v7;
	v11 =	vld.idx.msk [tilespmem:v11+s12+$0x0], $0xffff  }
0x25f: {  	v53 =	vbroadcast v9, $0x5;
	v55 =	vor.u32 s29, v8;
	v12 =	vld.idx.msk [tilespmem:v49+s12+$0x0], $0xffff  }
0x260: {  	v10 =	vor.u32 s29, v5;
	v13 =	vld.idx.msk [tilespmem:v50+s12+$0x0], $0xffff  }
0x261: {  	v16 =	vor.u32 v0, v53;
	v14 =	vld.idx.msk [tilespmem:v51+s12+$0x0], $0xffff  }
0x262: {  	v15 =	vld.idx.msk [tilespmem:v52+s12+$0x0], $0xffff  }
0x263: {  	v17 =	vld.idx.msk [tilespmem:v54+s12+$0x0], $0xffff  }
0x264: {  	v18 =	vld.idx.msk [tilespmem:v55+s12+$0x0], $0xffff  }
0x265: {  	v10 =	vld.idx.msk [tilespmem:v10+s12+$0x0], $0xffff  }
0x266: {  	v56 =	vld.idx.msk [tilespmem:v16+s16+$0x0], $0xffff  }
0x267: {  	v57 =	vld.idx.msk [tilespmem:v16+s17+$0x0], $0xffff  }
0x268: {  	v58 =	vld.idx.msk [tilespmem:v16+s18+$0x0], $0xffff  }
0x269: {  	v59 =	vld.idx.msk [tilespmem:v16+s19+$0x0], $0xffff  }
0x26a: {  	v60 =	vld.idx.msk [tilespmem:v16+s20+$0x0], $0xffff  }
0x26b: {  	v61 =	vld.idx.msk [tilespmem:v16+s21+$0x0], $0xffff  }
0x26c: {  	v62 =	vld.idx.msk [tilespmem:v16+s22+$0x0], $0xffff;
	v11 =	vmax.f32 v56, v11  }
0x26d: {  	v63 =	vld.idx.msk [tilespmem:v16+s23+$0x0], $0xffff;
	[tilespmem:v16+s16+$0x0] =	vst.idx.msk $0xffff, v11;
	v11 =	vmax.f32 v57, v12  }
0x26e: {  	[tilespmem:v16+s17+$0x0] =	vst.idx.msk $0xffff, v11;
	v11 =	vmax.f32 v58, v13  }
0x26f: {  	s29 =	sadd.s32 $0xFFFFFB80, s28;
	[tilespmem:v16+s18+$0x0] =	vst.idx.msk $0xffff, v11;
	v11 =	vmax.f32 v59, v14  }
0x270: {  	v10 =	vmax.f32 v60, v10;
	[tilespmem:v16+s19+$0x0] =	vst.idx.msk $0xffff, v11;
	v11 =	vor.u32 s29, v0  }
0x271: {  	v24 =	vor.u32 s29, v2;
	[tilespmem:v16+s20+$0x0] =	vst.idx.msk $0xffff, v10;
	v10 =	vmax.f32 v61, v15  }
0x272: {  	v25 =	vor.u32 s29, v3;
	[tilespmem:v16+s21+$0x0] =	vst.idx.msk $0xffff, v10;
	v10 =	vmax.f32 v62, v17  }
0x273: {  	v27 =	vor.u32 s29, v4;
	[tilespmem:v16+s22+$0x0] =	vst.idx.msk $0xffff, v10;
	v10 =	vmax.f32 v63, v18  }
0x274: {  	v28 =	vor.u32 s29, v6;
	[tilespmem:v16+s23+$0x0] =	vst.idx.msk $0xffff, v10  }
0x275: {  	v30 =	vor.u32 s29, v7;
	v11 =	vld.idx.msk [tilespmem:v11+s12+$0x0], $0xffff  }
0x276: {  	v29 =	vbroadcast v9, $0x6;
	v31 =	vor.u32 s29, v8;
	v12 =	vld.idx.msk [tilespmem:v24+s12+$0x0], $0xffff  }
0x277: {  	v10 =	vor.u32 s29, v5;
	v13 =	vld.idx.msk [tilespmem:v25+s12+$0x0], $0xffff  }
0x278: {  	v16 =	vor.u32 v0, v29;
	v14 =	vld.idx.msk [tilespmem:v27+s12+$0x0], $0xffff  }
0x279: {  	v15 =	vld.idx.msk [tilespmem:v28+s12+$0x0], $0xffff  }
0x27a: {  	v17 =	vld.idx.msk [tilespmem:v30+s12+$0x0], $0xffff  }
0x27b: {  	v18 =	vld.idx.msk [tilespmem:v31+s12+$0x0], $0xffff  }
0x27c: {  	v10 =	vld.idx.msk [tilespmem:v10+s12+$0x0], $0xffff  }
0x27d: {  	v32 =	vld.idx.msk [tilespmem:v16+s16+$0x0], $0xffff  }
0x27e: {  	v33 =	vld.idx.msk [tilespmem:v16+s17+$0x0], $0xffff  }
0x27f: {  	v34 =	vld.idx.msk [tilespmem:v16+s18+$0x0], $0xffff  }
0x280: {  	v35 =	vld.idx.msk [tilespmem:v16+s19+$0x0], $0xffff  }
0x281: {  	v36 =	vld.idx.msk [tilespmem:v16+s20+$0x0], $0xffff  }
0x282: {  	v37 =	vld.idx.msk [tilespmem:v16+s21+$0x0], $0xffff  }
0x283: {  	v38 =	vld.idx.msk [tilespmem:v16+s22+$0x0], $0xffff;
	v11 =	vmax.f32 v32, v11  }
0x284: {  	v39 =	vld.idx.msk [tilespmem:v16+s23+$0x0], $0xffff;
	[tilespmem:v16+s16+$0x0] =	vst.idx.msk $0xffff, v11;
	v11 =	vmax.f32 v33, v12  }
0x285: {  	[tilespmem:v16+s17+$0x0] =	vst.idx.msk $0xffff, v11;
	v11 =	vmax.f32 v34, v13  }
0x286: {  	s29 =	sadd.s32 $0xFFFFFC00, s28;
	[tilespmem:v16+s18+$0x0] =	vst.idx.msk $0xffff, v11;
	v11 =	vmax.f32 v35, v14  }
0x287: {  	v10 =	vmax.f32 v36, v10;
	[tilespmem:v16+s19+$0x0] =	vst.idx.msk $0xffff, v11;
	v11 =	vor.u32 s29, v0  }
0x288: {  	v40 =	vor.u32 s29, v2;
	[tilespmem:v16+s20+$0x0] =	vst.idx.msk $0xffff, v10;
	v10 =	vmax.f32 v37, v15  }
0x289: {  	v41 =	vor.u32 s29, v3;
	[tilespmem:v16+s21+$0x0] =	vst.idx.msk $0xffff, v10;
	v10 =	vmax.f32 v38, v17  }
0x28a: {  	v42 =	vor.u32 s29, v4;
	[tilespmem:v16+s22+$0x0] =	vst.idx.msk $0xffff, v10;
	v10 =	vmax.f32 v39, v18  }
0x28b: {  	v43 =	vor.u32 s29, v6;
	[tilespmem:v16+s23+$0x0] =	vst.idx.msk $0xffff, v10  }
0x28c: {  	v45 =	vor.u32 s29, v7;
	v11 =	vld.idx.msk [tilespmem:v11+s12+$0x0], $0xffff  }
0x28d: {  	v44 =	vbroadcast v9, $0x7;
	v46 =	vor.u32 s29, v8;
	v12 =	vld.idx.msk [tilespmem:v40+s12+$0x0], $0xffff  }
0x28e: {  	v10 =	vor.u32 s29, v5;
	v13 =	vld.idx.msk [tilespmem:v41+s12+$0x0], $0xffff  }
0x28f: {  	v16 =	vor.u32 v0, v44;
	v14 =	vld.idx.msk [tilespmem:v42+s12+$0x0], $0xffff  }
0x290: {  	v15 =	vld.idx.msk [tilespmem:v43+s12+$0x0], $0xffff  }
0x291: {  	v17 =	vld.idx.msk [tilespmem:v45+s12+$0x0], $0xffff  }
0x292: {  	v18 =	vld.idx.msk [tilespmem:v46+s12+$0x0], $0xffff  }
0x293: {  	v10 =	vld.idx.msk [tilespmem:v10+s12+$0x0], $0xffff  }
0x294: {  	v47 =	vld.idx.msk [tilespmem:v16+s16+$0x0], $0xffff  }
0x295: {  	v48 =	vld.idx.msk [tilespmem:v16+s17+$0x0], $0xffff  }
0x296: {  	v49 =	vld.idx.msk [tilespmem:v16+s18+$0x0], $0xffff  }
0x297: {  	v50 =	vld.idx.msk [tilespmem:v16+s19+$0x0], $0xffff  }
0x298: {  	v51 =	vld.idx.msk [tilespmem:v16+s20+$0x0], $0xffff  }
0x299: {  	v52 =	vld.idx.msk [tilespmem:v16+s21+$0x0], $0xffff  }
0x29a: {  	v53 =	vld.idx.msk [tilespmem:v16+s22+$0x0], $0xffff;
	v11 =	vmax.f32 v47, v11  }
0x29b: {  	v54 =	vld.idx.msk [tilespmem:v16+s23+$0x0], $0xffff;
	[tilespmem:v16+s16+$0x0] =	vst.idx.msk $0xffff, v11;
	v11 =	vmax.f32 v48, v12  }
0x29c: {  	[tilespmem:v16+s17+$0x0] =	vst.idx.msk $0xffff, v11;
	v11 =	vmax.f32 v49, v13  }
0x29d: {  	s29 =	sadd.s32 $0xFFFFFC80, s28;
	[tilespmem:v16+s18+$0x0] =	vst.idx.msk $0xffff, v11;
	v11 =	vmax.f32 v50, v14  }
0x29e: {  	v10 =	vmax.f32 v51, v10;
	[tilespmem:v16+s19+$0x0] =	vst.idx.msk $0xffff, v11;
	v11 =	vor.u32 s29, v0  }
0x29f: {  	v55 =	vor.u32 s29, v2;
	[tilespmem:v16+s20+$0x0] =	vst.idx.msk $0xffff, v10;
	v10 =	vmax.f32 v52, v15  }
0x2a0: {  	v56 =	vor.u32 s29, v3;
	[tilespmem:v16+s21+$0x0] =	vst.idx.msk $0xffff, v10;
	v10 =	vmax.f32 v53, v17  }
0x2a1: {  	v57 =	vor.u32 s29, v4;
	[tilespmem:v16+s22+$0x0] =	vst.idx.msk $0xffff, v10;
	v10 =	vmax.f32 v54, v18  }
0x2a2: {  	v58 =	vor.u32 s29, v6;
	[tilespmem:v16+s23+$0x0] =	vst.idx.msk $0xffff, v10  }
0x2a3: {  	v60 =	vor.u32 s29, v7;
	v11 =	vld.idx.msk [tilespmem:v11+s12+$0x0], $0xffff  }
0x2a4: {  	v59 =	vbroadcast v9, $0x8;
	v61 =	vor.u32 s29, v8;
	v12 =	vld.idx.msk [tilespmem:v55+s12+$0x0], $0xffff  }
0x2a5: {  	v10 =	vor.u32 s29, v5;
	v13 =	vld.idx.msk [tilespmem:v56+s12+$0x0], $0xffff  }
0x2a6: {  	v16 =	vor.u32 v0, v59;
	v14 =	vld.idx.msk [tilespmem:v57+s12+$0x0], $0xffff  }
0x2a7: {  	v15 =	vld.idx.msk [tilespmem:v58+s12+$0x0], $0xffff  }
0x2a8: {  	v17 =	vld.idx.msk [tilespmem:v60+s12+$0x0], $0xffff  }
0x2a9: {  	v18 =	vld.idx.msk [tilespmem:v61+s12+$0x0], $0xffff  }
0x2aa: {  	v10 =	vld.idx.msk [tilespmem:v10+s12+$0x0], $0xffff  }
0x2ab: {  	v62 =	vld.idx.msk [tilespmem:v16+s16+$0x0], $0xffff  }
0x2ac: {  	v63 =	vld.idx.msk [tilespmem:v16+s17+$0x0], $0xffff  }
0x2ad: {  	v28 =	vld.idx.msk [tilespmem:v16+s18+$0x0], $0xffff  }
0x2ae: {  	v29 =	vld.idx.msk [tilespmem:v16+s19+$0x0], $0xffff  }
0x2af: {  	v30 =	vld.idx.msk [tilespmem:v16+s20+$0x0], $0xffff  }
0x2b0: {  	v31 =	vld.idx.msk [tilespmem:v16+s21+$0x0], $0xffff  }
0x2b1: {  	v32 =	vld.idx.msk [tilespmem:v16+s22+$0x0], $0xffff;
	v11 =	vmax.f32 v62, v11  }
0x2b2: {  	v33 =	vld.idx.msk [tilespmem:v16+s23+$0x0], $0xffff;
	[tilespmem:v16+s16+$0x0] =	vst.idx.msk $0xffff, v11;
	v11 =	vmax.f32 v63, v12  }
0x2b3: {  	[tilespmem:v16+s17+$0x0] =	vst.idx.msk $0xffff, v11;
	v11 =	vmax.f32 v28, v13  }
0x2b4: {  	s29 =	sadd.s32 $0xFFFFFD00, s28;
	[tilespmem:v16+s18+$0x0] =	vst.idx.msk $0xffff, v11;
	v11 =	vmax.f32 v29, v14  }
0x2b5: {  	v10 =	vmax.f32 v30, v10;
	[tilespmem:v16+s19+$0x0] =	vst.idx.msk $0xffff, v11;
	v11 =	vor.u32 s29, v0  }
0x2b6: {  	v34 =	vor.u32 s29, v2;
	[tilespmem:v16+s20+$0x0] =	vst.idx.msk $0xffff, v10;
	v10 =	vmax.f32 v31, v15  }
0x2b7: {  	v35 =	vor.u32 s29, v3;
	[tilespmem:v16+s21+$0x0] =	vst.idx.msk $0xffff, v10;
	v10 =	vmax.f32 v32, v17  }
0x2b8: {  	v36 =	vor.u32 s29, v4;
	[tilespmem:v16+s22+$0x0] =	vst.idx.msk $0xffff, v10;
	v10 =	vmax.f32 v33, v18  }
0x2b9: {  	v37 =	vor.u32 s29, v6;
	[tilespmem:v16+s23+$0x0] =	vst.idx.msk $0xffff, v10  }
0x2ba: {  	v39 =	vor.u32 s29, v7;
	v11 =	vld.idx.msk [tilespmem:v11+s12+$0x0], $0xffff  }
0x2bb: {  	v38 =	vbroadcast v9, $0x9;
	v40 =	vor.u32 s29, v8;
	v12 =	vld.idx.msk [tilespmem:v34+s12+$0x0], $0xffff  }
0x2bc: {  	v10 =	vor.u32 s29, v5;
	v13 =	vld.idx.msk [tilespmem:v35+s12+$0x0], $0xffff  }
0x2bd: {  	v16 =	vor.u32 v0, v38;
	v14 =	vld.idx.msk [tilespmem:v36+s12+$0x0], $0xffff  }
0x2be: {  	v15 =	vld.idx.msk [tilespmem:v37+s12+$0x0], $0xffff  }
0x2bf: {  	v17 =	vld.idx.msk [tilespmem:v39+s12+$0x0], $0xffff  }
0x2c0: {  	v18 =	vld.idx.msk [tilespmem:v40+s12+$0x0], $0xffff  }
0x2c1: {  	v10 =	vld.idx.msk [tilespmem:v10+s12+$0x0], $0xffff  }
0x2c2: {  	v41 =	vld.idx.msk [tilespmem:v16+s16+$0x0], $0xffff  }
0x2c3: {  	v42 =	vld.idx.msk [tilespmem:v16+s17+$0x0], $0xffff  }
0x2c4: {  	v43 =	vld.idx.msk [tilespmem:v16+s18+$0x0], $0xffff  }
0x2c5: {  	v44 =	vld.idx.msk [tilespmem:v16+s19+$0x0], $0xffff  }
0x2c6: {  	v45 =	vld.idx.msk [tilespmem:v16+s20+$0x0], $0xffff  }
0x2c7: {  	v46 =	vld.idx.msk [tilespmem:v16+s21+$0x0], $0xffff  }
0x2c8: {  	v47 =	vld.idx.msk [tilespmem:v16+s22+$0x0], $0xffff;
	v11 =	vmax.f32 v41, v11  }
0x2c9: {  	v48 =	vld.idx.msk [tilespmem:v16+s23+$0x0], $0xffff;
	[tilespmem:v16+s16+$0x0] =	vst.idx.msk $0xffff, v11;
	v11 =	vmax.f32 v42, v12  }
0x2ca: {  	[tilespmem:v16+s17+$0x0] =	vst.idx.msk $0xffff, v11;
	v11 =	vmax.f32 v43, v13  }
0x2cb: {  	s29 =	sadd.s32 $0xFFFFFD80, s28;
	[tilespmem:v16+s18+$0x0] =	vst.idx.msk $0xffff, v11;
	v11 =	vmax.f32 v44, v14  }
0x2cc: {  	v10 =	vmax.f32 v45, v10;
	[tilespmem:v16+s19+$0x0] =	vst.idx.msk $0xffff, v11;
	v11 =	vor.u32 s29, v0  }
0x2cd: {  	v49 =	vor.u32 s29, v2;
	[tilespmem:v16+s20+$0x0] =	vst.idx.msk $0xffff, v10;
	v10 =	vmax.f32 v46, v15  }
0x2ce: {  	v50 =	vor.u32 s29, v3;
	[tilespmem:v16+s21+$0x0] =	vst.idx.msk $0xffff, v10;
	v10 =	vmax.f32 v47, v17  }
0x2cf: {  	v51 =	vor.u32 s29, v4;
	[tilespmem:v16+s22+$0x0] =	vst.idx.msk $0xffff, v10;
	v10 =	vmax.f32 v48, v18  }
0x2d0: {  	v52 =	vor.u32 s29, v6;
	[tilespmem:v16+s23+$0x0] =	vst.idx.msk $0xffff, v10  }
0x2d1: {  	v54 =	vor.u32 s29, v7;
	v11 =	vld.idx.msk [tilespmem:v11+s12+$0x0], $0xffff  }
0x2d2: {  	v53 =	vbroadcast v9, $0xA;
	v55 =	vor.u32 s29, v8;
	v12 =	vld.idx.msk [tilespmem:v49+s12+$0x0], $0xffff  }
0x2d3: {  	v10 =	vor.u32 s29, v5;
	v13 =	vld.idx.msk [tilespmem:v50+s12+$0x0], $0xffff  }
0x2d4: {  	v16 =	vor.u32 v0, v53;
	v14 =	vld.idx.msk [tilespmem:v51+s12+$0x0], $0xffff  }
0x2d5: {  	v15 =	vld.idx.msk [tilespmem:v52+s12+$0x0], $0xffff  }
0x2d6: {  	v17 =	vld.idx.msk [tilespmem:v54+s12+$0x0], $0xffff  }
0x2d7: {  	v18 =	vld.idx.msk [tilespmem:v55+s12+$0x0], $0xffff  }
0x2d8: {  	v10 =	vld.idx.msk [tilespmem:v10+s12+$0x0], $0xffff  }
0x2d9: {  	v56 =	vld.idx.msk [tilespmem:v16+s16+$0x0], $0xffff  }
0x2da: {  	v57 =	vld.idx.msk [tilespmem:v16+s17+$0x0], $0xffff  }
0x2db: {  	v58 =	vld.idx.msk [tilespmem:v16+s18+$0x0], $0xffff  }
0x2dc: {  	v59 =	vld.idx.msk [tilespmem:v16+s19+$0x0], $0xffff  }
0x2dd: {  	v60 =	vld.idx.msk [tilespmem:v16+s20+$0x0], $0xffff  }
0x2de: {  	v61 =	vld.idx.msk [tilespmem:v16+s21+$0x0], $0xffff  }
0x2df: {  	v62 =	vld.idx.msk [tilespmem:v16+s22+$0x0], $0xffff;
	v11 =	vmax.f32 v56, v11  }
0x2e0: {  	v63 =	vld.idx.msk [tilespmem:v16+s23+$0x0], $0xffff;
	[tilespmem:v16+s16+$0x0] =	vst.idx.msk $0xffff, v11;
	v11 =	vmax.f32 v57, v12  }
0x2e1: {  	[tilespmem:v16+s17+$0x0] =	vst.idx.msk $0xffff, v11;
	v11 =	vmax.f32 v58, v13  }
0x2e2: {  	s29 =	sadd.s32 $0xFFFFFE00, s28;
	[tilespmem:v16+s18+$0x0] =	vst.idx.msk $0xffff, v11;
	v11 =	vmax.f32 v59, v14  }
0x2e3: {  	v10 =	vmax.f32 v60, v10;
	[tilespmem:v16+s19+$0x0] =	vst.idx.msk $0xffff, v11;
	v11 =	vor.u32 s29, v0  }
0x2e4: {  	v24 =	vor.u32 s29, v2;
	[tilespmem:v16+s20+$0x0] =	vst.idx.msk $0xffff, v10;
	v10 =	vmax.f32 v61, v15  }
0x2e5: {  	v27 =	vor.u32 s29, v3;
	[tilespmem:v16+s21+$0x0] =	vst.idx.msk $0xffff, v10;
	v10 =	vmax.f32 v62, v17  }
0x2e6: {  	v28 =	vor.u32 s29, v4;
	[tilespmem:v16+s22+$0x0] =	vst.idx.msk $0xffff, v10;
	v10 =	vmax.f32 v63, v18  }
0x2e7: {  	v29 =	vor.u32 s29, v6;
	[tilespmem:v16+s23+$0x0] =	vst.idx.msk $0xffff, v10  }
0x2e8: {  	v31 =	vor.u32 s29, v7;
	v11 =	vld.idx.msk [tilespmem:v11+s12+$0x0], $0xffff  }
0x2e9: {  	v30 =	vbroadcast v9, $0xB;
	v32 =	vor.u32 s29, v8;
	v12 =	vld.idx.msk [tilespmem:v24+s12+$0x0], $0xffff  }
0x2ea: {  	v10 =	vor.u32 s29, v5;
	v13 =	vld.idx.msk [tilespmem:v27+s12+$0x0], $0xffff  }
0x2eb: {  	v16 =	vor.u32 v0, v30;
	v14 =	vld.idx.msk [tilespmem:v28+s12+$0x0], $0xffff  }
0x2ec: {  	v15 =	vld.idx.msk [tilespmem:v29+s12+$0x0], $0xffff  }
0x2ed: {  	v17 =	vld.idx.msk [tilespmem:v31+s12+$0x0], $0xffff  }
0x2ee: {  	v18 =	vld.idx.msk [tilespmem:v32+s12+$0x0], $0xffff  }
0x2ef: {  	v10 =	vld.idx.msk [tilespmem:v10+s12+$0x0], $0xffff  }
0x2f0: {  	v33 =	vld.idx.msk [tilespmem:v16+s16+$0x0], $0xffff  }
0x2f1: {  	v34 =	vld.idx.msk [tilespmem:v16+s17+$0x0], $0xffff  }
0x2f2: {  	v35 =	vld.idx.msk [tilespmem:v16+s18+$0x0], $0xffff  }
0x2f3: {  	v36 =	vld.idx.msk [tilespmem:v16+s19+$0x0], $0xffff  }
0x2f4: {  	v37 =	vld.idx.msk [tilespmem:v16+s20+$0x0], $0xffff  }
0x2f5: {  	v38 =	vld.idx.msk [tilespmem:v16+s21+$0x0], $0xffff  }
0x2f6: {  	v39 =	vld.idx.msk [tilespmem:v16+s22+$0x0], $0xffff;
	v11 =	vmax.f32 v33, v11  }
0x2f7: {  	v40 =	vld.idx.msk [tilespmem:v16+s23+$0x0], $0xffff;
	[tilespmem:v16+s16+$0x0] =	vst.idx.msk $0xffff, v11;
	v11 =	vmax.f32 v34, v12  }
0x2f8: {  	[tilespmem:v16+s17+$0x0] =	vst.idx.msk $0xffff, v11;
	v11 =	vmax.f32 v35, v13  }
0x2f9: {  	s29 =	sadd.s32 $0xFFFFFE80, s28;
	[tilespmem:v16+s18+$0x0] =	vst.idx.msk $0xffff, v11;
	v11 =	vmax.f32 v36, v14  }
0x2fa: {  	v10 =	vmax.f32 v37, v10;
	[tilespmem:v16+s19+$0x0] =	vst.idx.msk $0xffff, v11;
	v11 =	vor.u32 s29, v0  }
0x2fb: {  	v41 =	vor.u32 s29, v2;
	[tilespmem:v16+s20+$0x0] =	vst.idx.msk $0xffff, v10;
	v10 =	vmax.f32 v38, v15  }
0x2fc: {  	v42 =	vor.u32 s29, v3;
	[tilespmem:v16+s21+$0x0] =	vst.idx.msk $0xffff, v10;
	v10 =	vmax.f32 v39, v17  }
0x2fd: {  	v43 =	vor.u32 s29, v4;
	[tilespmem:v16+s22+$0x0] =	vst.idx.msk $0xffff, v10;
	v10 =	vmax.f32 v40, v18  }
0x2fe: {  	v44 =	vor.u32 s29, v6;
	[tilespmem:v16+s23+$0x0] =	vst.idx.msk $0xffff, v10  }
0x2ff: {  	v46 =	vor.u32 s29, v7;
	v11 =	vld.idx.msk [tilespmem:v11+s12+$0x0], $0xffff  }
0x300: {  	v45 =	vbroadcast v9, $0xC;
	v47 =	vor.u32 s29, v8;
	v12 =	vld.idx.msk [tilespmem:v41+s12+$0x0], $0xffff  }
0x301: {  	v10 =	vor.u32 s29, v5;
	v13 =	vld.idx.msk [tilespmem:v42+s12+$0x0], $0xffff  }
0x302: {  	v16 =	vor.u32 v0, v45;
	v14 =	vld.idx.msk [tilespmem:v43+s12+$0x0], $0xffff  }
0x303: {  	v15 =	vld.idx.msk [tilespmem:v44+s12+$0x0], $0xffff  }
0x304: {  	v17 =	vld.idx.msk [tilespmem:v46+s12+$0x0], $0xffff  }
0x305: {  	v18 =	vld.idx.msk [tilespmem:v47+s12+$0x0], $0xffff  }
0x306: {  	v10 =	vld.idx.msk [tilespmem:v10+s12+$0x0], $0xffff  }
0x307: {  	v48 =	vld.idx.msk [tilespmem:v16+s16+$0x0], $0xffff  }
0x308: {  	v49 =	vld.idx.msk [tilespmem:v16+s17+$0x0], $0xffff  }
0x309: {  	v50 =	vld.idx.msk [tilespmem:v16+s18+$0x0], $0xffff  }
0x30a: {  	v51 =	vld.idx.msk [tilespmem:v16+s19+$0x0], $0xffff  }
0x30b: {  	v52 =	vld.idx.msk [tilespmem:v16+s20+$0x0], $0xffff  }
0x30c: {  	v53 =	vld.idx.msk [tilespmem:v16+s21+$0x0], $0xffff  }
0x30d: {  	v54 =	vld.idx.msk [tilespmem:v16+s22+$0x0], $0xffff;
	v11 =	vmax.f32 v48, v11  }
0x30e: {  	v55 =	vld.idx.msk [tilespmem:v16+s23+$0x0], $0xffff;
	[tilespmem:v16+s16+$0x0] =	vst.idx.msk $0xffff, v11;
	v11 =	vmax.f32 v49, v12  }
0x30f: {  	[tilespmem:v16+s17+$0x0] =	vst.idx.msk $0xffff, v11;
	v11 =	vmax.f32 v50, v13  }
0x310: {  	s29 =	sadd.s32 $0xFFFFFF00, s28;
	[tilespmem:v16+s18+$0x0] =	vst.idx.msk $0xffff, v11;
	v11 =	vmax.f32 v51, v14  }
0x311: {  	v10 =	vmax.f32 v52, v10;
	[tilespmem:v16+s19+$0x0] =	vst.idx.msk $0xffff, v11;
	v11 =	vor.u32 s29, v0  }
0x312: {  	v56 =	vor.u32 s29, v2;
	[tilespmem:v16+s20+$0x0] =	vst.idx.msk $0xffff, v10;
	v10 =	vmax.f32 v53, v15  }
0x313: {  	v57 =	vor.u32 s29, v3;
	[tilespmem:v16+s21+$0x0] =	vst.idx.msk $0xffff, v10;
	v10 =	vmax.f32 v54, v17  }
0x314: {  	v58 =	vor.u32 s29, v4;
	[tilespmem:v16+s22+$0x0] =	vst.idx.msk $0xffff, v10;
	v10 =	vmax.f32 v55, v18  }
0x315: {  	v59 =	vor.u32 s29, v6;
	[tilespmem:v16+s23+$0x0] =	vst.idx.msk $0xffff, v10  }
0x316: {  	v61 =	vor.u32 s29, v7;
	v11 =	vld.idx.msk [tilespmem:v11+s12+$0x0], $0xffff  }
0x317: {  	v60 =	vbroadcast v9, $0xD;
	v62 =	vor.u32 s29, v8;
	v12 =	vld.idx.msk [tilespmem:v56+s12+$0x0], $0xffff  }
0x318: {  	v10 =	vor.u32 s29, v5;
	v13 =	vld.idx.msk [tilespmem:v57+s12+$0x0], $0xffff  }
0x319: {  	v16 =	vor.u32 v0, v60;
	v14 =	vld.idx.msk [tilespmem:v58+s12+$0x0], $0xffff  }
0x31a: {  	v15 =	vld.idx.msk [tilespmem:v59+s12+$0x0], $0xffff  }
0x31b: {  	v17 =	vld.idx.msk [tilespmem:v61+s12+$0x0], $0xffff  }
0x31c: {  	v18 =	vld.idx.msk [tilespmem:v62+s12+$0x0], $0xffff  }
0x31d: {  	v10 =	vld.idx.msk [tilespmem:v10+s12+$0x0], $0xffff  }
0x31e: {  	v63 =	vld.idx.msk [tilespmem:v16+s16+$0x0], $0xffff  }
0x31f: {  	v28 =	vld.idx.msk [tilespmem:v16+s17+$0x0], $0xffff  }
0x320: {  	v29 =	vld.idx.msk [tilespmem:v16+s18+$0x0], $0xffff  }
0x321: {  	v30 =	vld.idx.msk [tilespmem:v16+s19+$0x0], $0xffff  }
0x322: {  	v31 =	vld.idx.msk [tilespmem:v16+s20+$0x0], $0xffff  }
0x323: {  	v32 =	vld.idx.msk [tilespmem:v16+s21+$0x0], $0xffff  }
0x324: {  	v33 =	vld.idx.msk [tilespmem:v16+s22+$0x0], $0xffff;
	v11 =	vmax.f32 v63, v11  }
0x325: {  	v34 =	vld.idx.msk [tilespmem:v16+s23+$0x0], $0xffff;
	[tilespmem:v16+s16+$0x0] =	vst.idx.msk $0xffff, v11;
	v11 =	vmax.f32 v28, v12  }
0x326: {  	[tilespmem:v16+s17+$0x0] =	vst.idx.msk $0xffff, v11;
	v11 =	vmax.f32 v29, v13  }
0x327: {  	s29 =	sadd.s32 $0xFFFFFF80, s28;
	[tilespmem:v16+s18+$0x0] =	vst.idx.msk $0xffff, v11;
	v11 =	vmax.f32 v30, v14  }
0x328: {  	v10 =	vmax.f32 v31, v10;
	[tilespmem:v16+s19+$0x0] =	vst.idx.msk $0xffff, v11;
	v11 =	vor.u32 s29, v0  }
0x329: {  	v35 =	vor.u32 s29, v2;
	[tilespmem:v16+s20+$0x0] =	vst.idx.msk $0xffff, v10;
	v10 =	vmax.f32 v32, v15  }
0x32a: {  	v36 =	vor.u32 s29, v3;
	[tilespmem:v16+s21+$0x0] =	vst.idx.msk $0xffff, v10;
	v10 =	vmax.f32 v33, v17  }
0x32b: {  	v37 =	vor.u32 s29, v4;
	[tilespmem:v16+s22+$0x0] =	vst.idx.msk $0xffff, v10;
	v10 =	vmax.f32 v34, v18  }
0x32c: {  	v38 =	vor.u32 s29, v6;
	[tilespmem:v16+s23+$0x0] =	vst.idx.msk $0xffff, v10  }
0x32d: {  	v40 =	vor.u32 s29, v7;
	v11 =	vld.idx.msk [tilespmem:v11+s12+$0x0], $0xffff  }
0x32e: {  	v39 =	vbroadcast v9, $0xE;
	v41 =	vor.u32 s29, v8;
	v12 =	vld.idx.msk [tilespmem:v35+s12+$0x0], $0xffff  }
0x32f: {  	v10 =	vor.u32 s29, v5;
	v13 =	vld.idx.msk [tilespmem:v36+s12+$0x0], $0xffff  }
0x330: {  	v16 =	vor.u32 v0, v39;
	v14 =	vld.idx.msk [tilespmem:v37+s12+$0x0], $0xffff  }
0x331: {  	v15 =	vld.idx.msk [tilespmem:v38+s12+$0x0], $0xffff  }
0x332: {  	v17 =	vld.idx.msk [tilespmem:v40+s12+$0x0], $0xffff  }
0x333: {  	v18 =	vld.idx.msk [tilespmem:v41+s12+$0x0], $0xffff  }
0x334: {  	v10 =	vld.idx.msk [tilespmem:v10+s12+$0x0], $0xffff  }
0x335: {  	v42 =	vld.idx.msk [tilespmem:v16+s16+$0x0], $0xffff  }
0x336: {  	v43 =	vld.idx.msk [tilespmem:v16+s17+$0x0], $0xffff  }
0x337: {  	v44 =	vld.idx.msk [tilespmem:v16+s18+$0x0], $0xffff  }
0x338: {  	v45 =	vld.idx.msk [tilespmem:v16+s19+$0x0], $0xffff  }
0x339: {  	v46 =	vld.idx.msk [tilespmem:v16+s20+$0x0], $0xffff  }
0x33a: {  	v47 =	vld.idx.msk [tilespmem:v16+s21+$0x0], $0xffff  }
0x33b: {  	v48 =	vld.idx.msk [tilespmem:v16+s22+$0x0], $0xffff;
	v11 =	vmax.f32 v42, v11  }
0x33c: {  	v49 =	vld.idx.msk [tilespmem:v16+s23+$0x0], $0xffff;
	[tilespmem:v16+s16+$0x0] =	vst.idx.msk $0xffff, v11;
	v11 =	vmax.f32 v43, v12  }
0x33d: {  	[tilespmem:v16+s17+$0x0] =	vst.idx.msk $0xffff, v11;
	v11 =	vmax.f32 v44, v13  }
0x33e: {  	[tilespmem:v16+s18+$0x0] =	vst.idx.msk $0xffff, v11;
	v11 =	vmax.f32 v45, v14  }
0x33f: {  	v10 =	vmax.f32 v46, v10;
	[tilespmem:v16+s19+$0x0] =	vst.idx.msk $0xffff, v11;
	v11 =	vor.u32 s28, v0  }
0x340: {  	v50 =	vor.u32 s28, v2;
	[tilespmem:v16+s20+$0x0] =	vst.idx.msk $0xffff, v10;
	v10 =	vmax.f32 v47, v15  }
0x341: {  	v51 =	vor.u32 s28, v3;
	[tilespmem:v16+s21+$0x0] =	vst.idx.msk $0xffff, v10;
	v10 =	vmax.f32 v48, v17  }
0x342: {  	v52 =	vor.u32 s28, v4;
	[tilespmem:v16+s22+$0x0] =	vst.idx.msk $0xffff, v10;
	v10 =	vmax.f32 v49, v18  }
0x343: {  	v53 =	vor.u32 s28, v6;
	[tilespmem:v16+s23+$0x0] =	vst.idx.msk $0xffff, v10  }
0x344: {  	v9 =	vbroadcast v9, $0xF;
	v54 =	vor.u32 s28, v7;
	v11 =	vld.idx.msk [tilespmem:v11+s12+$0x0], $0xffff  }
0x345: {  	v55 =	vor.u32 s28, v8;
	v12 =	vld.idx.msk [tilespmem:v50+s12+$0x0], $0xffff  }
0x346: {  	v9 =	vor.u32 v0, v9;
	v13 =	vld.idx.msk [tilespmem:v51+s12+$0x0], $0xffff  }
0x347: {  	v14 =	vld.idx.msk [tilespmem:v52+s12+$0x0], $0xffff  }
0x348: {  	v15 =	vld.idx.msk [tilespmem:v53+s12+$0x0], $0xffff  }
0x349: {  	v16 =	vld.idx.msk [tilespmem:v54+s12+$0x0], $0xffff  }
0x34a: {  	v17 =	vld.idx.msk [tilespmem:v55+s12+$0x0], $0xffff  }
0x34b: {  	v56 =	vld.idx.msk [tilespmem:v9+s16+$0x0], $0xffff  }
0x34c: {  	v10 =	vor.u32 s28, v5;
	v57 =	vld.idx.msk [tilespmem:v9+s17+$0x0], $0xffff  }
0x34d: {  	v58 =	vld.idx.msk [tilespmem:v9+s18+$0x0], $0xffff  }
0x34e: {  	v59 =	vld.idx.msk [tilespmem:v9+s19+$0x0], $0xffff  }
0x34f: {  	v60 =	vld.idx.msk [tilespmem:v9+s20+$0x0], $0xffff  }
0x350: {  	v61 =	vld.idx.msk [tilespmem:v9+s21+$0x0], $0xffff  }
0x351: {  	v10 =	vld.idx.msk [tilespmem:v10+s12+$0x0], $0xffff  }
0x352: {  	v62 =	vld.idx.msk [tilespmem:v9+s22+$0x0], $0xffff;
	v11 =	vmax.f32 v56, v11  }
0x353: {  	v63 =	vld.idx.msk [tilespmem:v9+s23+$0x0], $0xffff;
	[tilespmem:v9+s16+$0x0] =	vst.idx.msk $0xffff, v11;
	v11 =	vmax.f32 v57, v12  }
0x354: {  	[tilespmem:v9+s17+$0x0] =	vst.idx.msk $0xffff, v11;
	v11 =	vmax.f32 v58, v13  }
0x355: {  	p0 =	sne.s32 s2, $0x18F;
	[tilespmem:v9+s18+$0x0] =	vst.idx.msk $0xffff, v11;
	v11 =	vmax.f32 v59, v14  }
.Ltmp1:
0x356: {  	[tilespmem:v9+s19+$0x0] =	vst.idx.msk $0xffff, v11;
	v10 =	vmax.f32 v60, v10;
	(pc) =	sbr.rel @p0 .LBB2_5-.Ltmp1, $4  }
0x357: {  	[tilespmem:v9+s20+$0x0] =	vst.idx.msk $0xffff, v10;
	v10 =	vmax.f32 v61, v15  }
0x358: {  	[tilespmem:v9+s21+$0x0] =	vst.idx.msk $0xffff, v10;
	v10 =	vmax.f32 v62, v16  }
0x359: {  	[tilespmem:v9+s22+$0x0] =	vst.idx.msk $0xffff, v10;
	v10 =	vmax.f32 v63, v17  }
0x35a: {  	s26 =	sadd.s32 $0x10, s26;
	s2 =	sadd.s32 $0x10, s2;
	[tilespmem:v9+s23+$0x0] =	vst.idx.msk $0xffff, v10  }
0x35b: {  	s0 =	sadd.s32 $0x1, s0  }
0x35c: {  	p0 =	sne.s32 s0, $0xC  }
.Ltmp2:
0x35d: {  	_ = 	snop;
	(pc) =	sbr.rel @p0 .LBB2_2-.Ltmp2, $1  }
0x35e: {  	_ =	sdelay $0x3  }
0x35f: {  	_ =	swait.ge [sflag:s14], $0xC800  }
0x360: {  	[sflag:s14] =	ssyncset.done $0x0  }
0x361: {  	[sflag:s14] =	ssyncadd.s32 $0xFFFF3800  }
0x362: {  	_ =	swait.ge [sflag:s15], $0x190  }
0x363: {  	[sflag:s15] =	ssyncset.done $0x0  }
0x364: {  	s0 =	simm.s32 $0xF;
	s2 =	simm.s32 $0x19000;
	[sflag:s15] =	ssyncadd.s32 $0xFFFFFE70  }
.LBB2_8:
0x365: {  	v9 =	vld [tilespmem:s2+$0x0];
	s26 =	sshll.u32 s0, $0x7  }
0x366: {  	s5 =	sadd.s32 $0xFFFFF880, s26  }
0x367: {  	v10 =	vor.u32 s5, v0  }
0x368: {  	v11 =	vor.u32 s5, v2  }
0x369: {  	v12 =	vor.u32 s5, v3  }
0x36a: {  	v13 =	vor.u32 s5, v4;
	vm0 =	vlt.s32 v9, $0x7  }
0x36b: {  	v14 =	vor.u32 s5, v5;
	v9 =	vnsel vm0, $0x7, v9  }
0x36c: {  	v15 =	vor.u32 s5, v6;
	v9 =	vshll.u32 v9, $0x4;
	v10 =	vld.idx.msk [tilespmem:v10+s4+$0x0], $0xffff  }
0x36d: {  	v17 =	vor.u32 s5, v7;
	v11 =	vld.idx.msk [tilespmem:v11+s4+$0x0], $0xffff;
	v16 =	vbroadcast v9, $0x0  }
0x36e: {  	v18 =	vor.u32 s5, v8;
	v12 =	vld.idx.msk [tilespmem:v12+s4+$0x0], $0xffff  }
0x36f: {  	v13 =	vld.idx.msk [tilespmem:v13+s4+$0x0], $0xffff;
	v16 =	vor.u32 v0, v16  }
0x370: {  	v14 =	vld.idx.msk [tilespmem:v14+s4+$0x0], $0xffff  }
0x371: {  	v15 =	vld.idx.msk [tilespmem:v15+s4+$0x0], $0xffff  }
0x372: {  	v17 =	vld.idx.msk [tilespmem:v17+s4+$0x0], $0xffff  }
0x373: {  	v18 =	vld.idx.msk [tilespmem:v18+s4+$0x0], $0xffff  }
0x374: {  	v19 =	vld.idx.msk [tilespmem:v16+s16+$0x0], $0xffff  }
0x375: {  	v20 =	vld.idx.msk [tilespmem:v16+s17+$0x0], $0xffff  }
0x376: {  	v21 =	vld.idx.msk [tilespmem:v16+s18+$0x0], $0xffff  }
0x377: {  	v22 =	vld.idx.msk [tilespmem:v16+s19+$0x0], $0xffff  }
0x378: {  	v23 =	vld.idx.msk [tilespmem:v16+s20+$0x0], $0xffff  }
0x379: {  	v24 =	vld.idx.msk [tilespmem:v16+s21+$0x0], $0xffff  }
0x37a: {  	v25 =	vld.idx.msk [tilespmem:v16+s22+$0x0], $0xffff;
	v10 =	vmax.f32 v19, v10  }
0x37b: {  	v26 =	vld.idx.msk [tilespmem:v16+s23+$0x0], $0xffff;
	[tilespmem:v16+s16+$0x0] =	vst.idx.msk $0xffff, v10;
	v10 =	vmax.f32 v20, v11  }
0x37c: {  	[tilespmem:v16+s17+$0x0] =	vst.idx.msk $0xffff, v10;
	v10 =	vmax.f32 v21, v12  }
0x37d: {  	s28 =	sadd.s32 $0xFFFFF900, s26;
	[tilespmem:v16+s18+$0x0] =	vst.idx.msk $0xffff, v10;
	v10 =	vmax.f32 v22, v13  }
0x37e: {  	v11 =	vor.u32 s28, v0;
	[tilespmem:v16+s19+$0x0] =	vst.idx.msk $0xffff, v10;
	v10 =	vmax.f32 v23, v14  }
0x37f: {  	v27 =	vor.u32 s28, v4;
	[tilespmem:v16+s20+$0x0] =	vst.idx.msk $0xffff, v10;
	v10 =	vmax.f32 v24, v15  }
0x380: {  	v28 =	vor.u32 s28, v6;
	[tilespmem:v16+s21+$0x0] =	vst.idx.msk $0xffff, v10;
	v10 =	vmax.f32 v25, v17  }
0x381: {  	v30 =	vor.u32 s28, v7;
	[tilespmem:v16+s22+$0x0] =	vst.idx.msk $0xffff, v10;
	v10 =	vmax.f32 v26, v18  }
0x382: {  	v31 =	vor.u32 s28, v8;
	[tilespmem:v16+s23+$0x0] =	vst.idx.msk $0xffff, v10  }
0x383: {  	v24 =	vor.u32 s28, v2;
	v11 =	vld.idx.msk [tilespmem:v11+s4+$0x0], $0xffff  }
0x384: {  	v29 =	vbroadcast v9, $0x1;
	v25 =	vor.u32 s28, v3;
	v14 =	vld.idx.msk [tilespmem:v27+s4+$0x0], $0xffff  }
0x385: {  	v10 =	vor.u32 s28, v5;
	v15 =	vld.idx.msk [tilespmem:v28+s4+$0x0], $0xffff  }
0x386: {  	v16 =	vor.u32 v0, v29;
	v17 =	vld.idx.msk [tilespmem:v30+s4+$0x0], $0xffff  }
0x387: {  	v18 =	vld.idx.msk [tilespmem:v31+s4+$0x0], $0xffff  }
0x388: {  	v12 =	vld.idx.msk [tilespmem:v24+s4+$0x0], $0xffff  }
0x389: {  	v13 =	vld.idx.msk [tilespmem:v25+s4+$0x0], $0xffff  }
0x38a: {  	v10 =	vld.idx.msk [tilespmem:v10+s4+$0x0], $0xffff  }
0x38b: {  	v32 =	vld.idx.msk [tilespmem:v16+s16+$0x0], $0xffff  }
0x38c: {  	v33 =	vld.idx.msk [tilespmem:v16+s17+$0x0], $0xffff  }
0x38d: {  	v34 =	vld.idx.msk [tilespmem:v16+s18+$0x0], $0xffff  }
0x38e: {  	v35 =	vld.idx.msk [tilespmem:v16+s19+$0x0], $0xffff  }
0x38f: {  	v36 =	vld.idx.msk [tilespmem:v16+s20+$0x0], $0xffff  }
0x390: {  	v37 =	vld.idx.msk [tilespmem:v16+s21+$0x0], $0xffff  }
0x391: {  	v38 =	vld.idx.msk [tilespmem:v16+s22+$0x0], $0xffff;
	v11 =	vmax.f32 v32, v11  }
0x392: {  	v39 =	vld.idx.msk [tilespmem:v16+s23+$0x0], $0xffff;
	[tilespmem:v16+s16+$0x0] =	vst.idx.msk $0xffff, v11;
	v11 =	vmax.f32 v33, v12  }
0x393: {  	[tilespmem:v16+s17+$0x0] =	vst.idx.msk $0xffff, v11;
	v11 =	vmax.f32 v34, v13  }
0x394: {  	s29 =	sadd.s32 $0xFFFFF980, s26;
	[tilespmem:v16+s18+$0x0] =	vst.idx.msk $0xffff, v11;
	v11 =	vmax.f32 v35, v14  }
0x395: {  	v10 =	vmax.f32 v36, v10;
	[tilespmem:v16+s19+$0x0] =	vst.idx.msk $0xffff, v11;
	v11 =	vor.u32 s29, v0  }
0x396: {  	v40 =	vor.u32 s29, v2;
	[tilespmem:v16+s20+$0x0] =	vst.idx.msk $0xffff, v10;
	v10 =	vmax.f32 v37, v15  }
0x397: {  	v41 =	vor.u32 s29, v3;
	[tilespmem:v16+s21+$0x0] =	vst.idx.msk $0xffff, v10;
	v10 =	vmax.f32 v38, v17  }
0x398: {  	v42 =	vor.u32 s29, v4;
	[tilespmem:v16+s22+$0x0] =	vst.idx.msk $0xffff, v10;
	v10 =	vmax.f32 v39, v18  }
0x399: {  	v43 =	vor.u32 s29, v6;
	[tilespmem:v16+s23+$0x0] =	vst.idx.msk $0xffff, v10  }
0x39a: {  	v45 =	vor.u32 s29, v7;
	v11 =	vld.idx.msk [tilespmem:v11+s4+$0x0], $0xffff  }
0x39b: {  	v46 =	vor.u32 s29, v8;
	v44 =	vbroadcast v9, $0x2;
	v12 =	vld.idx.msk [tilespmem:v40+s4+$0x0], $0xffff  }
0x39c: {  	v10 =	vor.u32 s29, v5;
	v13 =	vld.idx.msk [tilespmem:v41+s4+$0x0], $0xffff  }
0x39d: {  	v16 =	vor.u32 v0, v44;
	v14 =	vld.idx.msk [tilespmem:v42+s4+$0x0], $0xffff  }
0x39e: {  	v15 =	vld.idx.msk [tilespmem:v43+s4+$0x0], $0xffff  }
0x39f: {  	v17 =	vld.idx.msk [tilespmem:v45+s4+$0x0], $0xffff  }
0x3a0: {  	v18 =	vld.idx.msk [tilespmem:v46+s4+$0x0], $0xffff  }
0x3a1: {  	v10 =	vld.idx.msk [tilespmem:v10+s4+$0x0], $0xffff  }
0x3a2: {  	v47 =	vld.idx.msk [tilespmem:v16+s16+$0x0], $0xffff  }
0x3a3: {  	v48 =	vld.idx.msk [tilespmem:v16+s17+$0x0], $0xffff  }
0x3a4: {  	v49 =	vld.idx.msk [tilespmem:v16+s18+$0x0], $0xffff  }
0x3a5: {  	v50 =	vld.idx.msk [tilespmem:v16+s19+$0x0], $0xffff  }
0x3a6: {  	v51 =	vld.idx.msk [tilespmem:v16+s20+$0x0], $0xffff  }
0x3a7: {  	v52 =	vld.idx.msk [tilespmem:v16+s21+$0x0], $0xffff  }
0x3a8: {  	v53 =	vld.idx.msk [tilespmem:v16+s22+$0x0], $0xffff;
	v11 =	vmax.f32 v47, v11  }
0x3a9: {  	v54 =	vld.idx.msk [tilespmem:v16+s23+$0x0], $0xffff;
	[tilespmem:v16+s16+$0x0] =	vst.idx.msk $0xffff, v11;
	v11 =	vmax.f32 v48, v12  }
0x3aa: {  	[tilespmem:v16+s17+$0x0] =	vst.idx.msk $0xffff, v11;
	v11 =	vmax.f32 v49, v13  }
0x3ab: {  	s28 =	sadd.s32 $0xFFFFFA00, s26;
	[tilespmem:v16+s18+$0x0] =	vst.idx.msk $0xffff, v11;
	v11 =	vmax.f32 v50, v14  }
0x3ac: {  	v10 =	vmax.f32 v51, v10;
	[tilespmem:v16+s19+$0x0] =	vst.idx.msk $0xffff, v11;
	v11 =	vor.u32 s28, v0  }
0x3ad: {  	v55 =	vor.u32 s28, v2;
	[tilespmem:v16+s20+$0x0] =	vst.idx.msk $0xffff, v10;
	v10 =	vmax.f32 v52, v15  }
0x3ae: {  	v56 =	vor.u32 s28, v3;
	[tilespmem:v16+s21+$0x0] =	vst.idx.msk $0xffff, v10;
	v10 =	vmax.f32 v53, v17  }
0x3af: {  	v57 =	vor.u32 s28, v4;
	[tilespmem:v16+s22+$0x0] =	vst.idx.msk $0xffff, v10;
	v10 =	vmax.f32 v54, v18  }
0x3b0: {  	v58 =	vor.u32 s28, v6;
	[tilespmem:v16+s23+$0x0] =	vst.idx.msk $0xffff, v10  }
0x3b1: {  	v60 =	vor.u32 s28, v7;
	v11 =	vld.idx.msk [tilespmem:v11+s4+$0x0], $0xffff  }
0x3b2: {  	v59 =	vbroadcast v9, $0x3;
	v61 =	vor.u32 s28, v8;
	v12 =	vld.idx.msk [tilespmem:v55+s4+$0x0], $0xffff  }
0x3b3: {  	v10 =	vor.u32 s28, v5;
	v13 =	vld.idx.msk [tilespmem:v56+s4+$0x0], $0xffff  }
0x3b4: {  	v16 =	vor.u32 v0, v59;
	v14 =	vld.idx.msk [tilespmem:v57+s4+$0x0], $0xffff  }
0x3b5: {  	v15 =	vld.idx.msk [tilespmem:v58+s4+$0x0], $0xffff  }
0x3b6: {  	v17 =	vld.idx.msk [tilespmem:v60+s4+$0x0], $0xffff  }
0x3b7: {  	v18 =	vld.idx.msk [tilespmem:v61+s4+$0x0], $0xffff  }
0x3b8: {  	v10 =	vld.idx.msk [tilespmem:v10+s4+$0x0], $0xffff  }
0x3b9: {  	v62 =	vld.idx.msk [tilespmem:v16+s16+$0x0], $0xffff  }
0x3ba: {  	v63 =	vld.idx.msk [tilespmem:v16+s17+$0x0], $0xffff  }
0x3bb: {  	v28 =	vld.idx.msk [tilespmem:v16+s18+$0x0], $0xffff  }
0x3bc: {  	v29 =	vld.idx.msk [tilespmem:v16+s19+$0x0], $0xffff  }
0x3bd: {  	v30 =	vld.idx.msk [tilespmem:v16+s20+$0x0], $0xffff  }
0x3be: {  	v31 =	vld.idx.msk [tilespmem:v16+s21+$0x0], $0xffff  }
0x3bf: {  	v32 =	vld.idx.msk [tilespmem:v16+s22+$0x0], $0xffff;
	v11 =	vmax.f32 v62, v11  }
0x3c0: {  	v33 =	vld.idx.msk [tilespmem:v16+s23+$0x0], $0xffff;
	[tilespmem:v16+s16+$0x0] =	vst.idx.msk $0xffff, v11;
	v11 =	vmax.f32 v63, v12  }
0x3c1: {  	[tilespmem:v16+s17+$0x0] =	vst.idx.msk $0xffff, v11;
	v11 =	vmax.f32 v28, v13  }
0x3c2: {  	s29 =	sadd.s32 $0xFFFFFA80, s26;
	[tilespmem:v16+s18+$0x0] =	vst.idx.msk $0xffff, v11;
	v11 =	vmax.f32 v29, v14  }
0x3c3: {  	v10 =	vmax.f32 v30, v10;
	[tilespmem:v16+s19+$0x0] =	vst.idx.msk $0xffff, v11;
	v11 =	vor.u32 s29, v0  }
0x3c4: {  	v34 =	vor.u32 s29, v2;
	[tilespmem:v16+s20+$0x0] =	vst.idx.msk $0xffff, v10;
	v10 =	vmax.f32 v31, v15  }
0x3c5: {  	v35 =	vor.u32 s29, v3;
	[tilespmem:v16+s21+$0x0] =	vst.idx.msk $0xffff, v10;
	v10 =	vmax.f32 v32, v17  }
0x3c6: {  	v36 =	vor.u32 s29, v4;
	[tilespmem:v16+s22+$0x0] =	vst.idx.msk $0xffff, v10;
	v10 =	vmax.f32 v33, v18  }
0x3c7: {  	v37 =	vor.u32 s29, v6;
	[tilespmem:v16+s23+$0x0] =	vst.idx.msk $0xffff, v10  }
0x3c8: {  	v39 =	vor.u32 s29, v7;
	v11 =	vld.idx.msk [tilespmem:v11+s4+$0x0], $0xffff  }
0x3c9: {  	v38 =	vbroadcast v9, $0x4;
	v40 =	vor.u32 s29, v8;
	v12 =	vld.idx.msk [tilespmem:v34+s4+$0x0], $0xffff  }
0x3ca: {  	v10 =	vor.u32 s29, v5;
	v13 =	vld.idx.msk [tilespmem:v35+s4+$0x0], $0xffff  }
0x3cb: {  	v16 =	vor.u32 v0, v38;
	v14 =	vld.idx.msk [tilespmem:v36+s4+$0x0], $0xffff  }
0x3cc: {  	v15 =	vld.idx.msk [tilespmem:v37+s4+$0x0], $0xffff  }
0x3cd: {  	v17 =	vld.idx.msk [tilespmem:v39+s4+$0x0], $0xffff  }
0x3ce: {  	v18 =	vld.idx.msk [tilespmem:v40+s4+$0x0], $0xffff  }
0x3cf: {  	v10 =	vld.idx.msk [tilespmem:v10+s4+$0x0], $0xffff  }
0x3d0: {  	v41 =	vld.idx.msk [tilespmem:v16+s16+$0x0], $0xffff  }
0x3d1: {  	v42 =	vld.idx.msk [tilespmem:v16+s17+$0x0], $0xffff  }
0x3d2: {  	v43 =	vld.idx.msk [tilespmem:v16+s18+$0x0], $0xffff  }
0x3d3: {  	v44 =	vld.idx.msk [tilespmem:v16+s19+$0x0], $0xffff  }
0x3d4: {  	v45 =	vld.idx.msk [tilespmem:v16+s20+$0x0], $0xffff  }
0x3d5: {  	v46 =	vld.idx.msk [tilespmem:v16+s21+$0x0], $0xffff  }
0x3d6: {  	v47 =	vld.idx.msk [tilespmem:v16+s22+$0x0], $0xffff;
	v11 =	vmax.f32 v41, v11  }
0x3d7: {  	v48 =	vld.idx.msk [tilespmem:v16+s23+$0x0], $0xffff;
	[tilespmem:v16+s16+$0x0] =	vst.idx.msk $0xffff, v11;
	v11 =	vmax.f32 v42, v12  }
0x3d8: {  	[tilespmem:v16+s17+$0x0] =	vst.idx.msk $0xffff, v11;
	v11 =	vmax.f32 v43, v13  }
0x3d9: {  	s28 =	sadd.s32 $0xFFFFFB00, s26;
	[tilespmem:v16+s18+$0x0] =	vst.idx.msk $0xffff, v11;
	v11 =	vmax.f32 v44, v14  }
0x3da: {  	v10 =	vmax.f32 v45, v10;
	[tilespmem:v16+s19+$0x0] =	vst.idx.msk $0xffff, v11;
	v11 =	vor.u32 s28, v0  }
0x3db: {  	v49 =	vor.u32 s28, v2;
	[tilespmem:v16+s20+$0x0] =	vst.idx.msk $0xffff, v10;
	v10 =	vmax.f32 v46, v15  }
0x3dc: {  	v50 =	vor.u32 s28, v3;
	[tilespmem:v16+s21+$0x0] =	vst.idx.msk $0xffff, v10;
	v10 =	vmax.f32 v47, v17  }
0x3dd: {  	v51 =	vor.u32 s28, v4;
	[tilespmem:v16+s22+$0x0] =	vst.idx.msk $0xffff, v10;
	v10 =	vmax.f32 v48, v18  }
0x3de: {  	v52 =	vor.u32 s28, v6;
	[tilespmem:v16+s23+$0x0] =	vst.idx.msk $0xffff, v10  }
0x3df: {  	v54 =	vor.u32 s28, v7;
	v11 =	vld.idx.msk [tilespmem:v11+s4+$0x0], $0xffff  }
0x3e0: {  	v53 =	vbroadcast v9, $0x5;
	v55 =	vor.u32 s28, v8;
	v12 =	vld.idx.msk [tilespmem:v49+s4+$0x0], $0xffff  }
0x3e1: {  	v10 =	vor.u32 s28, v5;
	v13 =	vld.idx.msk [tilespmem:v50+s4+$0x0], $0xffff  }
0x3e2: {  	v16 =	vor.u32 v0, v53;
	v14 =	vld.idx.msk [tilespmem:v51+s4+$0x0], $0xffff  }
0x3e3: {  	v15 =	vld.idx.msk [tilespmem:v52+s4+$0x0], $0xffff  }
0x3e4: {  	v17 =	vld.idx.msk [tilespmem:v54+s4+$0x0], $0xffff  }
0x3e5: {  	v18 =	vld.idx.msk [tilespmem:v55+s4+$0x0], $0xffff  }
0x3e6: {  	v10 =	vld.idx.msk [tilespmem:v10+s4+$0x0], $0xffff  }
0x3e7: {  	v56 =	vld.idx.msk [tilespmem:v16+s16+$0x0], $0xffff  }
0x3e8: {  	v57 =	vld.idx.msk [tilespmem:v16+s17+$0x0], $0xffff  }
0x3e9: {  	v58 =	vld.idx.msk [tilespmem:v16+s18+$0x0], $0xffff  }
0x3ea: {  	v59 =	vld.idx.msk [tilespmem:v16+s19+$0x0], $0xffff  }
0x3eb: {  	v60 =	vld.idx.msk [tilespmem:v16+s20+$0x0], $0xffff  }
0x3ec: {  	v61 =	vld.idx.msk [tilespmem:v16+s21+$0x0], $0xffff  }
0x3ed: {  	v62 =	vld.idx.msk [tilespmem:v16+s22+$0x0], $0xffff;
	v11 =	vmax.f32 v56, v11  }
0x3ee: {  	v63 =	vld.idx.msk [tilespmem:v16+s23+$0x0], $0xffff;
	[tilespmem:v16+s16+$0x0] =	vst.idx.msk $0xffff, v11;
	v11 =	vmax.f32 v57, v12  }
0x3ef: {  	[tilespmem:v16+s17+$0x0] =	vst.idx.msk $0xffff, v11;
	v11 =	vmax.f32 v58, v13  }
0x3f0: {  	s29 =	sadd.s32 $0xFFFFFB80, s26;
	[tilespmem:v16+s18+$0x0] =	vst.idx.msk $0xffff, v11;
	v11 =	vmax.f32 v59, v14  }
0x3f1: {  	v10 =	vmax.f32 v60, v10;
	[tilespmem:v16+s19+$0x0] =	vst.idx.msk $0xffff, v11;
	v11 =	vor.u32 s29, v0  }
0x3f2: {  	v24 =	vor.u32 s29, v2;
	[tilespmem:v16+s20+$0x0] =	vst.idx.msk $0xffff, v10;
	v10 =	vmax.f32 v61, v15  }
0x3f3: {  	v25 =	vor.u32 s29, v3;
	[tilespmem:v16+s21+$0x0] =	vst.idx.msk $0xffff, v10;
	v10 =	vmax.f32 v62, v17  }
0x3f4: {  	v27 =	vor.u32 s29, v4;
	[tilespmem:v16+s22+$0x0] =	vst.idx.msk $0xffff, v10;
	v10 =	vmax.f32 v63, v18  }
0x3f5: {  	v28 =	vor.u32 s29, v6;
	[tilespmem:v16+s23+$0x0] =	vst.idx.msk $0xffff, v10  }
0x3f6: {  	v30 =	vor.u32 s29, v7;
	v11 =	vld.idx.msk [tilespmem:v11+s4+$0x0], $0xffff  }
0x3f7: {  	v29 =	vbroadcast v9, $0x6;
	v31 =	vor.u32 s29, v8;
	v12 =	vld.idx.msk [tilespmem:v24+s4+$0x0], $0xffff  }
0x3f8: {  	v10 =	vor.u32 s29, v5;
	v13 =	vld.idx.msk [tilespmem:v25+s4+$0x0], $0xffff  }
0x3f9: {  	v16 =	vor.u32 v0, v29;
	v14 =	vld.idx.msk [tilespmem:v27+s4+$0x0], $0xffff  }
0x3fa: {  	v15 =	vld.idx.msk [tilespmem:v28+s4+$0x0], $0xffff  }
0x3fb: {  	v17 =	vld.idx.msk [tilespmem:v30+s4+$0x0], $0xffff  }
0x3fc: {  	v18 =	vld.idx.msk [tilespmem:v31+s4+$0x0], $0xffff  }
0x3fd: {  	v10 =	vld.idx.msk [tilespmem:v10+s4+$0x0], $0xffff  }
0x3fe: {  	v32 =	vld.idx.msk [tilespmem:v16+s16+$0x0], $0xffff  }
0x3ff: {  	v33 =	vld.idx.msk [tilespmem:v16+s17+$0x0], $0xffff  }
0x400: {  	v34 =	vld.idx.msk [tilespmem:v16+s18+$0x0], $0xffff  }
0x401: {  	v35 =	vld.idx.msk [tilespmem:v16+s19+$0x0], $0xffff  }
0x402: {  	v36 =	vld.idx.msk [tilespmem:v16+s20+$0x0], $0xffff  }
0x403: {  	v37 =	vld.idx.msk [tilespmem:v16+s21+$0x0], $0xffff  }
0x404: {  	v38 =	vld.idx.msk [tilespmem:v16+s22+$0x0], $0xffff;
	v11 =	vmax.f32 v32, v11  }
0x405: {  	v39 =	vld.idx.msk [tilespmem:v16+s23+$0x0], $0xffff;
	[tilespmem:v16+s16+$0x0] =	vst.idx.msk $0xffff, v11;
	v11 =	vmax.f32 v33, v12  }
0x406: {  	[tilespmem:v16+s17+$0x0] =	vst.idx.msk $0xffff, v11;
	v11 =	vmax.f32 v34, v13  }
0x407: {  	s28 =	sadd.s32 $0xFFFFFC00, s26;
	[tilespmem:v16+s18+$0x0] =	vst.idx.msk $0xffff, v11;
	v11 =	vmax.f32 v35, v14  }
0x408: {  	v10 =	vmax.f32 v36, v10;
	[tilespmem:v16+s19+$0x0] =	vst.idx.msk $0xffff, v11;
	v11 =	vor.u32 s28, v0  }
0x409: {  	v40 =	vor.u32 s28, v2;
	[tilespmem:v16+s20+$0x0] =	vst.idx.msk $0xffff, v10;
	v10 =	vmax.f32 v37, v15  }
0x40a: {  	v41 =	vor.u32 s28, v3;
	[tilespmem:v16+s21+$0x0] =	vst.idx.msk $0xffff, v10;
	v10 =	vmax.f32 v38, v17  }
0x40b: {  	v42 =	vor.u32 s28, v4;
	[tilespmem:v16+s22+$0x0] =	vst.idx.msk $0xffff, v10;
	v10 =	vmax.f32 v39, v18  }
0x40c: {  	v43 =	vor.u32 s28, v6;
	[tilespmem:v16+s23+$0x0] =	vst.idx.msk $0xffff, v10  }
0x40d: {  	v45 =	vor.u32 s28, v7;
	v11 =	vld.idx.msk [tilespmem:v11+s4+$0x0], $0xffff  }
0x40e: {  	v44 =	vbroadcast v9, $0x7;
	v46 =	vor.u32 s28, v8;
	v12 =	vld.idx.msk [tilespmem:v40+s4+$0x0], $0xffff  }
0x40f: {  	v10 =	vor.u32 s28, v5;
	v13 =	vld.idx.msk [tilespmem:v41+s4+$0x0], $0xffff  }
0x410: {  	v16 =	vor.u32 v0, v44;
	v14 =	vld.idx.msk [tilespmem:v42+s4+$0x0], $0xffff  }
0x411: {  	v15 =	vld.idx.msk [tilespmem:v43+s4+$0x0], $0xffff  }
0x412: {  	v17 =	vld.idx.msk [tilespmem:v45+s4+$0x0], $0xffff  }
0x413: {  	v18 =	vld.idx.msk [tilespmem:v46+s4+$0x0], $0xffff  }
0x414: {  	v10 =	vld.idx.msk [tilespmem:v10+s4+$0x0], $0xffff  }
0x415: {  	v47 =	vld.idx.msk [tilespmem:v16+s16+$0x0], $0xffff  }
0x416: {  	v48 =	vld.idx.msk [tilespmem:v16+s17+$0x0], $0xffff  }
0x417: {  	v49 =	vld.idx.msk [tilespmem:v16+s18+$0x0], $0xffff  }
0x418: {  	v50 =	vld.idx.msk [tilespmem:v16+s19+$0x0], $0xffff  }
0x419: {  	v51 =	vld.idx.msk [tilespmem:v16+s20+$0x0], $0xffff  }
0x41a: {  	v52 =	vld.idx.msk [tilespmem:v16+s21+$0x0], $0xffff  }
0x41b: {  	v53 =	vld.idx.msk [tilespmem:v16+s22+$0x0], $0xffff;
	v11 =	vmax.f32 v47, v11  }
0x41c: {  	v54 =	vld.idx.msk [tilespmem:v16+s23+$0x0], $0xffff;
	[tilespmem:v16+s16+$0x0] =	vst.idx.msk $0xffff, v11;
	v11 =	vmax.f32 v48, v12  }
0x41d: {  	[tilespmem:v16+s17+$0x0] =	vst.idx.msk $0xffff, v11;
	v11 =	vmax.f32 v49, v13  }
0x41e: {  	s29 =	sadd.s32 $0xFFFFFC80, s26;
	[tilespmem:v16+s18+$0x0] =	vst.idx.msk $0xffff, v11;
	v11 =	vmax.f32 v50, v14  }
0x41f: {  	v10 =	vmax.f32 v51, v10;
	[tilespmem:v16+s19+$0x0] =	vst.idx.msk $0xffff, v11;
	v11 =	vor.u32 s29, v0  }
0x420: {  	v55 =	vor.u32 s29, v2;
	[tilespmem:v16+s20+$0x0] =	vst.idx.msk $0xffff, v10;
	v10 =	vmax.f32 v52, v15  }
0x421: {  	v56 =	vor.u32 s29, v3;
	[tilespmem:v16+s21+$0x0] =	vst.idx.msk $0xffff, v10;
	v10 =	vmax.f32 v53, v17  }
0x422: {  	v57 =	vor.u32 s29, v4;
	[tilespmem:v16+s22+$0x0] =	vst.idx.msk $0xffff, v10;
	v10 =	vmax.f32 v54, v18  }
0x423: {  	v58 =	vor.u32 s29, v6;
	[tilespmem:v16+s23+$0x0] =	vst.idx.msk $0xffff, v10  }
0x424: {  	v60 =	vor.u32 s29, v7;
	v11 =	vld.idx.msk [tilespmem:v11+s4+$0x0], $0xffff  }
0x425: {  	v59 =	vbroadcast v9, $0x8;
	v61 =	vor.u32 s29, v8;
	v12 =	vld.idx.msk [tilespmem:v55+s4+$0x0], $0xffff  }
0x426: {  	v10 =	vor.u32 s29, v5;
	v13 =	vld.idx.msk [tilespmem:v56+s4+$0x0], $0xffff  }
0x427: {  	v16 =	vor.u32 v0, v59;
	v14 =	vld.idx.msk [tilespmem:v57+s4+$0x0], $0xffff  }
0x428: {  	v15 =	vld.idx.msk [tilespmem:v58+s4+$0x0], $0xffff  }
0x429: {  	v17 =	vld.idx.msk [tilespmem:v60+s4+$0x0], $0xffff  }
0x42a: {  	v18 =	vld.idx.msk [tilespmem:v61+s4+$0x0], $0xffff  }
0x42b: {  	v10 =	vld.idx.msk [tilespmem:v10+s4+$0x0], $0xffff  }
0x42c: {  	v62 =	vld.idx.msk [tilespmem:v16+s16+$0x0], $0xffff  }
0x42d: {  	v63 =	vld.idx.msk [tilespmem:v16+s17+$0x0], $0xffff  }
0x42e: {  	v28 =	vld.idx.msk [tilespmem:v16+s18+$0x0], $0xffff  }
0x42f: {  	v29 =	vld.idx.msk [tilespmem:v16+s19+$0x0], $0xffff  }
0x430: {  	v30 =	vld.idx.msk [tilespmem:v16+s20+$0x0], $0xffff  }
0x431: {  	v31 =	vld.idx.msk [tilespmem:v16+s21+$0x0], $0xffff  }
0x432: {  	v32 =	vld.idx.msk [tilespmem:v16+s22+$0x0], $0xffff;
	v11 =	vmax.f32 v62, v11  }
0x433: {  	v33 =	vld.idx.msk [tilespmem:v16+s23+$0x0], $0xffff;
	[tilespmem:v16+s16+$0x0] =	vst.idx.msk $0xffff, v11;
	v11 =	vmax.f32 v63, v12  }
0x434: {  	[tilespmem:v16+s17+$0x0] =	vst.idx.msk $0xffff, v11;
	v11 =	vmax.f32 v28, v13  }
0x435: {  	s28 =	sadd.s32 $0xFFFFFD00, s26;
	[tilespmem:v16+s18+$0x0] =	vst.idx.msk $0xffff, v11;
	v11 =	vmax.f32 v29, v14  }
0x436: {  	v10 =	vmax.f32 v30, v10;
	[tilespmem:v16+s19+$0x0] =	vst.idx.msk $0xffff, v11;
	v11 =	vor.u32 s28, v0  }
0x437: {  	v34 =	vor.u32 s28, v2;
	[tilespmem:v16+s20+$0x0] =	vst.idx.msk $0xffff, v10;
	v10 =	vmax.f32 v31, v15  }
0x438: {  	v35 =	vor.u32 s28, v3;
	[tilespmem:v16+s21+$0x0] =	vst.idx.msk $0xffff, v10;
	v10 =	vmax.f32 v32, v17  }
0x439: {  	v36 =	vor.u32 s28, v4;
	[tilespmem:v16+s22+$0x0] =	vst.idx.msk $0xffff, v10;
	v10 =	vmax.f32 v33, v18  }
0x43a: {  	v37 =	vor.u32 s28, v6;
	[tilespmem:v16+s23+$0x0] =	vst.idx.msk $0xffff, v10  }
0x43b: {  	v39 =	vor.u32 s28, v7;
	v11 =	vld.idx.msk [tilespmem:v11+s4+$0x0], $0xffff  }
0x43c: {  	v38 =	vbroadcast v9, $0x9;
	v40 =	vor.u32 s28, v8;
	v12 =	vld.idx.msk [tilespmem:v34+s4+$0x0], $0xffff  }
0x43d: {  	v10 =	vor.u32 s28, v5;
	v13 =	vld.idx.msk [tilespmem:v35+s4+$0x0], $0xffff  }
0x43e: {  	v16 =	vor.u32 v0, v38;
	v14 =	vld.idx.msk [tilespmem:v36+s4+$0x0], $0xffff  }
0x43f: {  	v15 =	vld.idx.msk [tilespmem:v37+s4+$0x0], $0xffff  }
0x440: {  	v17 =	vld.idx.msk [tilespmem:v39+s4+$0x0], $0xffff  }
0x441: {  	v18 =	vld.idx.msk [tilespmem:v40+s4+$0x0], $0xffff  }
0x442: {  	v10 =	vld.idx.msk [tilespmem:v10+s4+$0x0], $0xffff  }
0x443: {  	v41 =	vld.idx.msk [tilespmem:v16+s16+$0x0], $0xffff  }
0x444: {  	v42 =	vld.idx.msk [tilespmem:v16+s17+$0x0], $0xffff  }
0x445: {  	v43 =	vld.idx.msk [tilespmem:v16+s18+$0x0], $0xffff  }
0x446: {  	v44 =	vld.idx.msk [tilespmem:v16+s19+$0x0], $0xffff  }
0x447: {  	v45 =	vld.idx.msk [tilespmem:v16+s20+$0x0], $0xffff  }
0x448: {  	v46 =	vld.idx.msk [tilespmem:v16+s21+$0x0], $0xffff  }
0x449: {  	v47 =	vld.idx.msk [tilespmem:v16+s22+$0x0], $0xffff;
	v11 =	vmax.f32 v41, v11  }
0x44a: {  	v48 =	vld.idx.msk [tilespmem:v16+s23+$0x0], $0xffff;
	[tilespmem:v16+s16+$0x0] =	vst.idx.msk $0xffff, v11;
	v11 =	vmax.f32 v42, v12  }
0x44b: {  	[tilespmem:v16+s17+$0x0] =	vst.idx.msk $0xffff, v11;
	v11 =	vmax.f32 v43, v13  }
0x44c: {  	s29 =	sadd.s32 $0xFFFFFD80, s26;
	[tilespmem:v16+s18+$0x0] =	vst.idx.msk $0xffff, v11;
	v11 =	vmax.f32 v44, v14  }
0x44d: {  	v10 =	vmax.f32 v45, v10;
	[tilespmem:v16+s19+$0x0] =	vst.idx.msk $0xffff, v11;
	v11 =	vor.u32 s29, v0  }
0x44e: {  	v49 =	vor.u32 s29, v2;
	[tilespmem:v16+s20+$0x0] =	vst.idx.msk $0xffff, v10;
	v10 =	vmax.f32 v46, v15  }
0x44f: {  	v50 =	vor.u32 s29, v3;
	[tilespmem:v16+s21+$0x0] =	vst.idx.msk $0xffff, v10;
	v10 =	vmax.f32 v47, v17  }
0x450: {  	v51 =	vor.u32 s29, v4;
	[tilespmem:v16+s22+$0x0] =	vst.idx.msk $0xffff, v10;
	v10 =	vmax.f32 v48, v18  }
0x451: {  	v52 =	vor.u32 s29, v6;
	[tilespmem:v16+s23+$0x0] =	vst.idx.msk $0xffff, v10  }
0x452: {  	v54 =	vor.u32 s29, v7;
	v11 =	vld.idx.msk [tilespmem:v11+s4+$0x0], $0xffff  }
0x453: {  	v53 =	vbroadcast v9, $0xA;
	v55 =	vor.u32 s29, v8;
	v12 =	vld.idx.msk [tilespmem:v49+s4+$0x0], $0xffff  }
0x454: {  	v10 =	vor.u32 s29, v5;
	v13 =	vld.idx.msk [tilespmem:v50+s4+$0x0], $0xffff  }
0x455: {  	v16 =	vor.u32 v0, v53;
	v14 =	vld.idx.msk [tilespmem:v51+s4+$0x0], $0xffff  }
0x456: {  	v15 =	vld.idx.msk [tilespmem:v52+s4+$0x0], $0xffff  }
0x457: {  	v17 =	vld.idx.msk [tilespmem:v54+s4+$0x0], $0xffff  }
0x458: {  	v18 =	vld.idx.msk [tilespmem:v55+s4+$0x0], $0xffff  }
0x459: {  	v10 =	vld.idx.msk [tilespmem:v10+s4+$0x0], $0xffff  }
0x45a: {  	v56 =	vld.idx.msk [tilespmem:v16+s16+$0x0], $0xffff  }
0x45b: {  	v57 =	vld.idx.msk [tilespmem:v16+s17+$0x0], $0xffff  }
0x45c: {  	v58 =	vld.idx.msk [tilespmem:v16+s18+$0x0], $0xffff  }
0x45d: {  	v59 =	vld.idx.msk [tilespmem:v16+s19+$0x0], $0xffff  }
0x45e: {  	v60 =	vld.idx.msk [tilespmem:v16+s20+$0x0], $0xffff  }
0x45f: {  	v61 =	vld.idx.msk [tilespmem:v16+s21+$0x0], $0xffff  }
0x460: {  	v62 =	vld.idx.msk [tilespmem:v16+s22+$0x0], $0xffff;
	v11 =	vmax.f32 v56, v11  }
0x461: {  	v63 =	vld.idx.msk [tilespmem:v16+s23+$0x0], $0xffff;
	[tilespmem:v16+s16+$0x0] =	vst.idx.msk $0xffff, v11;
	v11 =	vmax.f32 v57, v12  }
0x462: {  	[tilespmem:v16+s17+$0x0] =	vst.idx.msk $0xffff, v11;
	v11 =	vmax.f32 v58, v13  }
0x463: {  	s28 =	sadd.s32 $0xFFFFFE00, s26;
	[tilespmem:v16+s18+$0x0] =	vst.idx.msk $0xffff, v11;
	v11 =	vmax.f32 v59, v14  }
0x464: {  	v10 =	vmax.f32 v60, v10;
	[tilespmem:v16+s19+$0x0] =	vst.idx.msk $0xffff, v11;
	v11 =	vor.u32 s28, v0  }
0x465: {  	v24 =	vor.u32 s28, v2;
	[tilespmem:v16+s20+$0x0] =	vst.idx.msk $0xffff, v10;
	v10 =	vmax.f32 v61, v15  }
0x466: {  	v27 =	vor.u32 s28, v3;
	[tilespmem:v16+s21+$0x0] =	vst.idx.msk $0xffff, v10;
	v10 =	vmax.f32 v62, v17  }
0x467: {  	v28 =	vor.u32 s28, v4;
	[tilespmem:v16+s22+$0x0] =	vst.idx.msk $0xffff, v10;
	v10 =	vmax.f32 v63, v18  }
0x468: {  	v29 =	vor.u32 s28, v6;
	[tilespmem:v16+s23+$0x0] =	vst.idx.msk $0xffff, v10  }
0x469: {  	v31 =	vor.u32 s28, v7;
	v11 =	vld.idx.msk [tilespmem:v11+s4+$0x0], $0xffff  }
0x46a: {  	v30 =	vbroadcast v9, $0xB;
	v32 =	vor.u32 s28, v8;
	v12 =	vld.idx.msk [tilespmem:v24+s4+$0x0], $0xffff  }
0x46b: {  	v10 =	vor.u32 s28, v5;
	v13 =	vld.idx.msk [tilespmem:v27+s4+$0x0], $0xffff  }
0x46c: {  	v16 =	vor.u32 v0, v30;
	v14 =	vld.idx.msk [tilespmem:v28+s4+$0x0], $0xffff  }
0x46d: {  	v15 =	vld.idx.msk [tilespmem:v29+s4+$0x0], $0xffff  }
0x46e: {  	v17 =	vld.idx.msk [tilespmem:v31+s4+$0x0], $0xffff  }
0x46f: {  	v18 =	vld.idx.msk [tilespmem:v32+s4+$0x0], $0xffff  }
0x470: {  	v10 =	vld.idx.msk [tilespmem:v10+s4+$0x0], $0xffff  }
0x471: {  	v33 =	vld.idx.msk [tilespmem:v16+s16+$0x0], $0xffff  }
0x472: {  	v34 =	vld.idx.msk [tilespmem:v16+s17+$0x0], $0xffff  }
0x473: {  	v35 =	vld.idx.msk [tilespmem:v16+s18+$0x0], $0xffff  }
0x474: {  	v36 =	vld.idx.msk [tilespmem:v16+s19+$0x0], $0xffff  }
0x475: {  	v37 =	vld.idx.msk [tilespmem:v16+s20+$0x0], $0xffff  }
0x476: {  	v38 =	vld.idx.msk [tilespmem:v16+s21+$0x0], $0xffff  }
0x477: {  	v39 =	vld.idx.msk [tilespmem:v16+s22+$0x0], $0xffff;
	v11 =	vmax.f32 v33, v11  }
0x478: {  	v40 =	vld.idx.msk [tilespmem:v16+s23+$0x0], $0xffff;
	[tilespmem:v16+s16+$0x0] =	vst.idx.msk $0xffff, v11;
	v11 =	vmax.f32 v34, v12  }
0x479: {  	[tilespmem:v16+s17+$0x0] =	vst.idx.msk $0xffff, v11;
	v11 =	vmax.f32 v35, v13  }
0x47a: {  	s29 =	sadd.s32 $0xFFFFFE80, s26;
	[tilespmem:v16+s18+$0x0] =	vst.idx.msk $0xffff, v11;
	v11 =	vmax.f32 v36, v14  }
0x47b: {  	v10 =	vmax.f32 v37, v10;
	[tilespmem:v16+s19+$0x0] =	vst.idx.msk $0xffff, v11;
	v11 =	vor.u32 s29, v0  }
0x47c: {  	v41 =	vor.u32 s29, v2;
	[tilespmem:v16+s20+$0x0] =	vst.idx.msk $0xffff, v10;
	v10 =	vmax.f32 v38, v15  }
0x47d: {  	v42 =	vor.u32 s29, v3;
	[tilespmem:v16+s21+$0x0] =	vst.idx.msk $0xffff, v10;
	v10 =	vmax.f32 v39, v17  }
0x47e: {  	v43 =	vor.u32 s29, v4;
	[tilespmem:v16+s22+$0x0] =	vst.idx.msk $0xffff, v10;
	v10 =	vmax.f32 v40, v18  }
0x47f: {  	v44 =	vor.u32 s29, v6;
	[tilespmem:v16+s23+$0x0] =	vst.idx.msk $0xffff, v10  }
0x480: {  	v46 =	vor.u32 s29, v7;
	v11 =	vld.idx.msk [tilespmem:v11+s4+$0x0], $0xffff  }
0x481: {  	v45 =	vbroadcast v9, $0xC;
	v47 =	vor.u32 s29, v8;
	v12 =	vld.idx.msk [tilespmem:v41+s4+$0x0], $0xffff  }
0x482: {  	v10 =	vor.u32 s29, v5;
	v13 =	vld.idx.msk [tilespmem:v42+s4+$0x0], $0xffff  }
0x483: {  	v16 =	vor.u32 v0, v45;
	v14 =	vld.idx.msk [tilespmem:v43+s4+$0x0], $0xffff  }
0x484: {  	v15 =	vld.idx.msk [tilespmem:v44+s4+$0x0], $0xffff  }
0x485: {  	v17 =	vld.idx.msk [tilespmem:v46+s4+$0x0], $0xffff  }
0x486: {  	v18 =	vld.idx.msk [tilespmem:v47+s4+$0x0], $0xffff  }
0x487: {  	v10 =	vld.idx.msk [tilespmem:v10+s4+$0x0], $0xffff  }
0x488: {  	v48 =	vld.idx.msk [tilespmem:v16+s16+$0x0], $0xffff  }
0x489: {  	v49 =	vld.idx.msk [tilespmem:v16+s17+$0x0], $0xffff  }
0x48a: {  	v50 =	vld.idx.msk [tilespmem:v16+s18+$0x0], $0xffff  }
0x48b: {  	v51 =	vld.idx.msk [tilespmem:v16+s19+$0x0], $0xffff  }
0x48c: {  	v52 =	vld.idx.msk [tilespmem:v16+s20+$0x0], $0xffff  }
0x48d: {  	v53 =	vld.idx.msk [tilespmem:v16+s21+$0x0], $0xffff  }
0x48e: {  	v54 =	vld.idx.msk [tilespmem:v16+s22+$0x0], $0xffff;
	v11 =	vmax.f32 v48, v11  }
0x48f: {  	v55 =	vld.idx.msk [tilespmem:v16+s23+$0x0], $0xffff;
	[tilespmem:v16+s16+$0x0] =	vst.idx.msk $0xffff, v11;
	v11 =	vmax.f32 v49, v12  }
0x490: {  	[tilespmem:v16+s17+$0x0] =	vst.idx.msk $0xffff, v11;
	v11 =	vmax.f32 v50, v13  }
0x491: {  	s28 =	sadd.s32 $0xFFFFFF00, s26;
	[tilespmem:v16+s18+$0x0] =	vst.idx.msk $0xffff, v11;
	v11 =	vmax.f32 v51, v14  }
0x492: {  	v10 =	vmax.f32 v52, v10;
	[tilespmem:v16+s19+$0x0] =	vst.idx.msk $0xffff, v11;
	v11 =	vor.u32 s28, v0  }
0x493: {  	v56 =	vor.u32 s28, v2;
	[tilespmem:v16+s20+$0x0] =	vst.idx.msk $0xffff, v10;
	v10 =	vmax.f32 v53, v15  }
0x494: {  	v57 =	vor.u32 s28, v3;
	[tilespmem:v16+s21+$0x0] =	vst.idx.msk $0xffff, v10;
	v10 =	vmax.f32 v54, v17  }
0x495: {  	v58 =	vor.u32 s28, v4;
	[tilespmem:v16+s22+$0x0] =	vst.idx.msk $0xffff, v10;
	v10 =	vmax.f32 v55, v18  }
0x496: {  	v59 =	vor.u32 s28, v6;
	[tilespmem:v16+s23+$0x0] =	vst.idx.msk $0xffff, v10  }
0x497: {  	v61 =	vor.u32 s28, v7;
	v11 =	vld.idx.msk [tilespmem:v11+s4+$0x0], $0xffff  }
0x498: {  	v60 =	vbroadcast v9, $0xD;
	v62 =	vor.u32 s28, v8;
	v12 =	vld.idx.msk [tilespmem:v56+s4+$0x0], $0xffff  }
0x499: {  	v10 =	vor.u32 s28, v5;
	v13 =	vld.idx.msk [tilespmem:v57+s4+$0x0], $0xffff  }
0x49a: {  	v16 =	vor.u32 v0, v60;
	v14 =	vld.idx.msk [tilespmem:v58+s4+$0x0], $0xffff  }
0x49b: {  	v15 =	vld.idx.msk [tilespmem:v59+s4+$0x0], $0xffff  }
0x49c: {  	v17 =	vld.idx.msk [tilespmem:v61+s4+$0x0], $0xffff  }
0x49d: {  	v18 =	vld.idx.msk [tilespmem:v62+s4+$0x0], $0xffff  }
0x49e: {  	v10 =	vld.idx.msk [tilespmem:v10+s4+$0x0], $0xffff  }
0x49f: {  	v63 =	vld.idx.msk [tilespmem:v16+s16+$0x0], $0xffff  }
0x4a0: {  	v28 =	vld.idx.msk [tilespmem:v16+s17+$0x0], $0xffff  }
0x4a1: {  	v29 =	vld.idx.msk [tilespmem:v16+s18+$0x0], $0xffff  }
0x4a2: {  	v30 =	vld.idx.msk [tilespmem:v16+s19+$0x0], $0xffff  }
0x4a3: {  	v31 =	vld.idx.msk [tilespmem:v16+s20+$0x0], $0xffff  }
0x4a4: {  	v32 =	vld.idx.msk [tilespmem:v16+s21+$0x0], $0xffff  }
0x4a5: {  	v33 =	vld.idx.msk [tilespmem:v16+s22+$0x0], $0xffff;
	v11 =	vmax.f32 v63, v11  }
0x4a6: {  	v34 =	vld.idx.msk [tilespmem:v16+s23+$0x0], $0xffff;
	[tilespmem:v16+s16+$0x0] =	vst.idx.msk $0xffff, v11;
	v11 =	vmax.f32 v28, v12  }
0x4a7: {  	[tilespmem:v16+s17+$0x0] =	vst.idx.msk $0xffff, v11;
	v11 =	vmax.f32 v29, v13  }
0x4a8: {  	s29 =	sadd.s32 $0xFFFFFF80, s26;
	[tilespmem:v16+s18+$0x0] =	vst.idx.msk $0xffff, v11;
	v11 =	vmax.f32 v30, v14  }
0x4a9: {  	v10 =	vmax.f32 v31, v10;
	[tilespmem:v16+s19+$0x0] =	vst.idx.msk $0xffff, v11;
	v11 =	vor.u32 s29, v0  }
0x4aa: {  	v35 =	vor.u32 s29, v2;
	[tilespmem:v16+s20+$0x0] =	vst.idx.msk $0xffff, v10;
	v10 =	vmax.f32 v32, v15  }
0x4ab: {  	v36 =	vor.u32 s29, v3;
	[tilespmem:v16+s21+$0x0] =	vst.idx.msk $0xffff, v10;
	v10 =	vmax.f32 v33, v17  }
0x4ac: {  	v37 =	vor.u32 s29, v4;
	[tilespmem:v16+s22+$0x0] =	vst.idx.msk $0xffff, v10;
	v10 =	vmax.f32 v34, v18  }
0x4ad: {  	v38 =	vor.u32 s29, v6;
	[tilespmem:v16+s23+$0x0] =	vst.idx.msk $0xffff, v10  }
0x4ae: {  	v40 =	vor.u32 s29, v7;
	v11 =	vld.idx.msk [tilespmem:v11+s4+$0x0], $0xffff  }
0x4af: {  	v39 =	vbroadcast v9, $0xE;
	v41 =	vor.u32 s29, v8;
	v12 =	vld.idx.msk [tilespmem:v35+s4+$0x0], $0xffff  }
0x4b0: {  	v10 =	vor.u32 s29, v5;
	v13 =	vld.idx.msk [tilespmem:v36+s4+$0x0], $0xffff  }
0x4b1: {  	v16 =	vor.u32 v0, v39;
	v14 =	vld.idx.msk [tilespmem:v37+s4+$0x0], $0xffff  }
0x4b2: {  	v15 =	vld.idx.msk [tilespmem:v38+s4+$0x0], $0xffff  }
0x4b3: {  	v17 =	vld.idx.msk [tilespmem:v40+s4+$0x0], $0xffff  }
0x4b4: {  	v18 =	vld.idx.msk [tilespmem:v41+s4+$0x0], $0xffff  }
0x4b5: {  	v10 =	vld.idx.msk [tilespmem:v10+s4+$0x0], $0xffff  }
0x4b6: {  	v42 =	vld.idx.msk [tilespmem:v16+s16+$0x0], $0xffff  }
0x4b7: {  	v43 =	vld.idx.msk [tilespmem:v16+s17+$0x0], $0xffff  }
0x4b8: {  	v44 =	vld.idx.msk [tilespmem:v16+s18+$0x0], $0xffff  }
0x4b9: {  	v45 =	vld.idx.msk [tilespmem:v16+s19+$0x0], $0xffff  }
0x4ba: {  	v46 =	vld.idx.msk [tilespmem:v16+s20+$0x0], $0xffff  }
0x4bb: {  	v47 =	vld.idx.msk [tilespmem:v16+s21+$0x0], $0xffff  }
0x4bc: {  	v48 =	vld.idx.msk [tilespmem:v16+s22+$0x0], $0xffff;
	v11 =	vmax.f32 v42, v11  }
0x4bd: {  	v49 =	vld.idx.msk [tilespmem:v16+s23+$0x0], $0xffff;
	[tilespmem:v16+s16+$0x0] =	vst.idx.msk $0xffff, v11;
	v11 =	vmax.f32 v43, v12  }
0x4be: {  	[tilespmem:v16+s17+$0x0] =	vst.idx.msk $0xffff, v11;
	v11 =	vmax.f32 v44, v13  }
0x4bf: {  	[tilespmem:v16+s18+$0x0] =	vst.idx.msk $0xffff, v11;
	v11 =	vmax.f32 v45, v14  }
0x4c0: {  	v10 =	vmax.f32 v46, v10;
	[tilespmem:v16+s19+$0x0] =	vst.idx.msk $0xffff, v11;
	v11 =	vor.u32 s26, v0  }
0x4c1: {  	v50 =	vor.u32 s26, v2;
	[tilespmem:v16+s20+$0x0] =	vst.idx.msk $0xffff, v10;
	v10 =	vmax.f32 v47, v15  }
0x4c2: {  	v51 =	vor.u32 s26, v3;
	[tilespmem:v16+s21+$0x0] =	vst.idx.msk $0xffff, v10;
	v10 =	vmax.f32 v48, v17  }
0x4c3: {  	v52 =	vor.u32 s26, v4;
	[tilespmem:v16+s22+$0x0] =	vst.idx.msk $0xffff, v10;
	v10 =	vmax.f32 v49, v18  }
0x4c4: {  	v53 =	vor.u32 s26, v6;
	[tilespmem:v16+s23+$0x0] =	vst.idx.msk $0xffff, v10  }
0x4c5: {  	v9 =	vbroadcast v9, $0xF;
	v54 =	vor.u32 s26, v7;
	v11 =	vld.idx.msk [tilespmem:v11+s4+$0x0], $0xffff  }
0x4c6: {  	v55 =	vor.u32 s26, v8;
	v12 =	vld.idx.msk [tilespmem:v50+s4+$0x0], $0xffff  }
0x4c7: {  	v9 =	vor.u32 v0, v9;
	v13 =	vld.idx.msk [tilespmem:v51+s4+$0x0], $0xffff  }
0x4c8: {  	v14 =	vld.idx.msk [tilespmem:v52+s4+$0x0], $0xffff  }
0x4c9: {  	v15 =	vld.idx.msk [tilespmem:v53+s4+$0x0], $0xffff  }
0x4ca: {  	v16 =	vld.idx.msk [tilespmem:v54+s4+$0x0], $0xffff  }
0x4cb: {  	v17 =	vld.idx.msk [tilespmem:v55+s4+$0x0], $0xffff  }
0x4cc: {  	v56 =	vld.idx.msk [tilespmem:v9+s16+$0x0], $0xffff  }
0x4cd: {  	v10 =	vor.u32 s26, v5;
	v57 =	vld.idx.msk [tilespmem:v9+s17+$0x0], $0xffff  }
0x4ce: {  	v58 =	vld.idx.msk [tilespmem:v9+s18+$0x0], $0xffff  }
0x4cf: {  	v59 =	vld.idx.msk [tilespmem:v9+s19+$0x0], $0xffff  }
0x4d0: {  	v60 =	vld.idx.msk [tilespmem:v9+s20+$0x0], $0xffff  }
0x4d1: {  	v61 =	vld.idx.msk [tilespmem:v9+s21+$0x0], $0xffff  }
0x4d2: {  	v10 =	vld.idx.msk [tilespmem:v10+s4+$0x0], $0xffff  }
0x4d3: {  	v62 =	vld.idx.msk [tilespmem:v9+s22+$0x0], $0xffff;
	v11 =	vmax.f32 v56, v11  }
0x4d4: {  	v63 =	vld.idx.msk [tilespmem:v9+s23+$0x0], $0xffff;
	[tilespmem:v9+s16+$0x0] =	vst.idx.msk $0xffff, v11;
	v11 =	vmax.f32 v57, v12  }
0x4d5: {  	[tilespmem:v9+s17+$0x0] =	vst.idx.msk $0xffff, v11;
	v11 =	vmax.f32 v58, v13  }
0x4d6: {  	p0 =	sne.s32 s0, $0x18F;
	[tilespmem:v9+s18+$0x0] =	vst.idx.msk $0xffff, v11;
	v11 =	vmax.f32 v59, v14  }
.Ltmp3:
0x4d7: {  	[tilespmem:v9+s19+$0x0] =	vst.idx.msk $0xffff, v11;
	v10 =	vmax.f32 v60, v10;
	(pc) =	sbr.rel @p0 .LBB2_8-.Ltmp3, $4  }
0x4d8: {  	[tilespmem:v9+s20+$0x0] =	vst.idx.msk $0xffff, v10;
	v10 =	vmax.f32 v61, v15  }
0x4d9: {  	[tilespmem:v9+s21+$0x0] =	vst.idx.msk $0xffff, v10;
	v10 =	vmax.f32 v62, v16  }
0x4da: {  	[tilespmem:v9+s22+$0x0] =	vst.idx.msk $0xffff, v10;
	v10 =	vmax.f32 v63, v17  }
0x4db: {  	s2 =	sadd.s32 $0x10, s2;
	s0 =	sadd.s32 $0x10, s0;
	[tilespmem:v9+s23+$0x0] =	vst.idx.msk $0xffff, v10  }
0x4dc: {  	v9 =	vld [tilespmem:$0x19400]  }
0x4dd: {  	v10 =	vld [tilespmem:$0x19480]  }
0x4de: {  	v11 =	vld [tilespmem:$0x19500]  }
0x4df: {  	v12 =	vld [tilespmem:$0x19580]  }
0x4e0: {  	v13 =	vld [tilespmem:$0x19600]  }
0x4e1: {  	v41 =	vld [tilespmem:$0x19410];
	[tilespmem:$0x19800] =	vst v9  }
0x4e2: {  	v9 =	vld [tilespmem:$0x19680];
	[tilespmem:$0x19810] =	vst v10  }
0x4e3: {  	v10 =	vld [tilespmem:$0x19700];
	[tilespmem:$0x19820] =	vst v11  }
0x4e4: {  	v11 =	vld [tilespmem:$0x19780];
	[tilespmem:$0x19830] =	vst v12  }
0x4e5: {  	v42 =	vld [tilespmem:$0x19490];
	[tilespmem:$0x19840] =	vst v13  }
0x4e6: {  	v43 =	vld [tilespmem:$0x19690];
	[tilespmem:$0x19880] =	vst v41  }
0x4e7: {  	[tilespmem:$0x19850] =	vst v9;
	v9 =	vld [tilespmem:$0x19510]  }
0x4e8: {  	[tilespmem:$0x19860] =	vst v10;
	v10 =	vld [tilespmem:$0x19590]  }
0x4e9: {  	[tilespmem:$0x19870] =	vst v11;
	v11 =	vld [tilespmem:$0x19610]  }
0x4ea: {  	v44 =	vld [tilespmem:$0x19710];
	[tilespmem:$0x19890] =	vst v42  }
0x4eb: {  	v45 =	vld [tilespmem:$0x19520];
	[tilespmem:$0x198D0] =	vst v43  }
0x4ec: {  	[tilespmem:$0x198A0] =	vst v9;
	v9 =	vld [tilespmem:$0x19790]  }
0x4ed: {  	[tilespmem:$0x198B0] =	vst v10;
	v10 =	vld [tilespmem:$0x19420]  }
0x4ee: {  	[tilespmem:$0x198C0] =	vst v11;
	v11 =	vld [tilespmem:$0x194A0]  }
0x4ef: {  	v46 =	vld [tilespmem:$0x195A0];
	[tilespmem:$0x198E0] =	vst v44  }
0x4f0: {  	v47 =	vld [tilespmem:$0x197A0];
	[tilespmem:$0x19920] =	vst v45  }
0x4f1: {  	[tilespmem:$0x198F0] =	vst v9;
	v9 =	vld [tilespmem:$0x19620]  }
0x4f2: {  	[tilespmem:$0x19900] =	vst v10;
	v10 =	vld [tilespmem:$0x196A0]  }
0x4f3: {  	[tilespmem:$0x19910] =	vst v11;
	v11 =	vld [tilespmem:$0x19720]  }
0x4f4: {  	v48 =	vld [tilespmem:$0x19430];
	[tilespmem:$0x19930] =	vst v46  }
0x4f5: {  	v49 =	vld [tilespmem:$0x19630];
	[tilespmem:$0x19970] =	vst v47  }
0x4f6: {  	[tilespmem:$0x19940] =	vst v9;
	v9 =	vld [tilespmem:$0x194B0]  }
0x4f7: {  	[tilespmem:$0x19950] =	vst v10;
	v10 =	vld [tilespmem:$0x19530]  }
0x4f8: {  	[tilespmem:$0x19960] =	vst v11;
	v11 =	vld [tilespmem:$0x195B0]  }
0x4f9: {  	v50 =	vld [tilespmem:$0x196B0];
	[tilespmem:$0x19980] =	vst v48  }
0x4fa: {  	v51 =	vld [tilespmem:$0x194C0];
	[tilespmem:$0x199C0] =	vst v49  }
0x4fb: {  	[tilespmem:$0x19990] =	vst v9;
	v9 =	vld [tilespmem:$0x19730]  }
0x4fc: {  	[tilespmem:$0x199A0] =	vst v10;
	v10 =	vld [tilespmem:$0x197B0]  }
0x4fd: {  	[tilespmem:$0x199B0] =	vst v11;
	v11 =	vld [tilespmem:$0x19440]  }
0x4fe: {  	v52 =	vld [tilespmem:$0x19540];
	[tilespmem:$0x199D0] =	vst v50  }
0x4ff: {  	v53 =	vld [tilespmem:$0x19740];
	[tilespmem:$0x19A10] =	vst v51  }
0x500: {  	[tilespmem:$0x199E0] =	vst v9;
	v9 =	vld [tilespmem:$0x195C0]  }
0x501: {  	[tilespmem:$0x199F0] =	vst v10;
	v10 =	vld [tilespmem:$0x19640]  }
0x502: {  	[tilespmem:$0x19A00] =	vst v11;
	v11 =	vld [tilespmem:$0x196C0]  }
0x503: {  	v54 =	vld [tilespmem:$0x197C0];
	[tilespmem:$0x19A20] =	vst v52  }
0x504: {  	v55 =	vld [tilespmem:$0x195D0];
	[tilespmem:$0x19A60] =	vst v53  }
0x505: {  	[tilespmem:$0x19A30] =	vst v9;
	v9 =	vld [tilespmem:$0x19450]  }
0x506: {  	[tilespmem:$0x19A40] =	vst v10;
	v10 =	vld [tilespmem:$0x194D0]  }
0x507: {  	[tilespmem:$0x19A50] =	vst v11;
	v11 =	vld [tilespmem:$0x19550]  }
0x508: {  	v56 =	vld [tilespmem:$0x19650];
	[tilespmem:$0x19A70] =	vst v54  }
0x509: {  	v57 =	vld [tilespmem:$0x19460];
	[tilespmem:$0x19AB0] =	vst v55  }
0x50a: {  	[tilespmem:$0x19A80] =	vst v9;
	v9 =	vld [tilespmem:$0x196D0]  }
0x50b: {  	[tilespmem:$0x19A90] =	vst v10;
	v10 =	vld [tilespmem:$0x19750]  }
0x50c: {  	[tilespmem:$0x19AA0] =	vst v11;
	v11 =	vld [tilespmem:$0x197D0]  }
0x50d: {  	v58 =	vld [tilespmem:$0x194E0];
	[tilespmem:$0x19AC0] =	vst v56  }
0x50e: {  	v59 =	vld [tilespmem:$0x196E0];
	[tilespmem:$0x19B00] =	vst v57  }
0x50f: {  	[tilespmem:$0x19AD0] =	vst v9;
	v9 =	vld [tilespmem:$0x19560]  }
0x510: {  	[tilespmem:$0x19AE0] =	vst v10;
	v10 =	vld [tilespmem:$0x195E0]  }
0x511: {  	[tilespmem:$0x19AF0] =	vst v11;
	v11 =	vld [tilespmem:$0x19660]  }
0x512: {  	v60 =	vld [tilespmem:$0x19760];
	[tilespmem:$0x19B10] =	vst v58  }
0x513: {  	v61 =	vld [tilespmem:$0x19570];
	[tilespmem:$0x19B50] =	vst v59  }
0x514: {  	[tilespmem:$0x19B20] =	vst v9;
	v9 =	vld [tilespmem:$0x197E0]  }
0x515: {  	[tilespmem:$0x19B30] =	vst v10;
	v10 =	vld [tilespmem:$0x19470]  }
0x516: {  	[tilespmem:$0x19B40] =	vst v11;
	v11 =	vld [tilespmem:$0x194F0]  }
0x517: {  	v62 =	vld [tilespmem:$0x195F0];
	[tilespmem:$0x19B60] =	vst v60  }
0x518: {  	v63 =	vld [tilespmem:$0x197F0];
	[tilespmem:$0x19BA0] =	vst v61  }
0x519: {  	[tilespmem:$0x19B70] =	vst v9;
	v9 =	vld [tilespmem:$0x19670]  }
0x51a: {  	[tilespmem:$0x19B80] =	vst v10;
	v10 =	vld [tilespmem:$0x196F0]  }
0x51b: {  	[tilespmem:$0x19B90] =	vst v11;
	v11 =	vld [tilespmem:$0x19770]  }
0x51c: {  	[tilespmem:$0x19BB0] =	vst v62  }
0x51d: {  	[tilespmem:$0x19BF0] =	vst v63  }
0x51e: {  	s31 =	sadd.s32 $0x1, s31;
	[tilespmem:$0x19BC0] =	vst v9  }
0x51f: {  	s0 =	simm.s32 $0x80;
	p0 =	sne.s32 s31, s10;
	[tilespmem:$0x19BD0] =	vst v10  }
.Ltmp4:
0x520: {  	s2 =	simm.s32 $0x400;
	s5 =	simm.s32 $0x19800;
	[tilespmem:$0x19BE0] =	vst v11;
	(pc) =	sbr.rel @p0 .LBB2_1-.Ltmp4, $4  }
0x521: {  	[hbm4b:s9+s0] =	stream.strided.scatter [tilespmem:s5], [sflag:$0x5], $0x400, s2, s0, $0x38;
	[tilespmem:$0x19C00] =	vst v63  }
0x522: {  	_ =	swait.ge [sflag:s30], $0x400  }
0x523: {  	[sflag:s30] =	ssyncset.done $0x0  }
0x524: {  	[sflag:s30] =	ssyncadd.s32 $0xFFFFFC00  }
0x525: {  	_ =	sfence.sel $0x180000  }
0x526: {  	[bflag:$0x0] =	sbarrier.arrive $0xFFFF  }
0x527: {  	_ =	strace $0x90000047  }
0x528: {  	s0 =	stileid.u32;
	[bflag:$0x2] =	sbarrier.arrive $0xFFFF  }
0x529: {  	p0 =	sne.s32 s0, $0x0;
	s0 =	rddreg [dreg:$0x2]  }
0x52a: {  	s0 =	sadd.s32 @!p0 $0x100000, s0  }
0x52b: {  	[sflag:s0] =	ssyncadd.tile.s32 @!p0 $0x1;
	_ =	shalt  }
.Lfunc_end2:
_tile_overlayer_lowered:
.L_overlay_start_2:
0x52c: {  	(tag) =	ssettag $0x2  }
0x52d: {  	s0 =	rddreg [dreg:$0x0];
	s2 =	stileid.u32  }
0x52e: {  	s1 =	rddreg [dreg:$0x1];
	p0 =	sne.s32 s2, $0x0  }
0x52f: {  	s3 =	rddreg [dreg:$0x2];
	[bflag:$0x3] =	sbarrier.arrive $0xFFFF;
	s2 =	simm.s32 @!p0 $0x1C05  }
0x530: {  	[timem:s3], [sflag:s2] =	dma.local @!p0 [hbm:s0], s1  }
0x531: {  	s0 =	simm.s32 @!p0 $0x5  }
0x532: {  	_ =	swait.ge @!p0 [sflag:s0], s1  }
0x533: {  	s1 =	ssub.s32 @!p0 $0x0, s1;
	[sflag:s0] =	ssyncset.done @!p0 $0x0  }
0x534: {  	[sflag:s0] =	ssyncadd.s32 @!p0 s1  }
0x535: {  	[bflag:$0x3] =	sbarrier.arrive $0xFFFF  }
0x536: {  	_ =	shalt  }

</sc_bundles>
